<compile_context>
chip_gen: v7x
topology: tpu7x:2x2x1
jax: 0.10.2.dev20260603
libtpu: 0.0.44.dev20260713+nightly
codegen_flags: <defaults>
</compile_context>

<pallas_src>
import jax
import jax.numpy as jnp
from jax import lax
from jax.experimental import pallas as pl
from jax.experimental.pallas import tpu as pltpu
from jax.experimental.pallas import tpu_sc as plsc

B, L, H = 16, 4096, 256
NC, NS = 2, 16
NW = NC * NS
WPB = NW // B
TOK_PER_W = L // WPB
TT = 128
NT = TOK_PER_W // TT
RC = 112
HV = H // 16


def _sget(ref, idx):
    return ref[pl.ds(idx, 16)][0]


def _lower_bound(seg_v, t):
    def step(_, lh):
        lo, hi = lh
        mid = (lo + hi) // 2
        v = _sget(seg_v, mid)
        active = lo < hi
        lt = (v < t) & active
        ge = jnp.logical_not(v < t) & active
        return jnp.where(lt, mid + 1, lo), jnp.where(ge, mid, hi)
    lo, _ = lax.fori_loop(0, 12, step, (jnp.int32(0), jnp.int32(L)))
    return lo


def _body(x_hbm, seg_hbm, out_hbm, seg_v, in0, in1, ob0, ob1, zshared,
          sem_i0, sem_i1, sem_o0, sem_o1, sem_z):
    c = lax.axis_index("c")
    s = lax.axis_index("s")
    wid = s * NC + c
    b = wid // WPB
    t_base = (wid % WPB) * TOK_PER_W

    inbufs = (in0, in1)
    outbufs = (ob0, ob1)
    sems_i = (sem_i0, sem_i1)
    sems_o = (sem_o0, sem_o1)
    zv = jnp.zeros((16,), jnp.float32)

    @pl.when(s == 0)
    def _():
        def zb(t, carry):
            for h in range(HV):
                ob0[t, pl.ds(16 * h, 16)] = zv
            return carry
        lax.fori_loop(0, TT, zb, 0)
        pltpu.sync_copy(ob0, zshared)

    plsc.subcore_barrier()

    pltpu.sync_copy(seg_hbm.at[pl.ds(b * L, L)], seg_v.at[pl.ds(0, L)])
    seg_v[pl.ds(L, 16)] = jnp.full((16,), L, jnp.int32)
    r_start = _lower_bound(seg_v, t_base)
    r_end = _lower_bound(seg_v, t_base + TOK_PER_W)

    a0w = lax.bitwise_and(r_start, -8)
    nchw = (r_end - a0w + RC - 1) // RC

    def in_dma(ci, buf, sem):
        start = a0w + ci * RC
        d = jnp.minimum(start, L - RC)
        d = pl.multiple_of(d, 8)
        return pltpu.make_async_copy(x_hbm.at[b, pl.ds(d, RC), :], buf, sem)

    def out_dma(k, buf, sem):
        t_lo = pl.multiple_of(t_base + k * TT, TT)
        return pltpu.make_async_copy(buf, out_hbm.at[b, pl.ds(t_lo, TT), :], sem)

    @pl.when(nchw > 0)
    def _():
        in_dma(0, inbufs[0], sems_i[0]).start()

    pltpu.make_async_copy(zshared, outbufs[0], sem_z).start()

    def run_tile(kq, q, r0, lw):
        k = 2 * kq + q
        t_lo = t_base + k * TT
        r1 = _lower_bound(seg_v, t_lo + TT)
        outbuf = outbufs[q]

        pltpu.make_async_copy(zshared, outbuf, sem_z).wait()

        ci_lo = (r0 - a0w) // RC
        ci_hi = (r1 - a0w + RC - 1) // RC

        def chunk_pair(cj, carry):
            lw = carry[0]
            for p in (0, 1):
                ci = 2 * cj + p
                start = a0w + ci * RC
                d = jnp.minimum(start, L - RC)
                lo_i = jnp.maximum(r0, start)
                cnt = jnp.clip(jnp.minimum(r1, start + RC) - lo_i, 0, RC)
                fresh = (ci > lw) & (cnt > 0)

                @pl.when(fresh)
                def _():
                    in_dma(ci, inbufs[p], sems_i[p]).wait()

                    @pl.when(ci + 1 < nchw)
                    def _():
                        in_dma(ci + 1, inbufs[1 - p], sems_i[1 - p]).start()

                lw = jnp.where(fresh, ci, lw)
                inbuf = inbufs[p]

                def do_row(pr, rc):
                    prev_s = rc[0]
                    acc = rc[1:]
                    sgid = _sget(seg_v, pr)
                    lr = pr - d
                    same = sgid == prev_s
                    new_acc = []
                    for h in range(HV):
                        xv = inbuf[lr, pl.ds(16 * h, 16)]
                        new_acc.append(xv + jnp.where(same, acc[h], zv))
                    tl = sgid - t_lo
                    for h in range(HV):
                        outbuf[tl, pl.ds(16 * h, 16)] = new_acc[h]
                    return (sgid,) + tuple(new_acc)

                def row_body(i, rc):
                    return do_row(lo_i + i, rc)

                rc = lax.fori_loop(0, cnt, row_body, carry[1:])
                carry = (lw,) + rc
            return carry

        init = (lw, t_lo - 1) + tuple(zv for _ in range(HV))
        fin = lax.fori_loop(ci_lo // 2, (ci_hi + 1) // 2, chunk_pair, init)

        @pl.when(k >= 1)
        def _():
            out_dma(k - 1, outbufs[1 - q], sems_o[1 - q]).wait()

        pltpu.make_async_copy(zshared, outbufs[1 - q], sem_z).start()
        out_dma(k, outbuf, sems_o[q]).start()
        return r1, fin[0]

    def tile_pair(kq, carry):
        r0, lw = carry
        r0, lw = run_tile(kq, 0, r0, lw)
        r0, lw = run_tile(kq, 1, r0, lw)
        return r0, lw

    lax.fori_loop(0, NT // 2, tile_pair, (r_start, jnp.int32(-1)))
    pltpu.make_async_copy(zshared, outbufs[0], sem_z).wait()
    out_dma(NT - 1, outbufs[1], sems_o[1]).wait()


@jax.jit
def kernel(sequence_output, wp_segment_ids):
    seg = wp_segment_ids.astype(jnp.int32).reshape(B * L)
    run = pl.kernel(
        _body,
        out_type=jax.ShapeDtypeStruct((B, L, H), jnp.float32),
        mesh=plsc.VectorSubcoreMesh(core_axis_name="c", subcore_axis_name="s"),
        compiler_params=pltpu.CompilerParams(use_tc_tiling_on_sc=True),
        scratch_types=[
            pltpu.VMEM((L + 16,), jnp.int32),
            pltpu.VMEM((RC, H), jnp.float32),
            pltpu.VMEM((RC, H), jnp.float32),
            pltpu.VMEM((TT, H), jnp.float32),
            pltpu.VMEM((TT, H), jnp.float32),
            pltpu.VMEM_SHARED((TT, H), jnp.float32),
            pltpu.SemaphoreType.DMA,
            pltpu.SemaphoreType.DMA,
            pltpu.SemaphoreType.DMA,
            pltpu.SemaphoreType.DMA,
            pltpu.SemaphoreType.DMA,
        ],
    )
    return run(sequence_output, seg)

# --- scband reference (transcript-rebuilt; emitter-appended) ---
"""Pipeline reference for scband-token-embedding-40132174413951 (READ-ONLY COPY).

The authoritative reference and input builder live on the scoring server;
editing this copy changes nothing except your own understanding.
"""

import jax, jax.numpy as jnp
import numpy as np


def setup_inputs(seed: int = 0) -> dict:
    key = jax.random.key(seed)
    k1, k2 = jax.random.split(key)
    B, L, H = 16, 4096, 256
    sequence_output = jax.random.normal(k1, (B, L, H), dtype=jnp.float32)
    # Ragged wordpiece->token map encoded densely: wp_segment_ids[i, p] is the
    # token index that wordpiece p of example i belongs to. Sorted per row so
    # each token owns a contiguous run of wordpieces (faithful to the original
    # list-of-index-lists structure where output[i, j] = sum of the wordpiece
    # rows assigned to token j).
    wp_segment_ids = jnp.sort(jax.random.randint(k2, (B, L), 0, L), axis=-1)
    return {"sequence_output": sequence_output, "wp_segment_ids": wp_segment_ids}


def reference(sequence_output, wp_segment_ids):
    # Original torch loop:
    #   for i in range(B):
    #     for j, word_piece_indices in enumerate(wp2tok_list[i]):
    #       output[i, j, :] = sequence_output[i, word_piece_indices, :].sum(0)
    # Equivalent dense formulation: per-example segment-sum of wordpiece
    # vectors into token slots; tokens with no wordpieces stay zero (matching
    # torch.zeros_like initialization).
    B, L, H = sequence_output.shape

    def per_example(x, seg):
        return jax.ops.segment_sum(x, seg, num_segments=L)

    output = jax.vmap(per_example)(sequence_output, wp_segment_ids)
    return output

if __name__ == "__main__":
    import jax
    _d = setup_inputs()
    print(jax.jit(kernel)(*tuple(_d.values())))

</pallas_src>

<mosaic_0001>
#map = affine_map<(d0, d1) -> (0, 0, 0)>
#map1 = affine_map<(d0, d1) -> (0)>
module attributes {stable_mosaic.version = 14 : i64} {
  func.func @_body(%arg0: i32, %arg1: i32, %arg2: memref<16x4096x256xf32, #tpu.memory_space<hbm>>, %arg3: memref<65536xi32, #tpu.memory_space<hbm>>, %arg4: memref<16x4096x256xf32, #tpu.memory_space<hbm>>, %arg5: memref<4112xi32, #tpu.memory_space<vmem>>, %arg6: memref<112x256xf32, #tpu.memory_space<vmem>>, %arg7: memref<112x256xf32, #tpu.memory_space<vmem>>, %arg8: memref<128x256xf32, #tpu.memory_space<vmem>>, %arg9: memref<128x256xf32, #tpu.memory_space<vmem>>, %arg10: memref<128x256xf32, #tpu.memory_space<vmem_shared>>, %arg11: memref<!tpu.dma_semaphore, #tpu.memory_space<semaphore_mem>>, %arg12: memref<!tpu.dma_semaphore, #tpu.memory_space<semaphore_mem>>, %arg13: memref<!tpu.dma_semaphore, #tpu.memory_space<semaphore_mem>>, %arg14: memref<!tpu.dma_semaphore, #tpu.memory_space<semaphore_mem>>, %arg15: memref<!tpu.dma_semaphore, #tpu.memory_space<semaphore_mem>>) attributes {dimension_semantics = [#tpu.dimension_semantics<core_parallel>, #tpu.dimension_semantics<subcore_parallel>], iteration_bounds = array<i64: 2, 16>, scalar_prefetch = 0 : i64, scratch_operands = 11 : i64, tpu.core_type = #tpu.core_type<sc_vector_subcore>, window_params = [{transform_indices = #map}, {transform_indices = #map1}, {transform_indices = #map}]} {
    %mul3A = arith.constant 2 : i32
    %mul3A_0 = arith.muli %arg1, %mul3A : i32
    %add3A = arith.addi %mul3A_0, %arg0 : i32
    %jit3A = arith.constant 2 : i32
    %div3A = arith.divsi %add3A, %jit3A : i32
    %sign3A = arith.constant 0 : i32
    %sign3A_1 = arith.cmpi sgt, %add3A, %sign3A : i32
    %sign3A_2 = arith.extui %sign3A_1 : i1 to i32
    %sign3A_3 = arith.constant 0 : i32
    %sign3A_4 = arith.cmpi slt, %add3A, %sign3A_3 : i32
    %sign3A_5 = arith.extui %sign3A_4 : i1 to i32
    %sign3A_6 = arith.subi %sign3A_2, %sign3A_5 : i32
    %sign3A_7 = arith.constant 0 : i32
    %sign3A_8 = arith.cmpi sgt, %jit3A, %sign3A_7 : i32
    %sign3A_9 = arith.extui %sign3A_8 : i1 to i32
    %sign3A_10 = arith.constant 0 : i32
    %sign3A_11 = arith.cmpi slt, %jit3A, %sign3A_10 : i32
    %sign3A_12 = arith.extui %sign3A_11 : i1 to i32
    %sign3A_13 = arith.subi %sign3A_9, %sign3A_12 : i32
    %ne3A = arith.cmpi ne, %sign3A_6, %sign3A_13 : i32
    %rem3A = arith.remsi %add3A, %jit3A : i32
    %ne3A_14 = arith.constant 0 : i32
    %ne3A_15 = arith.cmpi ne, %rem3A, %ne3A_14 : i32
    %and3A = arith.andi %ne3A, %ne3A_15 : i1
    %sub3A = arith.constant 1 : i32
    %sub3A_16 = arith.subi %div3A, %sub3A : i32
    %select_n3A = arith.select %and3A, %sub3A_16, %div3A : i32
    %jit3A_17 = arith.constant 2 : i32
    %eq3A = arith.constant 0 : i32
    %eq3A_18 = arith.cmpi eq, %jit3A_17, %eq3A : i32
    %jit3A_19 = arith.constant 1 : i32
    %select_n3A_20 = arith.select %eq3A_18, %jit3A_19, %jit3A_17 : i32
    %rem3A_21 = arith.remsi %add3A, %select_n3A_20 : i32
    %ne3A_22 = arith.constant 0 : i32
    %ne3A_23 = arith.cmpi ne, %rem3A_21, %ne3A_22 : i32
    %lt3A = arith.constant 0 : i32
    %lt3A_24 = arith.cmpi slt, %rem3A_21, %lt3A : i32
    %lt3A_25 = arith.constant 0 : i32
    %lt3A_26 = arith.cmpi slt, %select_n3A_20, %lt3A_25 : i32
    %ne3A_27 = arith.xori %lt3A_24, %lt3A_26 : i1
    %and3A_28 = arith.andi %ne3A_27, %ne3A_23 : i1
    %add3A_29 = arith.addi %rem3A_21, %select_n3A_20 : i32
    %select_n3A_30 = arith.select %and3A_28, %add3A_29, %rem3A_21 : i32
    %mul3A_31 = arith.constant 2048 : i32
    %mul3A_32 = arith.muli %select_n3A_30, %mul3A_31 : i32
    %broadcast_in_dim3A = arith.constant 0.000000e+00 : f32
    %broadcast_in_dim3A_33 = vector.broadcast %broadcast_in_dim3A : f32 to vector<16xf32>
    %eq3A_34 = arith.constant 0 : i32
    %eq3A_35 = arith.cmpi eq, %arg1, %eq3A_34 : i32
    %convert_element_type3A = arith.extui %eq3A_35 : i1 to i32
    %cond3A = arith.constant 0 : i32
    %cond3A_36 = arith.cmpi ne, %convert_element_type3A, %cond3A : i32
    scf.if %cond3A_36 {
      %scan3A_110 = arith.constant 0 : i32
      %scan3A_111 = arith.constant 0 : i32
      %scan3A_112 = arith.constant 128 : i32
      %scan3A_113 = arith.addi %scan3A_111, %scan3A_112 : i32
      %scan3A_114 = arith.constant 1 : i32
      scf.for %scan3A_116 = %scan3A_111 to %scan3A_113 step %scan3A_114  : i32 {
        %swap3A_117 = arith.index_cast %scan3A_116 : i32 to index
        %swap3A_118 = arith.constant 0 : index
        %swap3A_119 = tpu.vector_load %arg8[%swap3A_117, %swap3A_118] {strides = array<i32>} : memref<128x256xf32, #tpu.memory_space<vmem>>, vector<1x16xf32>,
        %swap3A_120 = vector.shape_cast %swap3A_119 : vector<1x16xf32> to vector<16xf32>
        %swap3A_121 = vector.shape_cast %broadcast_in_dim3A_33 : vector<16xf32> to vector<1x16xf32>
        tpu.vector_store %arg8[%swap3A_117, %swap3A_118], %swap3A_121 {strides = array<i32>} : memref<128x256xf32, #tpu.memory_space<vmem>>, vector<1x16xf32>,
        %swap3A_122 = arith.index_cast %scan3A_116 : i32 to index
        %swap3A_123 = arith.constant 16 : index
        %swap3A_124 = tpu.vector_load %arg8[%swap3A_122, %swap3A_123] {strides = array<i32>} : memref<128x256xf32, #tpu.memory_space<vmem>>, vector<1x16xf32>,
        %swap3A_125 = vector.shape_cast %swap3A_124 : vector<1x16xf32> to vector<16xf32>
        %swap3A_126 = vector.shape_cast %broadcast_in_dim3A_33 : vector<16xf32> to vector<1x16xf32>
        tpu.vector_store %arg8[%swap3A_122, %swap3A_123], %swap3A_126 {strides = array<i32>} : memref<128x256xf32, #tpu.memory_space<vmem>>, vector<1x16xf32>,
        %swap3A_127 = arith.index_cast %scan3A_116 : i32 to index
        %swap3A_128 = arith.constant 32 : index
        %swap3A_129 = tpu.vector_load %arg8[%swap3A_127, %swap3A_128] {strides = array<i32>} : memref<128x256xf32, #tpu.memory_space<vmem>>, vector<1x16xf32>,
        %swap3A_130 = vector.shape_cast %swap3A_129 : vector<1x16xf32> to vector<16xf32>
        %swap3A_131 = vector.shape_cast %broadcast_in_dim3A_33 : vector<16xf32> to vector<1x16xf32>
        tpu.vector_store %arg8[%swap3A_127, %swap3A_128], %swap3A_131 {strides = array<i32>} : memref<128x256xf32, #tpu.memory_space<vmem>>, vector<1x16xf32>,
        %swap3A_132 = arith.index_cast %scan3A_116 : i32 to index
        %swap3A_133 = arith.constant 48 : index
        %swap3A_134 = tpu.vector_load %arg8[%swap3A_132, %swap3A_133] {strides = array<i32>} : memref<128x256xf32, #tpu.memory_space<vmem>>, vector<1x16xf32>,
        %swap3A_135 = vector.shape_cast %swap3A_134 : vector<1x16xf32> to vector<16xf32>
        %swap3A_136 = vector.shape_cast %broadcast_in_dim3A_33 : vector<16xf32> to vector<1x16xf32>
        tpu.vector_store %arg8[%swap3A_132, %swap3A_133], %swap3A_136 {strides = array<i32>} : memref<128x256xf32, #tpu.memory_space<vmem>>, vector<1x16xf32>,
        %swap3A_137 = arith.index_cast %scan3A_116 : i32 to index
        %swap3A_138 = arith.constant 64 : index
        %swap3A_139 = tpu.vector_load %arg8[%swap3A_137, %swap3A_138] {strides = array<i32>} : memref<128x256xf32, #tpu.memory_space<vmem>>, vector<1x16xf32>,
        %swap3A_140 = vector.shape_cast %swap3A_139 : vector<1x16xf32> to vector<16xf32>
        %swap3A_141 = vector.shape_cast %broadcast_in_dim3A_33 : vector<16xf32> to vector<1x16xf32>
        tpu.vector_store %arg8[%swap3A_137, %swap3A_138], %swap3A_141 {strides = array<i32>} : memref<128x256xf32, #tpu.memory_space<vmem>>, vector<1x16xf32>,
        %swap3A_142 = arith.index_cast %scan3A_116 : i32 to index
        %swap3A_143 = arith.constant 80 : index
        %swap3A_144 = tpu.vector_load %arg8[%swap3A_142, %swap3A_143] {strides = array<i32>} : memref<128x256xf32, #tpu.memory_space<vmem>>, vector<1x16xf32>,
        %swap3A_145 = vector.shape_cast %swap3A_144 : vector<1x16xf32> to vector<16xf32>
        %swap3A_146 = vector.shape_cast %broadcast_in_dim3A_33 : vector<16xf32> to vector<1x16xf32>
        tpu.vector_store %arg8[%swap3A_142, %swap3A_143], %swap3A_146 {strides = array<i32>} : memref<128x256xf32, #tpu.memory_space<vmem>>, vector<1x16xf32>,
        %swap3A_147 = arith.index_cast %scan3A_116 : i32 to index
        %swap3A_148 = arith.constant 96 : index
        %swap3A_149 = tpu.vector_load %arg8[%swap3A_147, %swap3A_148] {strides = array<i32>} : memref<128x256xf32, #tpu.memory_space<vmem>>, vector<1x16xf32>,
        %swap3A_150 = vector.shape_cast %swap3A_149 : vector<1x16xf32> to vector<16xf32>
        %swap3A_151 = vector.shape_cast %broadcast_in_dim3A_33 : vector<16xf32> to vector<1x16xf32>
        tpu.vector_store %arg8[%swap3A_147, %swap3A_148], %swap3A_151 {strides = array<i32>} : memref<128x256xf32, #tpu.memory_space<vmem>>, vector<1x16xf32>,
        %swap3A_152 = arith.index_cast %scan3A_116 : i32 to index
        %swap3A_153 = arith.constant 112 : index
        %swap3A_154 = tpu.vector_load %arg8[%swap3A_152, %swap3A_153] {strides = array<i32>} : memref<128x256xf32, #tpu.memory_space<vmem>>, vector<1x16xf32>,
        %swap3A_155 = vector.shape_cast %swap3A_154 : vector<1x16xf32> to vector<16xf32>
        %swap3A_156 = vector.shape_cast %broadcast_in_dim3A_33 : vector<16xf32> to vector<1x16xf32>
        tpu.vector_store %arg8[%swap3A_152, %swap3A_153], %swap3A_156 {strides = array<i32>} : memref<128x256xf32, #tpu.memory_space<vmem>>, vector<1x16xf32>,
        %swap3A_157 = arith.index_cast %scan3A_116 : i32 to index
        %swap3A_158 = arith.constant 128 : index
        %swap3A_159 = tpu.vector_load %arg8[%swap3A_157, %swap3A_158] {strides = array<i32>} : memref<128x256xf32, #tpu.memory_space<vmem>>, vector<1x16xf32>,
        %swap3A_160 = vector.shape_cast %swap3A_159 : vector<1x16xf32> to vector<16xf32>
        %swap3A_161 = vector.shape_cast %broadcast_in_dim3A_33 : vector<16xf32> to vector<1x16xf32>
        tpu.vector_store %arg8[%swap3A_157, %swap3A_158], %swap3A_161 {strides = array<i32>} : memref<128x256xf32, #tpu.memory_space<vmem>>, vector<1x16xf32>,
        %swap3A_162 = arith.index_cast %scan3A_116 : i32 to index
        %swap3A_163 = arith.constant 144 : index
        %swap3A_164 = tpu.vector_load %arg8[%swap3A_162, %swap3A_163] {strides = array<i32>} : memref<128x256xf32, #tpu.memory_space<vmem>>, vector<1x16xf32>,
        %swap3A_165 = vector.shape_cast %swap3A_164 : vector<1x16xf32> to vector<16xf32>
        %swap3A_166 = vector.shape_cast %broadcast_in_dim3A_33 : vector<16xf32> to vector<1x16xf32>
        tpu.vector_store %arg8[%swap3A_162, %swap3A_163], %swap3A_166 {strides = array<i32>} : memref<128x256xf32, #tpu.memory_space<vmem>>, vector<1x16xf32>,
        %swap3A_167 = arith.index_cast %scan3A_116 : i32 to index
        %swap3A_168 = arith.constant 160 : index
        %swap3A_169 = tpu.vector_load %arg8[%swap3A_167, %swap3A_168] {strides = array<i32>} : memref<128x256xf32, #tpu.memory_space<vmem>>, vector<1x16xf32>,
        %swap3A_170 = vector.shape_cast %swap3A_169 : vector<1x16xf32> to vector<16xf32>
        %swap3A_171 = vector.shape_cast %broadcast_in_dim3A_33 : vector<16xf32> to vector<1x16xf32>
        tpu.vector_store %arg8[%swap3A_167, %swap3A_168], %swap3A_171 {strides = array<i32>} : memref<128x256xf32, #tpu.memory_space<vmem>>, vector<1x16xf32>,
        %swap3A_172 = arith.index_cast %scan3A_116 : i32 to index
        %swap3A_173 = arith.constant 176 : index
        %swap3A_174 = tpu.vector_load %arg8[%swap3A_172, %swap3A_173] {strides = array<i32>} : memref<128x256xf32, #tpu.memory_space<vmem>>, vector<1x16xf32>,
        %swap3A_175 = vector.shape_cast %swap3A_174 : vector<1x16xf32> to vector<16xf32>
        %swap3A_176 = vector.shape_cast %broadcast_in_dim3A_33 : vector<16xf32> to vector<1x16xf32>
        tpu.vector_store %arg8[%swap3A_172, %swap3A_173], %swap3A_176 {strides = array<i32>} : memref<128x256xf32, #tpu.memory_space<vmem>>, vector<1x16xf32>,
        %swap3A_177 = arith.index_cast %scan3A_116 : i32 to index
        %swap3A_178 = arith.constant 192 : index
        %swap3A_179 = tpu.vector_load %arg8[%swap3A_177, %swap3A_178] {strides = array<i32>} : memref<128x256xf32, #tpu.memory_space<vmem>>, vector<1x16xf32>,
        %swap3A_180 = vector.shape_cast %swap3A_179 : vector<1x16xf32> to vector<16xf32>
        %swap3A_181 = vector.shape_cast %broadcast_in_dim3A_33 : vector<16xf32> to vector<1x16xf32>
        tpu.vector_store %arg8[%swap3A_177, %swap3A_178], %swap3A_181 {strides = array<i32>} : memref<128x256xf32, #tpu.memory_space<vmem>>, vector<1x16xf32>,
        %swap3A_182 = arith.index_cast %scan3A_116 : i32 to index
        %swap3A_183 = arith.constant 208 : index
        %swap3A_184 = tpu.vector_load %arg8[%swap3A_182, %swap3A_183] {strides = array<i32>} : memref<128x256xf32, #tpu.memory_space<vmem>>, vector<1x16xf32>,
        %swap3A_185 = vector.shape_cast %swap3A_184 : vector<1x16xf32> to vector<16xf32>
        %swap3A_186 = vector.shape_cast %broadcast_in_dim3A_33 : vector<16xf32> to vector<1x16xf32>
        tpu.vector_store %arg8[%swap3A_182, %swap3A_183], %swap3A_186 {strides = array<i32>} : memref<128x256xf32, #tpu.memory_space<vmem>>, vector<1x16xf32>,
        %swap3A_187 = arith.index_cast %scan3A_116 : i32 to index
        %swap3A_188 = arith.constant 224 : index
        %swap3A_189 = tpu.vector_load %arg8[%swap3A_187, %swap3A_188] {strides = array<i32>} : memref<128x256xf32, #tpu.memory_space<vmem>>, vector<1x16xf32>,
        %swap3A_190 = vector.shape_cast %swap3A_189 : vector<1x16xf32> to vector<16xf32>
        %swap3A_191 = vector.shape_cast %broadcast_in_dim3A_33 : vector<16xf32> to vector<1x16xf32>
        tpu.vector_store %arg8[%swap3A_187, %swap3A_188], %swap3A_191 {strides = array<i32>} : memref<128x256xf32, #tpu.memory_space<vmem>>, vector<1x16xf32>,
        %swap3A_192 = arith.index_cast %scan3A_116 : i32 to index
        %swap3A_193 = arith.constant 240 : index
        %swap3A_194 = tpu.vector_load %arg8[%swap3A_192, %swap3A_193] {strides = array<i32>} : memref<128x256xf32, #tpu.memory_space<vmem>>, vector<1x16xf32>,
        %swap3A_195 = vector.shape_cast %swap3A_194 : vector<1x16xf32> to vector<16xf32>
        %swap3A_196 = vector.shape_cast %broadcast_in_dim3A_33 : vector<16xf32> to vector<1x16xf32>
        tpu.vector_store %arg8[%swap3A_192, %swap3A_193], %swap3A_196 {strides = array<i32>} : memref<128x256xf32, #tpu.memory_space<vmem>>, vector<1x16xf32>,
      }
      %scan3A_115 = arith.constant 128 : i32
      "tpu.region"() ({
        %run_scoped3A = tpu.sem_alloc : memref<!tpu.dma_semaphore, #tpu.memory_space<semaphore_mem>>
        tpu.enqueue_dma source(%arg8 : memref<128x256xf32, #tpu.memory_space<vmem>>) target(%arg10 : memref<128x256xf32, #tpu.memory_space<vmem_shared>>) target_semaphore(%run_scoped3A : memref<!tpu.dma_semaphore, #tpu.memory_space<semaphore_mem>>)
        tpu.wait_dma2 semaphore(%run_scoped3A : memref<!tpu.dma_semaphore, #tpu.memory_space<semaphore_mem>>) src(%arg8 : memref<128x256xf32, #tpu.memory_space<vmem>>) dst(%arg10 : memref<128x256xf32, #tpu.memory_space<vmem_shared>>)
        tpu.yield
      }) : () -> ()
    } else {
    }
    %barrier3A = arith.constant 0 : index
    tpu.barrier barrier_id(%barrier3A)
    %mul3A_37 = arith.constant 4096 : i32
    %mul3A_38 = arith.muli %select_n3A, %mul3A_37 : i32
    "tpu.region"() ({
      %run_scoped3A = tpu.sem_alloc : memref<!tpu.dma_semaphore, #tpu.memory_space<semaphore_mem>>
      %dma_start3A = arith.constant 0 : i32
      %dma_start3A_110 = tpu.memref_slice %arg5[%dma_start3A] : memref<4112xi32, #tpu.memory_space<vmem>> -> memref<4096xi32, #tpu.memory_space<vmem>>
      %dma_start3A_111 = tpu.memref_slice %arg3[%mul3A_38] : memref<65536xi32, #tpu.memory_space<hbm>> -> memref<4096xi32, #tpu.memory_space<hbm>>
      %dma_start3A_112 = arith.constant 0 : i32
      %dma_start3A_113 = tpu.memref_slice %arg5[%dma_start3A_112] : memref<4112xi32, #tpu.memory_space<vmem>> -> memref<4096xi32, #tpu.memory_space<vmem>>
      %dma_start3A_114 = tpu.memref_slice %arg3[%mul3A_38] : memref<65536xi32, #tpu.memory_space<hbm>> -> memref<4096xi32, #tpu.memory_space<hbm>>
      tpu.enqueue_dma source(%dma_start3A_114 : memref<4096xi32, #tpu.memory_space<hbm>>) target(%dma_start3A_113 : memref<4096xi32, #tpu.memory_space<vmem>>) target_semaphore(%run_scoped3A : memref<!tpu.dma_semaphore, #tpu.memory_space<semaphore_mem>>)
      %dma_wait3A_115 = arith.constant 0 : i32
      %dma_wait3A_116 = tpu.memref_slice %arg5[%dma_wait3A_115] : memref<4112xi32, #tpu.memory_space<vmem>> -> memref<4096xi32, #tpu.memory_space<vmem>>
      %dma_wait3A_117 = tpu.memref_slice %arg3[%mul3A_38] : memref<65536xi32, #tpu.memory_space<hbm>> -> memref<4096xi32, #tpu.memory_space<hbm>>
      %dma_wait3A_118 = arith.constant 0 : i32
      %dma_wait3A_119 = tpu.memref_slice %arg5[%dma_wait3A_118] : memref<4112xi32, #tpu.memory_space<vmem>> -> memref<4096xi32, #tpu.memory_space<vmem>>
      %dma_wait3A_120 = tpu.memref_slice %arg3[%mul3A_38] : memref<65536xi32, #tpu.memory_space<hbm>> -> memref<4096xi32, #tpu.memory_space<hbm>>
      tpu.wait_dma2 semaphore(%run_scoped3A : memref<!tpu.dma_semaphore, #tpu.memory_space<semaphore_mem>>) src(%dma_wait3A_120 : memref<4096xi32, #tpu.memory_space<hbm>>) dst(%dma_wait3A_119 : memref<4096xi32, #tpu.memory_space<vmem>>)
      tpu.yield
    }) : () -> ()
    %broadcast_in_dim3A_39 = arith.constant 4096 : i32
    %broadcast_in_dim3A_40 = vector.broadcast %broadcast_in_dim3A_39 : i32 to vector<16xi32>
    %swap3A = arith.constant 4096 : index
    %swap3A_41 = tpu.vector_load %arg5[%swap3A] {strides = array<i32>} : memref<4112xi32, #tpu.memory_space<vmem>>, vector<16xi32>,
    %swap3A_42 = vector.shape_cast %swap3A_41 : vector<16xi32> to vector<16xi32>
    %swap3A_43 = vector.shape_cast %broadcast_in_dim3A_40 : vector<16xi32> to vector<16xi32>
    tpu.vector_store %arg5[%swap3A], %swap3A_43 {strides = array<i32>} : memref<4112xi32, #tpu.memory_space<vmem>>, vector<16xi32>,
    %scan3A = arith.constant 0 : i32
    %scan3A_44 = arith.constant 4096 : i32
    %scan3A_45 = arith.constant 0 : i32
    %scan3A_46 = arith.constant 12 : i32
    %scan3A_47 = arith.addi %scan3A_45, %scan3A_46 : i32
    %scan3A_48 = arith.constant 1 : i32
    %scan3A_49:2 = scf.for %scan3A_110 = %scan3A_45 to %scan3A_47 step %scan3A_48 iter_args(%scan3A_111 = %scan3A, %scan3A_112 = %scan3A_44) -> (i32, i32)  : i32 {
      %add3A_113 = arith.addi %scan3A_111, %scan3A_112 : i32
      %jit3A_114 = arith.constant 2 : i32
      %div3A_115 = arith.divsi %add3A_113, %jit3A_114 : i32
      %sign3A_116 = arith.constant 0 : i32
      %sign3A_117 = arith.cmpi sgt, %add3A_113, %sign3A_116 : i32
      %sign3A_118 = arith.extui %sign3A_117 : i1 to i32
      %sign3A_119 = arith.constant 0 : i32
      %sign3A_120 = arith.cmpi slt, %add3A_113, %sign3A_119 : i32
      %sign3A_121 = arith.extui %sign3A_120 : i1 to i32
      %sign3A_122 = arith.subi %sign3A_118, %sign3A_121 : i32
      %sign3A_123 = arith.constant 0 : i32
      %sign3A_124 = arith.cmpi sgt, %jit3A_114, %sign3A_123 : i32
      %sign3A_125 = arith.extui %sign3A_124 : i1 to i32
      %sign3A_126 = arith.constant 0 : i32
      %sign3A_127 = arith.cmpi slt, %jit3A_114, %sign3A_126 : i32
      %sign3A_128 = arith.extui %sign3A_127 : i1 to i32
      %sign3A_129 = arith.subi %sign3A_125, %sign3A_128 : i32
      %ne3A_130 = arith.cmpi ne, %sign3A_122, %sign3A_129 : i32
      %rem3A_131 = arith.remsi %add3A_113, %jit3A_114 : i32
      %ne3A_132 = arith.constant 0 : i32
      %ne3A_133 = arith.cmpi ne, %rem3A_131, %ne3A_132 : i32
      %and3A_134 = arith.andi %ne3A_130, %ne3A_133 : i1
      %sub3A_135 = arith.constant 1 : i32
      %sub3A_136 = arith.subi %div3A_115, %sub3A_135 : i32
      %select_n3A_137 = arith.select %and3A_134, %sub3A_136, %div3A_115 : i32
      %get3A = arith.index_cast %select_n3A_137 : i32 to index
      %get3A_138 = tpu.vector_load %arg5[%get3A] {strides = array<i32>} : memref<4112xi32, #tpu.memory_space<vmem>>, vector<16xi32>,
      %get3A_139 = vector.shape_cast %get3A_138 : vector<16xi32> to vector<16xi32>
      %slice3A = vector.extract_strided_slice %get3A_139 {offsets = [0], sizes = [1], strides = [1]} : vector<16xi32> to vector<1xi32>
      %squeeze3A = vector.extract %slice3A[0] : i32 from vector<1xi32>
      %lt3A_140 = arith.cmpi slt, %scan3A_111, %scan3A_112 : i32
      %lt3A_141 = arith.cmpi slt, %squeeze3A, %mul3A_32 : i32
      %and3A_142 = arith.andi %lt3A_141, %lt3A_140 : i1
      %lt3A_143 = arith.cmpi slt, %squeeze3A, %mul3A_32 : i32
      %not3A = arith.constant true
      %not3A_144 = arith.xori %lt3A_143, %not3A : i1
      %and3A_145 = arith.andi %not3A_144, %lt3A_140 : i1
      %add3A_146 = arith.constant 1 : i32
      %add3A_147 = arith.addi %select_n3A_137, %add3A_146 : i32
      %select_n3A_148 = arith.select %and3A_142, %add3A_147, %scan3A_111 : i32
      %select_n3A_149 = arith.select %and3A_145, %select_n3A_137, %scan3A_112 : i32
      scf.yield %select_n3A_148, %select_n3A_149 : i32, i32
    }
    %scan3A_50 = arith.constant 12 : i32
    %add3A_51 = arith.constant 2048 : i32
    %add3A_52 = arith.addi %mul3A_32, %add3A_51 : i32
    %scan3A_53 = arith.constant 0 : i32
    %scan3A_54 = arith.constant 4096 : i32
    %scan3A_55 = arith.constant 0 : i32
    %scan3A_56 = arith.constant 12 : i32
    %scan3A_57 = arith.addi %scan3A_55, %scan3A_56 : i32
    %scan3A_58 = arith.constant 1 : i32
    %scan3A_59:2 = scf.for %scan3A_110 = %scan3A_55 to %scan3A_57 step %scan3A_58 iter_args(%scan3A_111 = %scan3A_53, %scan3A_112 = %scan3A_54) -> (i32, i32)  : i32 {
      %add3A_113 = arith.addi %scan3A_111, %scan3A_112 : i32
      %jit3A_114 = arith.constant 2 : i32
      %div3A_115 = arith.divsi %add3A_113, %jit3A_114 : i32
      %sign3A_116 = arith.constant 0 : i32
      %sign3A_117 = arith.cmpi sgt, %add3A_113, %sign3A_116 : i32
      %sign3A_118 = arith.extui %sign3A_117 : i1 to i32
      %sign3A_119 = arith.constant 0 : i32
      %sign3A_120 = arith.cmpi slt, %add3A_113, %sign3A_119 : i32
      %sign3A_121 = arith.extui %sign3A_120 : i1 to i32
      %sign3A_122 = arith.subi %sign3A_118, %sign3A_121 : i32
      %sign3A_123 = arith.constant 0 : i32
      %sign3A_124 = arith.cmpi sgt, %jit3A_114, %sign3A_123 : i32
      %sign3A_125 = arith.extui %sign3A_124 : i1 to i32
      %sign3A_126 = arith.constant 0 : i32
      %sign3A_127 = arith.cmpi slt, %jit3A_114, %sign3A_126 : i32
      %sign3A_128 = arith.extui %sign3A_127 : i1 to i32
      %sign3A_129 = arith.subi %sign3A_125, %sign3A_128 : i32
      %ne3A_130 = arith.cmpi ne, %sign3A_122, %sign3A_129 : i32
      %rem3A_131 = arith.remsi %add3A_113, %jit3A_114 : i32
      %ne3A_132 = arith.constant 0 : i32
      %ne3A_133 = arith.cmpi ne, %rem3A_131, %ne3A_132 : i32
      %and3A_134 = arith.andi %ne3A_130, %ne3A_133 : i1
      %sub3A_135 = arith.constant 1 : i32
      %sub3A_136 = arith.subi %div3A_115, %sub3A_135 : i32
      %select_n3A_137 = arith.select %and3A_134, %sub3A_136, %div3A_115 : i32
      %get3A = arith.index_cast %select_n3A_137 : i32 to index
      %get3A_138 = tpu.vector_load %arg5[%get3A] {strides = array<i32>} : memref<4112xi32, #tpu.memory_space<vmem>>, vector<16xi32>,
      %get3A_139 = vector.shape_cast %get3A_138 : vector<16xi32> to vector<16xi32>
      %slice3A = vector.extract_strided_slice %get3A_139 {offsets = [0], sizes = [1], strides = [1]} : vector<16xi32> to vector<1xi32>
      %squeeze3A = vector.extract %slice3A[0] : i32 from vector<1xi32>
      %lt3A_140 = arith.cmpi slt, %scan3A_111, %scan3A_112 : i32
      %lt3A_141 = arith.cmpi slt, %squeeze3A, %add3A_52 : i32
      %and3A_142 = arith.andi %lt3A_141, %lt3A_140 : i1
      %lt3A_143 = arith.cmpi slt, %squeeze3A, %add3A_52 : i32
      %not3A = arith.constant true
      %not3A_144 = arith.xori %lt3A_143, %not3A : i1
      %and3A_145 = arith.andi %not3A_144, %lt3A_140 : i1
      %add3A_146 = arith.constant 1 : i32
      %add3A_147 = arith.addi %select_n3A_137, %add3A_146 : i32
      %select_n3A_148 = arith.select %and3A_142, %add3A_147, %scan3A_111 : i32
      %select_n3A_149 = arith.select %and3A_145, %select_n3A_137, %scan3A_112 : i32
      scf.yield %select_n3A_148, %select_n3A_149 : i32, i32
    }
    %scan3A_60 = arith.constant 12 : i32
    %and3A_61 = arith.constant -8 : i32
    %and3A_62 = arith.andi %scan3A_49#0, %and3A_61 : i32
    %sub3A_63 = arith.subi %scan3A_59#0, %and3A_62 : i32
    %add3A_64 = arith.constant 112 : i32
    %add3A_65 = arith.addi %sub3A_63, %add3A_64 : i32
    %sub3A_66 = arith.constant 1 : i32
    %sub3A_67 = arith.subi %add3A_65, %sub3A_66 : i32
    %jit3A_68 = arith.constant 112 : i32
    %div3A_69 = arith.divsi %sub3A_67, %jit3A_68 : i32
    %sign3A_70 = arith.constant 0 : i32
    %sign3A_71 = arith.cmpi sgt, %sub3A_67, %sign3A_70 : i32
    %sign3A_72 = arith.extui %sign3A_71 : i1 to i32
    %sign3A_73 = arith.constant 0 : i32
    %sign3A_74 = arith.cmpi slt, %sub3A_67, %sign3A_73 : i32
    %sign3A_75 = arith.extui %sign3A_74 : i1 to i32
    %sign3A_76 = arith.subi %sign3A_72, %sign3A_75 : i32
    %sign3A_77 = arith.constant 0 : i32
    %sign3A_78 = arith.cmpi sgt, %jit3A_68, %sign3A_77 : i32
    %sign3A_79 = arith.extui %sign3A_78 : i1 to i32
    %sign3A_80 = arith.constant 0 : i32
    %sign3A_81 = arith.cmpi slt, %jit3A_68, %sign3A_80 : i32
    %sign3A_82 = arith.extui %sign3A_81 : i1 to i32
    %sign3A_83 = arith.subi %sign3A_79, %sign3A_82 : i32
    %ne3A_84 = arith.cmpi ne, %sign3A_76, %sign3A_83 : i32
    %rem3A_85 = arith.remsi %sub3A_67, %jit3A_68 : i32
    %ne3A_86 = arith.constant 0 : i32
    %ne3A_87 = arith.cmpi ne, %rem3A_85, %ne3A_86 : i32
    %and3A_88 = arith.andi %ne3A_84, %ne3A_87 : i1
    %sub3A_89 = arith.constant 1 : i32
    %sub3A_90 = arith.subi %div3A_69, %sub3A_89 : i32
    %select_n3A_91 = arith.select %and3A_88, %sub3A_90, %div3A_69 : i32
    %gt3A = arith.constant 0 : i32
    %gt3A_92 = arith.cmpi sgt, %select_n3A_91, %gt3A : i32
    %convert_element_type3A_93 = arith.extui %gt3A_92 : i1 to i32
    %cond3A_94 = arith.constant 0 : i32
    %cond3A_95 = arith.cmpi ne, %convert_element_type3A_93, %cond3A_94 : i32
    scf.if %cond3A_95 {
      %add3A_110 = arith.constant 0 : i32
      %add3A_111 = arith.addi %and3A_62, %add3A_110 : i32
      %min3A = arith.constant 3984 : i32
      %min3A_112 = arith.minsi %add3A_111, %min3A : i32
      %multiple_of3A_113 = tpu.assume_multiple %min3A_112, 8 : i32
      %dma_start3A = arith.constant 0 : i32
      %dma_start3A_114 = tpu.memref_slice %arg2[%select_n3A, %multiple_of3A_113, %dma_start3A] : memref<16x4096x256xf32, #tpu.memory_space<hbm>> -> memref<1x112x256xf32, #tpu.memory_space<hbm>>
      %dma_start3A_115 = tpu.memref_squeeze %dma_start3A_114 : memref<1x112x256xf32, #tpu.memory_space<hbm>> -> memref<112x256xf32, #tpu.memory_space<hbm>>
      %dma_start3A_116 = arith.constant 0 : i32
      %dma_start3A_117 = tpu.memref_slice %arg2[%select_n3A, %multiple_of3A_113, %dma_start3A_116] : memref<16x4096x256xf32, #tpu.memory_space<hbm>> -> memref<1x112x256xf32, #tpu.memory_space<hbm>>
      %dma_start3A_118 = tpu.memref_squeeze %dma_start3A_117 : memref<1x112x256xf32, #tpu.memory_space<hbm>> -> memref<112x256xf32, #tpu.memory_space<hbm>>
      tpu.enqueue_dma source(%dma_start3A_118 : memref<112x256xf32, #tpu.memory_space<hbm>>) target(%arg6 : memref<112x256xf32, #tpu.memory_space<vmem>>) target_semaphore(%arg11 : memref<!tpu.dma_semaphore, #tpu.memory_space<semaphore_mem>>)
    } else {
    }
    tpu.enqueue_dma source(%arg10 : memref<128x256xf32, #tpu.memory_space<vmem_shared>>) target(%arg8 : memref<128x256xf32, #tpu.memory_space<vmem>>) target_semaphore(%arg15 : memref<!tpu.dma_semaphore, #tpu.memory_space<semaphore_mem>>)
    %scan3A_96 = arith.constant -1 : i32
    %scan3A_97 = arith.constant 0 : i32
    %scan3A_98 = arith.constant 8 : i32
    %scan3A_99 = arith.addi %scan3A_97, %scan3A_98 : i32
    %scan3A_100 = arith.constant 1 : i32
    %scan3A_101:2 = scf.for %scan3A_110 = %scan3A_97 to %scan3A_99 step %scan3A_100 iter_args(%scan3A_111 = %scan3A_49#0, %scan3A_112 = %scan3A_96) -> (i32, i32)  : i32 {
      %mul3A_113 = arith.constant 2 : i32
      %mul3A_114 = arith.muli %mul3A_113, %scan3A_110 : i32
      %add3A_115 = arith.constant 0 : i32
      %add3A_116 = arith.addi %mul3A_114, %add3A_115 : i32
      %mul3A_117 = arith.constant 128 : i32
      %mul3A_118 = arith.muli %add3A_116, %mul3A_117 : i32
      %add3A_119 = arith.addi %mul3A_32, %mul3A_118 : i32
      %add3A_120 = arith.constant 128 : i32
      %add3A_121 = arith.addi %add3A_119, %add3A_120 : i32
      %scan3A_122 = arith.constant 0 : i32
      %scan3A_123 = arith.constant 4096 : i32
      %scan3A_124 = arith.constant 0 : i32
      %scan3A_125 = arith.constant 12 : i32
      %scan3A_126 = arith.addi %scan3A_124, %scan3A_125 : i32
      %scan3A_127 = arith.constant 1 : i32
      %scan3A_128:2 = scf.for %scan3A_406 = %scan3A_124 to %scan3A_126 step %scan3A_127 iter_args(%scan3A_407 = %scan3A_122, %scan3A_408 = %scan3A_123) -> (i32, i32)  : i32 {
        %add3A_409 = arith.addi %scan3A_407, %scan3A_408 : i32
        %jit3A_410 = arith.constant 2 : i32
        %div3A_411 = arith.divsi %add3A_409, %jit3A_410 : i32
        %sign3A_412 = arith.constant 0 : i32
        %sign3A_413 = arith.cmpi sgt, %add3A_409, %sign3A_412 : i32
        %sign3A_414 = arith.extui %sign3A_413 : i1 to i32
        %sign3A_415 = arith.constant 0 : i32
        %sign3A_416 = arith.cmpi slt, %add3A_409, %sign3A_415 : i32
        %sign3A_417 = arith.extui %sign3A_416 : i1 to i32
        %sign3A_418 = arith.subi %sign3A_414, %sign3A_417 : i32
        %sign3A_419 = arith.constant 0 : i32
        %sign3A_420 = arith.cmpi sgt, %jit3A_410, %sign3A_419 : i32
        %sign3A_421 = arith.extui %sign3A_420 : i1 to i32
        %sign3A_422 = arith.constant 0 : i32
        %sign3A_423 = arith.cmpi slt, %jit3A_410, %sign3A_422 : i32
        %sign3A_424 = arith.extui %sign3A_423 : i1 to i32
        %sign3A_425 = arith.subi %sign3A_421, %sign3A_424 : i32
        %ne3A_426 = arith.cmpi ne, %sign3A_418, %sign3A_425 : i32
        %rem3A_427 = arith.remsi %add3A_409, %jit3A_410 : i32
        %ne3A_428 = arith.constant 0 : i32
        %ne3A_429 = arith.cmpi ne, %rem3A_427, %ne3A_428 : i32
        %and3A_430 = arith.andi %ne3A_426, %ne3A_429 : i1
        %sub3A_431 = arith.constant 1 : i32
        %sub3A_432 = arith.subi %div3A_411, %sub3A_431 : i32
        %select_n3A_433 = arith.select %and3A_430, %sub3A_432, %div3A_411 : i32
        %get3A = arith.index_cast %select_n3A_433 : i32 to index
        %get3A_434 = tpu.vector_load %arg5[%get3A] {strides = array<i32>} : memref<4112xi32, #tpu.memory_space<vmem>>, vector<16xi32>,
        %get3A_435 = vector.shape_cast %get3A_434 : vector<16xi32> to vector<16xi32>
        %slice3A = vector.extract_strided_slice %get3A_435 {offsets = [0], sizes = [1], strides = [1]} : vector<16xi32> to vector<1xi32>
        %squeeze3A = vector.extract %slice3A[0] : i32 from vector<1xi32>
        %lt3A_436 = arith.cmpi slt, %scan3A_407, %scan3A_408 : i32
        %lt3A_437 = arith.cmpi slt, %squeeze3A, %add3A_121 : i32
        %and3A_438 = arith.andi %lt3A_437, %lt3A_436 : i1
        %lt3A_439 = arith.cmpi slt, %squeeze3A, %add3A_121 : i32
        %not3A = arith.constant true
        %not3A_440 = arith.xori %lt3A_439, %not3A : i1
        %and3A_441 = arith.andi %not3A_440, %lt3A_436 : i1
        %add3A_442 = arith.constant 1 : i32
        %add3A_443 = arith.addi %select_n3A_433, %add3A_442 : i32
        %select_n3A_444 = arith.select %and3A_438, %add3A_443, %scan3A_407 : i32
        %select_n3A_445 = arith.select %and3A_441, %select_n3A_433, %scan3A_408 : i32
        scf.yield %select_n3A_444, %select_n3A_445 : i32, i32
      }
      %scan3A_129 = arith.constant 12 : i32
      tpu.wait_dma2 semaphore(%arg15 : memref<!tpu.dma_semaphore, #tpu.memory_space<semaphore_mem>>) src(%arg10 : memref<128x256xf32, #tpu.memory_space<vmem_shared>>) dst(%arg8 : memref<128x256xf32, #tpu.memory_space<vmem>>)
      %sub3A_130 = arith.subi %scan3A_111, %and3A_62 : i32
      %jit3A_131 = arith.constant 112 : i32
      %div3A_132 = arith.divsi %sub3A_130, %jit3A_131 : i32
      %sign3A_133 = arith.constant 0 : i32
      %sign3A_134 = arith.cmpi sgt, %sub3A_130, %sign3A_133 : i32
      %sign3A_135 = arith.extui %sign3A_134 : i1 to i32
      %sign3A_136 = arith.constant 0 : i32
      %sign3A_137 = arith.cmpi slt, %sub3A_130, %sign3A_136 : i32
      %sign3A_138 = arith.extui %sign3A_137 : i1 to i32
      %sign3A_139 = arith.subi %sign3A_135, %sign3A_138 : i32
      %sign3A_140 = arith.constant 0 : i32
      %sign3A_141 = arith.cmpi sgt, %jit3A_131, %sign3A_140 : i32
      %sign3A_142 = arith.extui %sign3A_141 : i1 to i32
      %sign3A_143 = arith.constant 0 : i32
      %sign3A_144 = arith.cmpi slt, %jit3A_131, %sign3A_143 : i32
      %sign3A_145 = arith.extui %sign3A_144 : i1 to i32
      %sign3A_146 = arith.subi %sign3A_142, %sign3A_145 : i32
      %ne3A_147 = arith.cmpi ne, %sign3A_139, %sign3A_146 : i32
      %rem3A_148 = arith.remsi %sub3A_130, %jit3A_131 : i32
      %ne3A_149 = arith.constant 0 : i32
      %ne3A_150 = arith.cmpi ne, %rem3A_148, %ne3A_149 : i32
      %and3A_151 = arith.andi %ne3A_147, %ne3A_150 : i1
      %sub3A_152 = arith.constant 1 : i32
      %sub3A_153 = arith.subi %div3A_132, %sub3A_152 : i32
      %select_n3A_154 = arith.select %and3A_151, %sub3A_153, %div3A_132 : i32
      %sub3A_155 = arith.subi %scan3A_128#0, %and3A_62 : i32
      %add3A_156 = arith.constant 112 : i32
      %add3A_157 = arith.addi %sub3A_155, %add3A_156 : i32
      %sub3A_158 = arith.constant 1 : i32
      %sub3A_159 = arith.subi %add3A_157, %sub3A_158 : i32
      %jit3A_160 = arith.constant 112 : i32
      %div3A_161 = arith.divsi %sub3A_159, %jit3A_160 : i32
      %sign3A_162 = arith.constant 0 : i32
      %sign3A_163 = arith.cmpi sgt, %sub3A_159, %sign3A_162 : i32
      %sign3A_164 = arith.extui %sign3A_163 : i1 to i32
      %sign3A_165 = arith.constant 0 : i32
      %sign3A_166 = arith.cmpi slt, %sub3A_159, %sign3A_165 : i32
      %sign3A_167 = arith.extui %sign3A_166 : i1 to i32
      %sign3A_168 = arith.subi %sign3A_164, %sign3A_167 : i32
      %sign3A_169 = arith.constant 0 : i32
      %sign3A_170 = arith.cmpi sgt, %jit3A_160, %sign3A_169 : i32
      %sign3A_171 = arith.extui %sign3A_170 : i1 to i32
      %sign3A_172 = arith.constant 0 : i32
      %sign3A_173 = arith.cmpi slt, %jit3A_160, %sign3A_172 : i32
      %sign3A_174 = arith.extui %sign3A_173 : i1 to i32
      %sign3A_175 = arith.subi %sign3A_171, %sign3A_174 : i32
      %ne3A_176 = arith.cmpi ne, %sign3A_168, %sign3A_175 : i32
      %rem3A_177 = arith.remsi %sub3A_159, %jit3A_160 : i32
      %ne3A_178 = arith.constant 0 : i32
      %ne3A_179 = arith.cmpi ne, %rem3A_177, %ne3A_178 : i32
      %and3A_180 = arith.andi %ne3A_176, %ne3A_179 : i1
      %sub3A_181 = arith.constant 1 : i32
      %sub3A_182 = arith.subi %div3A_161, %sub3A_181 : i32
      %select_n3A_183 = arith.select %and3A_180, %sub3A_182, %div3A_161 : i32
      %sub3A_184 = arith.constant 1 : i32
      %sub3A_185 = arith.subi %add3A_119, %sub3A_184 : i32
      %jit3A_186 = arith.constant 2 : i32
      %div3A_187 = arith.divsi %select_n3A_154, %jit3A_186 : i32
      %sign3A_188 = arith.constant 0 : i32
      %sign3A_189 = arith.cmpi sgt, %select_n3A_154, %sign3A_188 : i32
      %sign3A_190 = arith.extui %sign3A_189 : i1 to i32
      %sign3A_191 = arith.constant 0 : i32
      %sign3A_192 = arith.cmpi slt, %select_n3A_154, %sign3A_191 : i32
      %sign3A_193 = arith.extui %sign3A_192 : i1 to i32
      %sign3A_194 = arith.subi %sign3A_190, %sign3A_193 : i32
      %sign3A_195 = arith.constant 0 : i32
      %sign3A_196 = arith.cmpi sgt, %jit3A_186, %sign3A_195 : i32
      %sign3A_197 = arith.extui %sign3A_196 : i1 to i32
      %sign3A_198 = arith.constant 0 : i32
      %sign3A_199 = arith.cmpi slt, %jit3A_186, %sign3A_198 : i32
      %sign3A_200 = arith.extui %sign3A_199 : i1 to i32
      %sign3A_201 = arith.subi %sign3A_197, %sign3A_200 : i32
      %ne3A_202 = arith.cmpi ne, %sign3A_194, %sign3A_201 : i32
      %rem3A_203 = arith.remsi %select_n3A_154, %jit3A_186 : i32
      %ne3A_204 = arith.constant 0 : i32
      %ne3A_205 = arith.cmpi ne, %rem3A_203, %ne3A_204 : i32
      %and3A_206 = arith.andi %ne3A_202, %ne3A_205 : i1
      %sub3A_207 = arith.constant 1 : i32
      %sub3A_208 = arith.subi %div3A_187, %sub3A_207 : i32
      %select_n3A_209 = arith.select %and3A_206, %sub3A_208, %div3A_187 : i32
      %add3A_210 = arith.constant 1 : i32
      %add3A_211 = arith.addi %select_n3A_183, %add3A_210 : i32
      %jit3A_212 = arith.constant 2 : i32
      %div3A_213 = arith.divsi %add3A_211, %jit3A_212 : i32
      %sign3A_214 = arith.constant 0 : i32
      %sign3A_215 = arith.cmpi sgt, %add3A_211, %sign3A_214 : i32
      %sign3A_216 = arith.extui %sign3A_215 : i1 to i32
      %sign3A_217 = arith.constant 0 : i32
      %sign3A_218 = arith.cmpi slt, %add3A_211, %sign3A_217 : i32
      %sign3A_219 = arith.extui %sign3A_218 : i1 to i32
      %sign3A_220 = arith.subi %sign3A_216, %sign3A_219 : i32
      %sign3A_221 = arith.constant 0 : i32
      %sign3A_222 = arith.cmpi sgt, %jit3A_212, %sign3A_221 : i32
      %sign3A_223 = arith.extui %sign3A_222 : i1 to i32
      %sign3A_224 = arith.constant 0 : i32
      %sign3A_225 = arith.cmpi slt, %jit3A_212, %sign3A_224 : i32
      %sign3A_226 = arith.extui %sign3A_225 : i1 to i32
      %sign3A_227 = arith.subi %sign3A_223, %sign3A_226 : i32
      %ne3A_228 = arith.cmpi ne, %sign3A_220, %sign3A_227 : i32
      %rem3A_229 = arith.remsi %add3A_211, %jit3A_212 : i32
      %ne3A_230 = arith.constant 0 : i32
      %ne3A_231 = arith.cmpi ne, %rem3A_229, %ne3A_230 : i32
      %and3A_232 = arith.andi %ne3A_228, %ne3A_231 : i1
      %sub3A_233 = arith.constant 1 : i32
      %sub3A_234 = arith.subi %div3A_213, %sub3A_233 : i32
      %select_n3A_235 = arith.select %and3A_232, %sub3A_234, %div3A_213 : i32
      %while3A = arith.subi %select_n3A_235, %select_n3A_209 : i32
      %while3A_236 = arith.addi %select_n3A_209, %while3A : i32
      %while3A_237 = arith.constant 1 : i32
      %while3A_238 = arith.divsi %while3A, %while3A_237 : i32
      %while3A_239 = arith.muli %while3A_238, %while3A_237 : i32
      %while3A_240 = arith.addi %select_n3A_209, %while3A_239 : i32
      %while3A_241 = arith.constant 1 : i32
      %while3A_242:18 = scf.for %while3A_406 = %select_n3A_209 to %while3A_240 step %while3A_241 iter_args(%while3A_407 = %scan3A_112, %while3A_408 = %sub3A_185, %while3A_409 = %broadcast_in_dim3A_33, %while3A_410 = %broadcast_in_dim3A_33, %while3A_411 = %broadcast_in_dim3A_33, %while3A_412 = %broadcast_in_dim3A_33, %while3A_413 = %broadcast_in_dim3A_33, %while3A_414 = %broadcast_in_dim3A_33, %while3A_415 = %broadcast_in_dim3A_33, %while3A_416 = %broadcast_in_dim3A_33, %while3A_417 = %broadcast_in_dim3A_33, %while3A_418 = %broadcast_in_dim3A_33, %while3A_419 = %broadcast_in_dim3A_33, %while3A_420 = %broadcast_in_dim3A_33, %while3A_421 = %broadcast_in_dim3A_33, %while3A_422 = %broadcast_in_dim3A_33, %while3A_423 = %broadcast_in_dim3A_33, %while3A_424 = %broadcast_in_dim3A_33) -> (i32, i32, vector<16xf32>, vector<16xf32>, vector<16xf32>, vector<16xf32>, vector<16xf32>, vector<16xf32>, vector<16xf32>, vector<16xf32>, vector<16xf32>, vector<16xf32>, vector<16xf32>, vector<16xf32>, vector<16xf32>, vector<16xf32>, vector<16xf32>, vector<16xf32>)  : i32 {
        %mul3A_425 = arith.constant 2 : i32
        %mul3A_426 = arith.muli %mul3A_425, %while3A_406 : i32
        %add3A_427 = arith.constant 0 : i32
        %add3A_428 = arith.addi %mul3A_426, %add3A_427 : i32
        %mul3A_429 = arith.constant 112 : i32
        %mul3A_430 = arith.muli %add3A_428, %mul3A_429 : i32
        %add3A_431 = arith.addi %and3A_62, %mul3A_430 : i32
        %min3A = arith.constant 3984 : i32
        %min3A_432 = arith.minsi %add3A_431, %min3A : i32
        %max3A = arith.maxsi %scan3A_111, %add3A_431 : i32
        %add3A_433 = arith.constant 112 : i32
        %add3A_434 = arith.addi %add3A_431, %add3A_433 : i32
        %min3A_435 = arith.minsi %scan3A_128#0, %add3A_434 : i32
        %sub3A_436 = arith.subi %min3A_435, %max3A : i32
        %jit3A_437 = arith.constant 0 : i32
        %jit3A_438 = arith.constant 112 : i32
        %max3A_439 = arith.maxsi %jit3A_437, %sub3A_436 : i32
        %min3A_440 = arith.minsi %jit3A_438, %max3A_439 : i32
        %gt3A_441 = arith.cmpi sgt, %add3A_428, %while3A_407 : i32
        %gt3A_442 = arith.constant 0 : i32
        %gt3A_443 = arith.cmpi sgt, %min3A_440, %gt3A_442 : i32
        %and3A_444 = arith.andi %gt3A_441, %gt3A_443 : i1
        %convert_element_type3A_445 = arith.extui %and3A_444 : i1 to i32
        %cond3A_446 = arith.constant 0 : i32
        %cond3A_447 = arith.cmpi ne, %convert_element_type3A_445, %cond3A_446 : i32
        scf.if %cond3A_447 {
          %mul3A_497 = arith.constant 112 : i32
          %mul3A_498 = arith.muli %add3A_428, %mul3A_497 : i32
          %add3A_499 = arith.addi %and3A_62, %mul3A_498 : i32
          %min3A_500 = arith.constant 3984 : i32
          %min3A_501 = arith.minsi %add3A_499, %min3A_500 : i32
          %multiple_of3A_502 = tpu.assume_multiple %min3A_501, 8 : i32
          %dma_wait3A_503 = arith.constant 0 : i32
          %dma_wait3A_504 = tpu.memref_slice %arg2[%select_n3A, %multiple_of3A_502, %dma_wait3A_503] : memref<16x4096x256xf32, #tpu.memory_space<hbm>> -> memref<1x112x256xf32, #tpu.memory_space<hbm>>
          %dma_wait3A_505 = tpu.memref_squeeze %dma_wait3A_504 : memref<1x112x256xf32, #tpu.memory_space<hbm>> -> memref<112x256xf32, #tpu.memory_space<hbm>>
          %dma_wait3A_506 = arith.constant 0 : i32
          %dma_wait3A_507 = tpu.memref_slice %arg2[%select_n3A, %multiple_of3A_502, %dma_wait3A_506] : memref<16x4096x256xf32, #tpu.memory_space<hbm>> -> memref<1x112x256xf32, #tpu.memory_space<hbm>>
          %dma_wait3A_508 = tpu.memref_squeeze %dma_wait3A_507 : memref<1x112x256xf32, #tpu.memory_space<hbm>> -> memref<112x256xf32, #tpu.memory_space<hbm>>
          tpu.wait_dma2 semaphore(%arg11 : memref<!tpu.dma_semaphore, #tpu.memory_space<semaphore_mem>>) src(%dma_wait3A_508 : memref<112x256xf32, #tpu.memory_space<hbm>>) dst(%arg6 : memref<112x256xf32, #tpu.memory_space<vmem>>)
          %add3A_509 = arith.constant 1 : i32
          %add3A_510 = arith.addi %add3A_428, %add3A_509 : i32
          %lt3A_511 = arith.cmpi slt, %add3A_510, %select_n3A_91 : i32
          %convert_element_type3A_512 = arith.extui %lt3A_511 : i1 to i32
          %cond3A_513 = arith.constant 0 : i32
          %cond3A_514 = arith.cmpi ne, %convert_element_type3A_512, %cond3A_513 : i32
          scf.if %cond3A_514 {
            %add3A_515 = arith.constant 1 : i32
            %add3A_516 = arith.addi %add3A_428, %add3A_515 : i32
            %mul3A_517 = arith.constant 112 : i32
            %mul3A_518 = arith.muli %add3A_516, %mul3A_517 : i32
            %add3A_519 = arith.addi %and3A_62, %mul3A_518 : i32
            %min3A_520 = arith.constant 3984 : i32
            %min3A_521 = arith.minsi %add3A_519, %min3A_520 : i32
            %multiple_of3A_522 = tpu.assume_multiple %min3A_521, 8 : i32
            %dma_start3A_523 = arith.constant 0 : i32
            %dma_start3A_524 = tpu.memref_slice %arg2[%select_n3A, %multiple_of3A_522, %dma_start3A_523] : memref<16x4096x256xf32, #tpu.memory_space<hbm>> -> memref<1x112x256xf32, #tpu.memory_space<hbm>>
            %dma_start3A_525 = tpu.memref_squeeze %dma_start3A_524 : memref<1x112x256xf32, #tpu.memory_space<hbm>> -> memref<112x256xf32, #tpu.memory_space<hbm>>
            %dma_start3A_526 = arith.constant 0 : i32
            %dma_start3A_527 = tpu.memref_slice %arg2[%select_n3A, %multiple_of3A_522, %dma_start3A_526] : memref<16x4096x256xf32, #tpu.memory_space<hbm>> -> memref<1x112x256xf32, #tpu.memory_space<hbm>>
            %dma_start3A_528 = tpu.memref_squeeze %dma_start3A_527 : memref<1x112x256xf32, #tpu.memory_space<hbm>> -> memref<112x256xf32, #tpu.memory_space<hbm>>
            tpu.enqueue_dma source(%dma_start3A_528 : memref<112x256xf32, #tpu.memory_space<hbm>>) target(%arg7 : memref<112x256xf32, #tpu.memory_space<vmem>>) target_semaphore(%arg12 : memref<!tpu.dma_semaphore, #tpu.memory_space<semaphore_mem>>)
          } else {
          }
        } else {
        }
        %select_n3A_448 = arith.select %and3A_444, %add3A_428, %while3A_407 : i32
        %while3A_449 = arith.constant 0 : i32
        %while3A_450 = arith.subi %min3A_440, %while3A_449 : i32
        %while3A_451 = arith.addi %while3A_449, %while3A_450 : i32
        %while3A_452 = arith.constant 1 : i32
        %while3A_453 = arith.divsi %while3A_450, %while3A_452 : i32
        %while3A_454 = arith.muli %while3A_453, %while3A_452 : i32
        %while3A_455 = arith.addi %while3A_449, %while3A_454 : i32
        %while3A_456 = arith.constant 1 : i32
        %while3A_457:17 = scf.for %while3A_497 = %while3A_449 to %while3A_455 step %while3A_456 iter_args(%while3A_498 = %while3A_408, %while3A_499 = %while3A_409, %while3A_500 = %while3A_410, %while3A_501 = %while3A_411, %while3A_502 = %while3A_412, %while3A_503 = %while3A_413, %while3A_504 = %while3A_414, %while3A_505 = %while3A_415, %while3A_506 = %while3A_416, %while3A_507 = %while3A_417, %while3A_508 = %while3A_418, %while3A_509 = %while3A_419, %while3A_510 = %while3A_420, %while3A_511 = %while3A_421, %while3A_512 = %while3A_422, %while3A_513 = %while3A_423, %while3A_514 = %while3A_424) -> (i32, vector<16xf32>, vector<16xf32>, vector<16xf32>, vector<16xf32>, vector<16xf32>, vector<16xf32>, vector<16xf32>, vector<16xf32>, vector<16xf32>, vector<16xf32>, vector<16xf32>, vector<16xf32>, vector<16xf32>, vector<16xf32>, vector<16xf32>, vector<16xf32>)  : i32 {
          %add3A_515 = arith.addi %max3A, %while3A_497 : i32
          %get3A = arith.index_cast %add3A_515 : i32 to index
          %get3A_516 = tpu.vector_load %arg5[%get3A] {strides = array<i32>} : memref<4112xi32, #tpu.memory_space<vmem>>, vector<16xi32>,
          %get3A_517 = vector.shape_cast %get3A_516 : vector<16xi32> to vector<16xi32>
          %slice3A = vector.extract_strided_slice %get3A_517 {offsets = [0], sizes = [1], strides = [1]} : vector<16xi32> to vector<1xi32>
          %squeeze3A = vector.extract %slice3A[0] : i32 from vector<1xi32>
          %sub3A_518 = arith.subi %add3A_515, %min3A_432 : i32
          %eq3A_519 = arith.cmpi eq, %squeeze3A, %while3A_498 : i32
          %get3A_520 = arith.index_cast %sub3A_518 : i32 to index
          %get3A_521 = arith.constant 0 : index
          %get3A_522 = tpu.vector_load %arg6[%get3A_520, %get3A_521] {strides = array<i32>} : memref<112x256xf32, #tpu.memory_space<vmem>>, vector<1x16xf32>,
          %get3A_523 = vector.shape_cast %get3A_522 : vector<1x16xf32> to vector<16xf32>
          %select_n3A_524 = arith.select %eq3A_519, %while3A_499, %broadcast_in_dim3A_33 : vector<16xf32>
          %add3A_525 = arith.addf %get3A_523, %select_n3A_524 : vector<16xf32>
          %get3A_526 = arith.index_cast %sub3A_518 : i32 to index
          %get3A_527 = arith.constant 16 : index
          %get3A_528 = tpu.vector_load %arg6[%get3A_526, %get3A_527] {strides = array<i32>} : memref<112x256xf32, #tpu.memory_space<vmem>>, vector<1x16xf32>,
          %get3A_529 = vector.shape_cast %get3A_528 : vector<1x16xf32> to vector<16xf32>
          %select_n3A_530 = arith.select %eq3A_519, %while3A_500, %broadcast_in_dim3A_33 : vector<16xf32>
          %add3A_531 = arith.addf %get3A_529, %select_n3A_530 : vector<16xf32>
          %get3A_532 = arith.index_cast %sub3A_518 : i32 to index
          %get3A_533 = arith.constant 32 : index
          %get3A_534 = tpu.vector_load %arg6[%get3A_532, %get3A_533] {strides = array<i32>} : memref<112x256xf32, #tpu.memory_space<vmem>>, vector<1x16xf32>,
          %get3A_535 = vector.shape_cast %get3A_534 : vector<1x16xf32> to vector<16xf32>
          %select_n3A_536 = arith.select %eq3A_519, %while3A_501, %broadcast_in_dim3A_33 : vector<16xf32>
          %add3A_537 = arith.addf %get3A_535, %select_n3A_536 : vector<16xf32>
          %get3A_538 = arith.index_cast %sub3A_518 : i32 to index
          %get3A_539 = arith.constant 48 : index
          %get3A_540 = tpu.vector_load %arg6[%get3A_538, %get3A_539] {strides = array<i32>} : memref<112x256xf32, #tpu.memory_space<vmem>>, vector<1x16xf32>,
          %get3A_541 = vector.shape_cast %get3A_540 : vector<1x16xf32> to vector<16xf32>
          %select_n3A_542 = arith.select %eq3A_519, %while3A_502, %broadcast_in_dim3A_33 : vector<16xf32>
          %add3A_543 = arith.addf %get3A_541, %select_n3A_542 : vector<16xf32>
          %get3A_544 = arith.index_cast %sub3A_518 : i32 to index
          %get3A_545 = arith.constant 64 : index
          %get3A_546 = tpu.vector_load %arg6[%get3A_544, %get3A_545] {strides = array<i32>} : memref<112x256xf32, #tpu.memory_space<vmem>>, vector<1x16xf32>,
          %get3A_547 = vector.shape_cast %get3A_546 : vector<1x16xf32> to vector<16xf32>
          %select_n3A_548 = arith.select %eq3A_519, %while3A_503, %broadcast_in_dim3A_33 : vector<16xf32>
          %add3A_549 = arith.addf %get3A_547, %select_n3A_548 : vector<16xf32>
          %get3A_550 = arith.index_cast %sub3A_518 : i32 to index
          %get3A_551 = arith.constant 80 : index
          %get3A_552 = tpu.vector_load %arg6[%get3A_550, %get3A_551] {strides = array<i32>} : memref<112x256xf32, #tpu.memory_space<vmem>>, vector<1x16xf32>,
          %get3A_553 = vector.shape_cast %get3A_552 : vector<1x16xf32> to vector<16xf32>
          %select_n3A_554 = arith.select %eq3A_519, %while3A_504, %broadcast_in_dim3A_33 : vector<16xf32>
          %add3A_555 = arith.addf %get3A_553, %select_n3A_554 : vector<16xf32>
          %get3A_556 = arith.index_cast %sub3A_518 : i32 to index
          %get3A_557 = arith.constant 96 : index
          %get3A_558 = tpu.vector_load %arg6[%get3A_556, %get3A_557] {strides = array<i32>} : memref<112x256xf32, #tpu.memory_space<vmem>>, vector<1x16xf32>,
          %get3A_559 = vector.shape_cast %get3A_558 : vector<1x16xf32> to vector<16xf32>
          %select_n3A_560 = arith.select %eq3A_519, %while3A_505, %broadcast_in_dim3A_33 : vector<16xf32>
          %add3A_561 = arith.addf %get3A_559, %select_n3A_560 : vector<16xf32>
          %get3A_562 = arith.index_cast %sub3A_518 : i32 to index
          %get3A_563 = arith.constant 112 : index
          %get3A_564 = tpu.vector_load %arg6[%get3A_562, %get3A_563] {strides = array<i32>} : memref<112x256xf32, #tpu.memory_space<vmem>>, vector<1x16xf32>,
          %get3A_565 = vector.shape_cast %get3A_564 : vector<1x16xf32> to vector<16xf32>
          %select_n3A_566 = arith.select %eq3A_519, %while3A_506, %broadcast_in_dim3A_33 : vector<16xf32>
          %add3A_567 = arith.addf %get3A_565, %select_n3A_566 : vector<16xf32>
          %get3A_568 = arith.index_cast %sub3A_518 : i32 to index
          %get3A_569 = arith.constant 128 : index
          %get3A_570 = tpu.vector_load %arg6[%get3A_568, %get3A_569] {strides = array<i32>} : memref<112x256xf32, #tpu.memory_space<vmem>>, vector<1x16xf32>,
          %get3A_571 = vector.shape_cast %get3A_570 : vector<1x16xf32> to vector<16xf32>
          %select_n3A_572 = arith.select %eq3A_519, %while3A_507, %broadcast_in_dim3A_33 : vector<16xf32>
          %add3A_573 = arith.addf %get3A_571, %select_n3A_572 : vector<16xf32>
          %get3A_574 = arith.index_cast %sub3A_518 : i32 to index
          %get3A_575 = arith.constant 144 : index
          %get3A_576 = tpu.vector_load %arg6[%get3A_574, %get3A_575] {strides = array<i32>} : memref<112x256xf32, #tpu.memory_space<vmem>>, vector<1x16xf32>,
          %get3A_577 = vector.shape_cast %get3A_576 : vector<1x16xf32> to vector<16xf32>
          %select_n3A_578 = arith.select %eq3A_519, %while3A_508, %broadcast_in_dim3A_33 : vector<16xf32>
          %add3A_579 = arith.addf %get3A_577, %select_n3A_578 : vector<16xf32>
          %get3A_580 = arith.index_cast %sub3A_518 : i32 to index
          %get3A_581 = arith.constant 160 : index
          %get3A_582 = tpu.vector_load %arg6[%get3A_580, %get3A_581] {strides = array<i32>} : memref<112x256xf32, #tpu.memory_space<vmem>>, vector<1x16xf32>,
          %get3A_583 = vector.shape_cast %get3A_582 : vector<1x16xf32> to vector<16xf32>
          %select_n3A_584 = arith.select %eq3A_519, %while3A_509, %broadcast_in_dim3A_33 : vector<16xf32>
          %add3A_585 = arith.addf %get3A_583, %select_n3A_584 : vector<16xf32>
          %get3A_586 = arith.index_cast %sub3A_518 : i32 to index
          %get3A_587 = arith.constant 176 : index
          %get3A_588 = tpu.vector_load %arg6[%get3A_586, %get3A_587] {strides = array<i32>} : memref<112x256xf32, #tpu.memory_space<vmem>>, vector<1x16xf32>,
          %get3A_589 = vector.shape_cast %get3A_588 : vector<1x16xf32> to vector<16xf32>
          %select_n3A_590 = arith.select %eq3A_519, %while3A_510, %broadcast_in_dim3A_33 : vector<16xf32>
          %add3A_591 = arith.addf %get3A_589, %select_n3A_590 : vector<16xf32>
          %get3A_592 = arith.index_cast %sub3A_518 : i32 to index
          %get3A_593 = arith.constant 192 : index
          %get3A_594 = tpu.vector_load %arg6[%get3A_592, %get3A_593] {strides = array<i32>} : memref<112x256xf32, #tpu.memory_space<vmem>>, vector<1x16xf32>,
          %get3A_595 = vector.shape_cast %get3A_594 : vector<1x16xf32> to vector<16xf32>
          %select_n3A_596 = arith.select %eq3A_519, %while3A_511, %broadcast_in_dim3A_33 : vector<16xf32>
          %add3A_597 = arith.addf %get3A_595, %select_n3A_596 : vector<16xf32>
          %get3A_598 = arith.index_cast %sub3A_518 : i32 to index
          %get3A_599 = arith.constant 208 : index
          %get3A_600 = tpu.vector_load %arg6[%get3A_598, %get3A_599] {strides = array<i32>} : memref<112x256xf32, #tpu.memory_space<vmem>>, vector<1x16xf32>,
          %get3A_601 = vector.shape_cast %get3A_600 : vector<1x16xf32> to vector<16xf32>
          %select_n3A_602 = arith.select %eq3A_519, %while3A_512, %broadcast_in_dim3A_33 : vector<16xf32>
          %add3A_603 = arith.addf %get3A_601, %select_n3A_602 : vector<16xf32>
          %get3A_604 = arith.index_cast %sub3A_518 : i32 to index
          %get3A_605 = arith.constant 224 : index
          %get3A_606 = tpu.vector_load %arg6[%get3A_604, %get3A_605] {strides = array<i32>} : memref<112x256xf32, #tpu.memory_space<vmem>>, vector<1x16xf32>,
          %get3A_607 = vector.shape_cast %get3A_606 : vector<1x16xf32> to vector<16xf32>
          %select_n3A_608 = arith.select %eq3A_519, %while3A_513, %broadcast_in_dim3A_33 : vector<16xf32>
          %add3A_609 = arith.addf %get3A_607, %select_n3A_608 : vector<16xf32>
          %get3A_610 = arith.index_cast %sub3A_518 : i32 to index
          %get3A_611 = arith.constant 240 : index
          %get3A_612 = tpu.vector_load %arg6[%get3A_610, %get3A_611] {strides = array<i32>} : memref<112x256xf32, #tpu.memory_space<vmem>>, vector<1x16xf32>,
          %get3A_613 = vector.shape_cast %get3A_612 : vector<1x16xf32> to vector<16xf32>
          %select_n3A_614 = arith.select %eq3A_519, %while3A_514, %broadcast_in_dim3A_33 : vector<16xf32>
          %add3A_615 = arith.addf %get3A_613, %select_n3A_614 : vector<16xf32>
          %sub3A_616 = arith.subi %squeeze3A, %add3A_119 : i32
          %swap3A_617 = arith.index_cast %sub3A_616 : i32 to index
          %swap3A_618 = arith.constant 0 : index
          %swap3A_619 = tpu.vector_load %arg8[%swap3A_617, %swap3A_618] {strides = array<i32>} : memref<128x256xf32, #tpu.memory_space<vmem>>, vector<1x16xf32>,
          %swap3A_620 = vector.shape_cast %swap3A_619 : vector<1x16xf32> to vector<16xf32>
          %swap3A_621 = vector.shape_cast %add3A_525 : vector<16xf32> to vector<1x16xf32>
          tpu.vector_store %arg8[%swap3A_617, %swap3A_618], %swap3A_621 {strides = array<i32>} : memref<128x256xf32, #tpu.memory_space<vmem>>, vector<1x16xf32>,
          %swap3A_622 = arith.index_cast %sub3A_616 : i32 to index
          %swap3A_623 = arith.constant 16 : index
          %swap3A_624 = tpu.vector_load %arg8[%swap3A_622, %swap3A_623] {strides = array<i32>} : memref<128x256xf32, #tpu.memory_space<vmem>>, vector<1x16xf32>,
          %swap3A_625 = vector.shape_cast %swap3A_624 : vector<1x16xf32> to vector<16xf32>
          %swap3A_626 = vector.shape_cast %add3A_531 : vector<16xf32> to vector<1x16xf32>
          tpu.vector_store %arg8[%swap3A_622, %swap3A_623], %swap3A_626 {strides = array<i32>} : memref<128x256xf32, #tpu.memory_space<vmem>>, vector<1x16xf32>,
          %swap3A_627 = arith.index_cast %sub3A_616 : i32 to index
          %swap3A_628 = arith.constant 32 : index
          %swap3A_629 = tpu.vector_load %arg8[%swap3A_627, %swap3A_628] {strides = array<i32>} : memref<128x256xf32, #tpu.memory_space<vmem>>, vector<1x16xf32>,
          %swap3A_630 = vector.shape_cast %swap3A_629 : vector<1x16xf32> to vector<16xf32>
          %swap3A_631 = vector.shape_cast %add3A_537 : vector<16xf32> to vector<1x16xf32>
          tpu.vector_store %arg8[%swap3A_627, %swap3A_628], %swap3A_631 {strides = array<i32>} : memref<128x256xf32, #tpu.memory_space<vmem>>, vector<1x16xf32>,
          %swap3A_632 = arith.index_cast %sub3A_616 : i32 to index
          %swap3A_633 = arith.constant 48 : index
          %swap3A_634 = tpu.vector_load %arg8[%swap3A_632, %swap3A_633] {strides = array<i32>} : memref<128x256xf32, #tpu.memory_space<vmem>>, vector<1x16xf32>,
          %swap3A_635 = vector.shape_cast %swap3A_634 : vector<1x16xf32> to vector<16xf32>
          %swap3A_636 = vector.shape_cast %add3A_543 : vector<16xf32> to vector<1x16xf32>
          tpu.vector_store %arg8[%swap3A_632, %swap3A_633], %swap3A_636 {strides = array<i32>} : memref<128x256xf32, #tpu.memory_space<vmem>>, vector<1x16xf32>,
          %swap3A_637 = arith.index_cast %sub3A_616 : i32 to index
          %swap3A_638 = arith.constant 64 : index
          %swap3A_639 = tpu.vector_load %arg8[%swap3A_637, %swap3A_638] {strides = array<i32>} : memref<128x256xf32, #tpu.memory_space<vmem>>, vector<1x16xf32>,
          %swap3A_640 = vector.shape_cast %swap3A_639 : vector<1x16xf32> to vector<16xf32>
          %swap3A_641 = vector.shape_cast %add3A_549 : vector<16xf32> to vector<1x16xf32>
          tpu.vector_store %arg8[%swap3A_637, %swap3A_638], %swap3A_641 {strides = array<i32>} : memref<128x256xf32, #tpu.memory_space<vmem>>, vector<1x16xf32>,
          %swap3A_642 = arith.index_cast %sub3A_616 : i32 to index
          %swap3A_643 = arith.constant 80 : index
          %swap3A_644 = tpu.vector_load %arg8[%swap3A_642, %swap3A_643] {strides = array<i32>} : memref<128x256xf32, #tpu.memory_space<vmem>>, vector<1x16xf32>,
          %swap3A_645 = vector.shape_cast %swap3A_644 : vector<1x16xf32> to vector<16xf32>
          %swap3A_646 = vector.shape_cast %add3A_555 : vector<16xf32> to vector<1x16xf32>
          tpu.vector_store %arg8[%swap3A_642, %swap3A_643], %swap3A_646 {strides = array<i32>} : memref<128x256xf32, #tpu.memory_space<vmem>>, vector<1x16xf32>,
          %swap3A_647 = arith.index_cast %sub3A_616 : i32 to index
          %swap3A_648 = arith.constant 96 : index
          %swap3A_649 = tpu.vector_load %arg8[%swap3A_647, %swap3A_648] {strides = array<i32>} : memref<128x256xf32, #tpu.memory_space<vmem>>, vector<1x16xf32>,
          %swap3A_650 = vector.shape_cast %swap3A_649 : vector<1x16xf32> to vector<16xf32>
          %swap3A_651 = vector.shape_cast %add3A_561 : vector<16xf32> to vector<1x16xf32>
          tpu.vector_store %arg8[%swap3A_647, %swap3A_648], %swap3A_651 {strides = array<i32>} : memref<128x256xf32, #tpu.memory_space<vmem>>, vector<1x16xf32>,
          %swap3A_652 = arith.index_cast %sub3A_616 : i32 to index
          %swap3A_653 = arith.constant 112 : index
          %swap3A_654 = tpu.vector_load %arg8[%swap3A_652, %swap3A_653] {strides = array<i32>} : memref<128x256xf32, #tpu.memory_space<vmem>>, vector<1x16xf32>,
          %swap3A_655 = vector.shape_cast %swap3A_654 : vector<1x16xf32> to vector<16xf32>
          %swap3A_656 = vector.shape_cast %add3A_567 : vector<16xf32> to vector<1x16xf32>
          tpu.vector_store %arg8[%swap3A_652, %swap3A_653], %swap3A_656 {strides = array<i32>} : memref<128x256xf32, #tpu.memory_space<vmem>>, vector<1x16xf32>,
          %swap3A_657 = arith.index_cast %sub3A_616 : i32 to index
          %swap3A_658 = arith.constant 128 : index
          %swap3A_659 = tpu.vector_load %arg8[%swap3A_657, %swap3A_658] {strides = array<i32>} : memref<128x256xf32, #tpu.memory_space<vmem>>, vector<1x16xf32>,
          %swap3A_660 = vector.shape_cast %swap3A_659 : vector<1x16xf32> to vector<16xf32>
          %swap3A_661 = vector.shape_cast %add3A_573 : vector<16xf32> to vector<1x16xf32>
          tpu.vector_store %arg8[%swap3A_657, %swap3A_658], %swap3A_661 {strides = array<i32>} : memref<128x256xf32, #tpu.memory_space<vmem>>, vector<1x16xf32>,
          %swap3A_662 = arith.index_cast %sub3A_616 : i32 to index
          %swap3A_663 = arith.constant 144 : index
          %swap3A_664 = tpu.vector_load %arg8[%swap3A_662, %swap3A_663] {strides = array<i32>} : memref<128x256xf32, #tpu.memory_space<vmem>>, vector<1x16xf32>,
          %swap3A_665 = vector.shape_cast %swap3A_664 : vector<1x16xf32> to vector<16xf32>
          %swap3A_666 = vector.shape_cast %add3A_579 : vector<16xf32> to vector<1x16xf32>
          tpu.vector_store %arg8[%swap3A_662, %swap3A_663], %swap3A_666 {strides = array<i32>} : memref<128x256xf32, #tpu.memory_space<vmem>>, vector<1x16xf32>,
          %swap3A_667 = arith.index_cast %sub3A_616 : i32 to index
          %swap3A_668 = arith.constant 160 : index
          %swap3A_669 = tpu.vector_load %arg8[%swap3A_667, %swap3A_668] {strides = array<i32>} : memref<128x256xf32, #tpu.memory_space<vmem>>, vector<1x16xf32>,
          %swap3A_670 = vector.shape_cast %swap3A_669 : vector<1x16xf32> to vector<16xf32>
          %swap3A_671 = vector.shape_cast %add3A_585 : vector<16xf32> to vector<1x16xf32>
          tpu.vector_store %arg8[%swap3A_667, %swap3A_668], %swap3A_671 {strides = array<i32>} : memref<128x256xf32, #tpu.memory_space<vmem>>, vector<1x16xf32>,
          %swap3A_672 = arith.index_cast %sub3A_616 : i32 to index
          %swap3A_673 = arith.constant 176 : index
          %swap3A_674 = tpu.vector_load %arg8[%swap3A_672, %swap3A_673] {strides = array<i32>} : memref<128x256xf32, #tpu.memory_space<vmem>>, vector<1x16xf32>,
          %swap3A_675 = vector.shape_cast %swap3A_674 : vector<1x16xf32> to vector<16xf32>
          %swap3A_676 = vector.shape_cast %add3A_591 : vector<16xf32> to vector<1x16xf32>
          tpu.vector_store %arg8[%swap3A_672, %swap3A_673], %swap3A_676 {strides = array<i32>} : memref<128x256xf32, #tpu.memory_space<vmem>>, vector<1x16xf32>,
          %swap3A_677 = arith.index_cast %sub3A_616 : i32 to index
          %swap3A_678 = arith.constant 192 : index
          %swap3A_679 = tpu.vector_load %arg8[%swap3A_677, %swap3A_678] {strides = array<i32>} : memref<128x256xf32, #tpu.memory_space<vmem>>, vector<1x16xf32>,
          %swap3A_680 = vector.shape_cast %swap3A_679 : vector<1x16xf32> to vector<16xf32>
          %swap3A_681 = vector.shape_cast %add3A_597 : vector<16xf32> to vector<1x16xf32>
          tpu.vector_store %arg8[%swap3A_677, %swap3A_678], %swap3A_681 {strides = array<i32>} : memref<128x256xf32, #tpu.memory_space<vmem>>, vector<1x16xf32>,
          %swap3A_682 = arith.index_cast %sub3A_616 : i32 to index
          %swap3A_683 = arith.constant 208 : index
          %swap3A_684 = tpu.vector_load %arg8[%swap3A_682, %swap3A_683] {strides = array<i32>} : memref<128x256xf32, #tpu.memory_space<vmem>>, vector<1x16xf32>,
          %swap3A_685 = vector.shape_cast %swap3A_684 : vector<1x16xf32> to vector<16xf32>
          %swap3A_686 = vector.shape_cast %add3A_603 : vector<16xf32> to vector<1x16xf32>
          tpu.vector_store %arg8[%swap3A_682, %swap3A_683], %swap3A_686 {strides = array<i32>} : memref<128x256xf32, #tpu.memory_space<vmem>>, vector<1x16xf32>,
          %swap3A_687 = arith.index_cast %sub3A_616 : i32 to index
          %swap3A_688 = arith.constant 224 : index
          %swap3A_689 = tpu.vector_load %arg8[%swap3A_687, %swap3A_688] {strides = array<i32>} : memref<128x256xf32, #tpu.memory_space<vmem>>, vector<1x16xf32>,
          %swap3A_690 = vector.shape_cast %swap3A_689 : vector<1x16xf32> to vector<16xf32>
          %swap3A_691 = vector.shape_cast %add3A_609 : vector<16xf32> to vector<1x16xf32>
          tpu.vector_store %arg8[%swap3A_687, %swap3A_688], %swap3A_691 {strides = array<i32>} : memref<128x256xf32, #tpu.memory_space<vmem>>, vector<1x16xf32>,
          %swap3A_692 = arith.index_cast %sub3A_616 : i32 to index
          %swap3A_693 = arith.constant 240 : index
          %swap3A_694 = tpu.vector_load %arg8[%swap3A_692, %swap3A_693] {strides = array<i32>} : memref<128x256xf32, #tpu.memory_space<vmem>>, vector<1x16xf32>,
          %swap3A_695 = vector.shape_cast %swap3A_694 : vector<1x16xf32> to vector<16xf32>
          %swap3A_696 = vector.shape_cast %add3A_615 : vector<16xf32> to vector<1x16xf32>
          tpu.vector_store %arg8[%swap3A_692, %swap3A_693], %swap3A_696 {strides = array<i32>} : memref<128x256xf32, #tpu.memory_space<vmem>>, vector<1x16xf32>,
          scf.yield %squeeze3A, %add3A_525, %add3A_531, %add3A_537, %add3A_543, %add3A_549, %add3A_555, %add3A_561, %add3A_567, %add3A_573, %add3A_579, %add3A_585, %add3A_591, %add3A_597, %add3A_603, %add3A_609, %add3A_615 : i32, vector<16xf32>, vector<16xf32>, vector<16xf32>, vector<16xf32>, vector<16xf32>, vector<16xf32>, vector<16xf32>, vector<16xf32>, vector<16xf32>, vector<16xf32>, vector<16xf32>, vector<16xf32>, vector<16xf32>, vector<16xf32>, vector<16xf32>, vector<16xf32>
        }
        %while3A_458 = arith.constant 1 : i32
        %while3A_459:17 = scf.for %while3A_497 = %while3A_455 to %while3A_451 step %while3A_458 iter_args(%while3A_498 = %while3A_457#0, %while3A_499 = %while3A_457#1, %while3A_500 = %while3A_457#2, %while3A_501 = %while3A_457#3, %while3A_502 = %while3A_457#4, %while3A_503 = %while3A_457#5, %while3A_504 = %while3A_457#6, %while3A_505 = %while3A_457#7, %while3A_506 = %while3A_457#8, %while3A_507 = %while3A_457#9, %while3A_508 = %while3A_457#10, %while3A_509 = %while3A_457#11, %while3A_510 = %while3A_457#12, %while3A_511 = %while3A_457#13, %while3A_512 = %while3A_457#14, %while3A_513 = %while3A_457#15, %while3A_514 = %while3A_457#16) -> (i32, vector<16xf32>, vector<16xf32>, vector<16xf32>, vector<16xf32>, vector<16xf32>, vector<16xf32>, vector<16xf32>, vector<16xf32>, vector<16xf32>, vector<16xf32>, vector<16xf32>, vector<16xf32>, vector<16xf32>, vector<16xf32>, vector<16xf32>, vector<16xf32>)  : i32 {
          %add3A_515 = arith.addi %max3A, %while3A_497 : i32
          %get3A = arith.index_cast %add3A_515 : i32 to index
          %get3A_516 = tpu.vector_load %arg5[%get3A] {strides = array<i32>} : memref<4112xi32, #tpu.memory_space<vmem>>, vector<16xi32>,
          %get3A_517 = vector.shape_cast %get3A_516 : vector<16xi32> to vector<16xi32>
          %slice3A = vector.extract_strided_slice %get3A_517 {offsets = [0], sizes = [1], strides = [1]} : vector<16xi32> to vector<1xi32>
          %squeeze3A = vector.extract %slice3A[0] : i32 from vector<1xi32>
          %sub3A_518 = arith.subi %add3A_515, %min3A_432 : i32
          %eq3A_519 = arith.cmpi eq, %squeeze3A, %while3A_498 : i32
          %get3A_520 = arith.index_cast %sub3A_518 : i32 to index
          %get3A_521 = arith.constant 0 : index
          %get3A_522 = tpu.vector_load %arg6[%get3A_520, %get3A_521] {strides = array<i32>} : memref<112x256xf32, #tpu.memory_space<vmem>>, vector<1x16xf32>,
          %get3A_523 = vector.shape_cast %get3A_522 : vector<1x16xf32> to vector<16xf32>
          %select_n3A_524 = arith.select %eq3A_519, %while3A_499, %broadcast_in_dim3A_33 : vector<16xf32>
          %add3A_525 = arith.addf %get3A_523, %select_n3A_524 : vector<16xf32>
          %get3A_526 = arith.index_cast %sub3A_518 : i32 to index
          %get3A_527 = arith.constant 16 : index
          %get3A_528 = tpu.vector_load %arg6[%get3A_526, %get3A_527] {strides = array<i32>} : memref<112x256xf32, #tpu.memory_space<vmem>>, vector<1x16xf32>,
          %get3A_529 = vector.shape_cast %get3A_528 : vector<1x16xf32> to vector<16xf32>
          %select_n3A_530 = arith.select %eq3A_519, %while3A_500, %broadcast_in_dim3A_33 : vector<16xf32>
          %add3A_531 = arith.addf %get3A_529, %select_n3A_530 : vector<16xf32>
          %get3A_532 = arith.index_cast %sub3A_518 : i32 to index
          %get3A_533 = arith.constant 32 : index
          %get3A_534 = tpu.vector_load %arg6[%get3A_532, %get3A_533] {strides = array<i32>} : memref<112x256xf32, #tpu.memory_space<vmem>>, vector<1x16xf32>,
          %get3A_535 = vector.shape_cast %get3A_534 : vector<1x16xf32> to vector<16xf32>
          %select_n3A_536 = arith.select %eq3A_519, %while3A_501, %broadcast_in_dim3A_33 : vector<16xf32>
          %add3A_537 = arith.addf %get3A_535, %select_n3A_536 : vector<16xf32>
          %get3A_538 = arith.index_cast %sub3A_518 : i32 to index
          %get3A_539 = arith.constant 48 : index
          %get3A_540 = tpu.vector_load %arg6[%get3A_538, %get3A_539] {strides = array<i32>} : memref<112x256xf32, #tpu.memory_space<vmem>>, vector<1x16xf32>,
          %get3A_541 = vector.shape_cast %get3A_540 : vector<1x16xf32> to vector<16xf32>
          %select_n3A_542 = arith.select %eq3A_519, %while3A_502, %broadcast_in_dim3A_33 : vector<16xf32>
          %add3A_543 = arith.addf %get3A_541, %select_n3A_542 : vector<16xf32>
          %get3A_544 = arith.index_cast %sub3A_518 : i32 to index
          %get3A_545 = arith.constant 64 : index
          %get3A_546 = tpu.vector_load %arg6[%get3A_544, %get3A_545] {strides = array<i32>} : memref<112x256xf32, #tpu.memory_space<vmem>>, vector<1x16xf32>,
          %get3A_547 = vector.shape_cast %get3A_546 : vector<1x16xf32> to vector<16xf32>
          %select_n3A_548 = arith.select %eq3A_519, %while3A_503, %broadcast_in_dim3A_33 : vector<16xf32>
          %add3A_549 = arith.addf %get3A_547, %select_n3A_548 : vector<16xf32>
          %get3A_550 = arith.index_cast %sub3A_518 : i32 to index
          %get3A_551 = arith.constant 80 : index
          %get3A_552 = tpu.vector_load %arg6[%get3A_550, %get3A_551] {strides = array<i32>} : memref<112x256xf32, #tpu.memory_space<vmem>>, vector<1x16xf32>,
          %get3A_553 = vector.shape_cast %get3A_552 : vector<1x16xf32> to vector<16xf32>
          %select_n3A_554 = arith.select %eq3A_519, %while3A_504, %broadcast_in_dim3A_33 : vector<16xf32>
          %add3A_555 = arith.addf %get3A_553, %select_n3A_554 : vector<16xf32>
          %get3A_556 = arith.index_cast %sub3A_518 : i32 to index
          %get3A_557 = arith.constant 96 : index
          %get3A_558 = tpu.vector_load %arg6[%get3A_556, %get3A_557] {strides = array<i32>} : memref<112x256xf32, #tpu.memory_space<vmem>>, vector<1x16xf32>,
          %get3A_559 = vector.shape_cast %get3A_558 : vector<1x16xf32> to vector<16xf32>
          %select_n3A_560 = arith.select %eq3A_519, %while3A_505, %broadcast_in_dim3A_33 : vector<16xf32>
          %add3A_561 = arith.addf %get3A_559, %select_n3A_560 : vector<16xf32>
          %get3A_562 = arith.index_cast %sub3A_518 : i32 to index
          %get3A_563 = arith.constant 112 : index
          %get3A_564 = tpu.vector_load %arg6[%get3A_562, %get3A_563] {strides = array<i32>} : memref<112x256xf32, #tpu.memory_space<vmem>>, vector<1x16xf32>,
          %get3A_565 = vector.shape_cast %get3A_564 : vector<1x16xf32> to vector<16xf32>
          %select_n3A_566 = arith.select %eq3A_519, %while3A_506, %broadcast_in_dim3A_33 : vector<16xf32>
          %add3A_567 = arith.addf %get3A_565, %select_n3A_566 : vector<16xf32>
          %get3A_568 = arith.index_cast %sub3A_518 : i32 to index
          %get3A_569 = arith.constant 128 : index
          %get3A_570 = tpu.vector_load %arg6[%get3A_568, %get3A_569] {strides = array<i32>} : memref<112x256xf32, #tpu.memory_space<vmem>>, vector<1x16xf32>,
          %get3A_571 = vector.shape_cast %get3A_570 : vector<1x16xf32> to vector<16xf32>
          %select_n3A_572 = arith.select %eq3A_519, %while3A_507, %broadcast_in_dim3A_33 : vector<16xf32>
          %add3A_573 = arith.addf %get3A_571, %select_n3A_572 : vector<16xf32>
          %get3A_574 = arith.index_cast %sub3A_518 : i32 to index
          %get3A_575 = arith.constant 144 : index
          %get3A_576 = tpu.vector_load %arg6[%get3A_574, %get3A_575] {strides = array<i32>} : memref<112x256xf32, #tpu.memory_space<vmem>>, vector<1x16xf32>,
          %get3A_577 = vector.shape_cast %get3A_576 : vector<1x16xf32> to vector<16xf32>
          %select_n3A_578 = arith.select %eq3A_519, %while3A_508, %broadcast_in_dim3A_33 : vector<16xf32>
          %add3A_579 = arith.addf %get3A_577, %select_n3A_578 : vector<16xf32>
          %get3A_580 = arith.index_cast %sub3A_518 : i32 to index
          %get3A_581 = arith.constant 160 : index
          %get3A_582 = tpu.vector_load %arg6[%get3A_580, %get3A_581] {strides = array<i32>} : memref<112x256xf32, #tpu.memory_space<vmem>>, vector<1x16xf32>,
          %get3A_583 = vector.shape_cast %get3A_582 : vector<1x16xf32> to vector<16xf32>
          %select_n3A_584 = arith.select %eq3A_519, %while3A_509, %broadcast_in_dim3A_33 : vector<16xf32>
          %add3A_585 = arith.addf %get3A_583, %select_n3A_584 : vector<16xf32>
          %get3A_586 = arith.index_cast %sub3A_518 : i32 to index
          %get3A_587 = arith.constant 176 : index
          %get3A_588 = tpu.vector_load %arg6[%get3A_586, %get3A_587] {strides = array<i32>} : memref<112x256xf32, #tpu.memory_space<vmem>>, vector<1x16xf32>,
          %get3A_589 = vector.shape_cast %get3A_588 : vector<1x16xf32> to vector<16xf32>
          %select_n3A_590 = arith.select %eq3A_519, %while3A_510, %broadcast_in_dim3A_33 : vector<16xf32>
          %add3A_591 = arith.addf %get3A_589, %select_n3A_590 : vector<16xf32>
          %get3A_592 = arith.index_cast %sub3A_518 : i32 to index
          %get3A_593 = arith.constant 192 : index
          %get3A_594 = tpu.vector_load %arg6[%get3A_592, %get3A_593] {strides = array<i32>} : memref<112x256xf32, #tpu.memory_space<vmem>>, vector<1x16xf32>,
          %get3A_595 = vector.shape_cast %get3A_594 : vector<1x16xf32> to vector<16xf32>
          %select_n3A_596 = arith.select %eq3A_519, %while3A_511, %broadcast_in_dim3A_33 : vector<16xf32>
          %add3A_597 = arith.addf %get3A_595, %select_n3A_596 : vector<16xf32>
          %get3A_598 = arith.index_cast %sub3A_518 : i32 to index
          %get3A_599 = arith.constant 208 : index
          %get3A_600 = tpu.vector_load %arg6[%get3A_598, %get3A_599] {strides = array<i32>} : memref<112x256xf32, #tpu.memory_space<vmem>>, vector<1x16xf32>,
          %get3A_601 = vector.shape_cast %get3A_600 : vector<1x16xf32> to vector<16xf32>
          %select_n3A_602 = arith.select %eq3A_519, %while3A_512, %broadcast_in_dim3A_33 : vector<16xf32>
          %add3A_603 = arith.addf %get3A_601, %select_n3A_602 : vector<16xf32>
          %get3A_604 = arith.index_cast %sub3A_518 : i32 to index
          %get3A_605 = arith.constant 224 : index
          %get3A_606 = tpu.vector_load %arg6[%get3A_604, %get3A_605] {strides = array<i32>} : memref<112x256xf32, #tpu.memory_space<vmem>>, vector<1x16xf32>,
          %get3A_607 = vector.shape_cast %get3A_606 : vector<1x16xf32> to vector<16xf32>
          %select_n3A_608 = arith.select %eq3A_519, %while3A_513, %broadcast_in_dim3A_33 : vector<16xf32>
          %add3A_609 = arith.addf %get3A_607, %select_n3A_608 : vector<16xf32>
          %get3A_610 = arith.index_cast %sub3A_518 : i32 to index
          %get3A_611 = arith.constant 240 : index
          %get3A_612 = tpu.vector_load %arg6[%get3A_610, %get3A_611] {strides = array<i32>} : memref<112x256xf32, #tpu.memory_space<vmem>>, vector<1x16xf32>,
          %get3A_613 = vector.shape_cast %get3A_612 : vector<1x16xf32> to vector<16xf32>
          %select_n3A_614 = arith.select %eq3A_519, %while3A_514, %broadcast_in_dim3A_33 : vector<16xf32>
          %add3A_615 = arith.addf %get3A_613, %select_n3A_614 : vector<16xf32>
          %sub3A_616 = arith.subi %squeeze3A, %add3A_119 : i32
          %swap3A_617 = arith.index_cast %sub3A_616 : i32 to index
          %swap3A_618 = arith.constant 0 : index
          %swap3A_619 = tpu.vector_load %arg8[%swap3A_617, %swap3A_618] {strides = array<i32>} : memref<128x256xf32, #tpu.memory_space<vmem>>, vector<1x16xf32>,
          %swap3A_620 = vector.shape_cast %swap3A_619 : vector<1x16xf32> to vector<16xf32>
          %swap3A_621 = vector.shape_cast %add3A_525 : vector<16xf32> to vector<1x16xf32>
          tpu.vector_store %arg8[%swap3A_617, %swap3A_618], %swap3A_621 {strides = array<i32>} : memref<128x256xf32, #tpu.memory_space<vmem>>, vector<1x16xf32>,
          %swap3A_622 = arith.index_cast %sub3A_616 : i32 to index
          %swap3A_623 = arith.constant 16 : index
          %swap3A_624 = tpu.vector_load %arg8[%swap3A_622, %swap3A_623] {strides = array<i32>} : memref<128x256xf32, #tpu.memory_space<vmem>>, vector<1x16xf32>,
          %swap3A_625 = vector.shape_cast %swap3A_624 : vector<1x16xf32> to vector<16xf32>
          %swap3A_626 = vector.shape_cast %add3A_531 : vector<16xf32> to vector<1x16xf32>
          tpu.vector_store %arg8[%swap3A_622, %swap3A_623], %swap3A_626 {strides = array<i32>} : memref<128x256xf32, #tpu.memory_space<vmem>>, vector<1x16xf32>,
          %swap3A_627 = arith.index_cast %sub3A_616 : i32 to index
          %swap3A_628 = arith.constant 32 : index
          %swap3A_629 = tpu.vector_load %arg8[%swap3A_627, %swap3A_628] {strides = array<i32>} : memref<128x256xf32, #tpu.memory_space<vmem>>, vector<1x16xf32>,
          %swap3A_630 = vector.shape_cast %swap3A_629 : vector<1x16xf32> to vector<16xf32>
          %swap3A_631 = vector.shape_cast %add3A_537 : vector<16xf32> to vector<1x16xf32>
          tpu.vector_store %arg8[%swap3A_627, %swap3A_628], %swap3A_631 {strides = array<i32>} : memref<128x256xf32, #tpu.memory_space<vmem>>, vector<1x16xf32>,
          %swap3A_632 = arith.index_cast %sub3A_616 : i32 to index
          %swap3A_633 = arith.constant 48 : index
          %swap3A_634 = tpu.vector_load %arg8[%swap3A_632, %swap3A_633] {strides = array<i32>} : memref<128x256xf32, #tpu.memory_space<vmem>>, vector<1x16xf32>,
          %swap3A_635 = vector.shape_cast %swap3A_634 : vector<1x16xf32> to vector<16xf32>
          %swap3A_636 = vector.shape_cast %add3A_543 : vector<16xf32> to vector<1x16xf32>
          tpu.vector_store %arg8[%swap3A_632, %swap3A_633], %swap3A_636 {strides = array<i32>} : memref<128x256xf32, #tpu.memory_space<vmem>>, vector<1x16xf32>,
          %swap3A_637 = arith.index_cast %sub3A_616 : i32 to index
          %swap3A_638 = arith.constant 64 : index
          %swap3A_639 = tpu.vector_load %arg8[%swap3A_637, %swap3A_638] {strides = array<i32>} : memref<128x256xf32, #tpu.memory_space<vmem>>, vector<1x16xf32>,
          %swap3A_640 = vector.shape_cast %swap3A_639 : vector<1x16xf32> to vector<16xf32>
          %swap3A_641 = vector.shape_cast %add3A_549 : vector<16xf32> to vector<1x16xf32>
          tpu.vector_store %arg8[%swap3A_637, %swap3A_638], %swap3A_641 {strides = array<i32>} : memref<128x256xf32, #tpu.memory_space<vmem>>, vector<1x16xf32>,
          %swap3A_642 = arith.index_cast %sub3A_616 : i32 to index
          %swap3A_643 = arith.constant 80 : index
          %swap3A_644 = tpu.vector_load %arg8[%swap3A_642, %swap3A_643] {strides = array<i32>} : memref<128x256xf32, #tpu.memory_space<vmem>>, vector<1x16xf32>,
          %swap3A_645 = vector.shape_cast %swap3A_644 : vector<1x16xf32> to vector<16xf32>
          %swap3A_646 = vector.shape_cast %add3A_555 : vector<16xf32> to vector<1x16xf32>
          tpu.vector_store %arg8[%swap3A_642, %swap3A_643], %swap3A_646 {strides = array<i32>} : memref<128x256xf32, #tpu.memory_space<vmem>>, vector<1x16xf32>,
          %swap3A_647 = arith.index_cast %sub3A_616 : i32 to index
          %swap3A_648 = arith.constant 96 : index
          %swap3A_649 = tpu.vector_load %arg8[%swap3A_647, %swap3A_648] {strides = array<i32>} : memref<128x256xf32, #tpu.memory_space<vmem>>, vector<1x16xf32>,
          %swap3A_650 = vector.shape_cast %swap3A_649 : vector<1x16xf32> to vector<16xf32>
          %swap3A_651 = vector.shape_cast %add3A_561 : vector<16xf32> to vector<1x16xf32>
          tpu.vector_store %arg8[%swap3A_647, %swap3A_648], %swap3A_651 {strides = array<i32>} : memref<128x256xf32, #tpu.memory_space<vmem>>, vector<1x16xf32>,
          %swap3A_652 = arith.index_cast %sub3A_616 : i32 to index
          %swap3A_653 = arith.constant 112 : index
          %swap3A_654 = tpu.vector_load %arg8[%swap3A_652, %swap3A_653] {strides = array<i32>} : memref<128x256xf32, #tpu.memory_space<vmem>>, vector<1x16xf32>,
          %swap3A_655 = vector.shape_cast %swap3A_654 : vector<1x16xf32> to vector<16xf32>
          %swap3A_656 = vector.shape_cast %add3A_567 : vector<16xf32> to vector<1x16xf32>
          tpu.vector_store %arg8[%swap3A_652, %swap3A_653], %swap3A_656 {strides = array<i32>} : memref<128x256xf32, #tpu.memory_space<vmem>>, vector<1x16xf32>,
          %swap3A_657 = arith.index_cast %sub3A_616 : i32 to index
          %swap3A_658 = arith.constant 128 : index
          %swap3A_659 = tpu.vector_load %arg8[%swap3A_657, %swap3A_658] {strides = array<i32>} : memref<128x256xf32, #tpu.memory_space<vmem>>, vector<1x16xf32>,
          %swap3A_660 = vector.shape_cast %swap3A_659 : vector<1x16xf32> to vector<16xf32>
          %swap3A_661 = vector.shape_cast %add3A_573 : vector<16xf32> to vector<1x16xf32>
          tpu.vector_store %arg8[%swap3A_657, %swap3A_658], %swap3A_661 {strides = array<i32>} : memref<128x256xf32, #tpu.memory_space<vmem>>, vector<1x16xf32>,
          %swap3A_662 = arith.index_cast %sub3A_616 : i32 to index
          %swap3A_663 = arith.constant 144 : index
          %swap3A_664 = tpu.vector_load %arg8[%swap3A_662, %swap3A_663] {strides = array<i32>} : memref<128x256xf32, #tpu.memory_space<vmem>>, vector<1x16xf32>,
          %swap3A_665 = vector.shape_cast %swap3A_664 : vector<1x16xf32> to vector<16xf32>
          %swap3A_666 = vector.shape_cast %add3A_579 : vector<16xf32> to vector<1x16xf32>
          tpu.vector_store %arg8[%swap3A_662, %swap3A_663], %swap3A_666 {strides = array<i32>} : memref<128x256xf32, #tpu.memory_space<vmem>>, vector<1x16xf32>,
          %swap3A_667 = arith.index_cast %sub3A_616 : i32 to index
          %swap3A_668 = arith.constant 160 : index
          %swap3A_669 = tpu.vector_load %arg8[%swap3A_667, %swap3A_668] {strides = array<i32>} : memref<128x256xf32, #tpu.memory_space<vmem>>, vector<1x16xf32>,
          %swap3A_670 = vector.shape_cast %swap3A_669 : vector<1x16xf32> to vector<16xf32>
          %swap3A_671 = vector.shape_cast %add3A_585 : vector<16xf32> to vector<1x16xf32>
          tpu.vector_store %arg8[%swap3A_667, %swap3A_668], %swap3A_671 {strides = array<i32>} : memref<128x256xf32, #tpu.memory_space<vmem>>, vector<1x16xf32>,
          %swap3A_672 = arith.index_cast %sub3A_616 : i32 to index
          %swap3A_673 = arith.constant 176 : index
          %swap3A_674 = tpu.vector_load %arg8[%swap3A_672, %swap3A_673] {strides = array<i32>} : memref<128x256xf32, #tpu.memory_space<vmem>>, vector<1x16xf32>,
          %swap3A_675 = vector.shape_cast %swap3A_674 : vector<1x16xf32> to vector<16xf32>
          %swap3A_676 = vector.shape_cast %add3A_591 : vector<16xf32> to vector<1x16xf32>
          tpu.vector_store %arg8[%swap3A_672, %swap3A_673], %swap3A_676 {strides = array<i32>} : memref<128x256xf32, #tpu.memory_space<vmem>>, vector<1x16xf32>,
          %swap3A_677 = arith.index_cast %sub3A_616 : i32 to index
          %swap3A_678 = arith.constant 192 : index
          %swap3A_679 = tpu.vector_load %arg8[%swap3A_677, %swap3A_678] {strides = array<i32>} : memref<128x256xf32, #tpu.memory_space<vmem>>, vector<1x16xf32>,
          %swap3A_680 = vector.shape_cast %swap3A_679 : vector<1x16xf32> to vector<16xf32>
          %swap3A_681 = vector.shape_cast %add3A_597 : vector<16xf32> to vector<1x16xf32>
          tpu.vector_store %arg8[%swap3A_677, %swap3A_678], %swap3A_681 {strides = array<i32>} : memref<128x256xf32, #tpu.memory_space<vmem>>, vector<1x16xf32>,
          %swap3A_682 = arith.index_cast %sub3A_616 : i32 to index
          %swap3A_683 = arith.constant 208 : index
          %swap3A_684 = tpu.vector_load %arg8[%swap3A_682, %swap3A_683] {strides = array<i32>} : memref<128x256xf32, #tpu.memory_space<vmem>>, vector<1x16xf32>,
          %swap3A_685 = vector.shape_cast %swap3A_684 : vector<1x16xf32> to vector<16xf32>
          %swap3A_686 = vector.shape_cast %add3A_603 : vector<16xf32> to vector<1x16xf32>
          tpu.vector_store %arg8[%swap3A_682, %swap3A_683], %swap3A_686 {strides = array<i32>} : memref<128x256xf32, #tpu.memory_space<vmem>>, vector<1x16xf32>,
          %swap3A_687 = arith.index_cast %sub3A_616 : i32 to index
          %swap3A_688 = arith.constant 224 : index
          %swap3A_689 = tpu.vector_load %arg8[%swap3A_687, %swap3A_688] {strides = array<i32>} : memref<128x256xf32, #tpu.memory_space<vmem>>, vector<1x16xf32>,
          %swap3A_690 = vector.shape_cast %swap3A_689 : vector<1x16xf32> to vector<16xf32>
          %swap3A_691 = vector.shape_cast %add3A_609 : vector<16xf32> to vector<1x16xf32>
          tpu.vector_store %arg8[%swap3A_687, %swap3A_688], %swap3A_691 {strides = array<i32>} : memref<128x256xf32, #tpu.memory_space<vmem>>, vector<1x16xf32>,
          %swap3A_692 = arith.index_cast %sub3A_616 : i32 to index
          %swap3A_693 = arith.constant 240 : index
          %swap3A_694 = tpu.vector_load %arg8[%swap3A_692, %swap3A_693] {strides = array<i32>} : memref<128x256xf32, #tpu.memory_space<vmem>>, vector<1x16xf32>,
          %swap3A_695 = vector.shape_cast %swap3A_694 : vector<1x16xf32> to vector<16xf32>
          %swap3A_696 = vector.shape_cast %add3A_615 : vector<16xf32> to vector<1x16xf32>
          tpu.vector_store %arg8[%swap3A_692, %swap3A_693], %swap3A_696 {strides = array<i32>} : memref<128x256xf32, #tpu.memory_space<vmem>>, vector<1x16xf32>,
          scf.yield %squeeze3A, %add3A_525, %add3A_531, %add3A_537, %add3A_543, %add3A_549, %add3A_555, %add3A_561, %add3A_567, %add3A_573, %add3A_579, %add3A_585, %add3A_591, %add3A_597, %add3A_603, %add3A_609, %add3A_615 : i32, vector<16xf32>, vector<16xf32>, vector<16xf32>, vector<16xf32>, vector<16xf32>, vector<16xf32>, vector<16xf32>, vector<16xf32>, vector<16xf32>, vector<16xf32>, vector<16xf32>, vector<16xf32>, vector<16xf32>, vector<16xf32>, vector<16xf32>, vector<16xf32>
        }
        %mul3A_460 = arith.constant 2 : i32
        %mul3A_461 = arith.muli %mul3A_460, %while3A_406 : i32
        %add3A_462 = arith.constant 1 : i32
        %add3A_463 = arith.addi %mul3A_461, %add3A_462 : i32
        %mul3A_464 = arith.constant 112 : i32
        %mul3A_465 = arith.muli %add3A_463, %mul3A_464 : i32
        %add3A_466 = arith.addi %and3A_62, %mul3A_465 : i32
        %min3A_467 = arith.constant 3984 : i32
        %min3A_468 = arith.minsi %add3A_466, %min3A_467 : i32
        %max3A_469 = arith.maxsi %scan3A_111, %add3A_466 : i32
        %add3A_470 = arith.constant 112 : i32
        %add3A_471 = arith.addi %add3A_466, %add3A_470 : i32
        %min3A_472 = arith.minsi %scan3A_128#0, %add3A_471 : i32
        %sub3A_473 = arith.subi %min3A_472, %max3A_469 : i32
        %jit3A_474 = arith.constant 0 : i32
        %jit3A_475 = arith.constant 112 : i32
        %max3A_476 = arith.maxsi %jit3A_474, %sub3A_473 : i32
        %min3A_477 = arith.minsi %jit3A_475, %max3A_476 : i32
        %gt3A_478 = arith.cmpi sgt, %add3A_463, %select_n3A_448 : i32
        %gt3A_479 = arith.constant 0 : i32
        %gt3A_480 = arith.cmpi sgt, %min3A_477, %gt3A_479 : i32
        %and3A_481 = arith.andi %gt3A_478, %gt3A_480 : i1
        %convert_element_type3A_482 = arith.extui %and3A_481 : i1 to i32
        %cond3A_483 = arith.constant 0 : i32
        %cond3A_484 = arith.cmpi ne, %convert_element_type3A_482, %cond3A_483 : i32
        scf.if %cond3A_484 {
          %mul3A_497 = arith.constant 112 : i32
          %mul3A_498 = arith.muli %add3A_463, %mul3A_497 : i32
          %add3A_499 = arith.addi %and3A_62, %mul3A_498 : i32
          %min3A_500 = arith.constant 3984 : i32
          %min3A_501 = arith.minsi %add3A_499, %min3A_500 : i32
          %multiple_of3A_502 = tpu.assume_multiple %min3A_501, 8 : i32
          %dma_wait3A_503 = arith.constant 0 : i32
          %dma_wait3A_504 = tpu.memref_slice %arg2[%select_n3A, %multiple_of3A_502, %dma_wait3A_503] : memref<16x4096x256xf32, #tpu.memory_space<hbm>> -> memref<1x112x256xf32, #tpu.memory_space<hbm>>
          %dma_wait3A_505 = tpu.memref_squeeze %dma_wait3A_504 : memref<1x112x256xf32, #tpu.memory_space<hbm>> -> memref<112x256xf32, #tpu.memory_space<hbm>>
          %dma_wait3A_506 = arith.constant 0 : i32
          %dma_wait3A_507 = tpu.memref_slice %arg2[%select_n3A, %multiple_of3A_502, %dma_wait3A_506] : memref<16x4096x256xf32, #tpu.memory_space<hbm>> -> memref<1x112x256xf32, #tpu.memory_space<hbm>>
          %dma_wait3A_508 = tpu.memref_squeeze %dma_wait3A_507 : memref<1x112x256xf32, #tpu.memory_space<hbm>> -> memref<112x256xf32, #tpu.memory_space<hbm>>
          tpu.wait_dma2 semaphore(%arg12 : memref<!tpu.dma_semaphore, #tpu.memory_space<semaphore_mem>>) src(%dma_wait3A_508 : memref<112x256xf32, #tpu.memory_space<hbm>>) dst(%arg7 : memref<112x256xf32, #tpu.memory_space<vmem>>)
          %add3A_509 = arith.constant 1 : i32
          %add3A_510 = arith.addi %add3A_463, %add3A_509 : i32
          %lt3A_511 = arith.cmpi slt, %add3A_510, %select_n3A_91 : i32
          %convert_element_type3A_512 = arith.extui %lt3A_511 : i1 to i32
          %cond3A_513 = arith.constant 0 : i32
          %cond3A_514 = arith.cmpi ne, %convert_element_type3A_512, %cond3A_513 : i32
          scf.if %cond3A_514 {
            %add3A_515 = arith.constant 1 : i32
            %add3A_516 = arith.addi %add3A_463, %add3A_515 : i32
            %mul3A_517 = arith.constant 112 : i32
            %mul3A_518 = arith.muli %add3A_516, %mul3A_517 : i32
            %add3A_519 = arith.addi %and3A_62, %mul3A_518 : i32
            %min3A_520 = arith.constant 3984 : i32
            %min3A_521 = arith.minsi %add3A_519, %min3A_520 : i32
            %multiple_of3A_522 = tpu.assume_multiple %min3A_521, 8 : i32
            %dma_start3A_523 = arith.constant 0 : i32
            %dma_start3A_524 = tpu.memref_slice %arg2[%select_n3A, %multiple_of3A_522, %dma_start3A_523] : memref<16x4096x256xf32, #tpu.memory_space<hbm>> -> memref<1x112x256xf32, #tpu.memory_space<hbm>>
            %dma_start3A_525 = tpu.memref_squeeze %dma_start3A_524 : memref<1x112x256xf32, #tpu.memory_space<hbm>> -> memref<112x256xf32, #tpu.memory_space<hbm>>
            %dma_start3A_526 = arith.constant 0 : i32
            %dma_start3A_527 = tpu.memref_slice %arg2[%select_n3A, %multiple_of3A_522, %dma_start3A_526] : memref<16x4096x256xf32, #tpu.memory_space<hbm>> -> memref<1x112x256xf32, #tpu.memory_space<hbm>>
            %dma_start3A_528 = tpu.memref_squeeze %dma_start3A_527 : memref<1x112x256xf32, #tpu.memory_space<hbm>> -> memref<112x256xf32, #tpu.memory_space<hbm>>
            tpu.enqueue_dma source(%dma_start3A_528 : memref<112x256xf32, #tpu.memory_space<hbm>>) target(%arg6 : memref<112x256xf32, #tpu.memory_space<vmem>>) target_semaphore(%arg11 : memref<!tpu.dma_semaphore, #tpu.memory_space<semaphore_mem>>)
          } else {
          }
        } else {
        }
        %select_n3A_485 = arith.select %and3A_481, %add3A_463, %select_n3A_448 : i32
        %while3A_486 = arith.constant 0 : i32
        %while3A_487 = arith.subi %min3A_477, %while3A_486 : i32
        %while3A_488 = arith.addi %while3A_486, %while3A_487 : i32
        %while3A_489 = arith.constant 1 : i32
        %while3A_490 = arith.divsi %while3A_487, %while3A_489 : i32
        %while3A_491 = arith.muli %while3A_490, %while3A_489 : i32
        %while3A_492 = arith.addi %while3A_486, %while3A_491 : i32
        %while3A_493 = arith.constant 1 : i32
        %while3A_494:17 = scf.for %while3A_497 = %while3A_486 to %while3A_492 step %while3A_493 iter_args(%while3A_498 = %while3A_459#0, %while3A_499 = %while3A_459#1, %while3A_500 = %while3A_459#2, %while3A_501 = %while3A_459#3, %while3A_502 = %while3A_459#4, %while3A_503 = %while3A_459#5, %while3A_504 = %while3A_459#6, %while3A_505 = %while3A_459#7, %while3A_506 = %while3A_459#8, %while3A_507 = %while3A_459#9, %while3A_508 = %while3A_459#10, %while3A_509 = %while3A_459#11, %while3A_510 = %while3A_459#12, %while3A_511 = %while3A_459#13, %while3A_512 = %while3A_459#14, %while3A_513 = %while3A_459#15, %while3A_514 = %while3A_459#16) -> (i32, vector<16xf32>, vector<16xf32>, vector<16xf32>, vector<16xf32>, vector<16xf32>, vector<16xf32>, vector<16xf32>, vector<16xf32>, vector<16xf32>, vector<16xf32>, vector<16xf32>, vector<16xf32>, vector<16xf32>, vector<16xf32>, vector<16xf32>, vector<16xf32>)  : i32 {
          %add3A_515 = arith.addi %max3A_469, %while3A_497 : i32
          %get3A = arith.index_cast %add3A_515 : i32 to index
          %get3A_516 = tpu.vector_load %arg5[%get3A] {strides = array<i32>} : memref<4112xi32, #tpu.memory_space<vmem>>, vector<16xi32>,
          %get3A_517 = vector.shape_cast %get3A_516 : vector<16xi32> to vector<16xi32>
          %slice3A = vector.extract_strided_slice %get3A_517 {offsets = [0], sizes = [1], strides = [1]} : vector<16xi32> to vector<1xi32>
          %squeeze3A = vector.extract %slice3A[0] : i32 from vector<1xi32>
          %sub3A_518 = arith.subi %add3A_515, %min3A_468 : i32
          %eq3A_519 = arith.cmpi eq, %squeeze3A, %while3A_498 : i32
          %get3A_520 = arith.index_cast %sub3A_518 : i32 to index
          %get3A_521 = arith.constant 0 : index
          %get3A_522 = tpu.vector_load %arg7[%get3A_520, %get3A_521] {strides = array<i32>} : memref<112x256xf32, #tpu.memory_space<vmem>>, vector<1x16xf32>,
          %get3A_523 = vector.shape_cast %get3A_522 : vector<1x16xf32> to vector<16xf32>
          %select_n3A_524 = arith.select %eq3A_519, %while3A_499, %broadcast_in_dim3A_33 : vector<16xf32>
          %add3A_525 = arith.addf %get3A_523, %select_n3A_524 : vector<16xf32>
          %get3A_526 = arith.index_cast %sub3A_518 : i32 to index
          %get3A_527 = arith.constant 16 : index
          %get3A_528 = tpu.vector_load %arg7[%get3A_526, %get3A_527] {strides = array<i32>} : memref<112x256xf32, #tpu.memory_space<vmem>>, vector<1x16xf32>,
          %get3A_529 = vector.shape_cast %get3A_528 : vector<1x16xf32> to vector<16xf32>
          %select_n3A_530 = arith.select %eq3A_519, %while3A_500, %broadcast_in_dim3A_33 : vector<16xf32>
          %add3A_531 = arith.addf %get3A_529, %select_n3A_530 : vector<16xf32>
          %get3A_532 = arith.index_cast %sub3A_518 : i32 to index
          %get3A_533 = arith.constant 32 : index
          %get3A_534 = tpu.vector_load %arg7[%get3A_532, %get3A_533] {strides = array<i32>} : memref<112x256xf32, #tpu.memory_space<vmem>>, vector<1x16xf32>,
          %get3A_535 = vector.shape_cast %get3A_534 : vector<1x16xf32> to vector<16xf32>
          %select_n3A_536 = arith.select %eq3A_519, %while3A_501, %broadcast_in_dim3A_33 : vector<16xf32>
          %add3A_537 = arith.addf %get3A_535, %select_n3A_536 : vector<16xf32>
          %get3A_538 = arith.index_cast %sub3A_518 : i32 to index
          %get3A_539 = arith.constant 48 : index
          %get3A_540 = tpu.vector_load %arg7[%get3A_538, %get3A_539] {strides = array<i32>} : memref<112x256xf32, #tpu.memory_space<vmem>>, vector<1x16xf32>,
          %get3A_541 = vector.shape_cast %get3A_540 : vector<1x16xf32> to vector<16xf32>
          %select_n3A_542 = arith.select %eq3A_519, %while3A_502, %broadcast_in_dim3A_33 : vector<16xf32>
          %add3A_543 = arith.addf %get3A_541, %select_n3A_542 : vector<16xf32>
          %get3A_544 = arith.index_cast %sub3A_518 : i32 to index
          %get3A_545 = arith.constant 64 : index
          %get3A_546 = tpu.vector_load %arg7[%get3A_544, %get3A_545] {strides = array<i32>} : memref<112x256xf32, #tpu.memory_space<vmem>>, vector<1x16xf32>,
          %get3A_547 = vector.shape_cast %get3A_546 : vector<1x16xf32> to vector<16xf32>
          %select_n3A_548 = arith.select %eq3A_519, %while3A_503, %broadcast_in_dim3A_33 : vector<16xf32>
          %add3A_549 = arith.addf %get3A_547, %select_n3A_548 : vector<16xf32>
          %get3A_550 = arith.index_cast %sub3A_518 : i32 to index
          %get3A_551 = arith.constant 80 : index
          %get3A_552 = tpu.vector_load %arg7[%get3A_550, %get3A_551] {strides = array<i32>} : memref<112x256xf32, #tpu.memory_space<vmem>>, vector<1x16xf32>,
          %get3A_553 = vector.shape_cast %get3A_552 : vector<1x16xf32> to vector<16xf32>
          %select_n3A_554 = arith.select %eq3A_519, %while3A_504, %broadcast_in_dim3A_33 : vector<16xf32>
          %add3A_555 = arith.addf %get3A_553, %select_n3A_554 : vector<16xf32>
          %get3A_556 = arith.index_cast %sub3A_518 : i32 to index
          %get3A_557 = arith.constant 96 : index
          %get3A_558 = tpu.vector_load %arg7[%get3A_556, %get3A_557] {strides = array<i32>} : memref<112x256xf32, #tpu.memory_space<vmem>>, vector<1x16xf32>,
          %get3A_559 = vector.shape_cast %get3A_558 : vector<1x16xf32> to vector<16xf32>
          %select_n3A_560 = arith.select %eq3A_519, %while3A_505, %broadcast_in_dim3A_33 : vector<16xf32>
          %add3A_561 = arith.addf %get3A_559, %select_n3A_560 : vector<16xf32>
          %get3A_562 = arith.index_cast %sub3A_518 : i32 to index
          %get3A_563 = arith.constant 112 : index
          %get3A_564 = tpu.vector_load %arg7[%get3A_562, %get3A_563] {strides = array<i32>} : memref<112x256xf32, #tpu.memory_space<vmem>>, vector<1x16xf32>,
          %get3A_565 = vector.shape_cast %get3A_564 : vector<1x16xf32> to vector<16xf32>
          %select_n3A_566 = arith.select %eq3A_519, %while3A_506, %broadcast_in_dim3A_33 : vector<16xf32>
          %add3A_567 = arith.addf %get3A_565, %select_n3A_566 : vector<16xf32>
          %get3A_568 = arith.index_cast %sub3A_518 : i32 to index
          %get3A_569 = arith.constant 128 : index
          %get3A_570 = tpu.vector_load %arg7[%get3A_568, %get3A_569] {strides = array<i32>} : memref<112x256xf32, #tpu.memory_space<vmem>>, vector<1x16xf32>,
          %get3A_571 = vector.shape_cast %get3A_570 : vector<1x16xf32> to vector<16xf32>
          %select_n3A_572 = arith.select %eq3A_519, %while3A_507, %broadcast_in_dim3A_33 : vector<16xf32>
          %add3A_573 = arith.addf %get3A_571, %select_n3A_572 : vector<16xf32>
          %get3A_574 = arith.index_cast %sub3A_518 : i32 to index
          %get3A_575 = arith.constant 144 : index
          %get3A_576 = tpu.vector_load %arg7[%get3A_574, %get3A_575] {strides = array<i32>} : memref<112x256xf32, #tpu.memory_space<vmem>>, vector<1x16xf32>,
          %get3A_577 = vector.shape_cast %get3A_576 : vector<1x16xf32> to vector<16xf32>
          %select_n3A_578 = arith.select %eq3A_519, %while3A_508, %broadcast_in_dim3A_33 : vector<16xf32>
          %add3A_579 = arith.addf %get3A_577, %select_n3A_578 : vector<16xf32>
          %get3A_580 = arith.index_cast %sub3A_518 : i32 to index
          %get3A_581 = arith.constant 160 : index
          %get3A_582 = tpu.vector_load %arg7[%get3A_580, %get3A_581] {strides = array<i32>} : memref<112x256xf32, #tpu.memory_space<vmem>>, vector<1x16xf32>,
          %get3A_583 = vector.shape_cast %get3A_582 : vector<1x16xf32> to vector<16xf32>
          %select_n3A_584 = arith.select %eq3A_519, %while3A_509, %broadcast_in_dim3A_33 : vector<16xf32>
          %add3A_585 = arith.addf %get3A_583, %select_n3A_584 : vector<16xf32>
          %get3A_586 = arith.index_cast %sub3A_518 : i32 to index
          %get3A_587 = arith.constant 176 : index
          %get3A_588 = tpu.vector_load %arg7[%get3A_586, %get3A_587] {strides = array<i32>} : memref<112x256xf32, #tpu.memory_space<vmem>>, vector<1x16xf32>,
          %get3A_589 = vector.shape_cast %get3A_588 : vector<1x16xf32> to vector<16xf32>
          %select_n3A_590 = arith.select %eq3A_519, %while3A_510, %broadcast_in_dim3A_33 : vector<16xf32>
          %add3A_591 = arith.addf %get3A_589, %select_n3A_590 : vector<16xf32>
          %get3A_592 = arith.index_cast %sub3A_518 : i32 to index
          %get3A_593 = arith.constant 192 : index
          %get3A_594 = tpu.vector_load %arg7[%get3A_592, %get3A_593] {strides = array<i32>} : memref<112x256xf32, #tpu.memory_space<vmem>>, vector<1x16xf32>,
          %get3A_595 = vector.shape_cast %get3A_594 : vector<1x16xf32> to vector<16xf32>
          %select_n3A_596 = arith.select %eq3A_519, %while3A_511, %broadcast_in_dim3A_33 : vector<16xf32>
          %add3A_597 = arith.addf %get3A_595, %select_n3A_596 : vector<16xf32>
          %get3A_598 = arith.index_cast %sub3A_518 : i32 to index
          %get3A_599 = arith.constant 208 : index
          %get3A_600 = tpu.vector_load %arg7[%get3A_598, %get3A_599] {strides = array<i32>} : memref<112x256xf32, #tpu.memory_space<vmem>>, vector<1x16xf32>,
          %get3A_601 = vector.shape_cast %get3A_600 : vector<1x16xf32> to vector<16xf32>
          %select_n3A_602 = arith.select %eq3A_519, %while3A_512, %broadcast_in_dim3A_33 : vector<16xf32>
          %add3A_603 = arith.addf %get3A_601, %select_n3A_602 : vector<16xf32>
          %get3A_604 = arith.index_cast %sub3A_518 : i32 to index
          %get3A_605 = arith.constant 224 : index
          %get3A_606 = tpu.vector_load %arg7[%get3A_604, %get3A_605] {strides = array<i32>} : memref<112x256xf32, #tpu.memory_space<vmem>>, vector<1x16xf32>,
          %get3A_607 = vector.shape_cast %get3A_606 : vector<1x16xf32> to vector<16xf32>
          %select_n3A_608 = arith.select %eq3A_519, %while3A_513, %broadcast_in_dim3A_33 : vector<16xf32>
          %add3A_609 = arith.addf %get3A_607, %select_n3A_608 : vector<16xf32>
          %get3A_610 = arith.index_cast %sub3A_518 : i32 to index
          %get3A_611 = arith.constant 240 : index
          %get3A_612 = tpu.vector_load %arg7[%get3A_610, %get3A_611] {strides = array<i32>} : memref<112x256xf32, #tpu.memory_space<vmem>>, vector<1x16xf32>,
          %get3A_613 = vector.shape_cast %get3A_612 : vector<1x16xf32> to vector<16xf32>
          %select_n3A_614 = arith.select %eq3A_519, %while3A_514, %broadcast_in_dim3A_33 : vector<16xf32>
          %add3A_615 = arith.addf %get3A_613, %select_n3A_614 : vector<16xf32>
          %sub3A_616 = arith.subi %squeeze3A, %add3A_119 : i32
          %swap3A_617 = arith.index_cast %sub3A_616 : i32 to index
          %swap3A_618 = arith.constant 0 : index
          %swap3A_619 = tpu.vector_load %arg8[%swap3A_617, %swap3A_618] {strides = array<i32>} : memref<128x256xf32, #tpu.memory_space<vmem>>, vector<1x16xf32>,
          %swap3A_620 = vector.shape_cast %swap3A_619 : vector<1x16xf32> to vector<16xf32>
          %swap3A_621 = vector.shape_cast %add3A_525 : vector<16xf32> to vector<1x16xf32>
          tpu.vector_store %arg8[%swap3A_617, %swap3A_618], %swap3A_621 {strides = array<i32>} : memref<128x256xf32, #tpu.memory_space<vmem>>, vector<1x16xf32>,
          %swap3A_622 = arith.index_cast %sub3A_616 : i32 to index
          %swap3A_623 = arith.constant 16 : index
          %swap3A_624 = tpu.vector_load %arg8[%swap3A_622, %swap3A_623] {strides = array<i32>} : memref<128x256xf32, #tpu.memory_space<vmem>>, vector<1x16xf32>,
          %swap3A_625 = vector.shape_cast %swap3A_624 : vector<1x16xf32> to vector<16xf32>
          %swap3A_626 = vector.shape_cast %add3A_531 : vector<16xf32> to vector<1x16xf32>
          tpu.vector_store %arg8[%swap3A_622, %swap3A_623], %swap3A_626 {strides = array<i32>} : memref<128x256xf32, #tpu.memory_space<vmem>>, vector<1x16xf32>,
          %swap3A_627 = arith.index_cast %sub3A_616 : i32 to index
          %swap3A_628 = arith.constant 32 : index
          %swap3A_629 = tpu.vector_load %arg8[%swap3A_627, %swap3A_628] {strides = array<i32>} : memref<128x256xf32, #tpu.memory_space<vmem>>, vector<1x16xf32>,
          %swap3A_630 = vector.shape_cast %swap3A_629 : vector<1x16xf32> to vector<16xf32>
          %swap3A_631 = vector.shape_cast %add3A_537 : vector<16xf32> to vector<1x16xf32>
          tpu.vector_store %arg8[%swap3A_627, %swap3A_628], %swap3A_631 {strides = array<i32>} : memref<128x256xf32, #tpu.memory_space<vmem>>, vector<1x16xf32>,
          %swap3A_632 = arith.index_cast %sub3A_616 : i32 to index
          %swap3A_633 = arith.constant 48 : index
          %swap3A_634 = tpu.vector_load %arg8[%swap3A_632, %swap3A_633] {strides = array<i32>} : memref<128x256xf32, #tpu.memory_space<vmem>>, vector<1x16xf32>,
          %swap3A_635 = vector.shape_cast %swap3A_634 : vector<1x16xf32> to vector<16xf32>
          %swap3A_636 = vector.shape_cast %add3A_543 : vector<16xf32> to vector<1x16xf32>
          tpu.vector_store %arg8[%swap3A_632, %swap3A_633], %swap3A_636 {strides = array<i32>} : memref<128x256xf32, #tpu.memory_space<vmem>>, vector<1x16xf32>,
          %swap3A_637 = arith.index_cast %sub3A_616 : i32 to index
          %swap3A_638 = arith.constant 64 : index
          %swap3A_639 = tpu.vector_load %arg8[%swap3A_637, %swap3A_638] {strides = array<i32>} : memref<128x256xf32, #tpu.memory_space<vmem>>, vector<1x16xf32>,
          %swap3A_640 = vector.shape_cast %swap3A_639 : vector<1x16xf32> to vector<16xf32>
          %swap3A_641 = vector.shape_cast %add3A_549 : vector<16xf32> to vector<1x16xf32>
          tpu.vector_store %arg8[%swap3A_637, %swap3A_638], %swap3A_641 {strides = array<i32>} : memref<128x256xf32, #tpu.memory_space<vmem>>, vector<1x16xf32>,
          %swap3A_642 = arith.index_cast %sub3A_616 : i32 to index
          %swap3A_643 = arith.constant 80 : index
          %swap3A_644 = tpu.vector_load %arg8[%swap3A_642, %swap3A_643] {strides = array<i32>} : memref<128x256xf32, #tpu.memory_space<vmem>>, vector<1x16xf32>,
          %swap3A_645 = vector.shape_cast %swap3A_644 : vector<1x16xf32> to vector<16xf32>
          %swap3A_646 = vector.shape_cast %add3A_555 : vector<16xf32> to vector<1x16xf32>
          tpu.vector_store %arg8[%swap3A_642, %swap3A_643], %swap3A_646 {strides = array<i32>} : memref<128x256xf32, #tpu.memory_space<vmem>>, vector<1x16xf32>,
          %swap3A_647 = arith.index_cast %sub3A_616 : i32 to index
          %swap3A_648 = arith.constant 96 : index
          %swap3A_649 = tpu.vector_load %arg8[%swap3A_647, %swap3A_648] {strides = array<i32>} : memref<128x256xf32, #tpu.memory_space<vmem>>, vector<1x16xf32>,
          %swap3A_650 = vector.shape_cast %swap3A_649 : vector<1x16xf32> to vector<16xf32>
          %swap3A_651 = vector.shape_cast %add3A_561 : vector<16xf32> to vector<1x16xf32>
          tpu.vector_store %arg8[%swap3A_647, %swap3A_648], %swap3A_651 {strides = array<i32>} : memref<128x256xf32, #tpu.memory_space<vmem>>, vector<1x16xf32>,
          %swap3A_652 = arith.index_cast %sub3A_616 : i32 to index
          %swap3A_653 = arith.constant 112 : index
          %swap3A_654 = tpu.vector_load %arg8[%swap3A_652, %swap3A_653] {strides = array<i32>} : memref<128x256xf32, #tpu.memory_space<vmem>>, vector<1x16xf32>,
          %swap3A_655 = vector.shape_cast %swap3A_654 : vector<1x16xf32> to vector<16xf32>
          %swap3A_656 = vector.shape_cast %add3A_567 : vector<16xf32> to vector<1x16xf32>
          tpu.vector_store %arg8[%swap3A_652, %swap3A_653], %swap3A_656 {strides = array<i32>} : memref<128x256xf32, #tpu.memory_space<vmem>>, vector<1x16xf32>,
          %swap3A_657 = arith.index_cast %sub3A_616 : i32 to index
          %swap3A_658 = arith.constant 128 : index
          %swap3A_659 = tpu.vector_load %arg8[%swap3A_657, %swap3A_658] {strides = array<i32>} : memref<128x256xf32, #tpu.memory_space<vmem>>, vector<1x16xf32>,
          %swap3A_660 = vector.shape_cast %swap3A_659 : vector<1x16xf32> to vector<16xf32>
          %swap3A_661 = vector.shape_cast %add3A_573 : vector<16xf32> to vector<1x16xf32>
          tpu.vector_store %arg8[%swap3A_657, %swap3A_658], %swap3A_661 {strides = array<i32>} : memref<128x256xf32, #tpu.memory_space<vmem>>, vector<1x16xf32>,
          %swap3A_662 = arith.index_cast %sub3A_616 : i32 to index
          %swap3A_663 = arith.constant 144 : index
          %swap3A_664 = tpu.vector_load %arg8[%swap3A_662, %swap3A_663] {strides = array<i32>} : memref<128x256xf32, #tpu.memory_space<vmem>>, vector<1x16xf32>,
          %swap3A_665 = vector.shape_cast %swap3A_664 : vector<1x16xf32> to vector<16xf32>
          %swap3A_666 = vector.shape_cast %add3A_579 : vector<16xf32> to vector<1x16xf32>
          tpu.vector_store %arg8[%swap3A_662, %swap3A_663], %swap3A_666 {strides = array<i32>} : memref<128x256xf32, #tpu.memory_space<vmem>>, vector<1x16xf32>,
          %swap3A_667 = arith.index_cast %sub3A_616 : i32 to index
          %swap3A_668 = arith.constant 160 : index
          %swap3A_669 = tpu.vector_load %arg8[%swap3A_667, %swap3A_668] {strides = array<i32>} : memref<128x256xf32, #tpu.memory_space<vmem>>, vector<1x16xf32>,
          %swap3A_670 = vector.shape_cast %swap3A_669 : vector<1x16xf32> to vector<16xf32>
          %swap3A_671 = vector.shape_cast %add3A_585 : vector<16xf32> to vector<1x16xf32>
          tpu.vector_store %arg8[%swap3A_667, %swap3A_668], %swap3A_671 {strides = array<i32>} : memref<128x256xf32, #tpu.memory_space<vmem>>, vector<1x16xf32>,
          %swap3A_672 = arith.index_cast %sub3A_616 : i32 to index
          %swap3A_673 = arith.constant 176 : index
          %swap3A_674 = tpu.vector_load %arg8[%swap3A_672, %swap3A_673] {strides = array<i32>} : memref<128x256xf32, #tpu.memory_space<vmem>>, vector<1x16xf32>,
          %swap3A_675 = vector.shape_cast %swap3A_674 : vector<1x16xf32> to vector<16xf32>
          %swap3A_676 = vector.shape_cast %add3A_591 : vector<16xf32> to vector<1x16xf32>
          tpu.vector_store %arg8[%swap3A_672, %swap3A_673], %swap3A_676 {strides = array<i32>} : memref<128x256xf32, #tpu.memory_space<vmem>>, vector<1x16xf32>,
          %swap3A_677 = arith.index_cast %sub3A_616 : i32 to index
          %swap3A_678 = arith.constant 192 : index
          %swap3A_679 = tpu.vector_load %arg8[%swap3A_677, %swap3A_678] {strides = array<i32>} : memref<128x256xf32, #tpu.memory_space<vmem>>, vector<1x16xf32>,
          %swap3A_680 = vector.shape_cast %swap3A_679 : vector<1x16xf32> to vector<16xf32>
          %swap3A_681 = vector.shape_cast %add3A_597 : vector<16xf32> to vector<1x16xf32>
          tpu.vector_store %arg8[%swap3A_677, %swap3A_678], %swap3A_681 {strides = array<i32>} : memref<128x256xf32, #tpu.memory_space<vmem>>, vector<1x16xf32>,
          %swap3A_682 = arith.index_cast %sub3A_616 : i32 to index
          %swap3A_683 = arith.constant 208 : index
          %swap3A_684 = tpu.vector_load %arg8[%swap3A_682, %swap3A_683] {strides = array<i32>} : memref<128x256xf32, #tpu.memory_space<vmem>>, vector<1x16xf32>,
          %swap3A_685 = vector.shape_cast %swap3A_684 : vector<1x16xf32> to vector<16xf32>
          %swap3A_686 = vector.shape_cast %add3A_603 : vector<16xf32> to vector<1x16xf32>
          tpu.vector_store %arg8[%swap3A_682, %swap3A_683], %swap3A_686 {strides = array<i32>} : memref<128x256xf32, #tpu.memory_space<vmem>>, vector<1x16xf32>,
          %swap3A_687 = arith.index_cast %sub3A_616 : i32 to index
          %swap3A_688 = arith.constant 224 : index
          %swap3A_689 = tpu.vector_load %arg8[%swap3A_687, %swap3A_688] {strides = array<i32>} : memref<128x256xf32, #tpu.memory_space<vmem>>, vector<1x16xf32>,
          %swap3A_690 = vector.shape_cast %swap3A_689 : vector<1x16xf32> to vector<16xf32>
          %swap3A_691 = vector.shape_cast %add3A_609 : vector<16xf32> to vector<1x16xf32>
          tpu.vector_store %arg8[%swap3A_687, %swap3A_688], %swap3A_691 {strides = array<i32>} : memref<128x256xf32, #tpu.memory_space<vmem>>, vector<1x16xf32>,
          %swap3A_692 = arith.index_cast %sub3A_616 : i32 to index
          %swap3A_693 = arith.constant 240 : index
          %swap3A_694 = tpu.vector_load %arg8[%swap3A_692, %swap3A_693] {strides = array<i32>} : memref<128x256xf32, #tpu.memory_space<vmem>>, vector<1x16xf32>,
          %swap3A_695 = vector.shape_cast %swap3A_694 : vector<1x16xf32> to vector<16xf32>
          %swap3A_696 = vector.shape_cast %add3A_615 : vector<16xf32> to vector<1x16xf32>
          tpu.vector_store %arg8[%swap3A_692, %swap3A_693], %swap3A_696 {strides = array<i32>} : memref<128x256xf32, #tpu.memory_space<vmem>>, vector<1x16xf32>,
          scf.yield %squeeze3A, %add3A_525, %add3A_531, %add3A_537, %add3A_543, %add3A_549, %add3A_555, %add3A_561, %add3A_567, %add3A_573, %add3A_579, %add3A_585, %add3A_591, %add3A_597, %add3A_603, %add3A_609, %add3A_615 : i32, vector<16xf32>, vector<16xf32>, vector<16xf32>, vector<16xf32>, vector<16xf32>, vector<16xf32>, vector<16xf32>, vector<16xf32>, vector<16xf32>, vector<16xf32>, vector<16xf32>, vector<16xf32>, vector<16xf32>, vector<16xf32>, vector<16xf32>, vector<16xf32>
        }
        %while3A_495 = arith.constant 1 : i32
        %while3A_496:17 = scf.for %while3A_497 = %while3A_492 to %while3A_488 step %while3A_495 iter_args(%while3A_498 = %while3A_494#0, %while3A_499 = %while3A_494#1, %while3A_500 = %while3A_494#2, %while3A_501 = %while3A_494#3, %while3A_502 = %while3A_494#4, %while3A_503 = %while3A_494#5, %while3A_504 = %while3A_494#6, %while3A_505 = %while3A_494#7, %while3A_506 = %while3A_494#8, %while3A_507 = %while3A_494#9, %while3A_508 = %while3A_494#10, %while3A_509 = %while3A_494#11, %while3A_510 = %while3A_494#12, %while3A_511 = %while3A_494#13, %while3A_512 = %while3A_494#14, %while3A_513 = %while3A_494#15, %while3A_514 = %while3A_494#16) -> (i32, vector<16xf32>, vector<16xf32>, vector<16xf32>, vector<16xf32>, vector<16xf32>, vector<16xf32>, vector<16xf32>, vector<16xf32>, vector<16xf32>, vector<16xf32>, vector<16xf32>, vector<16xf32>, vector<16xf32>, vector<16xf32>, vector<16xf32>, vector<16xf32>)  : i32 {
          %add3A_515 = arith.addi %max3A_469, %while3A_497 : i32
          %get3A = arith.index_cast %add3A_515 : i32 to index
          %get3A_516 = tpu.vector_load %arg5[%get3A] {strides = array<i32>} : memref<4112xi32, #tpu.memory_space<vmem>>, vector<16xi32>,
          %get3A_517 = vector.shape_cast %get3A_516 : vector<16xi32> to vector<16xi32>
          %slice3A = vector.extract_strided_slice %get3A_517 {offsets = [0], sizes = [1], strides = [1]} : vector<16xi32> to vector<1xi32>
          %squeeze3A = vector.extract %slice3A[0] : i32 from vector<1xi32>
          %sub3A_518 = arith.subi %add3A_515, %min3A_468 : i32
          %eq3A_519 = arith.cmpi eq, %squeeze3A, %while3A_498 : i32
          %get3A_520 = arith.index_cast %sub3A_518 : i32 to index
          %get3A_521 = arith.constant 0 : index
          %get3A_522 = tpu.vector_load %arg7[%get3A_520, %get3A_521] {strides = array<i32>} : memref<112x256xf32, #tpu.memory_space<vmem>>, vector<1x16xf32>,
          %get3A_523 = vector.shape_cast %get3A_522 : vector<1x16xf32> to vector<16xf32>
          %select_n3A_524 = arith.select %eq3A_519, %while3A_499, %broadcast_in_dim3A_33 : vector<16xf32>
          %add3A_525 = arith.addf %get3A_523, %select_n3A_524 : vector<16xf32>
          %get3A_526 = arith.index_cast %sub3A_518 : i32 to index
          %get3A_527 = arith.constant 16 : index
          %get3A_528 = tpu.vector_load %arg7[%get3A_526, %get3A_527] {strides = array<i32>} : memref<112x256xf32, #tpu.memory_space<vmem>>, vector<1x16xf32>,
          %get3A_529 = vector.shape_cast %get3A_528 : vector<1x16xf32> to vector<16xf32>
          %select_n3A_530 = arith.select %eq3A_519, %while3A_500, %broadcast_in_dim3A_33 : vector<16xf32>
          %add3A_531 = arith.addf %get3A_529, %select_n3A_530 : vector<16xf32>
          %get3A_532 = arith.index_cast %sub3A_518 : i32 to index
          %get3A_533 = arith.constant 32 : index
          %get3A_534 = tpu.vector_load %arg7[%get3A_532, %get3A_533] {strides = array<i32>} : memref<112x256xf32, #tpu.memory_space<vmem>>, vector<1x16xf32>,
          %get3A_535 = vector.shape_cast %get3A_534 : vector<1x16xf32> to vector<16xf32>
          %select_n3A_536 = arith.select %eq3A_519, %while3A_501, %broadcast_in_dim3A_33 : vector<16xf32>
          %add3A_537 = arith.addf %get3A_535, %select_n3A_536 : vector<16xf32>
          %get3A_538 = arith.index_cast %sub3A_518 : i32 to index
          %get3A_539 = arith.constant 48 : index
          %get3A_540 = tpu.vector_load %arg7[%get3A_538, %get3A_539] {strides = array<i32>} : memref<112x256xf32, #tpu.memory_space<vmem>>, vector<1x16xf32>,
          %get3A_541 = vector.shape_cast %get3A_540 : vector<1x16xf32> to vector<16xf32>
          %select_n3A_542 = arith.select %eq3A_519, %while3A_502, %broadcast_in_dim3A_33 : vector<16xf32>
          %add3A_543 = arith.addf %get3A_541, %select_n3A_542 : vector<16xf32>
          %get3A_544 = arith.index_cast %sub3A_518 : i32 to index
          %get3A_545 = arith.constant 64 : index
          %get3A_546 = tpu.vector_load %arg7[%get3A_544, %get3A_545] {strides = array<i32>} : memref<112x256xf32, #tpu.memory_space<vmem>>, vector<1x16xf32>,
          %get3A_547 = vector.shape_cast %get3A_546 : vector<1x16xf32> to vector<16xf32>
          %select_n3A_548 = arith.select %eq3A_519, %while3A_503, %broadcast_in_dim3A_33 : vector<16xf32>
          %add3A_549 = arith.addf %get3A_547, %select_n3A_548 : vector<16xf32>
          %get3A_550 = arith.index_cast %sub3A_518 : i32 to index
          %get3A_551 = arith.constant 80 : index
          %get3A_552 = tpu.vector_load %arg7[%get3A_550, %get3A_551] {strides = array<i32>} : memref<112x256xf32, #tpu.memory_space<vmem>>, vector<1x16xf32>,
          %get3A_553 = vector.shape_cast %get3A_552 : vector<1x16xf32> to vector<16xf32>
          %select_n3A_554 = arith.select %eq3A_519, %while3A_504, %broadcast_in_dim3A_33 : vector<16xf32>
          %add3A_555 = arith.addf %get3A_553, %select_n3A_554 : vector<16xf32>
          %get3A_556 = arith.index_cast %sub3A_518 : i32 to index
          %get3A_557 = arith.constant 96 : index
          %get3A_558 = tpu.vector_load %arg7[%get3A_556, %get3A_557] {strides = array<i32>} : memref<112x256xf32, #tpu.memory_space<vmem>>, vector<1x16xf32>,
          %get3A_559 = vector.shape_cast %get3A_558 : vector<1x16xf32> to vector<16xf32>
          %select_n3A_560 = arith.select %eq3A_519, %while3A_505, %broadcast_in_dim3A_33 : vector<16xf32>
          %add3A_561 = arith.addf %get3A_559, %select_n3A_560 : vector<16xf32>
          %get3A_562 = arith.index_cast %sub3A_518 : i32 to index
          %get3A_563 = arith.constant 112 : index
          %get3A_564 = tpu.vector_load %arg7[%get3A_562, %get3A_563] {strides = array<i32>} : memref<112x256xf32, #tpu.memory_space<vmem>>, vector<1x16xf32>,
          %get3A_565 = vector.shape_cast %get3A_564 : vector<1x16xf32> to vector<16xf32>
          %select_n3A_566 = arith.select %eq3A_519, %while3A_506, %broadcast_in_dim3A_33 : vector<16xf32>
          %add3A_567 = arith.addf %get3A_565, %select_n3A_566 : vector<16xf32>
          %get3A_568 = arith.index_cast %sub3A_518 : i32 to index
          %get3A_569 = arith.constant 128 : index
          %get3A_570 = tpu.vector_load %arg7[%get3A_568, %get3A_569] {strides = array<i32>} : memref<112x256xf32, #tpu.memory_space<vmem>>, vector<1x16xf32>,
          %get3A_571 = vector.shape_cast %get3A_570 : vector<1x16xf32> to vector<16xf32>
          %select_n3A_572 = arith.select %eq3A_519, %while3A_507, %broadcast_in_dim3A_33 : vector<16xf32>
          %add3A_573 = arith.addf %get3A_571, %select_n3A_572 : vector<16xf32>
          %get3A_574 = arith.index_cast %sub3A_518 : i32 to index
          %get3A_575 = arith.constant 144 : index
          %get3A_576 = tpu.vector_load %arg7[%get3A_574, %get3A_575] {strides = array<i32>} : memref<112x256xf32, #tpu.memory_space<vmem>>, vector<1x16xf32>,
          %get3A_577 = vector.shape_cast %get3A_576 : vector<1x16xf32> to vector<16xf32>
          %select_n3A_578 = arith.select %eq3A_519, %while3A_508, %broadcast_in_dim3A_33 : vector<16xf32>
          %add3A_579 = arith.addf %get3A_577, %select_n3A_578 : vector<16xf32>
          %get3A_580 = arith.index_cast %sub3A_518 : i32 to index
          %get3A_581 = arith.constant 160 : index
          %get3A_582 = tpu.vector_load %arg7[%get3A_580, %get3A_581] {strides = array<i32>} : memref<112x256xf32, #tpu.memory_space<vmem>>, vector<1x16xf32>,
          %get3A_583 = vector.shape_cast %get3A_582 : vector<1x16xf32> to vector<16xf32>
          %select_n3A_584 = arith.select %eq3A_519, %while3A_509, %broadcast_in_dim3A_33 : vector<16xf32>
          %add3A_585 = arith.addf %get3A_583, %select_n3A_584 : vector<16xf32>
          %get3A_586 = arith.index_cast %sub3A_518 : i32 to index
          %get3A_587 = arith.constant 176 : index
          %get3A_588 = tpu.vector_load %arg7[%get3A_586, %get3A_587] {strides = array<i32>} : memref<112x256xf32, #tpu.memory_space<vmem>>, vector<1x16xf32>,
          %get3A_589 = vector.shape_cast %get3A_588 : vector<1x16xf32> to vector<16xf32>
          %select_n3A_590 = arith.select %eq3A_519, %while3A_510, %broadcast_in_dim3A_33 : vector<16xf32>
          %add3A_591 = arith.addf %get3A_589, %select_n3A_590 : vector<16xf32>
          %get3A_592 = arith.index_cast %sub3A_518 : i32 to index
          %get3A_593 = arith.constant 192 : index
          %get3A_594 = tpu.vector_load %arg7[%get3A_592, %get3A_593] {strides = array<i32>} : memref<112x256xf32, #tpu.memory_space<vmem>>, vector<1x16xf32>,
          %get3A_595 = vector.shape_cast %get3A_594 : vector<1x16xf32> to vector<16xf32>
          %select_n3A_596 = arith.select %eq3A_519, %while3A_511, %broadcast_in_dim3A_33 : vector<16xf32>
          %add3A_597 = arith.addf %get3A_595, %select_n3A_596 : vector<16xf32>
          %get3A_598 = arith.index_cast %sub3A_518 : i32 to index
          %get3A_599 = arith.constant 208 : index
          %get3A_600 = tpu.vector_load %arg7[%get3A_598, %get3A_599] {strides = array<i32>} : memref<112x256xf32, #tpu.memory_space<vmem>>, vector<1x16xf32>,
          %get3A_601 = vector.shape_cast %get3A_600 : vector<1x16xf32> to vector<16xf32>
          %select_n3A_602 = arith.select %eq3A_519, %while3A_512, %broadcast_in_dim3A_33 : vector<16xf32>
          %add3A_603 = arith.addf %get3A_601, %select_n3A_602 : vector<16xf32>
          %get3A_604 = arith.index_cast %sub3A_518 : i32 to index
          %get3A_605 = arith.constant 224 : index
          %get3A_606 = tpu.vector_load %arg7[%get3A_604, %get3A_605] {strides = array<i32>} : memref<112x256xf32, #tpu.memory_space<vmem>>, vector<1x16xf32>,
          %get3A_607 = vector.shape_cast %get3A_606 : vector<1x16xf32> to vector<16xf32>
          %select_n3A_608 = arith.select %eq3A_519, %while3A_513, %broadcast_in_dim3A_33 : vector<16xf32>
          %add3A_609 = arith.addf %get3A_607, %select_n3A_608 : vector<16xf32>
          %get3A_610 = arith.index_cast %sub3A_518 : i32 to index
          %get3A_611 = arith.constant 240 : index
          %get3A_612 = tpu.vector_load %arg7[%get3A_610, %get3A_611] {strides = array<i32>} : memref<112x256xf32, #tpu.memory_space<vmem>>, vector<1x16xf32>,
          %get3A_613 = vector.shape_cast %get3A_612 : vector<1x16xf32> to vector<16xf32>
          %select_n3A_614 = arith.select %eq3A_519, %while3A_514, %broadcast_in_dim3A_33 : vector<16xf32>
          %add3A_615 = arith.addf %get3A_613, %select_n3A_614 : vector<16xf32>
          %sub3A_616 = arith.subi %squeeze3A, %add3A_119 : i32
          %swap3A_617 = arith.index_cast %sub3A_616 : i32 to index
          %swap3A_618 = arith.constant 0 : index
          %swap3A_619 = tpu.vector_load %arg8[%swap3A_617, %swap3A_618] {strides = array<i32>} : memref<128x256xf32, #tpu.memory_space<vmem>>, vector<1x16xf32>,
          %swap3A_620 = vector.shape_cast %swap3A_619 : vector<1x16xf32> to vector<16xf32>
          %swap3A_621 = vector.shape_cast %add3A_525 : vector<16xf32> to vector<1x16xf32>
          tpu.vector_store %arg8[%swap3A_617, %swap3A_618], %swap3A_621 {strides = array<i32>} : memref<128x256xf32, #tpu.memory_space<vmem>>, vector<1x16xf32>,
          %swap3A_622 = arith.index_cast %sub3A_616 : i32 to index
          %swap3A_623 = arith.constant 16 : index
          %swap3A_624 = tpu.vector_load %arg8[%swap3A_622, %swap3A_623] {strides = array<i32>} : memref<128x256xf32, #tpu.memory_space<vmem>>, vector<1x16xf32>,
          %swap3A_625 = vector.shape_cast %swap3A_624 : vector<1x16xf32> to vector<16xf32>
          %swap3A_626 = vector.shape_cast %add3A_531 : vector<16xf32> to vector<1x16xf32>
          tpu.vector_store %arg8[%swap3A_622, %swap3A_623], %swap3A_626 {strides = array<i32>} : memref<128x256xf32, #tpu.memory_space<vmem>>, vector<1x16xf32>,
          %swap3A_627 = arith.index_cast %sub3A_616 : i32 to index
          %swap3A_628 = arith.constant 32 : index
          %swap3A_629 = tpu.vector_load %arg8[%swap3A_627, %swap3A_628] {strides = array<i32>} : memref<128x256xf32, #tpu.memory_space<vmem>>, vector<1x16xf32>,
          %swap3A_630 = vector.shape_cast %swap3A_629 : vector<1x16xf32> to vector<16xf32>
          %swap3A_631 = vector.shape_cast %add3A_537 : vector<16xf32> to vector<1x16xf32>
          tpu.vector_store %arg8[%swap3A_627, %swap3A_628], %swap3A_631 {strides = array<i32>} : memref<128x256xf32, #tpu.memory_space<vmem>>, vector<1x16xf32>,
          %swap3A_632 = arith.index_cast %sub3A_616 : i32 to index
          %swap3A_633 = arith.constant 48 : index
          %swap3A_634 = tpu.vector_load %arg8[%swap3A_632, %swap3A_633] {strides = array<i32>} : memref<128x256xf32, #tpu.memory_space<vmem>>, vector<1x16xf32>,
          %swap3A_635 = vector.shape_cast %swap3A_634 : vector<1x16xf32> to vector<16xf32>
          %swap3A_636 = vector.shape_cast %add3A_543 : vector<16xf32> to vector<1x16xf32>
          tpu.vector_store %arg8[%swap3A_632, %swap3A_633], %swap3A_636 {strides = array<i32>} : memref<128x256xf32, #tpu.memory_space<vmem>>, vector<1x16xf32>,
          %swap3A_637 = arith.index_cast %sub3A_616 : i32 to index
          %swap3A_638 = arith.constant 64 : index
          %swap3A_639 = tpu.vector_load %arg8[%swap3A_637, %swap3A_638] {strides = array<i32>} : memref<128x256xf32, #tpu.memory_space<vmem>>, vector<1x16xf32>,
          %swap3A_640 = vector.shape_cast %swap3A_639 : vector<1x16xf32> to vector<16xf32>
          %swap3A_641 = vector.shape_cast %add3A_549 : vector<16xf32> to vector<1x16xf32>
          tpu.vector_store %arg8[%swap3A_637, %swap3A_638], %swap3A_641 {strides = array<i32>} : memref<128x256xf32, #tpu.memory_space<vmem>>, vector<1x16xf32>,
          %swap3A_642 = arith.index_cast %sub3A_616 : i32 to index
          %swap3A_643 = arith.constant 80 : index
          %swap3A_644 = tpu.vector_load %arg8[%swap3A_642, %swap3A_643] {strides = array<i32>} : memref<128x256xf32, #tpu.memory_space<vmem>>, vector<1x16xf32>,
          %swap3A_645 = vector.shape_cast %swap3A_644 : vector<1x16xf32> to vector<16xf32>
          %swap3A_646 = vector.shape_cast %add3A_555 : vector<16xf32> to vector<1x16xf32>
          tpu.vector_store %arg8[%swap3A_642, %swap3A_643], %swap3A_646 {strides = array<i32>} : memref<128x256xf32, #tpu.memory_space<vmem>>, vector<1x16xf32>,
          %swap3A_647 = arith.index_cast %sub3A_616 : i32 to index
          %swap3A_648 = arith.constant 96 : index
          %swap3A_649 = tpu.vector_load %arg8[%swap3A_647, %swap3A_648] {strides = array<i32>} : memref<128x256xf32, #tpu.memory_space<vmem>>, vector<1x16xf32>,
          %swap3A_650 = vector.shape_cast %swap3A_649 : vector<1x16xf32> to vector<16xf32>
          %swap3A_651 = vector.shape_cast %add3A_561 : vector<16xf32> to vector<1x16xf32>
          tpu.vector_store %arg8[%swap3A_647, %swap3A_648], %swap3A_651 {strides = array<i32>} : memref<128x256xf32, #tpu.memory_space<vmem>>, vector<1x16xf32>,
          %swap3A_652 = arith.index_cast %sub3A_616 : i32 to index
          %swap3A_653 = arith.constant 112 : index
          %swap3A_654 = tpu.vector_load %arg8[%swap3A_652, %swap3A_653] {strides = array<i32>} : memref<128x256xf32, #tpu.memory_space<vmem>>, vector<1x16xf32>,
          %swap3A_655 = vector.shape_cast %swap3A_654 : vector<1x16xf32> to vector<16xf32>
          %swap3A_656 = vector.shape_cast %add3A_567 : vector<16xf32> to vector<1x16xf32>
          tpu.vector_store %arg8[%swap3A_652, %swap3A_653], %swap3A_656 {strides = array<i32>} : memref<128x256xf32, #tpu.memory_space<vmem>>, vector<1x16xf32>,
          %swap3A_657 = arith.index_cast %sub3A_616 : i32 to index
          %swap3A_658 = arith.constant 128 : index
          %swap3A_659 = tpu.vector_load %arg8[%swap3A_657, %swap3A_658] {strides = array<i32>} : memref<128x256xf32, #tpu.memory_space<vmem>>, vector<1x16xf32>,
          %swap3A_660 = vector.shape_cast %swap3A_659 : vector<1x16xf32> to vector<16xf32>
          %swap3A_661 = vector.shape_cast %add3A_573 : vector<16xf32> to vector<1x16xf32>
          tpu.vector_store %arg8[%swap3A_657, %swap3A_658], %swap3A_661 {strides = array<i32>} : memref<128x256xf32, #tpu.memory_space<vmem>>, vector<1x16xf32>,
          %swap3A_662 = arith.index_cast %sub3A_616 : i32 to index
          %swap3A_663 = arith.constant 144 : index
          %swap3A_664 = tpu.vector_load %arg8[%swap3A_662, %swap3A_663] {strides = array<i32>} : memref<128x256xf32, #tpu.memory_space<vmem>>, vector<1x16xf32>,
          %swap3A_665 = vector.shape_cast %swap3A_664 : vector<1x16xf32> to vector<16xf32>
          %swap3A_666 = vector.shape_cast %add3A_579 : vector<16xf32> to vector<1x16xf32>
          tpu.vector_store %arg8[%swap3A_662, %swap3A_663], %swap3A_666 {strides = array<i32>} : memref<128x256xf32, #tpu.memory_space<vmem>>, vector<1x16xf32>,
          %swap3A_667 = arith.index_cast %sub3A_616 : i32 to index
          %swap3A_668 = arith.constant 160 : index
          %swap3A_669 = tpu.vector_load %arg8[%swap3A_667, %swap3A_668] {strides = array<i32>} : memref<128x256xf32, #tpu.memory_space<vmem>>, vector<1x16xf32>,
          %swap3A_670 = vector.shape_cast %swap3A_669 : vector<1x16xf32> to vector<16xf32>
          %swap3A_671 = vector.shape_cast %add3A_585 : vector<16xf32> to vector<1x16xf32>
          tpu.vector_store %arg8[%swap3A_667, %swap3A_668], %swap3A_671 {strides = array<i32>} : memref<128x256xf32, #tpu.memory_space<vmem>>, vector<1x16xf32>,
          %swap3A_672 = arith.index_cast %sub3A_616 : i32 to index
          %swap3A_673 = arith.constant 176 : index
          %swap3A_674 = tpu.vector_load %arg8[%swap3A_672, %swap3A_673] {strides = array<i32>} : memref<128x256xf32, #tpu.memory_space<vmem>>, vector<1x16xf32>,
          %swap3A_675 = vector.shape_cast %swap3A_674 : vector<1x16xf32> to vector<16xf32>
          %swap3A_676 = vector.shape_cast %add3A_591 : vector<16xf32> to vector<1x16xf32>
          tpu.vector_store %arg8[%swap3A_672, %swap3A_673], %swap3A_676 {strides = array<i32>} : memref<128x256xf32, #tpu.memory_space<vmem>>, vector<1x16xf32>,
          %swap3A_677 = arith.index_cast %sub3A_616 : i32 to index
          %swap3A_678 = arith.constant 192 : index
          %swap3A_679 = tpu.vector_load %arg8[%swap3A_677, %swap3A_678] {strides = array<i32>} : memref<128x256xf32, #tpu.memory_space<vmem>>, vector<1x16xf32>,
          %swap3A_680 = vector.shape_cast %swap3A_679 : vector<1x16xf32> to vector<16xf32>
          %swap3A_681 = vector.shape_cast %add3A_597 : vector<16xf32> to vector<1x16xf32>
          tpu.vector_store %arg8[%swap3A_677, %swap3A_678], %swap3A_681 {strides = array<i32>} : memref<128x256xf32, #tpu.memory_space<vmem>>, vector<1x16xf32>,
          %swap3A_682 = arith.index_cast %sub3A_616 : i32 to index
          %swap3A_683 = arith.constant 208 : index
          %swap3A_684 = tpu.vector_load %arg8[%swap3A_682, %swap3A_683] {strides = array<i32>} : memref<128x256xf32, #tpu.memory_space<vmem>>, vector<1x16xf32>,
          %swap3A_685 = vector.shape_cast %swap3A_684 : vector<1x16xf32> to vector<16xf32>
          %swap3A_686 = vector.shape_cast %add3A_603 : vector<16xf32> to vector<1x16xf32>
          tpu.vector_store %arg8[%swap3A_682, %swap3A_683], %swap3A_686 {strides = array<i32>} : memref<128x256xf32, #tpu.memory_space<vmem>>, vector<1x16xf32>,
          %swap3A_687 = arith.index_cast %sub3A_616 : i32 to index
          %swap3A_688 = arith.constant 224 : index
          %swap3A_689 = tpu.vector_load %arg8[%swap3A_687, %swap3A_688] {strides = array<i32>} : memref<128x256xf32, #tpu.memory_space<vmem>>, vector<1x16xf32>,
          %swap3A_690 = vector.shape_cast %swap3A_689 : vector<1x16xf32> to vector<16xf32>
          %swap3A_691 = vector.shape_cast %add3A_609 : vector<16xf32> to vector<1x16xf32>
          tpu.vector_store %arg8[%swap3A_687, %swap3A_688], %swap3A_691 {strides = array<i32>} : memref<128x256xf32, #tpu.memory_space<vmem>>, vector<1x16xf32>,
          %swap3A_692 = arith.index_cast %sub3A_616 : i32 to index
          %swap3A_693 = arith.constant 240 : index
          %swap3A_694 = tpu.vector_load %arg8[%swap3A_692, %swap3A_693] {strides = array<i32>} : memref<128x256xf32, #tpu.memory_space<vmem>>, vector<1x16xf32>,
          %swap3A_695 = vector.shape_cast %swap3A_694 : vector<1x16xf32> to vector<16xf32>
          %swap3A_696 = vector.shape_cast %add3A_615 : vector<16xf32> to vector<1x16xf32>
          tpu.vector_store %arg8[%swap3A_692, %swap3A_693], %swap3A_696 {strides = array<i32>} : memref<128x256xf32, #tpu.memory_space<vmem>>, vector<1x16xf32>,
          scf.yield %squeeze3A, %add3A_525, %add3A_531, %add3A_537, %add3A_543, %add3A_549, %add3A_555, %add3A_561, %add3A_567, %add3A_573, %add3A_579, %add3A_585, %add3A_591, %add3A_597, %add3A_603, %add3A_609, %add3A_615 : i32, vector<16xf32>, vector<16xf32>, vector<16xf32>, vector<16xf32>, vector<16xf32>, vector<16xf32>, vector<16xf32>, vector<16xf32>, vector<16xf32>, vector<16xf32>, vector<16xf32>, vector<16xf32>, vector<16xf32>, vector<16xf32>, vector<16xf32>, vector<16xf32>
        }
        scf.yield %select_n3A_485, %while3A_496#0, %while3A_496#1, %while3A_496#2, %while3A_496#3, %while3A_496#4, %while3A_496#5, %while3A_496#6, %while3A_496#7, %while3A_496#8, %while3A_496#9, %while3A_496#10, %while3A_496#11, %while3A_496#12, %while3A_496#13, %while3A_496#14, %while3A_496#15, %while3A_496#16 : i32, i32, vector<16xf32>, vector<16xf32>, vector<16xf32>, vector<16xf32>, vector<16xf32>, vector<16xf32>, vector<16xf32>, vector<16xf32>, vector<16xf32>, vector<16xf32>, vector<16xf32>, vector<16xf32>, vector<16xf32>, vector<16xf32>, vector<16xf32>, vector<16xf32>
      }
      %while3A_243 = arith.constant 1 : i32
      %while3A_244:18 = scf.for %while3A_406 = %while3A_240 to %while3A_236 step %while3A_243 iter_args(%while3A_407 = %while3A_242#0, %while3A_408 = %while3A_242#1, %while3A_409 = %while3A_242#2, %while3A_410 = %while3A_242#3, %while3A_411 = %while3A_242#4, %while3A_412 = %while3A_242#5, %while3A_413 = %while3A_242#6, %while3A_414 = %while3A_242#7, %while3A_415 = %while3A_242#8, %while3A_416 = %while3A_242#9, %while3A_417 = %while3A_242#10, %while3A_418 = %while3A_242#11, %while3A_419 = %while3A_242#12, %while3A_420 = %while3A_242#13, %while3A_421 = %while3A_242#14, %while3A_422 = %while3A_242#15, %while3A_423 = %while3A_242#16, %while3A_424 = %while3A_242#17) -> (i32, i32, vector<16xf32>, vector<16xf32>, vector<16xf32>, vector<16xf32>, vector<16xf32>, vector<16xf32>, vector<16xf32>, vector<16xf32>, vector<16xf32>, vector<16xf32>, vector<16xf32>, vector<16xf32>, vector<16xf32>, vector<16xf32>, vector<16xf32>, vector<16xf32>)  : i32 {
        %mul3A_425 = arith.constant 2 : i32
        %mul3A_426 = arith.muli %mul3A_425, %while3A_406 : i32
        %add3A_427 = arith.constant 0 : i32
        %add3A_428 = arith.addi %mul3A_426, %add3A_427 : i32
        %mul3A_429 = arith.constant 112 : i32
        %mul3A_430 = arith.muli %add3A_428, %mul3A_429 : i32
        %add3A_431 = arith.addi %and3A_62, %mul3A_430 : i32
        %min3A = arith.constant 3984 : i32
        %min3A_432 = arith.minsi %add3A_431, %min3A : i32
        %max3A = arith.maxsi %scan3A_111, %add3A_431 : i32
        %add3A_433 = arith.constant 112 : i32
        %add3A_434 = arith.addi %add3A_431, %add3A_433 : i32
        %min3A_435 = arith.minsi %scan3A_128#0, %add3A_434 : i32
        %sub3A_436 = arith.subi %min3A_435, %max3A : i32
        %jit3A_437 = arith.constant 0 : i32
        %jit3A_438 = arith.constant 112 : i32
        %max3A_439 = arith.maxsi %jit3A_437, %sub3A_436 : i32
        %min3A_440 = arith.minsi %jit3A_438, %max3A_439 : i32
        %gt3A_441 = arith.cmpi sgt, %add3A_428, %while3A_407 : i32
        %gt3A_442 = arith.constant 0 : i32
        %gt3A_443 = arith.cmpi sgt, %min3A_440, %gt3A_442 : i32
        %and3A_444 = arith.andi %gt3A_441, %gt3A_443 : i1
        %convert_element_type3A_445 = arith.extui %and3A_444 : i1 to i32
        %cond3A_446 = arith.constant 0 : i32
        %cond3A_447 = arith.cmpi ne, %convert_element_type3A_445, %cond3A_446 : i32
        scf.if %cond3A_447 {
          %mul3A_497 = arith.constant 112 : i32
          %mul3A_498 = arith.muli %add3A_428, %mul3A_497 : i32
          %add3A_499 = arith.addi %and3A_62, %mul3A_498 : i32
          %min3A_500 = arith.constant 3984 : i32
          %min3A_501 = arith.minsi %add3A_499, %min3A_500 : i32
          %multiple_of3A_502 = tpu.assume_multiple %min3A_501, 8 : i32
          %dma_wait3A_503 = arith.constant 0 : i32
          %dma_wait3A_504 = tpu.memref_slice %arg2[%select_n3A, %multiple_of3A_502, %dma_wait3A_503] : memref<16x4096x256xf32, #tpu.memory_space<hbm>> -> memref<1x112x256xf32, #tpu.memory_space<hbm>>
          %dma_wait3A_505 = tpu.memref_squeeze %dma_wait3A_504 : memref<1x112x256xf32, #tpu.memory_space<hbm>> -> memref<112x256xf32, #tpu.memory_space<hbm>>
          %dma_wait3A_506 = arith.constant 0 : i32
          %dma_wait3A_507 = tpu.memref_slice %arg2[%select_n3A, %multiple_of3A_502, %dma_wait3A_506] : memref<16x4096x256xf32, #tpu.memory_space<hbm>> -> memref<1x112x256xf32, #tpu.memory_space<hbm>>
          %dma_wait3A_508 = tpu.memref_squeeze %dma_wait3A_507 : memref<1x112x256xf32, #tpu.memory_space<hbm>> -> memref<112x256xf32, #tpu.memory_space<hbm>>
          tpu.wait_dma2 semaphore(%arg11 : memref<!tpu.dma_semaphore, #tpu.memory_space<semaphore_mem>>) src(%dma_wait3A_508 : memref<112x256xf32, #tpu.memory_space<hbm>>) dst(%arg6 : memref<112x256xf32, #tpu.memory_space<vmem>>)
          %add3A_509 = arith.constant 1 : i32
          %add3A_510 = arith.addi %add3A_428, %add3A_509 : i32
          %lt3A_511 = arith.cmpi slt, %add3A_510, %select_n3A_91 : i32
          %convert_element_type3A_512 = arith.extui %lt3A_511 : i1 to i32
          %cond3A_513 = arith.constant 0 : i32
          %cond3A_514 = arith.cmpi ne, %convert_element_type3A_512, %cond3A_513 : i32
          scf.if %cond3A_514 {
            %add3A_515 = arith.constant 1 : i32
            %add3A_516 = arith.addi %add3A_428, %add3A_515 : i32
            %mul3A_517 = arith.constant 112 : i32
            %mul3A_518 = arith.muli %add3A_516, %mul3A_517 : i32
            %add3A_519 = arith.addi %and3A_62, %mul3A_518 : i32
            %min3A_520 = arith.constant 3984 : i32
            %min3A_521 = arith.minsi %add3A_519, %min3A_520 : i32
            %multiple_of3A_522 = tpu.assume_multiple %min3A_521, 8 : i32
            %dma_start3A_523 = arith.constant 0 : i32
            %dma_start3A_524 = tpu.memref_slice %arg2[%select_n3A, %multiple_of3A_522, %dma_start3A_523] : memref<16x4096x256xf32, #tpu.memory_space<hbm>> -> memref<1x112x256xf32, #tpu.memory_space<hbm>>
            %dma_start3A_525 = tpu.memref_squeeze %dma_start3A_524 : memref<1x112x256xf32, #tpu.memory_space<hbm>> -> memref<112x256xf32, #tpu.memory_space<hbm>>
            %dma_start3A_526 = arith.constant 0 : i32
            %dma_start3A_527 = tpu.memref_slice %arg2[%select_n3A, %multiple_of3A_522, %dma_start3A_526] : memref<16x4096x256xf32, #tpu.memory_space<hbm>> -> memref<1x112x256xf32, #tpu.memory_space<hbm>>
            %dma_start3A_528 = tpu.memref_squeeze %dma_start3A_527 : memref<1x112x256xf32, #tpu.memory_space<hbm>> -> memref<112x256xf32, #tpu.memory_space<hbm>>
            tpu.enqueue_dma source(%dma_start3A_528 : memref<112x256xf32, #tpu.memory_space<hbm>>) target(%arg7 : memref<112x256xf32, #tpu.memory_space<vmem>>) target_semaphore(%arg12 : memref<!tpu.dma_semaphore, #tpu.memory_space<semaphore_mem>>)
          } else {
          }
        } else {
        }
        %select_n3A_448 = arith.select %and3A_444, %add3A_428, %while3A_407 : i32
        %while3A_449 = arith.constant 0 : i32
        %while3A_450 = arith.subi %min3A_440, %while3A_449 : i32
        %while3A_451 = arith.addi %while3A_449, %while3A_450 : i32
        %while3A_452 = arith.constant 1 : i32
        %while3A_453 = arith.divsi %while3A_450, %while3A_452 : i32
        %while3A_454 = arith.muli %while3A_453, %while3A_452 : i32
        %while3A_455 = arith.addi %while3A_449, %while3A_454 : i32
        %while3A_456 = arith.constant 1 : i32
        %while3A_457:17 = scf.for %while3A_497 = %while3A_449 to %while3A_455 step %while3A_456 iter_args(%while3A_498 = %while3A_408, %while3A_499 = %while3A_409, %while3A_500 = %while3A_410, %while3A_501 = %while3A_411, %while3A_502 = %while3A_412, %while3A_503 = %while3A_413, %while3A_504 = %while3A_414, %while3A_505 = %while3A_415, %while3A_506 = %while3A_416, %while3A_507 = %while3A_417, %while3A_508 = %while3A_418, %while3A_509 = %while3A_419, %while3A_510 = %while3A_420, %while3A_511 = %while3A_421, %while3A_512 = %while3A_422, %while3A_513 = %while3A_423, %while3A_514 = %while3A_424) -> (i32, vector<16xf32>, vector<16xf32>, vector<16xf32>, vector<16xf32>, vector<16xf32>, vector<16xf32>, vector<16xf32>, vector<16xf32>, vector<16xf32>, vector<16xf32>, vector<16xf32>, vector<16xf32>, vector<16xf32>, vector<16xf32>, vector<16xf32>, vector<16xf32>)  : i32 {
          %add3A_515 = arith.addi %max3A, %while3A_497 : i32
          %get3A = arith.index_cast %add3A_515 : i32 to index
          %get3A_516 = tpu.vector_load %arg5[%get3A] {strides = array<i32>} : memref<4112xi32, #tpu.memory_space<vmem>>, vector<16xi32>,
          %get3A_517 = vector.shape_cast %get3A_516 : vector<16xi32> to vector<16xi32>
          %slice3A = vector.extract_strided_slice %get3A_517 {offsets = [0], sizes = [1], strides = [1]} : vector<16xi32> to vector<1xi32>
          %squeeze3A = vector.extract %slice3A[0] : i32 from vector<1xi32>
          %sub3A_518 = arith.subi %add3A_515, %min3A_432 : i32
          %eq3A_519 = arith.cmpi eq, %squeeze3A, %while3A_498 : i32
          %get3A_520 = arith.index_cast %sub3A_518 : i32 to index
          %get3A_521 = arith.constant 0 : index
          %get3A_522 = tpu.vector_load %arg6[%get3A_520, %get3A_521] {strides = array<i32>} : memref<112x256xf32, #tpu.memory_space<vmem>>, vector<1x16xf32>,
          %get3A_523 = vector.shape_cast %get3A_522 : vector<1x16xf32> to vector<16xf32>
          %select_n3A_524 = arith.select %eq3A_519, %while3A_499, %broadcast_in_dim3A_33 : vector<16xf32>
          %add3A_525 = arith.addf %get3A_523, %select_n3A_524 : vector<16xf32>
          %get3A_526 = arith.index_cast %sub3A_518 : i32 to index
          %get3A_527 = arith.constant 16 : index
          %get3A_528 = tpu.vector_load %arg6[%get3A_526, %get3A_527] {strides = array<i32>} : memref<112x256xf32, #tpu.memory_space<vmem>>, vector<1x16xf32>,
          %get3A_529 = vector.shape_cast %get3A_528 : vector<1x16xf32> to vector<16xf32>
          %select_n3A_530 = arith.select %eq3A_519, %while3A_500, %broadcast_in_dim3A_33 : vector<16xf32>
          %add3A_531 = arith.addf %get3A_529, %select_n3A_530 : vector<16xf32>
          %get3A_532 = arith.index_cast %sub3A_518 : i32 to index
          %get3A_533 = arith.constant 32 : index
          %get3A_534 = tpu.vector_load %arg6[%get3A_532, %get3A_533] {strides = array<i32>} : memref<112x256xf32, #tpu.memory_space<vmem>>, vector<1x16xf32>,
          %get3A_535 = vector.shape_cast %get3A_534 : vector<1x16xf32> to vector<16xf32>
          %select_n3A_536 = arith.select %eq3A_519, %while3A_501, %broadcast_in_dim3A_33 : vector<16xf32>
          %add3A_537 = arith.addf %get3A_535, %select_n3A_536 : vector<16xf32>
          %get3A_538 = arith.index_cast %sub3A_518 : i32 to index
          %get3A_539 = arith.constant 48 : index
          %get3A_540 = tpu.vector_load %arg6[%get3A_538, %get3A_539] {strides = array<i32>} : memref<112x256xf32, #tpu.memory_space<vmem>>, vector<1x16xf32>,
          %get3A_541 = vector.shape_cast %get3A_540 : vector<1x16xf32> to vector<16xf32>
          %select_n3A_542 = arith.select %eq3A_519, %while3A_502, %broadcast_in_dim3A_33 : vector<16xf32>
          %add3A_543 = arith.addf %get3A_541, %select_n3A_542 : vector<16xf32>
          %get3A_544 = arith.index_cast %sub3A_518 : i32 to index
          %get3A_545 = arith.constant 64 : index
          %get3A_546 = tpu.vector_load %arg6[%get3A_544, %get3A_545] {strides = array<i32>} : memref<112x256xf32, #tpu.memory_space<vmem>>, vector<1x16xf32>,
          %get3A_547 = vector.shape_cast %get3A_546 : vector<1x16xf32> to vector<16xf32>
          %select_n3A_548 = arith.select %eq3A_519, %while3A_503, %broadcast_in_dim3A_33 : vector<16xf32>
          %add3A_549 = arith.addf %get3A_547, %select_n3A_548 : vector<16xf32>
          %get3A_550 = arith.index_cast %sub3A_518 : i32 to index
          %get3A_551 = arith.constant 80 : index
          %get3A_552 = tpu.vector_load %arg6[%get3A_550, %get3A_551] {strides = array<i32>} : memref<112x256xf32, #tpu.memory_space<vmem>>, vector<1x16xf32>,
          %get3A_553 = vector.shape_cast %get3A_552 : vector<1x16xf32> to vector<16xf32>
          %select_n3A_554 = arith.select %eq3A_519, %while3A_504, %broadcast_in_dim3A_33 : vector<16xf32>
          %add3A_555 = arith.addf %get3A_553, %select_n3A_554 : vector<16xf32>
          %get3A_556 = arith.index_cast %sub3A_518 : i32 to index
          %get3A_557 = arith.constant 96 : index
          %get3A_558 = tpu.vector_load %arg6[%get3A_556, %get3A_557] {strides = array<i32>} : memref<112x256xf32, #tpu.memory_space<vmem>>, vector<1x16xf32>,
          %get3A_559 = vector.shape_cast %get3A_558 : vector<1x16xf32> to vector<16xf32>
          %select_n3A_560 = arith.select %eq3A_519, %while3A_505, %broadcast_in_dim3A_33 : vector<16xf32>
          %add3A_561 = arith.addf %get3A_559, %select_n3A_560 : vector<16xf32>
          %get3A_562 = arith.index_cast %sub3A_518 : i32 to index
          %get3A_563 = arith.constant 112 : index
          %get3A_564 = tpu.vector_load %arg6[%get3A_562, %get3A_563] {strides = array<i32>} : memref<112x256xf32, #tpu.memory_space<vmem>>, vector<1x16xf32>,
          %get3A_565 = vector.shape_cast %get3A_564 : vector<1x16xf32> to vector<16xf32>
          %select_n3A_566 = arith.select %eq3A_519, %while3A_506, %broadcast_in_dim3A_33 : vector<16xf32>
          %add3A_567 = arith.addf %get3A_565, %select_n3A_566 : vector<16xf32>
          %get3A_568 = arith.index_cast %sub3A_518 : i32 to index
          %get3A_569 = arith.constant 128 : index
          %get3A_570 = tpu.vector_load %arg6[%get3A_568, %get3A_569] {strides = array<i32>} : memref<112x256xf32, #tpu.memory_space<vmem>>, vector<1x16xf32>,
          %get3A_571 = vector.shape_cast %get3A_570 : vector<1x16xf32> to vector<16xf32>
          %select_n3A_572 = arith.select %eq3A_519, %while3A_507, %broadcast_in_dim3A_33 : vector<16xf32>
          %add3A_573 = arith.addf %get3A_571, %select_n3A_572 : vector<16xf32>
          %get3A_574 = arith.index_cast %sub3A_518 : i32 to index
          %get3A_575 = arith.constant 144 : index
          %get3A_576 = tpu.vector_load %arg6[%get3A_574, %get3A_575] {strides = array<i32>} : memref<112x256xf32, #tpu.memory_space<vmem>>, vector<1x16xf32>,
          %get3A_577 = vector.shape_cast %get3A_576 : vector<1x16xf32> to vector<16xf32>
          %select_n3A_578 = arith.select %eq3A_519, %while3A_508, %broadcast_in_dim3A_33 : vector<16xf32>
          %add3A_579 = arith.addf %get3A_577, %select_n3A_578 : vector<16xf32>
          %get3A_580 = arith.index_cast %sub3A_518 : i32 to index
          %get3A_581 = arith.constant 160 : index
          %get3A_582 = tpu.vector_load %arg6[%get3A_580, %get3A_581] {strides = array<i32>} : memref<112x256xf32, #tpu.memory_space<vmem>>, vector<1x16xf32>,
          %get3A_583 = vector.shape_cast %get3A_582 : vector<1x16xf32> to vector<16xf32>
          %select_n3A_584 = arith.select %eq3A_519, %while3A_509, %broadcast_in_dim3A_33 : vector<16xf32>
          %add3A_585 = arith.addf %get3A_583, %select_n3A_584 : vector<16xf32>
          %get3A_586 = arith.index_cast %sub3A_518 : i32 to index
          %get3A_587 = arith.constant 176 : index
          %get3A_588 = tpu.vector_load %arg6[%get3A_586, %get3A_587] {strides = array<i32>} : memref<112x256xf32, #tpu.memory_space<vmem>>, vector<1x16xf32>,
          %get3A_589 = vector.shape_cast %get3A_588 : vector<1x16xf32> to vector<16xf32>
          %select_n3A_590 = arith.select %eq3A_519, %while3A_510, %broadcast_in_dim3A_33 : vector<16xf32>
          %add3A_591 = arith.addf %get3A_589, %select_n3A_590 : vector<16xf32>
          %get3A_592 = arith.index_cast %sub3A_518 : i32 to index
          %get3A_593 = arith.constant 192 : index
          %get3A_594 = tpu.vector_load %arg6[%get3A_592, %get3A_593] {strides = array<i32>} : memref<112x256xf32, #tpu.memory_space<vmem>>, vector<1x16xf32>,
          %get3A_595 = vector.shape_cast %get3A_594 : vector<1x16xf32> to vector<16xf32>
          %select_n3A_596 = arith.select %eq3A_519, %while3A_511, %broadcast_in_dim3A_33 : vector<16xf32>
          %add3A_597 = arith.addf %get3A_595, %select_n3A_596 : vector<16xf32>
          %get3A_598 = arith.index_cast %sub3A_518 : i32 to index
          %get3A_599 = arith.constant 208 : index
          %get3A_600 = tpu.vector_load %arg6[%get3A_598, %get3A_599] {strides = array<i32>} : memref<112x256xf32, #tpu.memory_space<vmem>>, vector<1x16xf32>,
          %get3A_601 = vector.shape_cast %get3A_600 : vector<1x16xf32> to vector<16xf32>
          %select_n3A_602 = arith.select %eq3A_519, %while3A_512, %broadcast_in_dim3A_33 : vector<16xf32>
          %add3A_603 = arith.addf %get3A_601, %select_n3A_602 : vector<16xf32>
          %get3A_604 = arith.index_cast %sub3A_518 : i32 to index
          %get3A_605 = arith.constant 224 : index
          %get3A_606 = tpu.vector_load %arg6[%get3A_604, %get3A_605] {strides = array<i32>} : memref<112x256xf32, #tpu.memory_space<vmem>>, vector<1x16xf32>,
          %get3A_607 = vector.shape_cast %get3A_606 : vector<1x16xf32> to vector<16xf32>
          %select_n3A_608 = arith.select %eq3A_519, %while3A_513, %broadcast_in_dim3A_33 : vector<16xf32>
          %add3A_609 = arith.addf %get3A_607, %select_n3A_608 : vector<16xf32>
          %get3A_610 = arith.index_cast %sub3A_518 : i32 to index
          %get3A_611 = arith.constant 240 : index
          %get3A_612 = tpu.vector_load %arg6[%get3A_610, %get3A_611] {strides = array<i32>} : memref<112x256xf32, #tpu.memory_space<vmem>>, vector<1x16xf32>,
          %get3A_613 = vector.shape_cast %get3A_612 : vector<1x16xf32> to vector<16xf32>
          %select_n3A_614 = arith.select %eq3A_519, %while3A_514, %broadcast_in_dim3A_33 : vector<16xf32>
          %add3A_615 = arith.addf %get3A_613, %select_n3A_614 : vector<16xf32>
          %sub3A_616 = arith.subi %squeeze3A, %add3A_119 : i32
          %swap3A_617 = arith.index_cast %sub3A_616 : i32 to index
          %swap3A_618 = arith.constant 0 : index
          %swap3A_619 = tpu.vector_load %arg8[%swap3A_617, %swap3A_618] {strides = array<i32>} : memref<128x256xf32, #tpu.memory_space<vmem>>, vector<1x16xf32>,
          %swap3A_620 = vector.shape_cast %swap3A_619 : vector<1x16xf32> to vector<16xf32>
          %swap3A_621 = vector.shape_cast %add3A_525 : vector<16xf32> to vector<1x16xf32>
          tpu.vector_store %arg8[%swap3A_617, %swap3A_618], %swap3A_621 {strides = array<i32>} : memref<128x256xf32, #tpu.memory_space<vmem>>, vector<1x16xf32>,
          %swap3A_622 = arith.index_cast %sub3A_616 : i32 to index
          %swap3A_623 = arith.constant 16 : index
          %swap3A_624 = tpu.vector_load %arg8[%swap3A_622, %swap3A_623] {strides = array<i32>} : memref<128x256xf32, #tpu.memory_space<vmem>>, vector<1x16xf32>,
          %swap3A_625 = vector.shape_cast %swap3A_624 : vector<1x16xf32> to vector<16xf32>
          %swap3A_626 = vector.shape_cast %add3A_531 : vector<16xf32> to vector<1x16xf32>
          tpu.vector_store %arg8[%swap3A_622, %swap3A_623], %swap3A_626 {strides = array<i32>} : memref<128x256xf32, #tpu.memory_space<vmem>>, vector<1x16xf32>,
          %swap3A_627 = arith.index_cast %sub3A_616 : i32 to index
          %swap3A_628 = arith.constant 32 : index
          %swap3A_629 = tpu.vector_load %arg8[%swap3A_627, %swap3A_628] {strides = array<i32>} : memref<128x256xf32, #tpu.memory_space<vmem>>, vector<1x16xf32>,
          %swap3A_630 = vector.shape_cast %swap3A_629 : vector<1x16xf32> to vector<16xf32>
          %swap3A_631 = vector.shape_cast %add3A_537 : vector<16xf32> to vector<1x16xf32>
          tpu.vector_store %arg8[%swap3A_627, %swap3A_628], %swap3A_631 {strides = array<i32>} : memref<128x256xf32, #tpu.memory_space<vmem>>, vector<1x16xf32>,
          %swap3A_632 = arith.index_cast %sub3A_616 : i32 to index
          %swap3A_633 = arith.constant 48 : index
          %swap3A_634 = tpu.vector_load %arg8[%swap3A_632, %swap3A_633] {strides = array<i32>} : memref<128x256xf32, #tpu.memory_space<vmem>>, vector<1x16xf32>,
          %swap3A_635 = vector.shape_cast %swap3A_634 : vector<1x16xf32> to vector<16xf32>
          %swap3A_636 = vector.shape_cast %add3A_543 : vector<16xf32> to vector<1x16xf32>
          tpu.vector_store %arg8[%swap3A_632, %swap3A_633], %swap3A_636 {strides = array<i32>} : memref<128x256xf32, #tpu.memory_space<vmem>>, vector<1x16xf32>,
          %swap3A_637 = arith.index_cast %sub3A_616 : i32 to index
          %swap3A_638 = arith.constant 64 : index
          %swap3A_639 = tpu.vector_load %arg8[%swap3A_637, %swap3A_638] {strides = array<i32>} : memref<128x256xf32, #tpu.memory_space<vmem>>, vector<1x16xf32>,
          %swap3A_640 = vector.shape_cast %swap3A_639 : vector<1x16xf32> to vector<16xf32>
          %swap3A_641 = vector.shape_cast %add3A_549 : vector<16xf32> to vector<1x16xf32>
          tpu.vector_store %arg8[%swap3A_637, %swap3A_638], %swap3A_641 {strides = array<i32>} : memref<128x256xf32, #tpu.memory_space<vmem>>, vector<1x16xf32>,
          %swap3A_642 = arith.index_cast %sub3A_616 : i32 to index
          %swap3A_643 = arith.constant 80 : index
          %swap3A_644 = tpu.vector_load %arg8[%swap3A_642, %swap3A_643] {strides = array<i32>} : memref<128x256xf32, #tpu.memory_space<vmem>>, vector<1x16xf32>,
          %swap3A_645 = vector.shape_cast %swap3A_644 : vector<1x16xf32> to vector<16xf32>
          %swap3A_646 = vector.shape_cast %add3A_555 : vector<16xf32> to vector<1x16xf32>
          tpu.vector_store %arg8[%swap3A_642, %swap3A_643], %swap3A_646 {strides = array<i32>} : memref<128x256xf32, #tpu.memory_space<vmem>>, vector<1x16xf32>,
          %swap3A_647 = arith.index_cast %sub3A_616 : i32 to index
          %swap3A_648 = arith.constant 96 : index
          %swap3A_649 = tpu.vector_load %arg8[%swap3A_647, %swap3A_648] {strides = array<i32>} : memref<128x256xf32, #tpu.memory_space<vmem>>, vector<1x16xf32>,
          %swap3A_650 = vector.shape_cast %swap3A_649 : vector<1x16xf32> to vector<16xf32>
          %swap3A_651 = vector.shape_cast %add3A_561 : vector<16xf32> to vector<1x16xf32>
          tpu.vector_store %arg8[%swap3A_647, %swap3A_648], %swap3A_651 {strides = array<i32>} : memref<128x256xf32, #tpu.memory_space<vmem>>, vector<1x16xf32>,
          %swap3A_652 = arith.index_cast %sub3A_616 : i32 to index
          %swap3A_653 = arith.constant 112 : index
          %swap3A_654 = tpu.vector_load %arg8[%swap3A_652, %swap3A_653] {strides = array<i32>} : memref<128x256xf32, #tpu.memory_space<vmem>>, vector<1x16xf32>,
          %swap3A_655 = vector.shape_cast %swap3A_654 : vector<1x16xf32> to vector<16xf32>
          %swap3A_656 = vector.shape_cast %add3A_567 : vector<16xf32> to vector<1x16xf32>
          tpu.vector_store %arg8[%swap3A_652, %swap3A_653], %swap3A_656 {strides = array<i32>} : memref<128x256xf32, #tpu.memory_space<vmem>>, vector<1x16xf32>,
          %swap3A_657 = arith.index_cast %sub3A_616 : i32 to index
          %swap3A_658 = arith.constant 128 : index
          %swap3A_659 = tpu.vector_load %arg8[%swap3A_657, %swap3A_658] {strides = array<i32>} : memref<128x256xf32, #tpu.memory_space<vmem>>, vector<1x16xf32>,
          %swap3A_660 = vector.shape_cast %swap3A_659 : vector<1x16xf32> to vector<16xf32>
          %swap3A_661 = vector.shape_cast %add3A_573 : vector<16xf32> to vector<1x16xf32>
          tpu.vector_store %arg8[%swap3A_657, %swap3A_658], %swap3A_661 {strides = array<i32>} : memref<128x256xf32, #tpu.memory_space<vmem>>, vector<1x16xf32>,
          %swap3A_662 = arith.index_cast %sub3A_616 : i32 to index
          %swap3A_663 = arith.constant 144 : index
          %swap3A_664 = tpu.vector_load %arg8[%swap3A_662, %swap3A_663] {strides = array<i32>} : memref<128x256xf32, #tpu.memory_space<vmem>>, vector<1x16xf32>,
          %swap3A_665 = vector.shape_cast %swap3A_664 : vector<1x16xf32> to vector<16xf32>
          %swap3A_666 = vector.shape_cast %add3A_579 : vector<16xf32> to vector<1x16xf32>
          tpu.vector_store %arg8[%swap3A_662, %swap3A_663], %swap3A_666 {strides = array<i32>} : memref<128x256xf32, #tpu.memory_space<vmem>>, vector<1x16xf32>,
          %swap3A_667 = arith.index_cast %sub3A_616 : i32 to index
          %swap3A_668 = arith.constant 160 : index
          %swap3A_669 = tpu.vector_load %arg8[%swap3A_667, %swap3A_668] {strides = array<i32>} : memref<128x256xf32, #tpu.memory_space<vmem>>, vector<1x16xf32>,
          %swap3A_670 = vector.shape_cast %swap3A_669 : vector<1x16xf32> to vector<16xf32>
          %swap3A_671 = vector.shape_cast %add3A_585 : vector<16xf32> to vector<1x16xf32>
          tpu.vector_store %arg8[%swap3A_667, %swap3A_668], %swap3A_671 {strides = array<i32>} : memref<128x256xf32, #tpu.memory_space<vmem>>, vector<1x16xf32>,
          %swap3A_672 = arith.index_cast %sub3A_616 : i32 to index
          %swap3A_673 = arith.constant 176 : index
          %swap3A_674 = tpu.vector_load %arg8[%swap3A_672, %swap3A_673] {strides = array<i32>} : memref<128x256xf32, #tpu.memory_space<vmem>>, vector<1x16xf32>,
          %swap3A_675 = vector.shape_cast %swap3A_674 : vector<1x16xf32> to vector<16xf32>
          %swap3A_676 = vector.shape_cast %add3A_591 : vector<16xf32> to vector<1x16xf32>
          tpu.vector_store %arg8[%swap3A_672, %swap3A_673], %swap3A_676 {strides = array<i32>} : memref<128x256xf32, #tpu.memory_space<vmem>>, vector<1x16xf32>,
          %swap3A_677 = arith.index_cast %sub3A_616 : i32 to index
          %swap3A_678 = arith.constant 192 : index
          %swap3A_679 = tpu.vector_load %arg8[%swap3A_677, %swap3A_678] {strides = array<i32>} : memref<128x256xf32, #tpu.memory_space<vmem>>, vector<1x16xf32>,
          %swap3A_680 = vector.shape_cast %swap3A_679 : vector<1x16xf32> to vector<16xf32>
          %swap3A_681 = vector.shape_cast %add3A_597 : vector<16xf32> to vector<1x16xf32>
          tpu.vector_store %arg8[%swap3A_677, %swap3A_678], %swap3A_681 {strides = array<i32>} : memref<128x256xf32, #tpu.memory_space<vmem>>, vector<1x16xf32>,
          %swap3A_682 = arith.index_cast %sub3A_616 : i32 to index
          %swap3A_683 = arith.constant 208 : index
          %swap3A_684 = tpu.vector_load %arg8[%swap3A_682, %swap3A_683] {strides = array<i32>} : memref<128x256xf32, #tpu.memory_space<vmem>>, vector<1x16xf32>,
          %swap3A_685 = vector.shape_cast %swap3A_684 : vector<1x16xf32> to vector<16xf32>
          %swap3A_686 = vector.shape_cast %add3A_603 : vector<16xf32> to vector<1x16xf32>
          tpu.vector_store %arg8[%swap3A_682, %swap3A_683], %swap3A_686 {strides = array<i32>} : memref<128x256xf32, #tpu.memory_space<vmem>>, vector<1x16xf32>,
          %swap3A_687 = arith.index_cast %sub3A_616 : i32 to index
          %swap3A_688 = arith.constant 224 : index
          %swap3A_689 = tpu.vector_load %arg8[%swap3A_687, %swap3A_688] {strides = array<i32>} : memref<128x256xf32, #tpu.memory_space<vmem>>, vector<1x16xf32>,
          %swap3A_690 = vector.shape_cast %swap3A_689 : vector<1x16xf32> to vector<16xf32>
          %swap3A_691 = vector.shape_cast %add3A_609 : vector<16xf32> to vector<1x16xf32>
          tpu.vector_store %arg8[%swap3A_687, %swap3A_688], %swap3A_691 {strides = array<i32>} : memref<128x256xf32, #tpu.memory_space<vmem>>, vector<1x16xf32>,
          %swap3A_692 = arith.index_cast %sub3A_616 : i32 to index
          %swap3A_693 = arith.constant 240 : index
          %swap3A_694 = tpu.vector_load %arg8[%swap3A_692, %swap3A_693] {strides = array<i32>} : memref<128x256xf32, #tpu.memory_space<vmem>>, vector<1x16xf32>,
          %swap3A_695 = vector.shape_cast %swap3A_694 : vector<1x16xf32> to vector<16xf32>
          %swap3A_696 = vector.shape_cast %add3A_615 : vector<16xf32> to vector<1x16xf32>
          tpu.vector_store %arg8[%swap3A_692, %swap3A_693], %swap3A_696 {strides = array<i32>} : memref<128x256xf32, #tpu.memory_space<vmem>>, vector<1x16xf32>,
          scf.yield %squeeze3A, %add3A_525, %add3A_531, %add3A_537, %add3A_543, %add3A_549, %add3A_555, %add3A_561, %add3A_567, %add3A_573, %add3A_579, %add3A_585, %add3A_591, %add3A_597, %add3A_603, %add3A_609, %add3A_615 : i32, vector<16xf32>, vector<16xf32>, vector<16xf32>, vector<16xf32>, vector<16xf32>, vector<16xf32>, vector<16xf32>, vector<16xf32>, vector<16xf32>, vector<16xf32>, vector<16xf32>, vector<16xf32>, vector<16xf32>, vector<16xf32>, vector<16xf32>, vector<16xf32>
        }
        %while3A_458 = arith.constant 1 : i32
        %while3A_459:17 = scf.for %while3A_497 = %while3A_455 to %while3A_451 step %while3A_458 iter_args(%while3A_498 = %while3A_457#0, %while3A_499 = %while3A_457#1, %while3A_500 = %while3A_457#2, %while3A_501 = %while3A_457#3, %while3A_502 = %while3A_457#4, %while3A_503 = %while3A_457#5, %while3A_504 = %while3A_457#6, %while3A_505 = %while3A_457#7, %while3A_506 = %while3A_457#8, %while3A_507 = %while3A_457#9, %while3A_508 = %while3A_457#10, %while3A_509 = %while3A_457#11, %while3A_510 = %while3A_457#12, %while3A_511 = %while3A_457#13, %while3A_512 = %while3A_457#14, %while3A_513 = %while3A_457#15, %while3A_514 = %while3A_457#16) -> (i32, vector<16xf32>, vector<16xf32>, vector<16xf32>, vector<16xf32>, vector<16xf32>, vector<16xf32>, vector<16xf32>, vector<16xf32>, vector<16xf32>, vector<16xf32>, vector<16xf32>, vector<16xf32>, vector<16xf32>, vector<16xf32>, vector<16xf32>, vector<16xf32>)  : i32 {
          %add3A_515 = arith.addi %max3A, %while3A_497 : i32
          %get3A = arith.index_cast %add3A_515 : i32 to index
          %get3A_516 = tpu.vector_load %arg5[%get3A] {strides = array<i32>} : memref<4112xi32, #tpu.memory_space<vmem>>, vector<16xi32>,
          %get3A_517 = vector.shape_cast %get3A_516 : vector<16xi32> to vector<16xi32>
          %slice3A = vector.extract_strided_slice %get3A_517 {offsets = [0], sizes = [1], strides = [1]} : vector<16xi32> to vector<1xi32>
          %squeeze3A = vector.extract %slice3A[0] : i32 from vector<1xi32>
          %sub3A_518 = arith.subi %add3A_515, %min3A_432 : i32
          %eq3A_519 = arith.cmpi eq, %squeeze3A, %while3A_498 : i32
          %get3A_520 = arith.index_cast %sub3A_518 : i32 to index
          %get3A_521 = arith.constant 0 : index
          %get3A_522 = tpu.vector_load %arg6[%get3A_520, %get3A_521] {strides = array<i32>} : memref<112x256xf32, #tpu.memory_space<vmem>>, vector<1x16xf32>,
          %get3A_523 = vector.shape_cast %get3A_522 : vector<1x16xf32> to vector<16xf32>
          %select_n3A_524 = arith.select %eq3A_519, %while3A_499, %broadcast_in_dim3A_33 : vector<16xf32>
          %add3A_525 = arith.addf %get3A_523, %select_n3A_524 : vector<16xf32>
          %get3A_526 = arith.index_cast %sub3A_518 : i32 to index
          %get3A_527 = arith.constant 16 : index
          %get3A_528 = tpu.vector_load %arg6[%get3A_526, %get3A_527] {strides = array<i32>} : memref<112x256xf32, #tpu.memory_space<vmem>>, vector<1x16xf32>,
          %get3A_529 = vector.shape_cast %get3A_528 : vector<1x16xf32> to vector<16xf32>
          %select_n3A_530 = arith.select %eq3A_519, %while3A_500, %broadcast_in_dim3A_33 : vector<16xf32>
          %add3A_531 = arith.addf %get3A_529, %select_n3A_530 : vector<16xf32>
          %get3A_532 = arith.index_cast %sub3A_518 : i32 to index
          %get3A_533 = arith.constant 32 : index
          %get3A_534 = tpu.vector_load %arg6[%get3A_532, %get3A_533] {strides = array<i32>} : memref<112x256xf32, #tpu.memory_space<vmem>>, vector<1x16xf32>,
          %get3A_535 = vector.shape_cast %get3A_534 : vector<1x16xf32> to vector<16xf32>
          %select_n3A_536 = arith.select %eq3A_519, %while3A_501, %broadcast_in_dim3A_33 : vector<16xf32>
          %add3A_537 = arith.addf %get3A_535, %select_n3A_536 : vector<16xf32>
          %get3A_538 = arith.index_cast %sub3A_518 : i32 to index
          %get3A_539 = arith.constant 48 : index
          %get3A_540 = tpu.vector_load %arg6[%get3A_538, %get3A_539] {strides = array<i32>} : memref<112x256xf32, #tpu.memory_space<vmem>>, vector<1x16xf32>,
          %get3A_541 = vector.shape_cast %get3A_540 : vector<1x16xf32> to vector<16xf32>
          %select_n3A_542 = arith.select %eq3A_519, %while3A_502, %broadcast_in_dim3A_33 : vector<16xf32>
          %add3A_543 = arith.addf %get3A_541, %select_n3A_542 : vector<16xf32>
          %get3A_544 = arith.index_cast %sub3A_518 : i32 to index
          %get3A_545 = arith.constant 64 : index
          %get3A_546 = tpu.vector_load %arg6[%get3A_544, %get3A_545] {strides = array<i32>} : memref<112x256xf32, #tpu.memory_space<vmem>>, vector<1x16xf32>,
          %get3A_547 = vector.shape_cast %get3A_546 : vector<1x16xf32> to vector<16xf32>
          %select_n3A_548 = arith.select %eq3A_519, %while3A_503, %broadcast_in_dim3A_33 : vector<16xf32>
          %add3A_549 = arith.addf %get3A_547, %select_n3A_548 : vector<16xf32>
          %get3A_550 = arith.index_cast %sub3A_518 : i32 to index
          %get3A_551 = arith.constant 80 : index
          %get3A_552 = tpu.vector_load %arg6[%get3A_550, %get3A_551] {strides = array<i32>} : memref<112x256xf32, #tpu.memory_space<vmem>>, vector<1x16xf32>,
          %get3A_553 = vector.shape_cast %get3A_552 : vector<1x16xf32> to vector<16xf32>
          %select_n3A_554 = arith.select %eq3A_519, %while3A_504, %broadcast_in_dim3A_33 : vector<16xf32>
          %add3A_555 = arith.addf %get3A_553, %select_n3A_554 : vector<16xf32>
          %get3A_556 = arith.index_cast %sub3A_518 : i32 to index
          %get3A_557 = arith.constant 96 : index
          %get3A_558 = tpu.vector_load %arg6[%get3A_556, %get3A_557] {strides = array<i32>} : memref<112x256xf32, #tpu.memory_space<vmem>>, vector<1x16xf32>,
          %get3A_559 = vector.shape_cast %get3A_558 : vector<1x16xf32> to vector<16xf32>
          %select_n3A_560 = arith.select %eq3A_519, %while3A_505, %broadcast_in_dim3A_33 : vector<16xf32>
          %add3A_561 = arith.addf %get3A_559, %select_n3A_560 : vector<16xf32>
          %get3A_562 = arith.index_cast %sub3A_518 : i32 to index
          %get3A_563 = arith.constant 112 : index
          %get3A_564 = tpu.vector_load %arg6[%get3A_562, %get3A_563] {strides = array<i32>} : memref<112x256xf32, #tpu.memory_space<vmem>>, vector<1x16xf32>,
          %get3A_565 = vector.shape_cast %get3A_564 : vector<1x16xf32> to vector<16xf32>
          %select_n3A_566 = arith.select %eq3A_519, %while3A_506, %broadcast_in_dim3A_33 : vector<16xf32>
          %add3A_567 = arith.addf %get3A_565, %select_n3A_566 : vector<16xf32>
          %get3A_568 = arith.index_cast %sub3A_518 : i32 to index
          %get3A_569 = arith.constant 128 : index
          %get3A_570 = tpu.vector_load %arg6[%get3A_568, %get3A_569] {strides = array<i32>} : memref<112x256xf32, #tpu.memory_space<vmem>>, vector<1x16xf32>,
          %get3A_571 = vector.shape_cast %get3A_570 : vector<1x16xf32> to vector<16xf32>
          %select_n3A_572 = arith.select %eq3A_519, %while3A_507, %broadcast_in_dim3A_33 : vector<16xf32>
          %add3A_573 = arith.addf %get3A_571, %select_n3A_572 : vector<16xf32>
          %get3A_574 = arith.index_cast %sub3A_518 : i32 to index
          %get3A_575 = arith.constant 144 : index
          %get3A_576 = tpu.vector_load %arg6[%get3A_574, %get3A_575] {strides = array<i32>} : memref<112x256xf32, #tpu.memory_space<vmem>>, vector<1x16xf32>,
          %get3A_577 = vector.shape_cast %get3A_576 : vector<1x16xf32> to vector<16xf32>
          %select_n3A_578 = arith.select %eq3A_519, %while3A_508, %broadcast_in_dim3A_33 : vector<16xf32>
          %add3A_579 = arith.addf %get3A_577, %select_n3A_578 : vector<16xf32>
          %get3A_580 = arith.index_cast %sub3A_518 : i32 to index
          %get3A_581 = arith.constant 160 : index
          %get3A_582 = tpu.vector_load %arg6[%get3A_580, %get3A_581] {strides = array<i32>} : memref<112x256xf32, #tpu.memory_space<vmem>>, vector<1x16xf32>,
          %get3A_583 = vector.shape_cast %get3A_582 : vector<1x16xf32> to vector<16xf32>
          %select_n3A_584 = arith.select %eq3A_519, %while3A_509, %broadcast_in_dim3A_33 : vector<16xf32>
          %add3A_585 = arith.addf %get3A_583, %select_n3A_584 : vector<16xf32>
          %get3A_586 = arith.index_cast %sub3A_518 : i32 to index
          %get3A_587 = arith.constant 176 : index
          %get3A_588 = tpu.vector_load %arg6[%get3A_586, %get3A_587] {strides = array<i32>} : memref<112x256xf32, #tpu.memory_space<vmem>>, vector<1x16xf32>,
          %get3A_589 = vector.shape_cast %get3A_588 : vector<1x16xf32> to vector<16xf32>
          %select_n3A_590 = arith.select %eq3A_519, %while3A_510, %broadcast_in_dim3A_33 : vector<16xf32>
          %add3A_591 = arith.addf %get3A_589, %select_n3A_590 : vector<16xf32>
          %get3A_592 = arith.index_cast %sub3A_518 : i32 to index
          %get3A_593 = arith.constant 192 : index
          %get3A_594 = tpu.vector_load %arg6[%get3A_592, %get3A_593] {strides = array<i32>} : memref<112x256xf32, #tpu.memory_space<vmem>>, vector<1x16xf32>,
          %get3A_595 = vector.shape_cast %get3A_594 : vector<1x16xf32> to vector<16xf32>
          %select_n3A_596 = arith.select %eq3A_519, %while3A_511, %broadcast_in_dim3A_33 : vector<16xf32>
          %add3A_597 = arith.addf %get3A_595, %select_n3A_596 : vector<16xf32>
          %get3A_598 = arith.index_cast %sub3A_518 : i32 to index
          %get3A_599 = arith.constant 208 : index
          %get3A_600 = tpu.vector_load %arg6[%get3A_598, %get3A_599] {strides = array<i32>} : memref<112x256xf32, #tpu.memory_space<vmem>>, vector<1x16xf32>,
          %get3A_601 = vector.shape_cast %get3A_600 : vector<1x16xf32> to vector<16xf32>
          %select_n3A_602 = arith.select %eq3A_519, %while3A_512, %broadcast_in_dim3A_33 : vector<16xf32>
          %add3A_603 = arith.addf %get3A_601, %select_n3A_602 : vector<16xf32>
          %get3A_604 = arith.index_cast %sub3A_518 : i32 to index
          %get3A_605 = arith.constant 224 : index
          %get3A_606 = tpu.vector_load %arg6[%get3A_604, %get3A_605] {strides = array<i32>} : memref<112x256xf32, #tpu.memory_space<vmem>>, vector<1x16xf32>,
          %get3A_607 = vector.shape_cast %get3A_606 : vector<1x16xf32> to vector<16xf32>
          %select_n3A_608 = arith.select %eq3A_519, %while3A_513, %broadcast_in_dim3A_33 : vector<16xf32>
          %add3A_609 = arith.addf %get3A_607, %select_n3A_608 : vector<16xf32>
          %get3A_610 = arith.index_cast %sub3A_518 : i32 to index
          %get3A_611 = arith.constant 240 : index
          %get3A_612 = tpu.vector_load %arg6[%get3A_610, %get3A_611] {strides = array<i32>} : memref<112x256xf32, #tpu.memory_space<vmem>>, vector<1x16xf32>,
          %get3A_613 = vector.shape_cast %get3A_612 : vector<1x16xf32> to vector<16xf32>
          %select_n3A_614 = arith.select %eq3A_519, %while3A_514, %broadcast_in_dim3A_33 : vector<16xf32>
          %add3A_615 = arith.addf %get3A_613, %select_n3A_614 : vector<16xf32>
          %sub3A_616 = arith.subi %squeeze3A, %add3A_119 : i32
          %swap3A_617 = arith.index_cast %sub3A_616 : i32 to index
          %swap3A_618 = arith.constant 0 : index
          %swap3A_619 = tpu.vector_load %arg8[%swap3A_617, %swap3A_618] {strides = array<i32>} : memref<128x256xf32, #tpu.memory_space<vmem>>, vector<1x16xf32>,
          %swap3A_620 = vector.shape_cast %swap3A_619 : vector<1x16xf32> to vector<16xf32>
          %swap3A_621 = vector.shape_cast %add3A_525 : vector<16xf32> to vector<1x16xf32>
          tpu.vector_store %arg8[%swap3A_617, %swap3A_618], %swap3A_621 {strides = array<i32>} : memref<128x256xf32, #tpu.memory_space<vmem>>, vector<1x16xf32>,
          %swap3A_622 = arith.index_cast %sub3A_616 : i32 to index
          %swap3A_623 = arith.constant 16 : index
          %swap3A_624 = tpu.vector_load %arg8[%swap3A_622, %swap3A_623] {strides = array<i32>} : memref<128x256xf32, #tpu.memory_space<vmem>>, vector<1x16xf32>,
          %swap3A_625 = vector.shape_cast %swap3A_624 : vector<1x16xf32> to vector<16xf32>
          %swap3A_626 = vector.shape_cast %add3A_531 : vector<16xf32> to vector<1x16xf32>
          tpu.vector_store %arg8[%swap3A_622, %swap3A_623], %swap3A_626 {strides = array<i32>} : memref<128x256xf32, #tpu.memory_space<vmem>>, vector<1x16xf32>,
          %swap3A_627 = arith.index_cast %sub3A_616 : i32 to index
          %swap3A_628 = arith.constant 32 : index
          %swap3A_629 = tpu.vector_load %arg8[%swap3A_627, %swap3A_628] {strides = array<i32>} : memref<128x256xf32, #tpu.memory_space<vmem>>, vector<1x16xf32>,
          %swap3A_630 = vector.shape_cast %swap3A_629 : vector<1x16xf32> to vector<16xf32>
          %swap3A_631 = vector.shape_cast %add3A_537 : vector<16xf32> to vector<1x16xf32>
          tpu.vector_store %arg8[%swap3A_627, %swap3A_628], %swap3A_631 {strides = array<i32>} : memref<128x256xf32, #tpu.memory_space<vmem>>, vector<1x16xf32>,
          %swap3A_632 = arith.index_cast %sub3A_616 : i32 to index
          %swap3A_633 = arith.constant 48 : index
          %swap3A_634 = tpu.vector_load %arg8[%swap3A_632, %swap3A_633] {strides = array<i32>} : memref<128x256xf32, #tpu.memory_space<vmem>>, vector<1x16xf32>,
          %swap3A_635 = vector.shape_cast %swap3A_634 : vector<1x16xf32> to vector<16xf32>
          %swap3A_636 = vector.shape_cast %add3A_543 : vector<16xf32> to vector<1x16xf32>
          tpu.vector_store %arg8[%swap3A_632, %swap3A_633], %swap3A_636 {strides = array<i32>} : memref<128x256xf32, #tpu.memory_space<vmem>>, vector<1x16xf32>,
          %swap3A_637 = arith.index_cast %sub3A_616 : i32 to index
          %swap3A_638 = arith.constant 64 : index
          %swap3A_639 = tpu.vector_load %arg8[%swap3A_637, %swap3A_638] {strides = array<i32>} : memref<128x256xf32, #tpu.memory_space<vmem>>, vector<1x16xf32>,
          %swap3A_640 = vector.shape_cast %swap3A_639 : vector<1x16xf32> to vector<16xf32>
          %swap3A_641 = vector.shape_cast %add3A_549 : vector<16xf32> to vector<1x16xf32>
          tpu.vector_store %arg8[%swap3A_637, %swap3A_638], %swap3A_641 {strides = array<i32>} : memref<128x256xf32, #tpu.memory_space<vmem>>, vector<1x16xf32>,
          %swap3A_642 = arith.index_cast %sub3A_616 : i32 to index
          %swap3A_643 = arith.constant 80 : index
          %swap3A_644 = tpu.vector_load %arg8[%swap3A_642, %swap3A_643] {strides = array<i32>} : memref<128x256xf32, #tpu.memory_space<vmem>>, vector<1x16xf32>,
          %swap3A_645 = vector.shape_cast %swap3A_644 : vector<1x16xf32> to vector<16xf32>
          %swap3A_646 = vector.shape_cast %add3A_555 : vector<16xf32> to vector<1x16xf32>
          tpu.vector_store %arg8[%swap3A_642, %swap3A_643], %swap3A_646 {strides = array<i32>} : memref<128x256xf32, #tpu.memory_space<vmem>>, vector<1x16xf32>,
          %swap3A_647 = arith.index_cast %sub3A_616 : i32 to index
          %swap3A_648 = arith.constant 96 : index
          %swap3A_649 = tpu.vector_load %arg8[%swap3A_647, %swap3A_648] {strides = array<i32>} : memref<128x256xf32, #tpu.memory_space<vmem>>, vector<1x16xf32>,
          %swap3A_650 = vector.shape_cast %swap3A_649 : vector<1x16xf32> to vector<16xf32>
          %swap3A_651 = vector.shape_cast %add3A_561 : vector<16xf32> to vector<1x16xf32>
          tpu.vector_store %arg8[%swap3A_647, %swap3A_648], %swap3A_651 {strides = array<i32>} : memref<128x256xf32, #tpu.memory_space<vmem>>, vector<1x16xf32>,
          %swap3A_652 = arith.index_cast %sub3A_616 : i32 to index
          %swap3A_653 = arith.constant 112 : index
          %swap3A_654 = tpu.vector_load %arg8[%swap3A_652, %swap3A_653] {strides = array<i32>} : memref<128x256xf32, #tpu.memory_space<vmem>>, vector<1x16xf32>,
          %swap3A_655 = vector.shape_cast %swap3A_654 : vector<1x16xf32> to vector<16xf32>
          %swap3A_656 = vector.shape_cast %add3A_567 : vector<16xf32> to vector<1x16xf32>
          tpu.vector_store %arg8[%swap3A_652, %swap3A_653], %swap3A_656 {strides = array<i32>} : memref<128x256xf32, #tpu.memory_space<vmem>>, vector<1x16xf32>,
          %swap3A_657 = arith.index_cast %sub3A_616 : i32 to index
          %swap3A_658 = arith.constant 128 : index
          %swap3A_659 = tpu.vector_load %arg8[%swap3A_657, %swap3A_658] {strides = array<i32>} : memref<128x256xf32, #tpu.memory_space<vmem>>, vector<1x16xf32>,
          %swap3A_660 = vector.shape_cast %swap3A_659 : vector<1x16xf32> to vector<16xf32>
          %swap3A_661 = vector.shape_cast %add3A_573 : vector<16xf32> to vector<1x16xf32>
          tpu.vector_store %arg8[%swap3A_657, %swap3A_658], %swap3A_661 {strides = array<i32>} : memref<128x256xf32, #tpu.memory_space<vmem>>, vector<1x16xf32>,
          %swap3A_662 = arith.index_cast %sub3A_616 : i32 to index
          %swap3A_663 = arith.constant 144 : index
          %swap3A_664 = tpu.vector_load %arg8[%swap3A_662, %swap3A_663] {strides = array<i32>} : memref<128x256xf32, #tpu.memory_space<vmem>>, vector<1x16xf32>,
          %swap3A_665 = vector.shape_cast %swap3A_664 : vector<1x16xf32> to vector<16xf32>
          %swap3A_666 = vector.shape_cast %add3A_579 : vector<16xf32> to vector<1x16xf32>
          tpu.vector_store %arg8[%swap3A_662, %swap3A_663], %swap3A_666 {strides = array<i32>} : memref<128x256xf32, #tpu.memory_space<vmem>>, vector<1x16xf32>,
          %swap3A_667 = arith.index_cast %sub3A_616 : i32 to index
          %swap3A_668 = arith.constant 160 : index
          %swap3A_669 = tpu.vector_load %arg8[%swap3A_667, %swap3A_668] {strides = array<i32>} : memref<128x256xf32, #tpu.memory_space<vmem>>, vector<1x16xf32>,
          %swap3A_670 = vector.shape_cast %swap3A_669 : vector<1x16xf32> to vector<16xf32>
          %swap3A_671 = vector.shape_cast %add3A_585 : vector<16xf32> to vector<1x16xf32>
          tpu.vector_store %arg8[%swap3A_667, %swap3A_668], %swap3A_671 {strides = array<i32>} : memref<128x256xf32, #tpu.memory_space<vmem>>, vector<1x16xf32>,
          %swap3A_672 = arith.index_cast %sub3A_616 : i32 to index
          %swap3A_673 = arith.constant 176 : index
          %swap3A_674 = tpu.vector_load %arg8[%swap3A_672, %swap3A_673] {strides = array<i32>} : memref<128x256xf32, #tpu.memory_space<vmem>>, vector<1x16xf32>,
          %swap3A_675 = vector.shape_cast %swap3A_674 : vector<1x16xf32> to vector<16xf32>
          %swap3A_676 = vector.shape_cast %add3A_591 : vector<16xf32> to vector<1x16xf32>
          tpu.vector_store %arg8[%swap3A_672, %swap3A_673], %swap3A_676 {strides = array<i32>} : memref<128x256xf32, #tpu.memory_space<vmem>>, vector<1x16xf32>,
          %swap3A_677 = arith.index_cast %sub3A_616 : i32 to index
          %swap3A_678 = arith.constant 192 : index
          %swap3A_679 = tpu.vector_load %arg8[%swap3A_677, %swap3A_678] {strides = array<i32>} : memref<128x256xf32, #tpu.memory_space<vmem>>, vector<1x16xf32>,
          %swap3A_680 = vector.shape_cast %swap3A_679 : vector<1x16xf32> to vector<16xf32>
          %swap3A_681 = vector.shape_cast %add3A_597 : vector<16xf32> to vector<1x16xf32>
          tpu.vector_store %arg8[%swap3A_677, %swap3A_678], %swap3A_681 {strides = array<i32>} : memref<128x256xf32, #tpu.memory_space<vmem>>, vector<1x16xf32>,
          %swap3A_682 = arith.index_cast %sub3A_616 : i32 to index
          %swap3A_683 = arith.constant 208 : index
          %swap3A_684 = tpu.vector_load %arg8[%swap3A_682, %swap3A_683] {strides = array<i32>} : memref<128x256xf32, #tpu.memory_space<vmem>>, vector<1x16xf32>,
          %swap3A_685 = vector.shape_cast %swap3A_684 : vector<1x16xf32> to vector<16xf32>
          %swap3A_686 = vector.shape_cast %add3A_603 : vector<16xf32> to vector<1x16xf32>
          tpu.vector_store %arg8[%swap3A_682, %swap3A_683], %swap3A_686 {strides = array<i32>} : memref<128x256xf32, #tpu.memory_space<vmem>>, vector<1x16xf32>,
          %swap3A_687 = arith.index_cast %sub3A_616 : i32 to index
          %swap3A_688 = arith.constant 224 : index
          %swap3A_689 = tpu.vector_load %arg8[%swap3A_687, %swap3A_688] {strides = array<i32>} : memref<128x256xf32, #tpu.memory_space<vmem>>, vector<1x16xf32>,
          %swap3A_690 = vector.shape_cast %swap3A_689 : vector<1x16xf32> to vector<16xf32>
          %swap3A_691 = vector.shape_cast %add3A_609 : vector<16xf32> to vector<1x16xf32>
          tpu.vector_store %arg8[%swap3A_687, %swap3A_688], %swap3A_691 {strides = array<i32>} : memref<128x256xf32, #tpu.memory_space<vmem>>, vector<1x16xf32>,
          %swap3A_692 = arith.index_cast %sub3A_616 : i32 to index
          %swap3A_693 = arith.constant 240 : index
          %swap3A_694 = tpu.vector_load %arg8[%swap3A_692, %swap3A_693] {strides = array<i32>} : memref<128x256xf32, #tpu.memory_space<vmem>>, vector<1x16xf32>,
          %swap3A_695 = vector.shape_cast %swap3A_694 : vector<1x16xf32> to vector<16xf32>
          %swap3A_696 = vector.shape_cast %add3A_615 : vector<16xf32> to vector<1x16xf32>
          tpu.vector_store %arg8[%swap3A_692, %swap3A_693], %swap3A_696 {strides = array<i32>} : memref<128x256xf32, #tpu.memory_space<vmem>>, vector<1x16xf32>,
          scf.yield %squeeze3A, %add3A_525, %add3A_531, %add3A_537, %add3A_543, %add3A_549, %add3A_555, %add3A_561, %add3A_567, %add3A_573, %add3A_579, %add3A_585, %add3A_591, %add3A_597, %add3A_603, %add3A_609, %add3A_615 : i32, vector<16xf32>, vector<16xf32>, vector<16xf32>, vector<16xf32>, vector<16xf32>, vector<16xf32>, vector<16xf32>, vector<16xf32>, vector<16xf32>, vector<16xf32>, vector<16xf32>, vector<16xf32>, vector<16xf32>, vector<16xf32>, vector<16xf32>, vector<16xf32>
        }
        %mul3A_460 = arith.constant 2 : i32
        %mul3A_461 = arith.muli %mul3A_460, %while3A_406 : i32
        %add3A_462 = arith.constant 1 : i32
        %add3A_463 = arith.addi %mul3A_461, %add3A_462 : i32
        %mul3A_464 = arith.constant 112 : i32
        %mul3A_465 = arith.muli %add3A_463, %mul3A_464 : i32
        %add3A_466 = arith.addi %and3A_62, %mul3A_465 : i32
        %min3A_467 = arith.constant 3984 : i32
        %min3A_468 = arith.minsi %add3A_466, %min3A_467 : i32
        %max3A_469 = arith.maxsi %scan3A_111, %add3A_466 : i32
        %add3A_470 = arith.constant 112 : i32
        %add3A_471 = arith.addi %add3A_466, %add3A_470 : i32
        %min3A_472 = arith.minsi %scan3A_128#0, %add3A_471 : i32
        %sub3A_473 = arith.subi %min3A_472, %max3A_469 : i32
        %jit3A_474 = arith.constant 0 : i32
        %jit3A_475 = arith.constant 112 : i32
        %max3A_476 = arith.maxsi %jit3A_474, %sub3A_473 : i32
        %min3A_477 = arith.minsi %jit3A_475, %max3A_476 : i32
        %gt3A_478 = arith.cmpi sgt, %add3A_463, %select_n3A_448 : i32
        %gt3A_479 = arith.constant 0 : i32
        %gt3A_480 = arith.cmpi sgt, %min3A_477, %gt3A_479 : i32
        %and3A_481 = arith.andi %gt3A_478, %gt3A_480 : i1
        %convert_element_type3A_482 = arith.extui %and3A_481 : i1 to i32
        %cond3A_483 = arith.constant 0 : i32
        %cond3A_484 = arith.cmpi ne, %convert_element_type3A_482, %cond3A_483 : i32
        scf.if %cond3A_484 {
          %mul3A_497 = arith.constant 112 : i32
          %mul3A_498 = arith.muli %add3A_463, %mul3A_497 : i32
          %add3A_499 = arith.addi %and3A_62, %mul3A_498 : i32
          %min3A_500 = arith.constant 3984 : i32
          %min3A_501 = arith.minsi %add3A_499, %min3A_500 : i32
          %multiple_of3A_502 = tpu.assume_multiple %min3A_501, 8 : i32
          %dma_wait3A_503 = arith.constant 0 : i32
          %dma_wait3A_504 = tpu.memref_slice %arg2[%select_n3A, %multiple_of3A_502, %dma_wait3A_503] : memref<16x4096x256xf32, #tpu.memory_space<hbm>> -> memref<1x112x256xf32, #tpu.memory_space<hbm>>
          %dma_wait3A_505 = tpu.memref_squeeze %dma_wait3A_504 : memref<1x112x256xf32, #tpu.memory_space<hbm>> -> memref<112x256xf32, #tpu.memory_space<hbm>>
          %dma_wait3A_506 = arith.constant 0 : i32
          %dma_wait3A_507 = tpu.memref_slice %arg2[%select_n3A, %multiple_of3A_502, %dma_wait3A_506] : memref<16x4096x256xf32, #tpu.memory_space<hbm>> -> memref<1x112x256xf32, #tpu.memory_space<hbm>>
          %dma_wait3A_508 = tpu.memref_squeeze %dma_wait3A_507 : memref<1x112x256xf32, #tpu.memory_space<hbm>> -> memref<112x256xf32, #tpu.memory_space<hbm>>
          tpu.wait_dma2 semaphore(%arg12 : memref<!tpu.dma_semaphore, #tpu.memory_space<semaphore_mem>>) src(%dma_wait3A_508 : memref<112x256xf32, #tpu.memory_space<hbm>>) dst(%arg7 : memref<112x256xf32, #tpu.memory_space<vmem>>)
          %add3A_509 = arith.constant 1 : i32
          %add3A_510 = arith.addi %add3A_463, %add3A_509 : i32
          %lt3A_511 = arith.cmpi slt, %add3A_510, %select_n3A_91 : i32
          %convert_element_type3A_512 = arith.extui %lt3A_511 : i1 to i32
          %cond3A_513 = arith.constant 0 : i32
          %cond3A_514 = arith.cmpi ne, %convert_element_type3A_512, %cond3A_513 : i32
          scf.if %cond3A_514 {
            %add3A_515 = arith.constant 1 : i32
            %add3A_516 = arith.addi %add3A_463, %add3A_515 : i32
            %mul3A_517 = arith.constant 112 : i32
            %mul3A_518 = arith.muli %add3A_516, %mul3A_517 : i32
            %add3A_519 = arith.addi %and3A_62, %mul3A_518 : i32
            %min3A_520 = arith.constant 3984 : i32
            %min3A_521 = arith.minsi %add3A_519, %min3A_520 : i32
            %multiple_of3A_522 = tpu.assume_multiple %min3A_521, 8 : i32
            %dma_start3A_523 = arith.constant 0 : i32
            %dma_start3A_524 = tpu.memref_slice %arg2[%select_n3A, %multiple_of3A_522, %dma_start3A_523] : memref<16x4096x256xf32, #tpu.memory_space<hbm>> -> memref<1x112x256xf32, #tpu.memory_space<hbm>>
            %dma_start3A_525 = tpu.memref_squeeze %dma_start3A_524 : memref<1x112x256xf32, #tpu.memory_space<hbm>> -> memref<112x256xf32, #tpu.memory_space<hbm>>
            %dma_start3A_526 = arith.constant 0 : i32
            %dma_start3A_527 = tpu.memref_slice %arg2[%select_n3A, %multiple_of3A_522, %dma_start3A_526] : memref<16x4096x256xf32, #tpu.memory_space<hbm>> -> memref<1x112x256xf32, #tpu.memory_space<hbm>>
            %dma_start3A_528 = tpu.memref_squeeze %dma_start3A_527 : memref<1x112x256xf32, #tpu.memory_space<hbm>> -> memref<112x256xf32, #tpu.memory_space<hbm>>
            tpu.enqueue_dma source(%dma_start3A_528 : memref<112x256xf32, #tpu.memory_space<hbm>>) target(%arg6 : memref<112x256xf32, #tpu.memory_space<vmem>>) target_semaphore(%arg11 : memref<!tpu.dma_semaphore, #tpu.memory_space<semaphore_mem>>)
          } else {
          }
        } else {
        }
        %select_n3A_485 = arith.select %and3A_481, %add3A_463, %select_n3A_448 : i32
        %while3A_486 = arith.constant 0 : i32
        %while3A_487 = arith.subi %min3A_477, %while3A_486 : i32
        %while3A_488 = arith.addi %while3A_486, %while3A_487 : i32
        %while3A_489 = arith.constant 1 : i32
        %while3A_490 = arith.divsi %while3A_487, %while3A_489 : i32
        %while3A_491 = arith.muli %while3A_490, %while3A_489 : i32
        %while3A_492 = arith.addi %while3A_486, %while3A_491 : i32
        %while3A_493 = arith.constant 1 : i32
        %while3A_494:17 = scf.for %while3A_497 = %while3A_486 to %while3A_492 step %while3A_493 iter_args(%while3A_498 = %while3A_459#0, %while3A_499 = %while3A_459#1, %while3A_500 = %while3A_459#2, %while3A_501 = %while3A_459#3, %while3A_502 = %while3A_459#4, %while3A_503 = %while3A_459#5, %while3A_504 = %while3A_459#6, %while3A_505 = %while3A_459#7, %while3A_506 = %while3A_459#8, %while3A_507 = %while3A_459#9, %while3A_508 = %while3A_459#10, %while3A_509 = %while3A_459#11, %while3A_510 = %while3A_459#12, %while3A_511 = %while3A_459#13, %while3A_512 = %while3A_459#14, %while3A_513 = %while3A_459#15, %while3A_514 = %while3A_459#16) -> (i32, vector<16xf32>, vector<16xf32>, vector<16xf32>, vector<16xf32>, vector<16xf32>, vector<16xf32>, vector<16xf32>, vector<16xf32>, vector<16xf32>, vector<16xf32>, vector<16xf32>, vector<16xf32>, vector<16xf32>, vector<16xf32>, vector<16xf32>, vector<16xf32>)  : i32 {
          %add3A_515 = arith.addi %max3A_469, %while3A_497 : i32
          %get3A = arith.index_cast %add3A_515 : i32 to index
          %get3A_516 = tpu.vector_load %arg5[%get3A] {strides = array<i32>} : memref<4112xi32, #tpu.memory_space<vmem>>, vector<16xi32>,
          %get3A_517 = vector.shape_cast %get3A_516 : vector<16xi32> to vector<16xi32>
          %slice3A = vector.extract_strided_slice %get3A_517 {offsets = [0], sizes = [1], strides = [1]} : vector<16xi32> to vector<1xi32>
          %squeeze3A = vector.extract %slice3A[0] : i32 from vector<1xi32>
          %sub3A_518 = arith.subi %add3A_515, %min3A_468 : i32
          %eq3A_519 = arith.cmpi eq, %squeeze3A, %while3A_498 : i32
          %get3A_520 = arith.index_cast %sub3A_518 : i32 to index
          %get3A_521 = arith.constant 0 : index
          %get3A_522 = tpu.vector_load %arg7[%get3A_520, %get3A_521] {strides = array<i32>} : memref<112x256xf32, #tpu.memory_space<vmem>>, vector<1x16xf32>,
          %get3A_523 = vector.shape_cast %get3A_522 : vector<1x16xf32> to vector<16xf32>
          %select_n3A_524 = arith.select %eq3A_519, %while3A_499, %broadcast_in_dim3A_33 : vector<16xf32>
          %add3A_525 = arith.addf %get3A_523, %select_n3A_524 : vector<16xf32>
          %get3A_526 = arith.index_cast %sub3A_518 : i32 to index
          %get3A_527 = arith.constant 16 : index
          %get3A_528 = tpu.vector_load %arg7[%get3A_526, %get3A_527] {strides = array<i32>} : memref<112x256xf32, #tpu.memory_space<vmem>>, vector<1x16xf32>,
          %get3A_529 = vector.shape_cast %get3A_528 : vector<1x16xf32> to vector<16xf32>
          %select_n3A_530 = arith.select %eq3A_519, %while3A_500, %broadcast_in_dim3A_33 : vector<16xf32>
          %add3A_531 = arith.addf %get3A_529, %select_n3A_530 : vector<16xf32>
          %get3A_532 = arith.index_cast %sub3A_518 : i32 to index
          %get3A_533 = arith.constant 32 : index
          %get3A_534 = tpu.vector_load %arg7[%get3A_532, %get3A_533] {strides = array<i32>} : memref<112x256xf32, #tpu.memory_space<vmem>>, vector<1x16xf32>,
          %get3A_535 = vector.shape_cast %get3A_534 : vector<1x16xf32> to vector<16xf32>
          %select_n3A_536 = arith.select %eq3A_519, %while3A_501, %broadcast_in_dim3A_33 : vector<16xf32>
          %add3A_537 = arith.addf %get3A_535, %select_n3A_536 : vector<16xf32>
          %get3A_538 = arith.index_cast %sub3A_518 : i32 to index
          %get3A_539 = arith.constant 48 : index
          %get3A_540 = tpu.vector_load %arg7[%get3A_538, %get3A_539] {strides = array<i32>} : memref<112x256xf32, #tpu.memory_space<vmem>>, vector<1x16xf32>,
          %get3A_541 = vector.shape_cast %get3A_540 : vector<1x16xf32> to vector<16xf32>
          %select_n3A_542 = arith.select %eq3A_519, %while3A_502, %broadcast_in_dim3A_33 : vector<16xf32>
          %add3A_543 = arith.addf %get3A_541, %select_n3A_542 : vector<16xf32>
          %get3A_544 = arith.index_cast %sub3A_518 : i32 to index
          %get3A_545 = arith.constant 64 : index
          %get3A_546 = tpu.vector_load %arg7[%get3A_544, %get3A_545] {strides = array<i32>} : memref<112x256xf32, #tpu.memory_space<vmem>>, vector<1x16xf32>,
          %get3A_547 = vector.shape_cast %get3A_546 : vector<1x16xf32> to vector<16xf32>
          %select_n3A_548 = arith.select %eq3A_519, %while3A_503, %broadcast_in_dim3A_33 : vector<16xf32>
          %add3A_549 = arith.addf %get3A_547, %select_n3A_548 : vector<16xf32>
          %get3A_550 = arith.index_cast %sub3A_518 : i32 to index
          %get3A_551 = arith.constant 80 : index
          %get3A_552 = tpu.vector_load %arg7[%get3A_550, %get3A_551] {strides = array<i32>} : memref<112x256xf32, #tpu.memory_space<vmem>>, vector<1x16xf32>,
          %get3A_553 = vector.shape_cast %get3A_552 : vector<1x16xf32> to vector<16xf32>
          %select_n3A_554 = arith.select %eq3A_519, %while3A_504, %broadcast_in_dim3A_33 : vector<16xf32>
          %add3A_555 = arith.addf %get3A_553, %select_n3A_554 : vector<16xf32>
          %get3A_556 = arith.index_cast %sub3A_518 : i32 to index
          %get3A_557 = arith.constant 96 : index
          %get3A_558 = tpu.vector_load %arg7[%get3A_556, %get3A_557] {strides = array<i32>} : memref<112x256xf32, #tpu.memory_space<vmem>>, vector<1x16xf32>,
          %get3A_559 = vector.shape_cast %get3A_558 : vector<1x16xf32> to vector<16xf32>
          %select_n3A_560 = arith.select %eq3A_519, %while3A_505, %broadcast_in_dim3A_33 : vector<16xf32>
          %add3A_561 = arith.addf %get3A_559, %select_n3A_560 : vector<16xf32>
          %get3A_562 = arith.index_cast %sub3A_518 : i32 to index
          %get3A_563 = arith.constant 112 : index
          %get3A_564 = tpu.vector_load %arg7[%get3A_562, %get3A_563] {strides = array<i32>} : memref<112x256xf32, #tpu.memory_space<vmem>>, vector<1x16xf32>,
          %get3A_565 = vector.shape_cast %get3A_564 : vector<1x16xf32> to vector<16xf32>
          %select_n3A_566 = arith.select %eq3A_519, %while3A_506, %broadcast_in_dim3A_33 : vector<16xf32>
          %add3A_567 = arith.addf %get3A_565, %select_n3A_566 : vector<16xf32>
          %get3A_568 = arith.index_cast %sub3A_518 : i32 to index
          %get3A_569 = arith.constant 128 : index
          %get3A_570 = tpu.vector_load %arg7[%get3A_568, %get3A_569] {strides = array<i32>} : memref<112x256xf32, #tpu.memory_space<vmem>>, vector<1x16xf32>,
          %get3A_571 = vector.shape_cast %get3A_570 : vector<1x16xf32> to vector<16xf32>
          %select_n3A_572 = arith.select %eq3A_519, %while3A_507, %broadcast_in_dim3A_33 : vector<16xf32>
          %add3A_573 = arith.addf %get3A_571, %select_n3A_572 : vector<16xf32>
          %get3A_574 = arith.index_cast %sub3A_518 : i32 to index
          %get3A_575 = arith.constant 144 : index
          %get3A_576 = tpu.vector_load %arg7[%get3A_574, %get3A_575] {strides = array<i32>} : memref<112x256xf32, #tpu.memory_space<vmem>>, vector<1x16xf32>,
          %get3A_577 = vector.shape_cast %get3A_576 : vector<1x16xf32> to vector<16xf32>
          %select_n3A_578 = arith.select %eq3A_519, %while3A_508, %broadcast_in_dim3A_33 : vector<16xf32>
          %add3A_579 = arith.addf %get3A_577, %select_n3A_578 : vector<16xf32>
          %get3A_580 = arith.index_cast %sub3A_518 : i32 to index
          %get3A_581 = arith.constant 160 : index
          %get3A_582 = tpu.vector_load %arg7[%get3A_580, %get3A_581] {strides = array<i32>} : memref<112x256xf32, #tpu.memory_space<vmem>>, vector<1x16xf32>,
          %get3A_583 = vector.shape_cast %get3A_582 : vector<1x16xf32> to vector<16xf32>
          %select_n3A_584 = arith.select %eq3A_519, %while3A_509, %broadcast_in_dim3A_33 : vector<16xf32>
          %add3A_585 = arith.addf %get3A_583, %select_n3A_584 : vector<16xf32>
          %get3A_586 = arith.index_cast %sub3A_518 : i32 to index
          %get3A_587 = arith.constant 176 : index
          %get3A_588 = tpu.vector_load %arg7[%get3A_586, %get3A_587] {strides = array<i32>} : memref<112x256xf32, #tpu.memory_space<vmem>>, vector<1x16xf32>,
          %get3A_589 = vector.shape_cast %get3A_588 : vector<1x16xf32> to vector<16xf32>
          %select_n3A_590 = arith.select %eq3A_519, %while3A_510, %broadcast_in_dim3A_33 : vector<16xf32>
          %add3A_591 = arith.addf %get3A_589, %select_n3A_590 : vector<16xf32>
          %get3A_592 = arith.index_cast %sub3A_518 : i32 to index
          %get3A_593 = arith.constant 192 : index
          %get3A_594 = tpu.vector_load %arg7[%get3A_592, %get3A_593] {strides = array<i32>} : memref<112x256xf32, #tpu.memory_space<vmem>>, vector<1x16xf32>,
          %get3A_595 = vector.shape_cast %get3A_594 : vector<1x16xf32> to vector<16xf32>
          %select_n3A_596 = arith.select %eq3A_519, %while3A_511, %broadcast_in_dim3A_33 : vector<16xf32>
          %add3A_597 = arith.addf %get3A_595, %select_n3A_596 : vector<16xf32>
          %get3A_598 = arith.index_cast %sub3A_518 : i32 to index
          %get3A_599 = arith.constant 208 : index
          %get3A_600 = tpu.vector_load %arg7[%get3A_598, %get3A_599] {strides = array<i32>} : memref<112x256xf32, #tpu.memory_space<vmem>>, vector<1x16xf32>,
          %get3A_601 = vector.shape_cast %get3A_600 : vector<1x16xf32> to vector<16xf32>
          %select_n3A_602 = arith.select %eq3A_519, %while3A_512, %broadcast_in_dim3A_33 : vector<16xf32>
          %add3A_603 = arith.addf %get3A_601, %select_n3A_602 : vector<16xf32>
          %get3A_604 = arith.index_cast %sub3A_518 : i32 to index
          %get3A_605 = arith.constant 224 : index
          %get3A_606 = tpu.vector_load %arg7[%get3A_604, %get3A_605] {strides = array<i32>} : memref<112x256xf32, #tpu.memory_space<vmem>>, vector<1x16xf32>,
          %get3A_607 = vector.shape_cast %get3A_606 : vector<1x16xf32> to vector<16xf32>
          %select_n3A_608 = arith.select %eq3A_519, %while3A_513, %broadcast_in_dim3A_33 : vector<16xf32>
          %add3A_609 = arith.addf %get3A_607, %select_n3A_608 : vector<16xf32>
          %get3A_610 = arith.index_cast %sub3A_518 : i32 to index
          %get3A_611 = arith.constant 240 : index
          %get3A_612 = tpu.vector_load %arg7[%get3A_610, %get3A_611] {strides = array<i32>} : memref<112x256xf32, #tpu.memory_space<vmem>>, vector<1x16xf32>,
          %get3A_613 = vector.shape_cast %get3A_612 : vector<1x16xf32> to vector<16xf32>
          %select_n3A_614 = arith.select %eq3A_519, %while3A_514, %broadcast_in_dim3A_33 : vector<16xf32>
          %add3A_615 = arith.addf %get3A_613, %select_n3A_614 : vector<16xf32>
          %sub3A_616 = arith.subi %squeeze3A, %add3A_119 : i32
          %swap3A_617 = arith.index_cast %sub3A_616 : i32 to index
          %swap3A_618 = arith.constant 0 : index
          %swap3A_619 = tpu.vector_load %arg8[%swap3A_617, %swap3A_618] {strides = array<i32>} : memref<128x256xf32, #tpu.memory_space<vmem>>, vector<1x16xf32>,
          %swap3A_620 = vector.shape_cast %swap3A_619 : vector<1x16xf32> to vector<16xf32>
          %swap3A_621 = vector.shape_cast %add3A_525 : vector<16xf32> to vector<1x16xf32>
          tpu.vector_store %arg8[%swap3A_617, %swap3A_618], %swap3A_621 {strides = array<i32>} : memref<128x256xf32, #tpu.memory_space<vmem>>, vector<1x16xf32>,
          %swap3A_622 = arith.index_cast %sub3A_616 : i32 to index
          %swap3A_623 = arith.constant 16 : index
          %swap3A_624 = tpu.vector_load %arg8[%swap3A_622, %swap3A_623] {strides = array<i32>} : memref<128x256xf32, #tpu.memory_space<vmem>>, vector<1x16xf32>,
          %swap3A_625 = vector.shape_cast %swap3A_624 : vector<1x16xf32> to vector<16xf32>
          %swap3A_626 = vector.shape_cast %add3A_531 : vector<16xf32> to vector<1x16xf32>
          tpu.vector_store %arg8[%swap3A_622, %swap3A_623], %swap3A_626 {strides = array<i32>} : memref<128x256xf32, #tpu.memory_space<vmem>>, vector<1x16xf32>,
          %swap3A_627 = arith.index_cast %sub3A_616 : i32 to index
          %swap3A_628 = arith.constant 32 : index
          %swap3A_629 = tpu.vector_load %arg8[%swap3A_627, %swap3A_628] {strides = array<i32>} : memref<128x256xf32, #tpu.memory_space<vmem>>, vector<1x16xf32>,
          %swap3A_630 = vector.shape_cast %swap3A_629 : vector<1x16xf32> to vector<16xf32>
          %swap3A_631 = vector.shape_cast %add3A_537 : vector<16xf32> to vector<1x16xf32>
          tpu.vector_store %arg8[%swap3A_627, %swap3A_628], %swap3A_631 {strides = array<i32>} : memref<128x256xf32, #tpu.memory_space<vmem>>, vector<1x16xf32>,
          %swap3A_632 = arith.index_cast %sub3A_616 : i32 to index
          %swap3A_633 = arith.constant 48 : index
          %swap3A_634 = tpu.vector_load %arg8[%swap3A_632, %swap3A_633] {strides = array<i32>} : memref<128x256xf32, #tpu.memory_space<vmem>>, vector<1x16xf32>,
          %swap3A_635 = vector.shape_cast %swap3A_634 : vector<1x16xf32> to vector<16xf32>
          %swap3A_636 = vector.shape_cast %add3A_543 : vector<16xf32> to vector<1x16xf32>
          tpu.vector_store %arg8[%swap3A_632, %swap3A_633], %swap3A_636 {strides = array<i32>} : memref<128x256xf32, #tpu.memory_space<vmem>>, vector<1x16xf32>,
          %swap3A_637 = arith.index_cast %sub3A_616 : i32 to index
          %swap3A_638 = arith.constant 64 : index
          %swap3A_639 = tpu.vector_load %arg8[%swap3A_637, %swap3A_638] {strides = array<i32>} : memref<128x256xf32, #tpu.memory_space<vmem>>, vector<1x16xf32>,
          %swap3A_640 = vector.shape_cast %swap3A_639 : vector<1x16xf32> to vector<16xf32>
          %swap3A_641 = vector.shape_cast %add3A_549 : vector<16xf32> to vector<1x16xf32>
          tpu.vector_store %arg8[%swap3A_637, %swap3A_638], %swap3A_641 {strides = array<i32>} : memref<128x256xf32, #tpu.memory_space<vmem>>, vector<1x16xf32>,
          %swap3A_642 = arith.index_cast %sub3A_616 : i32 to index
          %swap3A_643 = arith.constant 80 : index
          %swap3A_644 = tpu.vector_load %arg8[%swap3A_642, %swap3A_643] {strides = array<i32>} : memref<128x256xf32, #tpu.memory_space<vmem>>, vector<1x16xf32>,
          %swap3A_645 = vector.shape_cast %swap3A_644 : vector<1x16xf32> to vector<16xf32>
          %swap3A_646 = vector.shape_cast %add3A_555 : vector<16xf32> to vector<1x16xf32>
          tpu.vector_store %arg8[%swap3A_642, %swap3A_643], %swap3A_646 {strides = array<i32>} : memref<128x256xf32, #tpu.memory_space<vmem>>, vector<1x16xf32>,
          %swap3A_647 = arith.index_cast %sub3A_616 : i32 to index
          %swap3A_648 = arith.constant 96 : index
          %swap3A_649 = tpu.vector_load %arg8[%swap3A_647, %swap3A_648] {strides = array<i32>} : memref<128x256xf32, #tpu.memory_space<vmem>>, vector<1x16xf32>,
          %swap3A_650 = vector.shape_cast %swap3A_649 : vector<1x16xf32> to vector<16xf32>
          %swap3A_651 = vector.shape_cast %add3A_561 : vector<16xf32> to vector<1x16xf32>
          tpu.vector_store %arg8[%swap3A_647, %swap3A_648], %swap3A_651 {strides = array<i32>} : memref<128x256xf32, #tpu.memory_space<vmem>>, vector<1x16xf32>,
          %swap3A_652 = arith.index_cast %sub3A_616 : i32 to index
          %swap3A_653 = arith.constant 112 : index
          %swap3A_654 = tpu.vector_load %arg8[%swap3A_652, %swap3A_653] {strides = array<i32>} : memref<128x256xf32, #tpu.memory_space<vmem>>, vector<1x16xf32>,
          %swap3A_655 = vector.shape_cast %swap3A_654 : vector<1x16xf32> to vector<16xf32>
          %swap3A_656 = vector.shape_cast %add3A_567 : vector<16xf32> to vector<1x16xf32>
          tpu.vector_store %arg8[%swap3A_652, %swap3A_653], %swap3A_656 {strides = array<i32>} : memref<128x256xf32, #tpu.memory_space<vmem>>, vector<1x16xf32>,
          %swap3A_657 = arith.index_cast %sub3A_616 : i32 to index
          %swap3A_658 = arith.constant 128 : index
          %swap3A_659 = tpu.vector_load %arg8[%swap3A_657, %swap3A_658] {strides = array<i32>} : memref<128x256xf32, #tpu.memory_space<vmem>>, vector<1x16xf32>,
          %swap3A_660 = vector.shape_cast %swap3A_659 : vector<1x16xf32> to vector<16xf32>
          %swap3A_661 = vector.shape_cast %add3A_573 : vector<16xf32> to vector<1x16xf32>
          tpu.vector_store %arg8[%swap3A_657, %swap3A_658], %swap3A_661 {strides = array<i32>} : memref<128x256xf32, #tpu.memory_space<vmem>>, vector<1x16xf32>,
          %swap3A_662 = arith.index_cast %sub3A_616 : i32 to index
          %swap3A_663 = arith.constant 144 : index
          %swap3A_664 = tpu.vector_load %arg8[%swap3A_662, %swap3A_663] {strides = array<i32>} : memref<128x256xf32, #tpu.memory_space<vmem>>, vector<1x16xf32>,
          %swap3A_665 = vector.shape_cast %swap3A_664 : vector<1x16xf32> to vector<16xf32>
          %swap3A_666 = vector.shape_cast %add3A_579 : vector<16xf32> to vector<1x16xf32>
          tpu.vector_store %arg8[%swap3A_662, %swap3A_663], %swap3A_666 {strides = array<i32>} : memref<128x256xf32, #tpu.memory_space<vmem>>, vector<1x16xf32>,
          %swap3A_667 = arith.index_cast %sub3A_616 : i32 to index
          %swap3A_668 = arith.constant 160 : index
          %swap3A_669 = tpu.vector_load %arg8[%swap3A_667, %swap3A_668] {strides = array<i32>} : memref<128x256xf32, #tpu.memory_space<vmem>>, vector<1x16xf32>,
          %swap3A_670 = vector.shape_cast %swap3A_669 : vector<1x16xf32> to vector<16xf32>
          %swap3A_671 = vector.shape_cast %add3A_585 : vector<16xf32> to vector<1x16xf32>
          tpu.vector_store %arg8[%swap3A_667, %swap3A_668], %swap3A_671 {strides = array<i32>} : memref<128x256xf32, #tpu.memory_space<vmem>>, vector<1x16xf32>,
          %swap3A_672 = arith.index_cast %sub3A_616 : i32 to index
          %swap3A_673 = arith.constant 176 : index
          %swap3A_674 = tpu.vector_load %arg8[%swap3A_672, %swap3A_673] {strides = array<i32>} : memref<128x256xf32, #tpu.memory_space<vmem>>, vector<1x16xf32>,
          %swap3A_675 = vector.shape_cast %swap3A_674 : vector<1x16xf32> to vector<16xf32>
          %swap3A_676 = vector.shape_cast %add3A_591 : vector<16xf32> to vector<1x16xf32>
          tpu.vector_store %arg8[%swap3A_672, %swap3A_673], %swap3A_676 {strides = array<i32>} : memref<128x256xf32, #tpu.memory_space<vmem>>, vector<1x16xf32>,
          %swap3A_677 = arith.index_cast %sub3A_616 : i32 to index
          %swap3A_678 = arith.constant 192 : index
          %swap3A_679 = tpu.vector_load %arg8[%swap3A_677, %swap3A_678] {strides = array<i32>} : memref<128x256xf32, #tpu.memory_space<vmem>>, vector<1x16xf32>,
          %swap3A_680 = vector.shape_cast %swap3A_679 : vector<1x16xf32> to vector<16xf32>
          %swap3A_681 = vector.shape_cast %add3A_597 : vector<16xf32> to vector<1x16xf32>
          tpu.vector_store %arg8[%swap3A_677, %swap3A_678], %swap3A_681 {strides = array<i32>} : memref<128x256xf32, #tpu.memory_space<vmem>>, vector<1x16xf32>,
          %swap3A_682 = arith.index_cast %sub3A_616 : i32 to index
          %swap3A_683 = arith.constant 208 : index
          %swap3A_684 = tpu.vector_load %arg8[%swap3A_682, %swap3A_683] {strides = array<i32>} : memref<128x256xf32, #tpu.memory_space<vmem>>, vector<1x16xf32>,
          %swap3A_685 = vector.shape_cast %swap3A_684 : vector<1x16xf32> to vector<16xf32>
          %swap3A_686 = vector.shape_cast %add3A_603 : vector<16xf32> to vector<1x16xf32>
          tpu.vector_store %arg8[%swap3A_682, %swap3A_683], %swap3A_686 {strides = array<i32>} : memref<128x256xf32, #tpu.memory_space<vmem>>, vector<1x16xf32>,
          %swap3A_687 = arith.index_cast %sub3A_616 : i32 to index
          %swap3A_688 = arith.constant 224 : index
          %swap3A_689 = tpu.vector_load %arg8[%swap3A_687, %swap3A_688] {strides = array<i32>} : memref<128x256xf32, #tpu.memory_space<vmem>>, vector<1x16xf32>,
          %swap3A_690 = vector.shape_cast %swap3A_689 : vector<1x16xf32> to vector<16xf32>
          %swap3A_691 = vector.shape_cast %add3A_609 : vector<16xf32> to vector<1x16xf32>
          tpu.vector_store %arg8[%swap3A_687, %swap3A_688], %swap3A_691 {strides = array<i32>} : memref<128x256xf32, #tpu.memory_space<vmem>>, vector<1x16xf32>,
          %swap3A_692 = arith.index_cast %sub3A_616 : i32 to index
          %swap3A_693 = arith.constant 240 : index
          %swap3A_694 = tpu.vector_load %arg8[%swap3A_692, %swap3A_693] {strides = array<i32>} : memref<128x256xf32, #tpu.memory_space<vmem>>, vector<1x16xf32>,
          %swap3A_695 = vector.shape_cast %swap3A_694 : vector<1x16xf32> to vector<16xf32>
          %swap3A_696 = vector.shape_cast %add3A_615 : vector<16xf32> to vector<1x16xf32>
          tpu.vector_store %arg8[%swap3A_692, %swap3A_693], %swap3A_696 {strides = array<i32>} : memref<128x256xf32, #tpu.memory_space<vmem>>, vector<1x16xf32>,
          scf.yield %squeeze3A, %add3A_525, %add3A_531, %add3A_537, %add3A_543, %add3A_549, %add3A_555, %add3A_561, %add3A_567, %add3A_573, %add3A_579, %add3A_585, %add3A_591, %add3A_597, %add3A_603, %add3A_609, %add3A_615 : i32, vector<16xf32>, vector<16xf32>, vector<16xf32>, vector<16xf32>, vector<16xf32>, vector<16xf32>, vector<16xf32>, vector<16xf32>, vector<16xf32>, vector<16xf32>, vector<16xf32>, vector<16xf32>, vector<16xf32>, vector<16xf32>, vector<16xf32>, vector<16xf32>
        }
        %while3A_495 = arith.constant 1 : i32
        %while3A_496:17 = scf.for %while3A_497 = %while3A_492 to %while3A_488 step %while3A_495 iter_args(%while3A_498 = %while3A_494#0, %while3A_499 = %while3A_494#1, %while3A_500 = %while3A_494#2, %while3A_501 = %while3A_494#3, %while3A_502 = %while3A_494#4, %while3A_503 = %while3A_494#5, %while3A_504 = %while3A_494#6, %while3A_505 = %while3A_494#7, %while3A_506 = %while3A_494#8, %while3A_507 = %while3A_494#9, %while3A_508 = %while3A_494#10, %while3A_509 = %while3A_494#11, %while3A_510 = %while3A_494#12, %while3A_511 = %while3A_494#13, %while3A_512 = %while3A_494#14, %while3A_513 = %while3A_494#15, %while3A_514 = %while3A_494#16) -> (i32, vector<16xf32>, vector<16xf32>, vector<16xf32>, vector<16xf32>, vector<16xf32>, vector<16xf32>, vector<16xf32>, vector<16xf32>, vector<16xf32>, vector<16xf32>, vector<16xf32>, vector<16xf32>, vector<16xf32>, vector<16xf32>, vector<16xf32>, vector<16xf32>)  : i32 {
          %add3A_515 = arith.addi %max3A_469, %while3A_497 : i32
          %get3A = arith.index_cast %add3A_515 : i32 to index
          %get3A_516 = tpu.vector_load %arg5[%get3A] {strides = array<i32>} : memref<4112xi32, #tpu.memory_space<vmem>>, vector<16xi32>,
          %get3A_517 = vector.shape_cast %get3A_516 : vector<16xi32> to vector<16xi32>
          %slice3A = vector.extract_strided_slice %get3A_517 {offsets = [0], sizes = [1], strides = [1]} : vector<16xi32> to vector<1xi32>
          %squeeze3A = vector.extract %slice3A[0] : i32 from vector<1xi32>
          %sub3A_518 = arith.subi %add3A_515, %min3A_468 : i32
          %eq3A_519 = arith.cmpi eq, %squeeze3A, %while3A_498 : i32
          %get3A_520 = arith.index_cast %sub3A_518 : i32 to index
          %get3A_521 = arith.constant 0 : index
          %get3A_522 = tpu.vector_load %arg7[%get3A_520, %get3A_521] {strides = array<i32>} : memref<112x256xf32, #tpu.memory_space<vmem>>, vector<1x16xf32>,
          %get3A_523 = vector.shape_cast %get3A_522 : vector<1x16xf32> to vector<16xf32>
          %select_n3A_524 = arith.select %eq3A_519, %while3A_499, %broadcast_in_dim3A_33 : vector<16xf32>
          %add3A_525 = arith.addf %get3A_523, %select_n3A_524 : vector<16xf32>
          %get3A_526 = arith.index_cast %sub3A_518 : i32 to index
          %get3A_527 = arith.constant 16 : index
          %get3A_528 = tpu.vector_load %arg7[%get3A_526, %get3A_527] {strides = array<i32>} : memref<112x256xf32, #tpu.memory_space<vmem>>, vector<1x16xf32>,
          %get3A_529 = vector.shape_cast %get3A_528 : vector<1x16xf32> to vector<16xf32>
          %select_n3A_530 = arith.select %eq3A_519, %while3A_500, %broadcast_in_dim3A_33 : vector<16xf32>
          %add3A_531 = arith.addf %get3A_529, %select_n3A_530 : vector<16xf32>
          %get3A_532 = arith.index_cast %sub3A_518 : i32 to index
          %get3A_533 = arith.constant 32 : index
          %get3A_534 = tpu.vector_load %arg7[%get3A_532, %get3A_533] {strides = array<i32>} : memref<112x256xf32, #tpu.memory_space<vmem>>, vector<1x16xf32>,
          %get3A_535 = vector.shape_cast %get3A_534 : vector<1x16xf32> to vector<16xf32>
          %select_n3A_536 = arith.select %eq3A_519, %while3A_501, %broadcast_in_dim3A_33 : vector<16xf32>
          %add3A_537 = arith.addf %get3A_535, %select_n3A_536 : vector<16xf32>
          %get3A_538 = arith.index_cast %sub3A_518 : i32 to index
          %get3A_539 = arith.constant 48 : index
          %get3A_540 = tpu.vector_load %arg7[%get3A_538, %get3A_539] {strides = array<i32>} : memref<112x256xf32, #tpu.memory_space<vmem>>, vector<1x16xf32>,
          %get3A_541 = vector.shape_cast %get3A_540 : vector<1x16xf32> to vector<16xf32>
          %select_n3A_542 = arith.select %eq3A_519, %while3A_502, %broadcast_in_dim3A_33 : vector<16xf32>
          %add3A_543 = arith.addf %get3A_541, %select_n3A_542 : vector<16xf32>
          %get3A_544 = arith.index_cast %sub3A_518 : i32 to index
          %get3A_545 = arith.constant 64 : index
          %get3A_546 = tpu.vector_load %arg7[%get3A_544, %get3A_545] {strides = array<i32>} : memref<112x256xf32, #tpu.memory_space<vmem>>, vector<1x16xf32>,
          %get3A_547 = vector.shape_cast %get3A_546 : vector<1x16xf32> to vector<16xf32>
          %select_n3A_548 = arith.select %eq3A_519, %while3A_503, %broadcast_in_dim3A_33 : vector<16xf32>
          %add3A_549 = arith.addf %get3A_547, %select_n3A_548 : vector<16xf32>
          %get3A_550 = arith.index_cast %sub3A_518 : i32 to index
          %get3A_551 = arith.constant 80 : index
          %get3A_552 = tpu.vector_load %arg7[%get3A_550, %get3A_551] {strides = array<i32>} : memref<112x256xf32, #tpu.memory_space<vmem>>, vector<1x16xf32>,
          %get3A_553 = vector.shape_cast %get3A_552 : vector<1x16xf32> to vector<16xf32>
          %select_n3A_554 = arith.select %eq3A_519, %while3A_504, %broadcast_in_dim3A_33 : vector<16xf32>
          %add3A_555 = arith.addf %get3A_553, %select_n3A_554 : vector<16xf32>
          %get3A_556 = arith.index_cast %sub3A_518 : i32 to index
          %get3A_557 = arith.constant 96 : index
          %get3A_558 = tpu.vector_load %arg7[%get3A_556, %get3A_557] {strides = array<i32>} : memref<112x256xf32, #tpu.memory_space<vmem>>, vector<1x16xf32>,
          %get3A_559 = vector.shape_cast %get3A_558 : vector<1x16xf32> to vector<16xf32>
          %select_n3A_560 = arith.select %eq3A_519, %while3A_505, %broadcast_in_dim3A_33 : vector<16xf32>
          %add3A_561 = arith.addf %get3A_559, %select_n3A_560 : vector<16xf32>
          %get3A_562 = arith.index_cast %sub3A_518 : i32 to index
          %get3A_563 = arith.constant 112 : index
          %get3A_564 = tpu.vector_load %arg7[%get3A_562, %get3A_563] {strides = array<i32>} : memref<112x256xf32, #tpu.memory_space<vmem>>, vector<1x16xf32>,
          %get3A_565 = vector.shape_cast %get3A_564 : vector<1x16xf32> to vector<16xf32>
          %select_n3A_566 = arith.select %eq3A_519, %while3A_506, %broadcast_in_dim3A_33 : vector<16xf32>
          %add3A_567 = arith.addf %get3A_565, %select_n3A_566 : vector<16xf32>
          %get3A_568 = arith.index_cast %sub3A_518 : i32 to index
          %get3A_569 = arith.constant 128 : index
          %get3A_570 = tpu.vector_load %arg7[%get3A_568, %get3A_569] {strides = array<i32>} : memref<112x256xf32, #tpu.memory_space<vmem>>, vector<1x16xf32>,
          %get3A_571 = vector.shape_cast %get3A_570 : vector<1x16xf32> to vector<16xf32>
          %select_n3A_572 = arith.select %eq3A_519, %while3A_507, %broadcast_in_dim3A_33 : vector<16xf32>
          %add3A_573 = arith.addf %get3A_571, %select_n3A_572 : vector<16xf32>
          %get3A_574 = arith.index_cast %sub3A_518 : i32 to index
          %get3A_575 = arith.constant 144 : index
          %get3A_576 = tpu.vector_load %arg7[%get3A_574, %get3A_575] {strides = array<i32>} : memref<112x256xf32, #tpu.memory_space<vmem>>, vector<1x16xf32>,
          %get3A_577 = vector.shape_cast %get3A_576 : vector<1x16xf32> to vector<16xf32>
          %select_n3A_578 = arith.select %eq3A_519, %while3A_508, %broadcast_in_dim3A_33 : vector<16xf32>
          %add3A_579 = arith.addf %get3A_577, %select_n3A_578 : vector<16xf32>
          %get3A_580 = arith.index_cast %sub3A_518 : i32 to index
          %get3A_581 = arith.constant 160 : index
          %get3A_582 = tpu.vector_load %arg7[%get3A_580, %get3A_581] {strides = array<i32>} : memref<112x256xf32, #tpu.memory_space<vmem>>, vector<1x16xf32>,
          %get3A_583 = vector.shape_cast %get3A_582 : vector<1x16xf32> to vector<16xf32>
          %select_n3A_584 = arith.select %eq3A_519, %while3A_509, %broadcast_in_dim3A_33 : vector<16xf32>
          %add3A_585 = arith.addf %get3A_583, %select_n3A_584 : vector<16xf32>
          %get3A_586 = arith.index_cast %sub3A_518 : i32 to index
          %get3A_587 = arith.constant 176 : index
          %get3A_588 = tpu.vector_load %arg7[%get3A_586, %get3A_587] {strides = array<i32>} : memref<112x256xf32, #tpu.memory_space<vmem>>, vector<1x16xf32>,
          %get3A_589 = vector.shape_cast %get3A_588 : vector<1x16xf32> to vector<16xf32>
          %select_n3A_590 = arith.select %eq3A_519, %while3A_510, %broadcast_in_dim3A_33 : vector<16xf32>
          %add3A_591 = arith.addf %get3A_589, %select_n3A_590 : vector<16xf32>
          %get3A_592 = arith.index_cast %sub3A_518 : i32 to index
          %get3A_593 = arith.constant 192 : index
          %get3A_594 = tpu.vector_load %arg7[%get3A_592, %get3A_593] {strides = array<i32>} : memref<112x256xf32, #tpu.memory_space<vmem>>, vector<1x16xf32>,
          %get3A_595 = vector.shape_cast %get3A_594 : vector<1x16xf32> to vector<16xf32>
          %select_n3A_596 = arith.select %eq3A_519, %while3A_511, %broadcast_in_dim3A_33 : vector<16xf32>
          %add3A_597 = arith.addf %get3A_595, %select_n3A_596 : vector<16xf32>
          %get3A_598 = arith.index_cast %sub3A_518 : i32 to index
          %get3A_599 = arith.constant 208 : index
          %get3A_600 = tpu.vector_load %arg7[%get3A_598, %get3A_599] {strides = array<i32>} : memref<112x256xf32, #tpu.memory_space<vmem>>, vector<1x16xf32>,
          %get3A_601 = vector.shape_cast %get3A_600 : vector<1x16xf32> to vector<16xf32>
          %select_n3A_602 = arith.select %eq3A_519, %while3A_512, %broadcast_in_dim3A_33 : vector<16xf32>
          %add3A_603 = arith.addf %get3A_601, %select_n3A_602 : vector<16xf32>
          %get3A_604 = arith.index_cast %sub3A_518 : i32 to index
          %get3A_605 = arith.constant 224 : index
          %get3A_606 = tpu.vector_load %arg7[%get3A_604, %get3A_605] {strides = array<i32>} : memref<112x256xf32, #tpu.memory_space<vmem>>, vector<1x16xf32>,
          %get3A_607 = vector.shape_cast %get3A_606 : vector<1x16xf32> to vector<16xf32>
          %select_n3A_608 = arith.select %eq3A_519, %while3A_513, %broadcast_in_dim3A_33 : vector<16xf32>
          %add3A_609 = arith.addf %get3A_607, %select_n3A_608 : vector<16xf32>
          %get3A_610 = arith.index_cast %sub3A_518 : i32 to index
          %get3A_611 = arith.constant 240 : index
          %get3A_612 = tpu.vector_load %arg7[%get3A_610, %get3A_611] {strides = array<i32>} : memref<112x256xf32, #tpu.memory_space<vmem>>, vector<1x16xf32>,
          %get3A_613 = vector.shape_cast %get3A_612 : vector<1x16xf32> to vector<16xf32>
          %select_n3A_614 = arith.select %eq3A_519, %while3A_514, %broadcast_in_dim3A_33 : vector<16xf32>
          %add3A_615 = arith.addf %get3A_613, %select_n3A_614 : vector<16xf32>
          %sub3A_616 = arith.subi %squeeze3A, %add3A_119 : i32
          %swap3A_617 = arith.index_cast %sub3A_616 : i32 to index
          %swap3A_618 = arith.constant 0 : index
          %swap3A_619 = tpu.vector_load %arg8[%swap3A_617, %swap3A_618] {strides = array<i32>} : memref<128x256xf32, #tpu.memory_space<vmem>>, vector<1x16xf32>,
          %swap3A_620 = vector.shape_cast %swap3A_619 : vector<1x16xf32> to vector<16xf32>
          %swap3A_621 = vector.shape_cast %add3A_525 : vector<16xf32> to vector<1x16xf32>
          tpu.vector_store %arg8[%swap3A_617, %swap3A_618], %swap3A_621 {strides = array<i32>} : memref<128x256xf32, #tpu.memory_space<vmem>>, vector<1x16xf32>,
          %swap3A_622 = arith.index_cast %sub3A_616 : i32 to index
          %swap3A_623 = arith.constant 16 : index
          %swap3A_624 = tpu.vector_load %arg8[%swap3A_622, %swap3A_623] {strides = array<i32>} : memref<128x256xf32, #tpu.memory_space<vmem>>, vector<1x16xf32>,
          %swap3A_625 = vector.shape_cast %swap3A_624 : vector<1x16xf32> to vector<16xf32>
          %swap3A_626 = vector.shape_cast %add3A_531 : vector<16xf32> to vector<1x16xf32>
          tpu.vector_store %arg8[%swap3A_622, %swap3A_623], %swap3A_626 {strides = array<i32>} : memref<128x256xf32, #tpu.memory_space<vmem>>, vector<1x16xf32>,
          %swap3A_627 = arith.index_cast %sub3A_616 : i32 to index
          %swap3A_628 = arith.constant 32 : index
          %swap3A_629 = tpu.vector_load %arg8[%swap3A_627, %swap3A_628] {strides = array<i32>} : memref<128x256xf32, #tpu.memory_space<vmem>>, vector<1x16xf32>,
          %swap3A_630 = vector.shape_cast %swap3A_629 : vector<1x16xf32> to vector<16xf32>
          %swap3A_631 = vector.shape_cast %add3A_537 : vector<16xf32> to vector<1x16xf32>
          tpu.vector_store %arg8[%swap3A_627, %swap3A_628], %swap3A_631 {strides = array<i32>} : memref<128x256xf32, #tpu.memory_space<vmem>>, vector<1x16xf32>,
          %swap3A_632 = arith.index_cast %sub3A_616 : i32 to index
          %swap3A_633 = arith.constant 48 : index
          %swap3A_634 = tpu.vector_load %arg8[%swap3A_632, %swap3A_633] {strides = array<i32>} : memref<128x256xf32, #tpu.memory_space<vmem>>, vector<1x16xf32>,
          %swap3A_635 = vector.shape_cast %swap3A_634 : vector<1x16xf32> to vector<16xf32>
          %swap3A_636 = vector.shape_cast %add3A_543 : vector<16xf32> to vector<1x16xf32>
          tpu.vector_store %arg8[%swap3A_632, %swap3A_633], %swap3A_636 {strides = array<i32>} : memref<128x256xf32, #tpu.memory_space<vmem>>, vector<1x16xf32>,
          %swap3A_637 = arith.index_cast %sub3A_616 : i32 to index
          %swap3A_638 = arith.constant 64 : index
          %swap3A_639 = tpu.vector_load %arg8[%swap3A_637, %swap3A_638] {strides = array<i32>} : memref<128x256xf32, #tpu.memory_space<vmem>>, vector<1x16xf32>,
          %swap3A_640 = vector.shape_cast %swap3A_639 : vector<1x16xf32> to vector<16xf32>
          %swap3A_641 = vector.shape_cast %add3A_549 : vector<16xf32> to vector<1x16xf32>
          tpu.vector_store %arg8[%swap3A_637, %swap3A_638], %swap3A_641 {strides = array<i32>} : memref<128x256xf32, #tpu.memory_space<vmem>>, vector<1x16xf32>,
          %swap3A_642 = arith.index_cast %sub3A_616 : i32 to index
          %swap3A_643 = arith.constant 80 : index
          %swap3A_644 = tpu.vector_load %arg8[%swap3A_642, %swap3A_643] {strides = array<i32>} : memref<128x256xf32, #tpu.memory_space<vmem>>, vector<1x16xf32>,
          %swap3A_645 = vector.shape_cast %swap3A_644 : vector<1x16xf32> to vector<16xf32>
          %swap3A_646 = vector.shape_cast %add3A_555 : vector<16xf32> to vector<1x16xf32>
          tpu.vector_store %arg8[%swap3A_642, %swap3A_643], %swap3A_646 {strides = array<i32>} : memref<128x256xf32, #tpu.memory_space<vmem>>, vector<1x16xf32>,
          %swap3A_647 = arith.index_cast %sub3A_616 : i32 to index
          %swap3A_648 = arith.constant 96 : index
          %swap3A_649 = tpu.vector_load %arg8[%swap3A_647, %swap3A_648] {strides = array<i32>} : memref<128x256xf32, #tpu.memory_space<vmem>>, vector<1x16xf32>,
          %swap3A_650 = vector.shape_cast %swap3A_649 : vector<1x16xf32> to vector<16xf32>
          %swap3A_651 = vector.shape_cast %add3A_561 : vector<16xf32> to vector<1x16xf32>
          tpu.vector_store %arg8[%swap3A_647, %swap3A_648], %swap3A_651 {strides = array<i32>} : memref<128x256xf32, #tpu.memory_space<vmem>>, vector<1x16xf32>,
          %swap3A_652 = arith.index_cast %sub3A_616 : i32 to index
          %swap3A_653 = arith.constant 112 : index
          %swap3A_654 = tpu.vector_load %arg8[%swap3A_652, %swap3A_653] {strides = array<i32>} : memref<128x256xf32, #tpu.memory_space<vmem>>, vector<1x16xf32>,
          %swap3A_655 = vector.shape_cast %swap3A_654 : vector<1x16xf32> to vector<16xf32>
          %swap3A_656 = vector.shape_cast %add3A_567 : vector<16xf32> to vector<1x16xf32>
          tpu.vector_store %arg8[%swap3A_652, %swap3A_653], %swap3A_656 {strides = array<i32>} : memref<128x256xf32, #tpu.memory_space<vmem>>, vector<1x16xf32>,
          %swap3A_657 = arith.index_cast %sub3A_616 : i32 to index
          %swap3A_658 = arith.constant 128 : index
          %swap3A_659 = tpu.vector_load %arg8[%swap3A_657, %swap3A_658] {strides = array<i32>} : memref<128x256xf32, #tpu.memory_space<vmem>>, vector<1x16xf32>,
          %swap3A_660 = vector.shape_cast %swap3A_659 : vector<1x16xf32> to vector<16xf32>
          %swap3A_661 = vector.shape_cast %add3A_573 : vector<16xf32> to vector<1x16xf32>
          tpu.vector_store %arg8[%swap3A_657, %swap3A_658], %swap3A_661 {strides = array<i32>} : memref<128x256xf32, #tpu.memory_space<vmem>>, vector<1x16xf32>,
          %swap3A_662 = arith.index_cast %sub3A_616 : i32 to index
          %swap3A_663 = arith.constant 144 : index
          %swap3A_664 = tpu.vector_load %arg8[%swap3A_662, %swap3A_663] {strides = array<i32>} : memref<128x256xf32, #tpu.memory_space<vmem>>, vector<1x16xf32>,
          %swap3A_665 = vector.shape_cast %swap3A_664 : vector<1x16xf32> to vector<16xf32>
          %swap3A_666 = vector.shape_cast %add3A_579 : vector<16xf32> to vector<1x16xf32>
          tpu.vector_store %arg8[%swap3A_662, %swap3A_663], %swap3A_666 {strides = array<i32>} : memref<128x256xf32, #tpu.memory_space<vmem>>, vector<1x16xf32>,
          %swap3A_667 = arith.index_cast %sub3A_616 : i32 to index
          %swap3A_668 = arith.constant 160 : index
          %swap3A_669 = tpu.vector_load %arg8[%swap3A_667, %swap3A_668] {strides = array<i32>} : memref<128x256xf32, #tpu.memory_space<vmem>>, vector<1x16xf32>,
          %swap3A_670 = vector.shape_cast %swap3A_669 : vector<1x16xf32> to vector<16xf32>
          %swap3A_671 = vector.shape_cast %add3A_585 : vector<16xf32> to vector<1x16xf32>
          tpu.vector_store %arg8[%swap3A_667, %swap3A_668], %swap3A_671 {strides = array<i32>} : memref<128x256xf32, #tpu.memory_space<vmem>>, vector<1x16xf32>,
          %swap3A_672 = arith.index_cast %sub3A_616 : i32 to index
          %swap3A_673 = arith.constant 176 : index
          %swap3A_674 = tpu.vector_load %arg8[%swap3A_672, %swap3A_673] {strides = array<i32>} : memref<128x256xf32, #tpu.memory_space<vmem>>, vector<1x16xf32>,
          %swap3A_675 = vector.shape_cast %swap3A_674 : vector<1x16xf32> to vector<16xf32>
          %swap3A_676 = vector.shape_cast %add3A_591 : vector<16xf32> to vector<1x16xf32>
          tpu.vector_store %arg8[%swap3A_672, %swap3A_673], %swap3A_676 {strides = array<i32>} : memref<128x256xf32, #tpu.memory_space<vmem>>, vector<1x16xf32>,
          %swap3A_677 = arith.index_cast %sub3A_616 : i32 to index
          %swap3A_678 = arith.constant 192 : index
          %swap3A_679 = tpu.vector_load %arg8[%swap3A_677, %swap3A_678] {strides = array<i32>} : memref<128x256xf32, #tpu.memory_space<vmem>>, vector<1x16xf32>,
          %swap3A_680 = vector.shape_cast %swap3A_679 : vector<1x16xf32> to vector<16xf32>
          %swap3A_681 = vector.shape_cast %add3A_597 : vector<16xf32> to vector<1x16xf32>
          tpu.vector_store %arg8[%swap3A_677, %swap3A_678], %swap3A_681 {strides = array<i32>} : memref<128x256xf32, #tpu.memory_space<vmem>>, vector<1x16xf32>,
          %swap3A_682 = arith.index_cast %sub3A_616 : i32 to index
          %swap3A_683 = arith.constant 208 : index
          %swap3A_684 = tpu.vector_load %arg8[%swap3A_682, %swap3A_683] {strides = array<i32>} : memref<128x256xf32, #tpu.memory_space<vmem>>, vector<1x16xf32>,
          %swap3A_685 = vector.shape_cast %swap3A_684 : vector<1x16xf32> to vector<16xf32>
          %swap3A_686 = vector.shape_cast %add3A_603 : vector<16xf32> to vector<1x16xf32>
          tpu.vector_store %arg8[%swap3A_682, %swap3A_683], %swap3A_686 {strides = array<i32>} : memref<128x256xf32, #tpu.memory_space<vmem>>, vector<1x16xf32>,
          %swap3A_687 = arith.index_cast %sub3A_616 : i32 to index
          %swap3A_688 = arith.constant 224 : index
          %swap3A_689 = tpu.vector_load %arg8[%swap3A_687, %swap3A_688] {strides = array<i32>} : memref<128x256xf32, #tpu.memory_space<vmem>>, vector<1x16xf32>,
          %swap3A_690 = vector.shape_cast %swap3A_689 : vector<1x16xf32> to vector<16xf32>
          %swap3A_691 = vector.shape_cast %add3A_609 : vector<16xf32> to vector<1x16xf32>
          tpu.vector_store %arg8[%swap3A_687, %swap3A_688], %swap3A_691 {strides = array<i32>} : memref<128x256xf32, #tpu.memory_space<vmem>>, vector<1x16xf32>,
          %swap3A_692 = arith.index_cast %sub3A_616 : i32 to index
          %swap3A_693 = arith.constant 240 : index
          %swap3A_694 = tpu.vector_load %arg8[%swap3A_692, %swap3A_693] {strides = array<i32>} : memref<128x256xf32, #tpu.memory_space<vmem>>, vector<1x16xf32>,
          %swap3A_695 = vector.shape_cast %swap3A_694 : vector<1x16xf32> to vector<16xf32>
          %swap3A_696 = vector.shape_cast %add3A_615 : vector<16xf32> to vector<1x16xf32>
          tpu.vector_store %arg8[%swap3A_692, %swap3A_693], %swap3A_696 {strides = array<i32>} : memref<128x256xf32, #tpu.memory_space<vmem>>, vector<1x16xf32>,
          scf.yield %squeeze3A, %add3A_525, %add3A_531, %add3A_537, %add3A_543, %add3A_549, %add3A_555, %add3A_561, %add3A_567, %add3A_573, %add3A_579, %add3A_585, %add3A_591, %add3A_597, %add3A_603, %add3A_609, %add3A_615 : i32, vector<16xf32>, vector<16xf32>, vector<16xf32>, vector<16xf32>, vector<16xf32>, vector<16xf32>, vector<16xf32>, vector<16xf32>, vector<16xf32>, vector<16xf32>, vector<16xf32>, vector<16xf32>, vector<16xf32>, vector<16xf32>, vector<16xf32>, vector<16xf32>
        }
        scf.yield %select_n3A_485, %while3A_496#0, %while3A_496#1, %while3A_496#2, %while3A_496#3, %while3A_496#4, %while3A_496#5, %while3A_496#6, %while3A_496#7, %while3A_496#8, %while3A_496#9, %while3A_496#10, %while3A_496#11, %while3A_496#12, %while3A_496#13, %while3A_496#14, %while3A_496#15, %while3A_496#16 : i32, i32, vector<16xf32>, vector<16xf32>, vector<16xf32>, vector<16xf32>, vector<16xf32>, vector<16xf32>, vector<16xf32>, vector<16xf32>, vector<16xf32>, vector<16xf32>, vector<16xf32>, vector<16xf32>, vector<16xf32>, vector<16xf32>, vector<16xf32>, vector<16xf32>
      }
      %ge3A = arith.constant 1 : i32
      %ge3A_245 = arith.cmpi sge, %add3A_116, %ge3A : i32
      %convert_element_type3A_246 = arith.extui %ge3A_245 : i1 to i32
      %cond3A_247 = arith.constant 0 : i32
      %cond3A_248 = arith.cmpi ne, %convert_element_type3A_246, %cond3A_247 : i32
      scf.if %cond3A_248 {
        %sub3A_406 = arith.constant 1 : i32
        %sub3A_407 = arith.subi %add3A_116, %sub3A_406 : i32
        %mul3A_408 = arith.constant 128 : i32
        %mul3A_409 = arith.muli %sub3A_407, %mul3A_408 : i32
        %add3A_410 = arith.addi %mul3A_32, %mul3A_409 : i32
        %multiple_of3A_411 = tpu.assume_multiple %add3A_410, 128 : i32
        %dma_wait3A_412 = arith.constant 0 : i32
        %dma_wait3A_413 = tpu.memref_slice %arg4[%select_n3A, %multiple_of3A_411, %dma_wait3A_412] : memref<16x4096x256xf32, #tpu.memory_space<hbm>> -> memref<1x128x256xf32, #tpu.memory_space<hbm>>
        %dma_wait3A_414 = tpu.memref_squeeze %dma_wait3A_413 : memref<1x128x256xf32, #tpu.memory_space<hbm>> -> memref<128x256xf32, #tpu.memory_space<hbm>>
        %dma_wait3A_415 = arith.constant 0 : i32
        %dma_wait3A_416 = tpu.memref_slice %arg4[%select_n3A, %multiple_of3A_411, %dma_wait3A_415] : memref<16x4096x256xf32, #tpu.memory_space<hbm>> -> memref<1x128x256xf32, #tpu.memory_space<hbm>>
        %dma_wait3A_417 = tpu.memref_squeeze %dma_wait3A_416 : memref<1x128x256xf32, #tpu.memory_space<hbm>> -> memref<128x256xf32, #tpu.memory_space<hbm>>
        tpu.wait_dma2 semaphore(%arg14 : memref<!tpu.dma_semaphore, #tpu.memory_space<semaphore_mem>>) src(%arg9 : memref<128x256xf32, #tpu.memory_space<vmem>>) dst(%dma_wait3A_417 : memref<128x256xf32, #tpu.memory_space<hbm>>)
      } else {
      }
      tpu.enqueue_dma source(%arg10 : memref<128x256xf32, #tpu.memory_space<vmem_shared>>) target(%arg9 : memref<128x256xf32, #tpu.memory_space<vmem>>) target_semaphore(%arg15 : memref<!tpu.dma_semaphore, #tpu.memory_space<semaphore_mem>>)
      %mul3A_249 = arith.constant 128 : i32
      %mul3A_250 = arith.muli %add3A_116, %mul3A_249 : i32
      %add3A_251 = arith.addi %mul3A_32, %mul3A_250 : i32
      %multiple_of3A_252 = tpu.assume_multiple %add3A_251, 128 : i32
      %dma_start3A = arith.constant 0 : i32
      %dma_start3A_253 = tpu.memref_slice %arg4[%select_n3A, %multiple_of3A_252, %dma_start3A] : memref<16x4096x256xf32, #tpu.memory_space<hbm>> -> memref<1x128x256xf32, #tpu.memory_space<hbm>>
      %dma_start3A_254 = tpu.memref_squeeze %dma_start3A_253 : memref<1x128x256xf32, #tpu.memory_space<hbm>> -> memref<128x256xf32, #tpu.memory_space<hbm>>
      %dma_start3A_255 = arith.constant 0 : i32
      %dma_start3A_256 = tpu.memref_slice %arg4[%select_n3A, %multiple_of3A_252, %dma_start3A_255] : memref<16x4096x256xf32, #tpu.memory_space<hbm>> -> memref<1x128x256xf32, #tpu.memory_space<hbm>>
      %dma_start3A_257 = tpu.memref_squeeze %dma_start3A_256 : memref<1x128x256xf32, #tpu.memory_space<hbm>> -> memref<128x256xf32, #tpu.memory_space<hbm>>
      tpu.enqueue_dma source(%arg8 : memref<128x256xf32, #tpu.memory_space<vmem>>) target(%dma_start3A_257 : memref<128x256xf32, #tpu.memory_space<hbm>>) target_semaphore(%arg13 : memref<!tpu.dma_semaphore, #tpu.memory_space<semaphore_mem>>)
      %mul3A_258 = arith.constant 2 : i32
      %mul3A_259 = arith.muli %mul3A_258, %scan3A_110 : i32
      %add3A_260 = arith.constant 1 : i32
      %add3A_261 = arith.addi %mul3A_259, %add3A_260 : i32
      %mul3A_262 = arith.constant 128 : i32
      %mul3A_263 = arith.muli %add3A_261, %mul3A_262 : i32
      %add3A_264 = arith.addi %mul3A_32, %mul3A_263 : i32
      %add3A_265 = arith.constant 128 : i32
      %add3A_266 = arith.addi %add3A_264, %add3A_265 : i32
      %scan3A_267 = arith.constant 0 : i32
      %scan3A_268 = arith.constant 4096 : i32
      %scan3A_269 = arith.constant 0 : i32
      %scan3A_270 = arith.constant 12 : i32
      %scan3A_271 = arith.addi %scan3A_269, %scan3A_270 : i32
      %scan3A_272 = arith.constant 1 : i32
      %scan3A_273:2 = scf.for %scan3A_406 = %scan3A_269 to %scan3A_271 step %scan3A_272 iter_args(%scan3A_407 = %scan3A_267, %scan3A_408 = %scan3A_268) -> (i32, i32)  : i32 {
        %add3A_409 = arith.addi %scan3A_407, %scan3A_408 : i32
        %jit3A_410 = arith.constant 2 : i32
        %div3A_411 = arith.divsi %add3A_409, %jit3A_410 : i32
        %sign3A_412 = arith.constant 0 : i32
        %sign3A_413 = arith.cmpi sgt, %add3A_409, %sign3A_412 : i32
        %sign3A_414 = arith.extui %sign3A_413 : i1 to i32
        %sign3A_415 = arith.constant 0 : i32
        %sign3A_416 = arith.cmpi slt, %add3A_409, %sign3A_415 : i32
        %sign3A_417 = arith.extui %sign3A_416 : i1 to i32
        %sign3A_418 = arith.subi %sign3A_414, %sign3A_417 : i32
        %sign3A_419 = arith.constant 0 : i32
        %sign3A_420 = arith.cmpi sgt, %jit3A_410, %sign3A_419 : i32
        %sign3A_421 = arith.extui %sign3A_420 : i1 to i32
        %sign3A_422 = arith.constant 0 : i32
        %sign3A_423 = arith.cmpi slt, %jit3A_410, %sign3A_422 : i32
        %sign3A_424 = arith.extui %sign3A_423 : i1 to i32
        %sign3A_425 = arith.subi %sign3A_421, %sign3A_424 : i32
        %ne3A_426 = arith.cmpi ne, %sign3A_418, %sign3A_425 : i32
        %rem3A_427 = arith.remsi %add3A_409, %jit3A_410 : i32
        %ne3A_428 = arith.constant 0 : i32
        %ne3A_429 = arith.cmpi ne, %rem3A_427, %ne3A_428 : i32
        %and3A_430 = arith.andi %ne3A_426, %ne3A_429 : i1
        %sub3A_431 = arith.constant 1 : i32
        %sub3A_432 = arith.subi %div3A_411, %sub3A_431 : i32
        %select_n3A_433 = arith.select %and3A_430, %sub3A_432, %div3A_411 : i32
        %get3A = arith.index_cast %select_n3A_433 : i32 to index
        %get3A_434 = tpu.vector_load %arg5[%get3A] {strides = array<i32>} : memref<4112xi32, #tpu.memory_space<vmem>>, vector<16xi32>,
        %get3A_435 = vector.shape_cast %get3A_434 : vector<16xi32> to vector<16xi32>
        %slice3A = vector.extract_strided_slice %get3A_435 {offsets = [0], sizes = [1], strides = [1]} : vector<16xi32> to vector<1xi32>
        %squeeze3A = vector.extract %slice3A[0] : i32 from vector<1xi32>
        %lt3A_436 = arith.cmpi slt, %scan3A_407, %scan3A_408 : i32
        %lt3A_437 = arith.cmpi slt, %squeeze3A, %add3A_266 : i32
        %and3A_438 = arith.andi %lt3A_437, %lt3A_436 : i1
        %lt3A_439 = arith.cmpi slt, %squeeze3A, %add3A_266 : i32
        %not3A = arith.constant true
        %not3A_440 = arith.xori %lt3A_439, %not3A : i1
        %and3A_441 = arith.andi %not3A_440, %lt3A_436 : i1
        %add3A_442 = arith.constant 1 : i32
        %add3A_443 = arith.addi %select_n3A_433, %add3A_442 : i32
        %select_n3A_444 = arith.select %and3A_438, %add3A_443, %scan3A_407 : i32
        %select_n3A_445 = arith.select %and3A_441, %select_n3A_433, %scan3A_408 : i32
        scf.yield %select_n3A_444, %select_n3A_445 : i32, i32
      }
      %scan3A_274 = arith.constant 12 : i32
      tpu.wait_dma2 semaphore(%arg15 : memref<!tpu.dma_semaphore, #tpu.memory_space<semaphore_mem>>) src(%arg10 : memref<128x256xf32, #tpu.memory_space<vmem_shared>>) dst(%arg9 : memref<128x256xf32, #tpu.memory_space<vmem>>)
      %sub3A_275 = arith.subi %scan3A_128#0, %and3A_62 : i32
      %jit3A_276 = arith.constant 112 : i32
      %div3A_277 = arith.divsi %sub3A_275, %jit3A_276 : i32
      %sign3A_278 = arith.constant 0 : i32
      %sign3A_279 = arith.cmpi sgt, %sub3A_275, %sign3A_278 : i32
      %sign3A_280 = arith.extui %sign3A_279 : i1 to i32
      %sign3A_281 = arith.constant 0 : i32
      %sign3A_282 = arith.cmpi slt, %sub3A_275, %sign3A_281 : i32
      %sign3A_283 = arith.extui %sign3A_282 : i1 to i32
      %sign3A_284 = arith.subi %sign3A_280, %sign3A_283 : i32
      %sign3A_285 = arith.constant 0 : i32
      %sign3A_286 = arith.cmpi sgt, %jit3A_276, %sign3A_285 : i32
      %sign3A_287 = arith.extui %sign3A_286 : i1 to i32
      %sign3A_288 = arith.constant 0 : i32
      %sign3A_289 = arith.cmpi slt, %jit3A_276, %sign3A_288 : i32
      %sign3A_290 = arith.extui %sign3A_289 : i1 to i32
      %sign3A_291 = arith.subi %sign3A_287, %sign3A_290 : i32
      %ne3A_292 = arith.cmpi ne, %sign3A_284, %sign3A_291 : i32
      %rem3A_293 = arith.remsi %sub3A_275, %jit3A_276 : i32
      %ne3A_294 = arith.constant 0 : i32
      %ne3A_295 = arith.cmpi ne, %rem3A_293, %ne3A_294 : i32
      %and3A_296 = arith.andi %ne3A_292, %ne3A_295 : i1
      %sub3A_297 = arith.constant 1 : i32
      %sub3A_298 = arith.subi %div3A_277, %sub3A_297 : i32
      %select_n3A_299 = arith.select %and3A_296, %sub3A_298, %div3A_277 : i32
      %sub3A_300 = arith.subi %scan3A_273#0, %and3A_62 : i32
      %add3A_301 = arith.constant 112 : i32
      %add3A_302 = arith.addi %sub3A_300, %add3A_301 : i32
      %sub3A_303 = arith.constant 1 : i32
      %sub3A_304 = arith.subi %add3A_302, %sub3A_303 : i32
      %jit3A_305 = arith.constant 112 : i32
      %div3A_306 = arith.divsi %sub3A_304, %jit3A_305 : i32
      %sign3A_307 = arith.constant 0 : i32
      %sign3A_308 = arith.cmpi sgt, %sub3A_304, %sign3A_307 : i32
      %sign3A_309 = arith.extui %sign3A_308 : i1 to i32
      %sign3A_310 = arith.constant 0 : i32
      %sign3A_311 = arith.cmpi slt, %sub3A_304, %sign3A_310 : i32
      %sign3A_312 = arith.extui %sign3A_311 : i1 to i32
      %sign3A_313 = arith.subi %sign3A_309, %sign3A_312 : i32
      %sign3A_314 = arith.constant 0 : i32
      %sign3A_315 = arith.cmpi sgt, %jit3A_305, %sign3A_314 : i32
      %sign3A_316 = arith.extui %sign3A_315 : i1 to i32
      %sign3A_317 = arith.constant 0 : i32
      %sign3A_318 = arith.cmpi slt, %jit3A_305, %sign3A_317 : i32
      %sign3A_319 = arith.extui %sign3A_318 : i1 to i32
      %sign3A_320 = arith.subi %sign3A_316, %sign3A_319 : i32
      %ne3A_321 = arith.cmpi ne, %sign3A_313, %sign3A_320 : i32
      %rem3A_322 = arith.remsi %sub3A_304, %jit3A_305 : i32
      %ne3A_323 = arith.constant 0 : i32
      %ne3A_324 = arith.cmpi ne, %rem3A_322, %ne3A_323 : i32
      %and3A_325 = arith.andi %ne3A_321, %ne3A_324 : i1
      %sub3A_326 = arith.constant 1 : i32
      %sub3A_327 = arith.subi %div3A_306, %sub3A_326 : i32
      %select_n3A_328 = arith.select %and3A_325, %sub3A_327, %div3A_306 : i32
      %sub3A_329 = arith.constant 1 : i32
      %sub3A_330 = arith.subi %add3A_264, %sub3A_329 : i32
      %jit3A_331 = arith.constant 2 : i32
      %div3A_332 = arith.divsi %select_n3A_299, %jit3A_331 : i32
      %sign3A_333 = arith.constant 0 : i32
      %sign3A_334 = arith.cmpi sgt, %select_n3A_299, %sign3A_333 : i32
      %sign3A_335 = arith.extui %sign3A_334 : i1 to i32
      %sign3A_336 = arith.constant 0 : i32
      %sign3A_337 = arith.cmpi slt, %select_n3A_299, %sign3A_336 : i32
      %sign3A_338 = arith.extui %sign3A_337 : i1 to i32
      %sign3A_339 = arith.subi %sign3A_335, %sign3A_338 : i32
      %sign3A_340 = arith.constant 0 : i32
      %sign3A_341 = arith.cmpi sgt, %jit3A_331, %sign3A_340 : i32
      %sign3A_342 = arith.extui %sign3A_341 : i1 to i32
      %sign3A_343 = arith.constant 0 : i32
      %sign3A_344 = arith.cmpi slt, %jit3A_331, %sign3A_343 : i32
      %sign3A_345 = arith.extui %sign3A_344 : i1 to i32
      %sign3A_346 = arith.subi %sign3A_342, %sign3A_345 : i32
      %ne3A_347 = arith.cmpi ne, %sign3A_339, %sign3A_346 : i32
      %rem3A_348 = arith.remsi %select_n3A_299, %jit3A_331 : i32
      %ne3A_349 = arith.constant 0 : i32
      %ne3A_350 = arith.cmpi ne, %rem3A_348, %ne3A_349 : i32
      %and3A_351 = arith.andi %ne3A_347, %ne3A_350 : i1
      %sub3A_352 = arith.constant 1 : i32
      %sub3A_353 = arith.subi %div3A_332, %sub3A_352 : i32
      %select_n3A_354 = arith.select %and3A_351, %sub3A_353, %div3A_332 : i32
      %add3A_355 = arith.constant 1 : i32
      %add3A_356 = arith.addi %select_n3A_328, %add3A_355 : i32
      %jit3A_357 = arith.constant 2 : i32
      %div3A_358 = arith.divsi %add3A_356, %jit3A_357 : i32
      %sign3A_359 = arith.constant 0 : i32
      %sign3A_360 = arith.cmpi sgt, %add3A_356, %sign3A_359 : i32
      %sign3A_361 = arith.extui %sign3A_360 : i1 to i32
      %sign3A_362 = arith.constant 0 : i32
      %sign3A_363 = arith.cmpi slt, %add3A_356, %sign3A_362 : i32
      %sign3A_364 = arith.extui %sign3A_363 : i1 to i32
      %sign3A_365 = arith.subi %sign3A_361, %sign3A_364 : i32
      %sign3A_366 = arith.constant 0 : i32
      %sign3A_367 = arith.cmpi sgt, %jit3A_357, %sign3A_366 : i32
      %sign3A_368 = arith.extui %sign3A_367 : i1 to i32
      %sign3A_369 = arith.constant 0 : i32
      %sign3A_370 = arith.cmpi slt, %jit3A_357, %sign3A_369 : i32
      %sign3A_371 = arith.extui %sign3A_370 : i1 to i32
      %sign3A_372 = arith.subi %sign3A_368, %sign3A_371 : i32
      %ne3A_373 = arith.cmpi ne, %sign3A_365, %sign3A_372 : i32
      %rem3A_374 = arith.remsi %add3A_356, %jit3A_357 : i32
      %ne3A_375 = arith.constant 0 : i32
      %ne3A_376 = arith.cmpi ne, %rem3A_374, %ne3A_375 : i32
      %and3A_377 = arith.andi %ne3A_373, %ne3A_376 : i1
      %sub3A_378 = arith.constant 1 : i32
      %sub3A_379 = arith.subi %div3A_358, %sub3A_378 : i32
      %select_n3A_380 = arith.select %and3A_377, %sub3A_379, %div3A_358 : i32
      %while3A_381 = arith.subi %select_n3A_380, %select_n3A_354 : i32
      %while3A_382 = arith.addi %select_n3A_354, %while3A_381 : i32
      %while3A_383 = arith.constant 1 : i32
      %while3A_384 = arith.divsi %while3A_381, %while3A_383 : i32
      %while3A_385 = arith.muli %while3A_384, %while3A_383 : i32
      %while3A_386 = arith.addi %select_n3A_354, %while3A_385 : i32
      %while3A_387 = arith.constant 1 : i32
      %while3A_388:18 = scf.for %while3A_406 = %select_n3A_354 to %while3A_386 step %while3A_387 iter_args(%while3A_407 = %while3A_244#0, %while3A_408 = %sub3A_330, %while3A_409 = %broadcast_in_dim3A_33, %while3A_410 = %broadcast_in_dim3A_33, %while3A_411 = %broadcast_in_dim3A_33, %while3A_412 = %broadcast_in_dim3A_33, %while3A_413 = %broadcast_in_dim3A_33, %while3A_414 = %broadcast_in_dim3A_33, %while3A_415 = %broadcast_in_dim3A_33, %while3A_416 = %broadcast_in_dim3A_33, %while3A_417 = %broadcast_in_dim3A_33, %while3A_418 = %broadcast_in_dim3A_33, %while3A_419 = %broadcast_in_dim3A_33, %while3A_420 = %broadcast_in_dim3A_33, %while3A_421 = %broadcast_in_dim3A_33, %while3A_422 = %broadcast_in_dim3A_33, %while3A_423 = %broadcast_in_dim3A_33, %while3A_424 = %broadcast_in_dim3A_33) -> (i32, i32, vector<16xf32>, vector<16xf32>, vector<16xf32>, vector<16xf32>, vector<16xf32>, vector<16xf32>, vector<16xf32>, vector<16xf32>, vector<16xf32>, vector<16xf32>, vector<16xf32>, vector<16xf32>, vector<16xf32>, vector<16xf32>, vector<16xf32>, vector<16xf32>)  : i32 {
        %mul3A_425 = arith.constant 2 : i32
        %mul3A_426 = arith.muli %mul3A_425, %while3A_406 : i32
        %add3A_427 = arith.constant 0 : i32
        %add3A_428 = arith.addi %mul3A_426, %add3A_427 : i32
        %mul3A_429 = arith.constant 112 : i32
        %mul3A_430 = arith.muli %add3A_428, %mul3A_429 : i32
        %add3A_431 = arith.addi %and3A_62, %mul3A_430 : i32
        %min3A = arith.constant 3984 : i32
        %min3A_432 = arith.minsi %add3A_431, %min3A : i32
        %max3A = arith.maxsi %scan3A_128#0, %add3A_431 : i32
        %add3A_433 = arith.constant 112 : i32
        %add3A_434 = arith.addi %add3A_431, %add3A_433 : i32
        %min3A_435 = arith.minsi %scan3A_273#0, %add3A_434 : i32
        %sub3A_436 = arith.subi %min3A_435, %max3A : i32
        %jit3A_437 = arith.constant 0 : i32
        %jit3A_438 = arith.constant 112 : i32
        %max3A_439 = arith.maxsi %jit3A_437, %sub3A_436 : i32
        %min3A_440 = arith.minsi %jit3A_438, %max3A_439 : i32
        %gt3A_441 = arith.cmpi sgt, %add3A_428, %while3A_407 : i32
        %gt3A_442 = arith.constant 0 : i32
        %gt3A_443 = arith.cmpi sgt, %min3A_440, %gt3A_442 : i32
        %and3A_444 = arith.andi %gt3A_441, %gt3A_443 : i1
        %convert_element_type3A_445 = arith.extui %and3A_444 : i1 to i32
        %cond3A_446 = arith.constant 0 : i32
        %cond3A_447 = arith.cmpi ne, %convert_element_type3A_445, %cond3A_446 : i32
        scf.if %cond3A_447 {
          %mul3A_497 = arith.constant 112 : i32
          %mul3A_498 = arith.muli %add3A_428, %mul3A_497 : i32
          %add3A_499 = arith.addi %and3A_62, %mul3A_498 : i32
          %min3A_500 = arith.constant 3984 : i32
          %min3A_501 = arith.minsi %add3A_499, %min3A_500 : i32
          %multiple_of3A_502 = tpu.assume_multiple %min3A_501, 8 : i32
          %dma_wait3A_503 = arith.constant 0 : i32
          %dma_wait3A_504 = tpu.memref_slice %arg2[%select_n3A, %multiple_of3A_502, %dma_wait3A_503] : memref<16x4096x256xf32, #tpu.memory_space<hbm>> -> memref<1x112x256xf32, #tpu.memory_space<hbm>>
          %dma_wait3A_505 = tpu.memref_squeeze %dma_wait3A_504 : memref<1x112x256xf32, #tpu.memory_space<hbm>> -> memref<112x256xf32, #tpu.memory_space<hbm>>
          %dma_wait3A_506 = arith.constant 0 : i32
          %dma_wait3A_507 = tpu.memref_slice %arg2[%select_n3A, %multiple_of3A_502, %dma_wait3A_506] : memref<16x4096x256xf32, #tpu.memory_space<hbm>> -> memref<1x112x256xf32, #tpu.memory_space<hbm>>
          %dma_wait3A_508 = tpu.memref_squeeze %dma_wait3A_507 : memref<1x112x256xf32, #tpu.memory_space<hbm>> -> memref<112x256xf32, #tpu.memory_space<hbm>>
          tpu.wait_dma2 semaphore(%arg11 : memref<!tpu.dma_semaphore, #tpu.memory_space<semaphore_mem>>) src(%dma_wait3A_508 : memref<112x256xf32, #tpu.memory_space<hbm>>) dst(%arg6 : memref<112x256xf32, #tpu.memory_space<vmem>>)
          %add3A_509 = arith.constant 1 : i32
          %add3A_510 = arith.addi %add3A_428, %add3A_509 : i32
          %lt3A_511 = arith.cmpi slt, %add3A_510, %select_n3A_91 : i32
          %convert_element_type3A_512 = arith.extui %lt3A_511 : i1 to i32
          %cond3A_513 = arith.constant 0 : i32
          %cond3A_514 = arith.cmpi ne, %convert_element_type3A_512, %cond3A_513 : i32
          scf.if %cond3A_514 {
            %add3A_515 = arith.constant 1 : i32
            %add3A_516 = arith.addi %add3A_428, %add3A_515 : i32
            %mul3A_517 = arith.constant 112 : i32
            %mul3A_518 = arith.muli %add3A_516, %mul3A_517 : i32
            %add3A_519 = arith.addi %and3A_62, %mul3A_518 : i32
            %min3A_520 = arith.constant 3984 : i32
            %min3A_521 = arith.minsi %add3A_519, %min3A_520 : i32
            %multiple_of3A_522 = tpu.assume_multiple %min3A_521, 8 : i32
            %dma_start3A_523 = arith.constant 0 : i32
            %dma_start3A_524 = tpu.memref_slice %arg2[%select_n3A, %multiple_of3A_522, %dma_start3A_523] : memref<16x4096x256xf32, #tpu.memory_space<hbm>> -> memref<1x112x256xf32, #tpu.memory_space<hbm>>
            %dma_start3A_525 = tpu.memref_squeeze %dma_start3A_524 : memref<1x112x256xf32, #tpu.memory_space<hbm>> -> memref<112x256xf32, #tpu.memory_space<hbm>>
            %dma_start3A_526 = arith.constant 0 : i32
            %dma_start3A_527 = tpu.memref_slice %arg2[%select_n3A, %multiple_of3A_522, %dma_start3A_526] : memref<16x4096x256xf32, #tpu.memory_space<hbm>> -> memref<1x112x256xf32, #tpu.memory_space<hbm>>
            %dma_start3A_528 = tpu.memref_squeeze %dma_start3A_527 : memref<1x112x256xf32, #tpu.memory_space<hbm>> -> memref<112x256xf32, #tpu.memory_space<hbm>>
            tpu.enqueue_dma source(%dma_start3A_528 : memref<112x256xf32, #tpu.memory_space<hbm>>) target(%arg7 : memref<112x256xf32, #tpu.memory_space<vmem>>) target_semaphore(%arg12 : memref<!tpu.dma_semaphore, #tpu.memory_space<semaphore_mem>>)
          } else {
          }
        } else {
        }
        %select_n3A_448 = arith.select %and3A_444, %add3A_428, %while3A_407 : i32
        %while3A_449 = arith.constant 0 : i32
        %while3A_450 = arith.subi %min3A_440, %while3A_449 : i32
        %while3A_451 = arith.addi %while3A_449, %while3A_450 : i32
        %while3A_452 = arith.constant 1 : i32
        %while3A_453 = arith.divsi %while3A_450, %while3A_452 : i32
        %while3A_454 = arith.muli %while3A_453, %while3A_452 : i32
        %while3A_455 = arith.addi %while3A_449, %while3A_454 : i32
        %while3A_456 = arith.constant 1 : i32
        %while3A_457:17 = scf.for %while3A_497 = %while3A_449 to %while3A_455 step %while3A_456 iter_args(%while3A_498 = %while3A_408, %while3A_499 = %while3A_409, %while3A_500 = %while3A_410, %while3A_501 = %while3A_411, %while3A_502 = %while3A_412, %while3A_503 = %while3A_413, %while3A_504 = %while3A_414, %while3A_505 = %while3A_415, %while3A_506 = %while3A_416, %while3A_507 = %while3A_417, %while3A_508 = %while3A_418, %while3A_509 = %while3A_419, %while3A_510 = %while3A_420, %while3A_511 = %while3A_421, %while3A_512 = %while3A_422, %while3A_513 = %while3A_423, %while3A_514 = %while3A_424) -> (i32, vector<16xf32>, vector<16xf32>, vector<16xf32>, vector<16xf32>, vector<16xf32>, vector<16xf32>, vector<16xf32>, vector<16xf32>, vector<16xf32>, vector<16xf32>, vector<16xf32>, vector<16xf32>, vector<16xf32>, vector<16xf32>, vector<16xf32>, vector<16xf32>)  : i32 {
          %add3A_515 = arith.addi %max3A, %while3A_497 : i32
          %get3A = arith.index_cast %add3A_515 : i32 to index
          %get3A_516 = tpu.vector_load %arg5[%get3A] {strides = array<i32>} : memref<4112xi32, #tpu.memory_space<vmem>>, vector<16xi32>,
          %get3A_517 = vector.shape_cast %get3A_516 : vector<16xi32> to vector<16xi32>
          %slice3A = vector.extract_strided_slice %get3A_517 {offsets = [0], sizes = [1], strides = [1]} : vector<16xi32> to vector<1xi32>
          %squeeze3A = vector.extract %slice3A[0] : i32 from vector<1xi32>
          %sub3A_518 = arith.subi %add3A_515, %min3A_432 : i32
          %eq3A_519 = arith.cmpi eq, %squeeze3A, %while3A_498 : i32
          %get3A_520 = arith.index_cast %sub3A_518 : i32 to index
          %get3A_521 = arith.constant 0 : index
          %get3A_522 = tpu.vector_load %arg6[%get3A_520, %get3A_521] {strides = array<i32>} : memref<112x256xf32, #tpu.memory_space<vmem>>, vector<1x16xf32>,
          %get3A_523 = vector.shape_cast %get3A_522 : vector<1x16xf32> to vector<16xf32>
          %select_n3A_524 = arith.select %eq3A_519, %while3A_499, %broadcast_in_dim3A_33 : vector<16xf32>
          %add3A_525 = arith.addf %get3A_523, %select_n3A_524 : vector<16xf32>
          %get3A_526 = arith.index_cast %sub3A_518 : i32 to index
          %get3A_527 = arith.constant 16 : index
          %get3A_528 = tpu.vector_load %arg6[%get3A_526, %get3A_527] {strides = array<i32>} : memref<112x256xf32, #tpu.memory_space<vmem>>, vector<1x16xf32>,
          %get3A_529 = vector.shape_cast %get3A_528 : vector<1x16xf32> to vector<16xf32>
          %select_n3A_530 = arith.select %eq3A_519, %while3A_500, %broadcast_in_dim3A_33 : vector<16xf32>
          %add3A_531 = arith.addf %get3A_529, %select_n3A_530 : vector<16xf32>
          %get3A_532 = arith.index_cast %sub3A_518 : i32 to index
          %get3A_533 = arith.constant 32 : index
          %get3A_534 = tpu.vector_load %arg6[%get3A_532, %get3A_533] {strides = array<i32>} : memref<112x256xf32, #tpu.memory_space<vmem>>, vector<1x16xf32>,
          %get3A_535 = vector.shape_cast %get3A_534 : vector<1x16xf32> to vector<16xf32>
          %select_n3A_536 = arith.select %eq3A_519, %while3A_501, %broadcast_in_dim3A_33 : vector<16xf32>
          %add3A_537 = arith.addf %get3A_535, %select_n3A_536 : vector<16xf32>
          %get3A_538 = arith.index_cast %sub3A_518 : i32 to index
          %get3A_539 = arith.constant 48 : index
          %get3A_540 = tpu.vector_load %arg6[%get3A_538, %get3A_539] {strides = array<i32>} : memref<112x256xf32, #tpu.memory_space<vmem>>, vector<1x16xf32>,
          %get3A_541 = vector.shape_cast %get3A_540 : vector<1x16xf32> to vector<16xf32>
          %select_n3A_542 = arith.select %eq3A_519, %while3A_502, %broadcast_in_dim3A_33 : vector<16xf32>
          %add3A_543 = arith.addf %get3A_541, %select_n3A_542 : vector<16xf32>
          %get3A_544 = arith.index_cast %sub3A_518 : i32 to index
          %get3A_545 = arith.constant 64 : index
          %get3A_546 = tpu.vector_load %arg6[%get3A_544, %get3A_545] {strides = array<i32>} : memref<112x256xf32, #tpu.memory_space<vmem>>, vector<1x16xf32>,
          %get3A_547 = vector.shape_cast %get3A_546 : vector<1x16xf32> to vector<16xf32>
          %select_n3A_548 = arith.select %eq3A_519, %while3A_503, %broadcast_in_dim3A_33 : vector<16xf32>
          %add3A_549 = arith.addf %get3A_547, %select_n3A_548 : vector<16xf32>
          %get3A_550 = arith.index_cast %sub3A_518 : i32 to index
          %get3A_551 = arith.constant 80 : index
          %get3A_552 = tpu.vector_load %arg6[%get3A_550, %get3A_551] {strides = array<i32>} : memref<112x256xf32, #tpu.memory_space<vmem>>, vector<1x16xf32>,
          %get3A_553 = vector.shape_cast %get3A_552 : vector<1x16xf32> to vector<16xf32>
          %select_n3A_554 = arith.select %eq3A_519, %while3A_504, %broadcast_in_dim3A_33 : vector<16xf32>
          %add3A_555 = arith.addf %get3A_553, %select_n3A_554 : vector<16xf32>
          %get3A_556 = arith.index_cast %sub3A_518 : i32 to index
          %get3A_557 = arith.constant 96 : index
          %get3A_558 = tpu.vector_load %arg6[%get3A_556, %get3A_557] {strides = array<i32>} : memref<112x256xf32, #tpu.memory_space<vmem>>, vector<1x16xf32>,
          %get3A_559 = vector.shape_cast %get3A_558 : vector<1x16xf32> to vector<16xf32>
          %select_n3A_560 = arith.select %eq3A_519, %while3A_505, %broadcast_in_dim3A_33 : vector<16xf32>
          %add3A_561 = arith.addf %get3A_559, %select_n3A_560 : vector<16xf32>
          %get3A_562 = arith.index_cast %sub3A_518 : i32 to index
          %get3A_563 = arith.constant 112 : index
          %get3A_564 = tpu.vector_load %arg6[%get3A_562, %get3A_563] {strides = array<i32>} : memref<112x256xf32, #tpu.memory_space<vmem>>, vector<1x16xf32>,
          %get3A_565 = vector.shape_cast %get3A_564 : vector<1x16xf32> to vector<16xf32>
          %select_n3A_566 = arith.select %eq3A_519, %while3A_506, %broadcast_in_dim3A_33 : vector<16xf32>
          %add3A_567 = arith.addf %get3A_565, %select_n3A_566 : vector<16xf32>
          %get3A_568 = arith.index_cast %sub3A_518 : i32 to index
          %get3A_569 = arith.constant 128 : index
          %get3A_570 = tpu.vector_load %arg6[%get3A_568, %get3A_569] {strides = array<i32>} : memref<112x256xf32, #tpu.memory_space<vmem>>, vector<1x16xf32>,
          %get3A_571 = vector.shape_cast %get3A_570 : vector<1x16xf32> to vector<16xf32>
          %select_n3A_572 = arith.select %eq3A_519, %while3A_507, %broadcast_in_dim3A_33 : vector<16xf32>
          %add3A_573 = arith.addf %get3A_571, %select_n3A_572 : vector<16xf32>
          %get3A_574 = arith.index_cast %sub3A_518 : i32 to index
          %get3A_575 = arith.constant 144 : index
          %get3A_576 = tpu.vector_load %arg6[%get3A_574, %get3A_575] {strides = array<i32>} : memref<112x256xf32, #tpu.memory_space<vmem>>, vector<1x16xf32>,
          %get3A_577 = vector.shape_cast %get3A_576 : vector<1x16xf32> to vector<16xf32>
          %select_n3A_578 = arith.select %eq3A_519, %while3A_508, %broadcast_in_dim3A_33 : vector<16xf32>
          %add3A_579 = arith.addf %get3A_577, %select_n3A_578 : vector<16xf32>
          %get3A_580 = arith.index_cast %sub3A_518 : i32 to index
          %get3A_581 = arith.constant 160 : index
          %get3A_582 = tpu.vector_load %arg6[%get3A_580, %get3A_581] {strides = array<i32>} : memref<112x256xf32, #tpu.memory_space<vmem>>, vector<1x16xf32>,
          %get3A_583 = vector.shape_cast %get3A_582 : vector<1x16xf32> to vector<16xf32>
          %select_n3A_584 = arith.select %eq3A_519, %while3A_509, %broadcast_in_dim3A_33 : vector<16xf32>
          %add3A_585 = arith.addf %get3A_583, %select_n3A_584 : vector<16xf32>
          %get3A_586 = arith.index_cast %sub3A_518 : i32 to index
          %get3A_587 = arith.constant 176 : index
          %get3A_588 = tpu.vector_load %arg6[%get3A_586, %get3A_587] {strides = array<i32>} : memref<112x256xf32, #tpu.memory_space<vmem>>, vector<1x16xf32>,
          %get3A_589 = vector.shape_cast %get3A_588 : vector<1x16xf32> to vector<16xf32>
          %select_n3A_590 = arith.select %eq3A_519, %while3A_510, %broadcast_in_dim3A_33 : vector<16xf32>
          %add3A_591 = arith.addf %get3A_589, %select_n3A_590 : vector<16xf32>
          %get3A_592 = arith.index_cast %sub3A_518 : i32 to index
          %get3A_593 = arith.constant 192 : index
          %get3A_594 = tpu.vector_load %arg6[%get3A_592, %get3A_593] {strides = array<i32>} : memref<112x256xf32, #tpu.memory_space<vmem>>, vector<1x16xf32>,
          %get3A_595 = vector.shape_cast %get3A_594 : vector<1x16xf32> to vector<16xf32>
          %select_n3A_596 = arith.select %eq3A_519, %while3A_511, %broadcast_in_dim3A_33 : vector<16xf32>
          %add3A_597 = arith.addf %get3A_595, %select_n3A_596 : vector<16xf32>
          %get3A_598 = arith.index_cast %sub3A_518 : i32 to index
          %get3A_599 = arith.constant 208 : index
          %get3A_600 = tpu.vector_load %arg6[%get3A_598, %get3A_599] {strides = array<i32>} : memref<112x256xf32, #tpu.memory_space<vmem>>, vector<1x16xf32>,
          %get3A_601 = vector.shape_cast %get3A_600 : vector<1x16xf32> to vector<16xf32>
          %select_n3A_602 = arith.select %eq3A_519, %while3A_512, %broadcast_in_dim3A_33 : vector<16xf32>
          %add3A_603 = arith.addf %get3A_601, %select_n3A_602 : vector<16xf32>
          %get3A_604 = arith.index_cast %sub3A_518 : i32 to index
          %get3A_605 = arith.constant 224 : index
          %get3A_606 = tpu.vector_load %arg6[%get3A_604, %get3A_605] {strides = array<i32>} : memref<112x256xf32, #tpu.memory_space<vmem>>, vector<1x16xf32>,
          %get3A_607 = vector.shape_cast %get3A_606 : vector<1x16xf32> to vector<16xf32>
          %select_n3A_608 = arith.select %eq3A_519, %while3A_513, %broadcast_in_dim3A_33 : vector<16xf32>
          %add3A_609 = arith.addf %get3A_607, %select_n3A_608 : vector<16xf32>
          %get3A_610 = arith.index_cast %sub3A_518 : i32 to index
          %get3A_611 = arith.constant 240 : index
          %get3A_612 = tpu.vector_load %arg6[%get3A_610, %get3A_611] {strides = array<i32>} : memref<112x256xf32, #tpu.memory_space<vmem>>, vector<1x16xf32>,
          %get3A_613 = vector.shape_cast %get3A_612 : vector<1x16xf32> to vector<16xf32>
          %select_n3A_614 = arith.select %eq3A_519, %while3A_514, %broadcast_in_dim3A_33 : vector<16xf32>
          %add3A_615 = arith.addf %get3A_613, %select_n3A_614 : vector<16xf32>
          %sub3A_616 = arith.subi %squeeze3A, %add3A_264 : i32
          %swap3A_617 = arith.index_cast %sub3A_616 : i32 to index
          %swap3A_618 = arith.constant 0 : index
          %swap3A_619 = tpu.vector_load %arg9[%swap3A_617, %swap3A_618] {strides = array<i32>} : memref<128x256xf32, #tpu.memory_space<vmem>>, vector<1x16xf32>,
          %swap3A_620 = vector.shape_cast %swap3A_619 : vector<1x16xf32> to vector<16xf32>
          %swap3A_621 = vector.shape_cast %add3A_525 : vector<16xf32> to vector<1x16xf32>
          tpu.vector_store %arg9[%swap3A_617, %swap3A_618], %swap3A_621 {strides = array<i32>} : memref<128x256xf32, #tpu.memory_space<vmem>>, vector<1x16xf32>,
          %swap3A_622 = arith.index_cast %sub3A_616 : i32 to index
          %swap3A_623 = arith.constant 16 : index
          %swap3A_624 = tpu.vector_load %arg9[%swap3A_622, %swap3A_623] {strides = array<i32>} : memref<128x256xf32, #tpu.memory_space<vmem>>, vector<1x16xf32>,
          %swap3A_625 = vector.shape_cast %swap3A_624 : vector<1x16xf32> to vector<16xf32>
          %swap3A_626 = vector.shape_cast %add3A_531 : vector<16xf32> to vector<1x16xf32>
          tpu.vector_store %arg9[%swap3A_622, %swap3A_623], %swap3A_626 {strides = array<i32>} : memref<128x256xf32, #tpu.memory_space<vmem>>, vector<1x16xf32>,
          %swap3A_627 = arith.index_cast %sub3A_616 : i32 to index
          %swap3A_628 = arith.constant 32 : index
          %swap3A_629 = tpu.vector_load %arg9[%swap3A_627, %swap3A_628] {strides = array<i32>} : memref<128x256xf32, #tpu.memory_space<vmem>>, vector<1x16xf32>,
          %swap3A_630 = vector.shape_cast %swap3A_629 : vector<1x16xf32> to vector<16xf32>
          %swap3A_631 = vector.shape_cast %add3A_537 : vector<16xf32> to vector<1x16xf32>
          tpu.vector_store %arg9[%swap3A_627, %swap3A_628], %swap3A_631 {strides = array<i32>} : memref<128x256xf32, #tpu.memory_space<vmem>>, vector<1x16xf32>,
          %swap3A_632 = arith.index_cast %sub3A_616 : i32 to index
          %swap3A_633 = arith.constant 48 : index
          %swap3A_634 = tpu.vector_load %arg9[%swap3A_632, %swap3A_633] {strides = array<i32>} : memref<128x256xf32, #tpu.memory_space<vmem>>, vector<1x16xf32>,
          %swap3A_635 = vector.shape_cast %swap3A_634 : vector<1x16xf32> to vector<16xf32>
          %swap3A_636 = vector.shape_cast %add3A_543 : vector<16xf32> to vector<1x16xf32>
          tpu.vector_store %arg9[%swap3A_632, %swap3A_633], %swap3A_636 {strides = array<i32>} : memref<128x256xf32, #tpu.memory_space<vmem>>, vector<1x16xf32>,
          %swap3A_637 = arith.index_cast %sub3A_616 : i32 to index
          %swap3A_638 = arith.constant 64 : index
          %swap3A_639 = tpu.vector_load %arg9[%swap3A_637, %swap3A_638] {strides = array<i32>} : memref<128x256xf32, #tpu.memory_space<vmem>>, vector<1x16xf32>,
          %swap3A_640 = vector.shape_cast %swap3A_639 : vector<1x16xf32> to vector<16xf32>
          %swap3A_641 = vector.shape_cast %add3A_549 : vector<16xf32> to vector<1x16xf32>
          tpu.vector_store %arg9[%swap3A_637, %swap3A_638], %swap3A_641 {strides = array<i32>} : memref<128x256xf32, #tpu.memory_space<vmem>>, vector<1x16xf32>,
          %swap3A_642 = arith.index_cast %sub3A_616 : i32 to index
          %swap3A_643 = arith.constant 80 : index
          %swap3A_644 = tpu.vector_load %arg9[%swap3A_642, %swap3A_643] {strides = array<i32>} : memref<128x256xf32, #tpu.memory_space<vmem>>, vector<1x16xf32>,
          %swap3A_645 = vector.shape_cast %swap3A_644 : vector<1x16xf32> to vector<16xf32>
          %swap3A_646 = vector.shape_cast %add3A_555 : vector<16xf32> to vector<1x16xf32>
          tpu.vector_store %arg9[%swap3A_642, %swap3A_643], %swap3A_646 {strides = array<i32>} : memref<128x256xf32, #tpu.memory_space<vmem>>, vector<1x16xf32>,
          %swap3A_647 = arith.index_cast %sub3A_616 : i32 to index
          %swap3A_648 = arith.constant 96 : index
          %swap3A_649 = tpu.vector_load %arg9[%swap3A_647, %swap3A_648] {strides = array<i32>} : memref<128x256xf32, #tpu.memory_space<vmem>>, vector<1x16xf32>,
          %swap3A_650 = vector.shape_cast %swap3A_649 : vector<1x16xf32> to vector<16xf32>
          %swap3A_651 = vector.shape_cast %add3A_561 : vector<16xf32> to vector<1x16xf32>
          tpu.vector_store %arg9[%swap3A_647, %swap3A_648], %swap3A_651 {strides = array<i32>} : memref<128x256xf32, #tpu.memory_space<vmem>>, vector<1x16xf32>,
          %swap3A_652 = arith.index_cast %sub3A_616 : i32 to index
          %swap3A_653 = arith.constant 112 : index
          %swap3A_654 = tpu.vector_load %arg9[%swap3A_652, %swap3A_653] {strides = array<i32>} : memref<128x256xf32, #tpu.memory_space<vmem>>, vector<1x16xf32>,
          %swap3A_655 = vector.shape_cast %swap3A_654 : vector<1x16xf32> to vector<16xf32>
          %swap3A_656 = vector.shape_cast %add3A_567 : vector<16xf32> to vector<1x16xf32>
          tpu.vector_store %arg9[%swap3A_652, %swap3A_653], %swap3A_656 {strides = array<i32>} : memref<128x256xf32, #tpu.memory_space<vmem>>, vector<1x16xf32>,
          %swap3A_657 = arith.index_cast %sub3A_616 : i32 to index
          %swap3A_658 = arith.constant 128 : index
          %swap3A_659 = tpu.vector_load %arg9[%swap3A_657, %swap3A_658] {strides = array<i32>} : memref<128x256xf32, #tpu.memory_space<vmem>>, vector<1x16xf32>,
          %swap3A_660 = vector.shape_cast %swap3A_659 : vector<1x16xf32> to vector<16xf32>
          %swap3A_661 = vector.shape_cast %add3A_573 : vector<16xf32> to vector<1x16xf32>
          tpu.vector_store %arg9[%swap3A_657, %swap3A_658], %swap3A_661 {strides = array<i32>} : memref<128x256xf32, #tpu.memory_space<vmem>>, vector<1x16xf32>,
          %swap3A_662 = arith.index_cast %sub3A_616 : i32 to index
          %swap3A_663 = arith.constant 144 : index
          %swap3A_664 = tpu.vector_load %arg9[%swap3A_662, %swap3A_663] {strides = array<i32>} : memref<128x256xf32, #tpu.memory_space<vmem>>, vector<1x16xf32>,
          %swap3A_665 = vector.shape_cast %swap3A_664 : vector<1x16xf32> to vector<16xf32>
          %swap3A_666 = vector.shape_cast %add3A_579 : vector<16xf32> to vector<1x16xf32>
          tpu.vector_store %arg9[%swap3A_662, %swap3A_663], %swap3A_666 {strides = array<i32>} : memref<128x256xf32, #tpu.memory_space<vmem>>, vector<1x16xf32>,
          %swap3A_667 = arith.index_cast %sub3A_616 : i32 to index
          %swap3A_668 = arith.constant 160 : index
          %swap3A_669 = tpu.vector_load %arg9[%swap3A_667, %swap3A_668] {strides = array<i32>} : memref<128x256xf32, #tpu.memory_space<vmem>>, vector<1x16xf32>,
          %swap3A_670 = vector.shape_cast %swap3A_669 : vector<1x16xf32> to vector<16xf32>
          %swap3A_671 = vector.shape_cast %add3A_585 : vector<16xf32> to vector<1x16xf32>
          tpu.vector_store %arg9[%swap3A_667, %swap3A_668], %swap3A_671 {strides = array<i32>} : memref<128x256xf32, #tpu.memory_space<vmem>>, vector<1x16xf32>,
          %swap3A_672 = arith.index_cast %sub3A_616 : i32 to index
          %swap3A_673 = arith.constant 176 : index
          %swap3A_674 = tpu.vector_load %arg9[%swap3A_672, %swap3A_673] {strides = array<i32>} : memref<128x256xf32, #tpu.memory_space<vmem>>, vector<1x16xf32>,
          %swap3A_675 = vector.shape_cast %swap3A_674 : vector<1x16xf32> to vector<16xf32>
          %swap3A_676 = vector.shape_cast %add3A_591 : vector<16xf32> to vector<1x16xf32>
          tpu.vector_store %arg9[%swap3A_672, %swap3A_673], %swap3A_676 {strides = array<i32>} : memref<128x256xf32, #tpu.memory_space<vmem>>, vector<1x16xf32>,
          %swap3A_677 = arith.index_cast %sub3A_616 : i32 to index
          %swap3A_678 = arith.constant 192 : index
          %swap3A_679 = tpu.vector_load %arg9[%swap3A_677, %swap3A_678] {strides = array<i32>} : memref<128x256xf32, #tpu.memory_space<vmem>>, vector<1x16xf32>,
          %swap3A_680 = vector.shape_cast %swap3A_679 : vector<1x16xf32> to vector<16xf32>
          %swap3A_681 = vector.shape_cast %add3A_597 : vector<16xf32> to vector<1x16xf32>
          tpu.vector_store %arg9[%swap3A_677, %swap3A_678], %swap3A_681 {strides = array<i32>} : memref<128x256xf32, #tpu.memory_space<vmem>>, vector<1x16xf32>,
          %swap3A_682 = arith.index_cast %sub3A_616 : i32 to index
          %swap3A_683 = arith.constant 208 : index
          %swap3A_684 = tpu.vector_load %arg9[%swap3A_682, %swap3A_683] {strides = array<i32>} : memref<128x256xf32, #tpu.memory_space<vmem>>, vector<1x16xf32>,
          %swap3A_685 = vector.shape_cast %swap3A_684 : vector<1x16xf32> to vector<16xf32>
          %swap3A_686 = vector.shape_cast %add3A_603 : vector<16xf32> to vector<1x16xf32>
          tpu.vector_store %arg9[%swap3A_682, %swap3A_683], %swap3A_686 {strides = array<i32>} : memref<128x256xf32, #tpu.memory_space<vmem>>, vector<1x16xf32>,
          %swap3A_687 = arith.index_cast %sub3A_616 : i32 to index
          %swap3A_688 = arith.constant 224 : index
          %swap3A_689 = tpu.vector_load %arg9[%swap3A_687, %swap3A_688] {strides = array<i32>} : memref<128x256xf32, #tpu.memory_space<vmem>>, vector<1x16xf32>,
          %swap3A_690 = vector.shape_cast %swap3A_689 : vector<1x16xf32> to vector<16xf32>
          %swap3A_691 = vector.shape_cast %add3A_609 : vector<16xf32> to vector<1x16xf32>
          tpu.vector_store %arg9[%swap3A_687, %swap3A_688], %swap3A_691 {strides = array<i32>} : memref<128x256xf32, #tpu.memory_space<vmem>>, vector<1x16xf32>,
          %swap3A_692 = arith.index_cast %sub3A_616 : i32 to index
          %swap3A_693 = arith.constant 240 : index
          %swap3A_694 = tpu.vector_load %arg9[%swap3A_692, %swap3A_693] {strides = array<i32>} : memref<128x256xf32, #tpu.memory_space<vmem>>, vector<1x16xf32>,
          %swap3A_695 = vector.shape_cast %swap3A_694 : vector<1x16xf32> to vector<16xf32>
          %swap3A_696 = vector.shape_cast %add3A_615 : vector<16xf32> to vector<1x16xf32>
          tpu.vector_store %arg9[%swap3A_692, %swap3A_693], %swap3A_696 {strides = array<i32>} : memref<128x256xf32, #tpu.memory_space<vmem>>, vector<1x16xf32>,
          scf.yield %squeeze3A, %add3A_525, %add3A_531, %add3A_537, %add3A_543, %add3A_549, %add3A_555, %add3A_561, %add3A_567, %add3A_573, %add3A_579, %add3A_585, %add3A_591, %add3A_597, %add3A_603, %add3A_609, %add3A_615 : i32, vector<16xf32>, vector<16xf32>, vector<16xf32>, vector<16xf32>, vector<16xf32>, vector<16xf32>, vector<16xf32>, vector<16xf32>, vector<16xf32>, vector<16xf32>, vector<16xf32>, vector<16xf32>, vector<16xf32>, vector<16xf32>, vector<16xf32>, vector<16xf32>
        }
        %while3A_458 = arith.constant 1 : i32
        %while3A_459:17 = scf.for %while3A_497 = %while3A_455 to %while3A_451 step %while3A_458 iter_args(%while3A_498 = %while3A_457#0, %while3A_499 = %while3A_457#1, %while3A_500 = %while3A_457#2, %while3A_501 = %while3A_457#3, %while3A_502 = %while3A_457#4, %while3A_503 = %while3A_457#5, %while3A_504 = %while3A_457#6, %while3A_505 = %while3A_457#7, %while3A_506 = %while3A_457#8, %while3A_507 = %while3A_457#9, %while3A_508 = %while3A_457#10, %while3A_509 = %while3A_457#11, %while3A_510 = %while3A_457#12, %while3A_511 = %while3A_457#13, %while3A_512 = %while3A_457#14, %while3A_513 = %while3A_457#15, %while3A_514 = %while3A_457#16) -> (i32, vector<16xf32>, vector<16xf32>, vector<16xf32>, vector<16xf32>, vector<16xf32>, vector<16xf32>, vector<16xf32>, vector<16xf32>, vector<16xf32>, vector<16xf32>, vector<16xf32>, vector<16xf32>, vector<16xf32>, vector<16xf32>, vector<16xf32>, vector<16xf32>)  : i32 {
          %add3A_515 = arith.addi %max3A, %while3A_497 : i32
          %get3A = arith.index_cast %add3A_515 : i32 to index
          %get3A_516 = tpu.vector_load %arg5[%get3A] {strides = array<i32>} : memref<4112xi32, #tpu.memory_space<vmem>>, vector<16xi32>,
          %get3A_517 = vector.shape_cast %get3A_516 : vector<16xi32> to vector<16xi32>
          %slice3A = vector.extract_strided_slice %get3A_517 {offsets = [0], sizes = [1], strides = [1]} : vector<16xi32> to vector<1xi32>
          %squeeze3A = vector.extract %slice3A[0] : i32 from vector<1xi32>
          %sub3A_518 = arith.subi %add3A_515, %min3A_432 : i32
          %eq3A_519 = arith.cmpi eq, %squeeze3A, %while3A_498 : i32
          %get3A_520 = arith.index_cast %sub3A_518 : i32 to index
          %get3A_521 = arith.constant 0 : index
          %get3A_522 = tpu.vector_load %arg6[%get3A_520, %get3A_521] {strides = array<i32>} : memref<112x256xf32, #tpu.memory_space<vmem>>, vector<1x16xf32>,
          %get3A_523 = vector.shape_cast %get3A_522 : vector<1x16xf32> to vector<16xf32>
          %select_n3A_524 = arith.select %eq3A_519, %while3A_499, %broadcast_in_dim3A_33 : vector<16xf32>
          %add3A_525 = arith.addf %get3A_523, %select_n3A_524 : vector<16xf32>
          %get3A_526 = arith.index_cast %sub3A_518 : i32 to index
          %get3A_527 = arith.constant 16 : index
          %get3A_528 = tpu.vector_load %arg6[%get3A_526, %get3A_527] {strides = array<i32>} : memref<112x256xf32, #tpu.memory_space<vmem>>, vector<1x16xf32>,
          %get3A_529 = vector.shape_cast %get3A_528 : vector<1x16xf32> to vector<16xf32>
          %select_n3A_530 = arith.select %eq3A_519, %while3A_500, %broadcast_in_dim3A_33 : vector<16xf32>
          %add3A_531 = arith.addf %get3A_529, %select_n3A_530 : vector<16xf32>
          %get3A_532 = arith.index_cast %sub3A_518 : i32 to index
          %get3A_533 = arith.constant 32 : index
          %get3A_534 = tpu.vector_load %arg6[%get3A_532, %get3A_533] {strides = array<i32>} : memref<112x256xf32, #tpu.memory_space<vmem>>, vector<1x16xf32>,
          %get3A_535 = vector.shape_cast %get3A_534 : vector<1x16xf32> to vector<16xf32>
          %select_n3A_536 = arith.select %eq3A_519, %while3A_501, %broadcast_in_dim3A_33 : vector<16xf32>
          %add3A_537 = arith.addf %get3A_535, %select_n3A_536 : vector<16xf32>
          %get3A_538 = arith.index_cast %sub3A_518 : i32 to index
          %get3A_539 = arith.constant 48 : index
          %get3A_540 = tpu.vector_load %arg6[%get3A_538, %get3A_539] {strides = array<i32>} : memref<112x256xf32, #tpu.memory_space<vmem>>, vector<1x16xf32>,
          %get3A_541 = vector.shape_cast %get3A_540 : vector<1x16xf32> to vector<16xf32>
          %select_n3A_542 = arith.select %eq3A_519, %while3A_502, %broadcast_in_dim3A_33 : vector<16xf32>
          %add3A_543 = arith.addf %get3A_541, %select_n3A_542 : vector<16xf32>
          %get3A_544 = arith.index_cast %sub3A_518 : i32 to index
          %get3A_545 = arith.constant 64 : index
          %get3A_546 = tpu.vector_load %arg6[%get3A_544, %get3A_545] {strides = array<i32>} : memref<112x256xf32, #tpu.memory_space<vmem>>, vector<1x16xf32>,
          %get3A_547 = vector.shape_cast %get3A_546 : vector<1x16xf32> to vector<16xf32>
          %select_n3A_548 = arith.select %eq3A_519, %while3A_503, %broadcast_in_dim3A_33 : vector<16xf32>
          %add3A_549 = arith.addf %get3A_547, %select_n3A_548 : vector<16xf32>
          %get3A_550 = arith.index_cast %sub3A_518 : i32 to index
          %get3A_551 = arith.constant 80 : index
          %get3A_552 = tpu.vector_load %arg6[%get3A_550, %get3A_551] {strides = array<i32>} : memref<112x256xf32, #tpu.memory_space<vmem>>, vector<1x16xf32>,
          %get3A_553 = vector.shape_cast %get3A_552 : vector<1x16xf32> to vector<16xf32>
          %select_n3A_554 = arith.select %eq3A_519, %while3A_504, %broadcast_in_dim3A_33 : vector<16xf32>
          %add3A_555 = arith.addf %get3A_553, %select_n3A_554 : vector<16xf32>
          %get3A_556 = arith.index_cast %sub3A_518 : i32 to index
          %get3A_557 = arith.constant 96 : index
          %get3A_558 = tpu.vector_load %arg6[%get3A_556, %get3A_557] {strides = array<i32>} : memref<112x256xf32, #tpu.memory_space<vmem>>, vector<1x16xf32>,
          %get3A_559 = vector.shape_cast %get3A_558 : vector<1x16xf32> to vector<16xf32>
          %select_n3A_560 = arith.select %eq3A_519, %while3A_505, %broadcast_in_dim3A_33 : vector<16xf32>
          %add3A_561 = arith.addf %get3A_559, %select_n3A_560 : vector<16xf32>
          %get3A_562 = arith.index_cast %sub3A_518 : i32 to index
          %get3A_563 = arith.constant 112 : index
          %get3A_564 = tpu.vector_load %arg6[%get3A_562, %get3A_563] {strides = array<i32>} : memref<112x256xf32, #tpu.memory_space<vmem>>, vector<1x16xf32>,
          %get3A_565 = vector.shape_cast %get3A_564 : vector<1x16xf32> to vector<16xf32>
          %select_n3A_566 = arith.select %eq3A_519, %while3A_506, %broadcast_in_dim3A_33 : vector<16xf32>
          %add3A_567 = arith.addf %get3A_565, %select_n3A_566 : vector<16xf32>
          %get3A_568 = arith.index_cast %sub3A_518 : i32 to index
          %get3A_569 = arith.constant 128 : index
          %get3A_570 = tpu.vector_load %arg6[%get3A_568, %get3A_569] {strides = array<i32>} : memref<112x256xf32, #tpu.memory_space<vmem>>, vector<1x16xf32>,
          %get3A_571 = vector.shape_cast %get3A_570 : vector<1x16xf32> to vector<16xf32>
          %select_n3A_572 = arith.select %eq3A_519, %while3A_507, %broadcast_in_dim3A_33 : vector<16xf32>
          %add3A_573 = arith.addf %get3A_571, %select_n3A_572 : vector<16xf32>
          %get3A_574 = arith.index_cast %sub3A_518 : i32 to index
          %get3A_575 = arith.constant 144 : index
          %get3A_576 = tpu.vector_load %arg6[%get3A_574, %get3A_575] {strides = array<i32>} : memref<112x256xf32, #tpu.memory_space<vmem>>, vector<1x16xf32>,
          %get3A_577 = vector.shape_cast %get3A_576 : vector<1x16xf32> to vector<16xf32>
          %select_n3A_578 = arith.select %eq3A_519, %while3A_508, %broadcast_in_dim3A_33 : vector<16xf32>
          %add3A_579 = arith.addf %get3A_577, %select_n3A_578 : vector<16xf32>
          %get3A_580 = arith.index_cast %sub3A_518 : i32 to index
          %get3A_581 = arith.constant 160 : index
          %get3A_582 = tpu.vector_load %arg6[%get3A_580, %get3A_581] {strides = array<i32>} : memref<112x256xf32, #tpu.memory_space<vmem>>, vector<1x16xf32>,
          %get3A_583 = vector.shape_cast %get3A_582 : vector<1x16xf32> to vector<16xf32>
          %select_n3A_584 = arith.select %eq3A_519, %while3A_509, %broadcast_in_dim3A_33 : vector<16xf32>
          %add3A_585 = arith.addf %get3A_583, %select_n3A_584 : vector<16xf32>
          %get3A_586 = arith.index_cast %sub3A_518 : i32 to index
          %get3A_587 = arith.constant 176 : index
          %get3A_588 = tpu.vector_load %arg6[%get3A_586, %get3A_587] {strides = array<i32>} : memref<112x256xf32, #tpu.memory_space<vmem>>, vector<1x16xf32>,
          %get3A_589 = vector.shape_cast %get3A_588 : vector<1x16xf32> to vector<16xf32>
          %select_n3A_590 = arith.select %eq3A_519, %while3A_510, %broadcast_in_dim3A_33 : vector<16xf32>
          %add3A_591 = arith.addf %get3A_589, %select_n3A_590 : vector<16xf32>
          %get3A_592 = arith.index_cast %sub3A_518 : i32 to index
          %get3A_593 = arith.constant 192 : index
          %get3A_594 = tpu.vector_load %arg6[%get3A_592, %get3A_593] {strides = array<i32>} : memref<112x256xf32, #tpu.memory_space<vmem>>, vector<1x16xf32>,
          %get3A_595 = vector.shape_cast %get3A_594 : vector<1x16xf32> to vector<16xf32>
          %select_n3A_596 = arith.select %eq3A_519, %while3A_511, %broadcast_in_dim3A_33 : vector<16xf32>
          %add3A_597 = arith.addf %get3A_595, %select_n3A_596 : vector<16xf32>
          %get3A_598 = arith.index_cast %sub3A_518 : i32 to index
          %get3A_599 = arith.constant 208 : index
          %get3A_600 = tpu.vector_load %arg6[%get3A_598, %get3A_599] {strides = array<i32>} : memref<112x256xf32, #tpu.memory_space<vmem>>, vector<1x16xf32>,
          %get3A_601 = vector.shape_cast %get3A_600 : vector<1x16xf32> to vector<16xf32>
          %select_n3A_602 = arith.select %eq3A_519, %while3A_512, %broadcast_in_dim3A_33 : vector<16xf32>
          %add3A_603 = arith.addf %get3A_601, %select_n3A_602 : vector<16xf32>
          %get3A_604 = arith.index_cast %sub3A_518 : i32 to index
          %get3A_605 = arith.constant 224 : index
          %get3A_606 = tpu.vector_load %arg6[%get3A_604, %get3A_605] {strides = array<i32>} : memref<112x256xf32, #tpu.memory_space<vmem>>, vector<1x16xf32>,
          %get3A_607 = vector.shape_cast %get3A_606 : vector<1x16xf32> to vector<16xf32>
          %select_n3A_608 = arith.select %eq3A_519, %while3A_513, %broadcast_in_dim3A_33 : vector<16xf32>
          %add3A_609 = arith.addf %get3A_607, %select_n3A_608 : vector<16xf32>
          %get3A_610 = arith.index_cast %sub3A_518 : i32 to index
          %get3A_611 = arith.constant 240 : index
          %get3A_612 = tpu.vector_load %arg6[%get3A_610, %get3A_611] {strides = array<i32>} : memref<112x256xf32, #tpu.memory_space<vmem>>, vector<1x16xf32>,
          %get3A_613 = vector.shape_cast %get3A_612 : vector<1x16xf32> to vector<16xf32>
          %select_n3A_614 = arith.select %eq3A_519, %while3A_514, %broadcast_in_dim3A_33 : vector<16xf32>
          %add3A_615 = arith.addf %get3A_613, %select_n3A_614 : vector<16xf32>
          %sub3A_616 = arith.subi %squeeze3A, %add3A_264 : i32
          %swap3A_617 = arith.index_cast %sub3A_616 : i32 to index
          %swap3A_618 = arith.constant 0 : index
          %swap3A_619 = tpu.vector_load %arg9[%swap3A_617, %swap3A_618] {strides = array<i32>} : memref<128x256xf32, #tpu.memory_space<vmem>>, vector<1x16xf32>,
          %swap3A_620 = vector.shape_cast %swap3A_619 : vector<1x16xf32> to vector<16xf32>
          %swap3A_621 = vector.shape_cast %add3A_525 : vector<16xf32> to vector<1x16xf32>
          tpu.vector_store %arg9[%swap3A_617, %swap3A_618], %swap3A_621 {strides = array<i32>} : memref<128x256xf32, #tpu.memory_space<vmem>>, vector<1x16xf32>,
          %swap3A_622 = arith.index_cast %sub3A_616 : i32 to index
          %swap3A_623 = arith.constant 16 : index
          %swap3A_624 = tpu.vector_load %arg9[%swap3A_622, %swap3A_623] {strides = array<i32>} : memref<128x256xf32, #tpu.memory_space<vmem>>, vector<1x16xf32>,
          %swap3A_625 = vector.shape_cast %swap3A_624 : vector<1x16xf32> to vector<16xf32>
          %swap3A_626 = vector.shape_cast %add3A_531 : vector<16xf32> to vector<1x16xf32>
          tpu.vector_store %arg9[%swap3A_622, %swap3A_623], %swap3A_626 {strides = array<i32>} : memref<128x256xf32, #tpu.memory_space<vmem>>, vector<1x16xf32>,
          %swap3A_627 = arith.index_cast %sub3A_616 : i32 to index
          %swap3A_628 = arith.constant 32 : index
          %swap3A_629 = tpu.vector_load %arg9[%swap3A_627, %swap3A_628] {strides = array<i32>} : memref<128x256xf32, #tpu.memory_space<vmem>>, vector<1x16xf32>,
          %swap3A_630 = vector.shape_cast %swap3A_629 : vector<1x16xf32> to vector<16xf32>
          %swap3A_631 = vector.shape_cast %add3A_537 : vector<16xf32> to vector<1x16xf32>
          tpu.vector_store %arg9[%swap3A_627, %swap3A_628], %swap3A_631 {strides = array<i32>} : memref<128x256xf32, #tpu.memory_space<vmem>>, vector<1x16xf32>,
          %swap3A_632 = arith.index_cast %sub3A_616 : i32 to index
          %swap3A_633 = arith.constant 48 : index
          %swap3A_634 = tpu.vector_load %arg9[%swap3A_632, %swap3A_633] {strides = array<i32>} : memref<128x256xf32, #tpu.memory_space<vmem>>, vector<1x16xf32>,
          %swap3A_635 = vector.shape_cast %swap3A_634 : vector<1x16xf32> to vector<16xf32>
          %swap3A_636 = vector.shape_cast %add3A_543 : vector<16xf32> to vector<1x16xf32>
          tpu.vector_store %arg9[%swap3A_632, %swap3A_633], %swap3A_636 {strides = array<i32>} : memref<128x256xf32, #tpu.memory_space<vmem>>, vector<1x16xf32>,
          %swap3A_637 = arith.index_cast %sub3A_616 : i32 to index
          %swap3A_638 = arith.constant 64 : index
          %swap3A_639 = tpu.vector_load %arg9[%swap3A_637, %swap3A_638] {strides = array<i32>} : memref<128x256xf32, #tpu.memory_space<vmem>>, vector<1x16xf32>,
          %swap3A_640 = vector.shape_cast %swap3A_639 : vector<1x16xf32> to vector<16xf32>
          %swap3A_641 = vector.shape_cast %add3A_549 : vector<16xf32> to vector<1x16xf32>
          tpu.vector_store %arg9[%swap3A_637, %swap3A_638], %swap3A_641 {strides = array<i32>} : memref<128x256xf32, #tpu.memory_space<vmem>>, vector<1x16xf32>,
          %swap3A_642 = arith.index_cast %sub3A_616 : i32 to index
          %swap3A_643 = arith.constant 80 : index
          %swap3A_644 = tpu.vector_load %arg9[%swap3A_642, %swap3A_643] {strides = array<i32>} : memref<128x256xf32, #tpu.memory_space<vmem>>, vector<1x16xf32>,
          %swap3A_645 = vector.shape_cast %swap3A_644 : vector<1x16xf32> to vector<16xf32>
          %swap3A_646 = vector.shape_cast %add3A_555 : vector<16xf32> to vector<1x16xf32>
          tpu.vector_store %arg9[%swap3A_642, %swap3A_643], %swap3A_646 {strides = array<i32>} : memref<128x256xf32, #tpu.memory_space<vmem>>, vector<1x16xf32>,
          %swap3A_647 = arith.index_cast %sub3A_616 : i32 to index
          %swap3A_648 = arith.constant 96 : index
          %swap3A_649 = tpu.vector_load %arg9[%swap3A_647, %swap3A_648] {strides = array<i32>} : memref<128x256xf32, #tpu.memory_space<vmem>>, vector<1x16xf32>,
          %swap3A_650 = vector.shape_cast %swap3A_649 : vector<1x16xf32> to vector<16xf32>
          %swap3A_651 = vector.shape_cast %add3A_561 : vector<16xf32> to vector<1x16xf32>
          tpu.vector_store %arg9[%swap3A_647, %swap3A_648], %swap3A_651 {strides = array<i32>} : memref<128x256xf32, #tpu.memory_space<vmem>>, vector<1x16xf32>,
          %swap3A_652 = arith.index_cast %sub3A_616 : i32 to index
          %swap3A_653 = arith.constant 112 : index
          %swap3A_654 = tpu.vector_load %arg9[%swap3A_652, %swap3A_653] {strides = array<i32>} : memref<128x256xf32, #tpu.memory_space<vmem>>, vector<1x16xf32>,
          %swap3A_655 = vector.shape_cast %swap3A_654 : vector<1x16xf32> to vector<16xf32>
          %swap3A_656 = vector.shape_cast %add3A_567 : vector<16xf32> to vector<1x16xf32>
          tpu.vector_store %arg9[%swap3A_652, %swap3A_653], %swap3A_656 {strides = array<i32>} : memref<128x256xf32, #tpu.memory_space<vmem>>, vector<1x16xf32>,
          %swap3A_657 = arith.index_cast %sub3A_616 : i32 to index
          %swap3A_658 = arith.constant 128 : index
          %swap3A_659 = tpu.vector_load %arg9[%swap3A_657, %swap3A_658] {strides = array<i32>} : memref<128x256xf32, #tpu.memory_space<vmem>>, vector<1x16xf32>,
          %swap3A_660 = vector.shape_cast %swap3A_659 : vector<1x16xf32> to vector<16xf32>
          %swap3A_661 = vector.shape_cast %add3A_573 : vector<16xf32> to vector<1x16xf32>
          tpu.vector_store %arg9[%swap3A_657, %swap3A_658], %swap3A_661 {strides = array<i32>} : memref<128x256xf32, #tpu.memory_space<vmem>>, vector<1x16xf32>,
          %swap3A_662 = arith.index_cast %sub3A_616 : i32 to index
          %swap3A_663 = arith.constant 144 : index
          %swap3A_664 = tpu.vector_load %arg9[%swap3A_662, %swap3A_663] {strides = array<i32>} : memref<128x256xf32, #tpu.memory_space<vmem>>, vector<1x16xf32>,
          %swap3A_665 = vector.shape_cast %swap3A_664 : vector<1x16xf32> to vector<16xf32>
          %swap3A_666 = vector.shape_cast %add3A_579 : vector<16xf32> to vector<1x16xf32>
          tpu.vector_store %arg9[%swap3A_662, %swap3A_663], %swap3A_666 {strides = array<i32>} : memref<128x256xf32, #tpu.memory_space<vmem>>, vector<1x16xf32>,
          %swap3A_667 = arith.index_cast %sub3A_616 : i32 to index
          %swap3A_668 = arith.constant 160 : index
          %swap3A_669 = tpu.vector_load %arg9[%swap3A_667, %swap3A_668] {strides = array<i32>} : memref<128x256xf32, #tpu.memory_space<vmem>>, vector<1x16xf32>,
          %swap3A_670 = vector.shape_cast %swap3A_669 : vector<1x16xf32> to vector<16xf32>
          %swap3A_671 = vector.shape_cast %add3A_585 : vector<16xf32> to vector<1x16xf32>
          tpu.vector_store %arg9[%swap3A_667, %swap3A_668], %swap3A_671 {strides = array<i32>} : memref<128x256xf32, #tpu.memory_space<vmem>>, vector<1x16xf32>,
          %swap3A_672 = arith.index_cast %sub3A_616 : i32 to index
          %swap3A_673 = arith.constant 176 : index
          %swap3A_674 = tpu.vector_load %arg9[%swap3A_672, %swap3A_673] {strides = array<i32>} : memref<128x256xf32, #tpu.memory_space<vmem>>, vector<1x16xf32>,
          %swap3A_675 = vector.shape_cast %swap3A_674 : vector<1x16xf32> to vector<16xf32>
          %swap3A_676 = vector.shape_cast %add3A_591 : vector<16xf32> to vector<1x16xf32>
          tpu.vector_store %arg9[%swap3A_672, %swap3A_673], %swap3A_676 {strides = array<i32>} : memref<128x256xf32, #tpu.memory_space<vmem>>, vector<1x16xf32>,
          %swap3A_677 = arith.index_cast %sub3A_616 : i32 to index
          %swap3A_678 = arith.constant 192 : index
          %swap3A_679 = tpu.vector_load %arg9[%swap3A_677, %swap3A_678] {strides = array<i32>} : memref<128x256xf32, #tpu.memory_space<vmem>>, vector<1x16xf32>,
          %swap3A_680 = vector.shape_cast %swap3A_679 : vector<1x16xf32> to vector<16xf32>
          %swap3A_681 = vector.shape_cast %add3A_597 : vector<16xf32> to vector<1x16xf32>
          tpu.vector_store %arg9[%swap3A_677, %swap3A_678], %swap3A_681 {strides = array<i32>} : memref<128x256xf32, #tpu.memory_space<vmem>>, vector<1x16xf32>,
          %swap3A_682 = arith.index_cast %sub3A_616 : i32 to index
          %swap3A_683 = arith.constant 208 : index
          %swap3A_684 = tpu.vector_load %arg9[%swap3A_682, %swap3A_683] {strides = array<i32>} : memref<128x256xf32, #tpu.memory_space<vmem>>, vector<1x16xf32>,
          %swap3A_685 = vector.shape_cast %swap3A_684 : vector<1x16xf32> to vector<16xf32>
          %swap3A_686 = vector.shape_cast %add3A_603 : vector<16xf32> to vector<1x16xf32>
          tpu.vector_store %arg9[%swap3A_682, %swap3A_683], %swap3A_686 {strides = array<i32>} : memref<128x256xf32, #tpu.memory_space<vmem>>, vector<1x16xf32>,
          %swap3A_687 = arith.index_cast %sub3A_616 : i32 to index
          %swap3A_688 = arith.constant 224 : index
          %swap3A_689 = tpu.vector_load %arg9[%swap3A_687, %swap3A_688] {strides = array<i32>} : memref<128x256xf32, #tpu.memory_space<vmem>>, vector<1x16xf32>,
          %swap3A_690 = vector.shape_cast %swap3A_689 : vector<1x16xf32> to vector<16xf32>
          %swap3A_691 = vector.shape_cast %add3A_609 : vector<16xf32> to vector<1x16xf32>
          tpu.vector_store %arg9[%swap3A_687, %swap3A_688], %swap3A_691 {strides = array<i32>} : memref<128x256xf32, #tpu.memory_space<vmem>>, vector<1x16xf32>,
          %swap3A_692 = arith.index_cast %sub3A_616 : i32 to index
          %swap3A_693 = arith.constant 240 : index
          %swap3A_694 = tpu.vector_load %arg9[%swap3A_692, %swap3A_693] {strides = array<i32>} : memref<128x256xf32, #tpu.memory_space<vmem>>, vector<1x16xf32>,
          %swap3A_695 = vector.shape_cast %swap3A_694 : vector<1x16xf32> to vector<16xf32>
          %swap3A_696 = vector.shape_cast %add3A_615 : vector<16xf32> to vector<1x16xf32>
          tpu.vector_store %arg9[%swap3A_692, %swap3A_693], %swap3A_696 {strides = array<i32>} : memref<128x256xf32, #tpu.memory_space<vmem>>, vector<1x16xf32>,
          scf.yield %squeeze3A, %add3A_525, %add3A_531, %add3A_537, %add3A_543, %add3A_549, %add3A_555, %add3A_561, %add3A_567, %add3A_573, %add3A_579, %add3A_585, %add3A_591, %add3A_597, %add3A_603, %add3A_609, %add3A_615 : i32, vector<16xf32>, vector<16xf32>, vector<16xf32>, vector<16xf32>, vector<16xf32>, vector<16xf32>, vector<16xf32>, vector<16xf32>, vector<16xf32>, vector<16xf32>, vector<16xf32>, vector<16xf32>, vector<16xf32>, vector<16xf32>, vector<16xf32>, vector<16xf32>
        }
        %mul3A_460 = arith.constant 2 : i32
        %mul3A_461 = arith.muli %mul3A_460, %while3A_406 : i32
        %add3A_462 = arith.constant 1 : i32
        %add3A_463 = arith.addi %mul3A_461, %add3A_462 : i32
        %mul3A_464 = arith.constant 112 : i32
        %mul3A_465 = arith.muli %add3A_463, %mul3A_464 : i32
        %add3A_466 = arith.addi %and3A_62, %mul3A_465 : i32
        %min3A_467 = arith.constant 3984 : i32
        %min3A_468 = arith.minsi %add3A_466, %min3A_467 : i32
        %max3A_469 = arith.maxsi %scan3A_128#0, %add3A_466 : i32
        %add3A_470 = arith.constant 112 : i32
        %add3A_471 = arith.addi %add3A_466, %add3A_470 : i32
        %min3A_472 = arith.minsi %scan3A_273#0, %add3A_471 : i32
        %sub3A_473 = arith.subi %min3A_472, %max3A_469 : i32
        %jit3A_474 = arith.constant 0 : i32
        %jit3A_475 = arith.constant 112 : i32
        %max3A_476 = arith.maxsi %jit3A_474, %sub3A_473 : i32
        %min3A_477 = arith.minsi %jit3A_475, %max3A_476 : i32
        %gt3A_478 = arith.cmpi sgt, %add3A_463, %select_n3A_448 : i32
        %gt3A_479 = arith.constant 0 : i32
        %gt3A_480 = arith.cmpi sgt, %min3A_477, %gt3A_479 : i32
        %and3A_481 = arith.andi %gt3A_478, %gt3A_480 : i1
        %convert_element_type3A_482 = arith.extui %and3A_481 : i1 to i32
        %cond3A_483 = arith.constant 0 : i32
        %cond3A_484 = arith.cmpi ne, %convert_element_type3A_482, %cond3A_483 : i32
        scf.if %cond3A_484 {
          %mul3A_497 = arith.constant 112 : i32
          %mul3A_498 = arith.muli %add3A_463, %mul3A_497 : i32
          %add3A_499 = arith.addi %and3A_62, %mul3A_498 : i32
          %min3A_500 = arith.constant 3984 : i32
          %min3A_501 = arith.minsi %add3A_499, %min3A_500 : i32
          %multiple_of3A_502 = tpu.assume_multiple %min3A_501, 8 : i32
          %dma_wait3A_503 = arith.constant 0 : i32
          %dma_wait3A_504 = tpu.memref_slice %arg2[%select_n3A, %multiple_of3A_502, %dma_wait3A_503] : memref<16x4096x256xf32, #tpu.memory_space<hbm>> -> memref<1x112x256xf32, #tpu.memory_space<hbm>>
          %dma_wait3A_505 = tpu.memref_squeeze %dma_wait3A_504 : memref<1x112x256xf32, #tpu.memory_space<hbm>> -> memref<112x256xf32, #tpu.memory_space<hbm>>
          %dma_wait3A_506 = arith.constant 0 : i32
          %dma_wait3A_507 = tpu.memref_slice %arg2[%select_n3A, %multiple_of3A_502, %dma_wait3A_506] : memref<16x4096x256xf32, #tpu.memory_space<hbm>> -> memref<1x112x256xf32, #tpu.memory_space<hbm>>
          %dma_wait3A_508 = tpu.memref_squeeze %dma_wait3A_507 : memref<1x112x256xf32, #tpu.memory_space<hbm>> -> memref<112x256xf32, #tpu.memory_space<hbm>>
          tpu.wait_dma2 semaphore(%arg12 : memref<!tpu.dma_semaphore, #tpu.memory_space<semaphore_mem>>) src(%dma_wait3A_508 : memref<112x256xf32, #tpu.memory_space<hbm>>) dst(%arg7 : memref<112x256xf32, #tpu.memory_space<vmem>>)
          %add3A_509 = arith.constant 1 : i32
          %add3A_510 = arith.addi %add3A_463, %add3A_509 : i32
          %lt3A_511 = arith.cmpi slt, %add3A_510, %select_n3A_91 : i32
          %convert_element_type3A_512 = arith.extui %lt3A_511 : i1 to i32
          %cond3A_513 = arith.constant 0 : i32
          %cond3A_514 = arith.cmpi ne, %convert_element_type3A_512, %cond3A_513 : i32
          scf.if %cond3A_514 {
            %add3A_515 = arith.constant 1 : i32
            %add3A_516 = arith.addi %add3A_463, %add3A_515 : i32
            %mul3A_517 = arith.constant 112 : i32
            %mul3A_518 = arith.muli %add3A_516, %mul3A_517 : i32
            %add3A_519 = arith.addi %and3A_62, %mul3A_518 : i32
            %min3A_520 = arith.constant 3984 : i32
            %min3A_521 = arith.minsi %add3A_519, %min3A_520 : i32
            %multiple_of3A_522 = tpu.assume_multiple %min3A_521, 8 : i32
            %dma_start3A_523 = arith.constant 0 : i32
            %dma_start3A_524 = tpu.memref_slice %arg2[%select_n3A, %multiple_of3A_522, %dma_start3A_523] : memref<16x4096x256xf32, #tpu.memory_space<hbm>> -> memref<1x112x256xf32, #tpu.memory_space<hbm>>
            %dma_start3A_525 = tpu.memref_squeeze %dma_start3A_524 : memref<1x112x256xf32, #tpu.memory_space<hbm>> -> memref<112x256xf32, #tpu.memory_space<hbm>>
            %dma_start3A_526 = arith.constant 0 : i32
            %dma_start3A_527 = tpu.memref_slice %arg2[%select_n3A, %multiple_of3A_522, %dma_start3A_526] : memref<16x4096x256xf32, #tpu.memory_space<hbm>> -> memref<1x112x256xf32, #tpu.memory_space<hbm>>
            %dma_start3A_528 = tpu.memref_squeeze %dma_start3A_527 : memref<1x112x256xf32, #tpu.memory_space<hbm>> -> memref<112x256xf32, #tpu.memory_space<hbm>>
            tpu.enqueue_dma source(%dma_start3A_528 : memref<112x256xf32, #tpu.memory_space<hbm>>) target(%arg6 : memref<112x256xf32, #tpu.memory_space<vmem>>) target_semaphore(%arg11 : memref<!tpu.dma_semaphore, #tpu.memory_space<semaphore_mem>>)
          } else {
          }
        } else {
        }
        %select_n3A_485 = arith.select %and3A_481, %add3A_463, %select_n3A_448 : i32
        %while3A_486 = arith.constant 0 : i32
        %while3A_487 = arith.subi %min3A_477, %while3A_486 : i32
        %while3A_488 = arith.addi %while3A_486, %while3A_487 : i32
        %while3A_489 = arith.constant 1 : i32
        %while3A_490 = arith.divsi %while3A_487, %while3A_489 : i32
        %while3A_491 = arith.muli %while3A_490, %while3A_489 : i32
        %while3A_492 = arith.addi %while3A_486, %while3A_491 : i32
        %while3A_493 = arith.constant 1 : i32
        %while3A_494:17 = scf.for %while3A_497 = %while3A_486 to %while3A_492 step %while3A_493 iter_args(%while3A_498 = %while3A_459#0, %while3A_499 = %while3A_459#1, %while3A_500 = %while3A_459#2, %while3A_501 = %while3A_459#3, %while3A_502 = %while3A_459#4, %while3A_503 = %while3A_459#5, %while3A_504 = %while3A_459#6, %while3A_505 = %while3A_459#7, %while3A_506 = %while3A_459#8, %while3A_507 = %while3A_459#9, %while3A_508 = %while3A_459#10, %while3A_509 = %while3A_459#11, %while3A_510 = %while3A_459#12, %while3A_511 = %while3A_459#13, %while3A_512 = %while3A_459#14, %while3A_513 = %while3A_459#15, %while3A_514 = %while3A_459#16) -> (i32, vector<16xf32>, vector<16xf32>, vector<16xf32>, vector<16xf32>, vector<16xf32>, vector<16xf32>, vector<16xf32>, vector<16xf32>, vector<16xf32>, vector<16xf32>, vector<16xf32>, vector<16xf32>, vector<16xf32>, vector<16xf32>, vector<16xf32>, vector<16xf32>)  : i32 {
          %add3A_515 = arith.addi %max3A_469, %while3A_497 : i32
          %get3A = arith.index_cast %add3A_515 : i32 to index
          %get3A_516 = tpu.vector_load %arg5[%get3A] {strides = array<i32>} : memref<4112xi32, #tpu.memory_space<vmem>>, vector<16xi32>,
          %get3A_517 = vector.shape_cast %get3A_516 : vector<16xi32> to vector<16xi32>
          %slice3A = vector.extract_strided_slice %get3A_517 {offsets = [0], sizes = [1], strides = [1]} : vector<16xi32> to vector<1xi32>
          %squeeze3A = vector.extract %slice3A[0] : i32 from vector<1xi32>
          %sub3A_518 = arith.subi %add3A_515, %min3A_468 : i32
          %eq3A_519 = arith.cmpi eq, %squeeze3A, %while3A_498 : i32
          %get3A_520 = arith.index_cast %sub3A_518 : i32 to index
          %get3A_521 = arith.constant 0 : index
          %get3A_522 = tpu.vector_load %arg7[%get3A_520, %get3A_521] {strides = array<i32>} : memref<112x256xf32, #tpu.memory_space<vmem>>, vector<1x16xf32>,
          %get3A_523 = vector.shape_cast %get3A_522 : vector<1x16xf32> to vector<16xf32>
          %select_n3A_524 = arith.select %eq3A_519, %while3A_499, %broadcast_in_dim3A_33 : vector<16xf32>
          %add3A_525 = arith.addf %get3A_523, %select_n3A_524 : vector<16xf32>
          %get3A_526 = arith.index_cast %sub3A_518 : i32 to index
          %get3A_527 = arith.constant 16 : index
          %get3A_528 = tpu.vector_load %arg7[%get3A_526, %get3A_527] {strides = array<i32>} : memref<112x256xf32, #tpu.memory_space<vmem>>, vector<1x16xf32>,
          %get3A_529 = vector.shape_cast %get3A_528 : vector<1x16xf32> to vector<16xf32>
          %select_n3A_530 = arith.select %eq3A_519, %while3A_500, %broadcast_in_dim3A_33 : vector<16xf32>
          %add3A_531 = arith.addf %get3A_529, %select_n3A_530 : vector<16xf32>
          %get3A_532 = arith.index_cast %sub3A_518 : i32 to index
          %get3A_533 = arith.constant 32 : index
          %get3A_534 = tpu.vector_load %arg7[%get3A_532, %get3A_533] {strides = array<i32>} : memref<112x256xf32, #tpu.memory_space<vmem>>, vector<1x16xf32>,
          %get3A_535 = vector.shape_cast %get3A_534 : vector<1x16xf32> to vector<16xf32>
          %select_n3A_536 = arith.select %eq3A_519, %while3A_501, %broadcast_in_dim3A_33 : vector<16xf32>
          %add3A_537 = arith.addf %get3A_535, %select_n3A_536 : vector<16xf32>
          %get3A_538 = arith.index_cast %sub3A_518 : i32 to index
          %get3A_539 = arith.constant 48 : index
          %get3A_540 = tpu.vector_load %arg7[%get3A_538, %get3A_539] {strides = array<i32>} : memref<112x256xf32, #tpu.memory_space<vmem>>, vector<1x16xf32>,
          %get3A_541 = vector.shape_cast %get3A_540 : vector<1x16xf32> to vector<16xf32>
          %select_n3A_542 = arith.select %eq3A_519, %while3A_502, %broadcast_in_dim3A_33 : vector<16xf32>
          %add3A_543 = arith.addf %get3A_541, %select_n3A_542 : vector<16xf32>
          %get3A_544 = arith.index_cast %sub3A_518 : i32 to index
          %get3A_545 = arith.constant 64 : index
          %get3A_546 = tpu.vector_load %arg7[%get3A_544, %get3A_545] {strides = array<i32>} : memref<112x256xf32, #tpu.memory_space<vmem>>, vector<1x16xf32>,
          %get3A_547 = vector.shape_cast %get3A_546 : vector<1x16xf32> to vector<16xf32>
          %select_n3A_548 = arith.select %eq3A_519, %while3A_503, %broadcast_in_dim3A_33 : vector<16xf32>
          %add3A_549 = arith.addf %get3A_547, %select_n3A_548 : vector<16xf32>
          %get3A_550 = arith.index_cast %sub3A_518 : i32 to index
          %get3A_551 = arith.constant 80 : index
          %get3A_552 = tpu.vector_load %arg7[%get3A_550, %get3A_551] {strides = array<i32>} : memref<112x256xf32, #tpu.memory_space<vmem>>, vector<1x16xf32>,
          %get3A_553 = vector.shape_cast %get3A_552 : vector<1x16xf32> to vector<16xf32>
          %select_n3A_554 = arith.select %eq3A_519, %while3A_504, %broadcast_in_dim3A_33 : vector<16xf32>
          %add3A_555 = arith.addf %get3A_553, %select_n3A_554 : vector<16xf32>
          %get3A_556 = arith.index_cast %sub3A_518 : i32 to index
          %get3A_557 = arith.constant 96 : index
          %get3A_558 = tpu.vector_load %arg7[%get3A_556, %get3A_557] {strides = array<i32>} : memref<112x256xf32, #tpu.memory_space<vmem>>, vector<1x16xf32>,
          %get3A_559 = vector.shape_cast %get3A_558 : vector<1x16xf32> to vector<16xf32>
          %select_n3A_560 = arith.select %eq3A_519, %while3A_505, %broadcast_in_dim3A_33 : vector<16xf32>
          %add3A_561 = arith.addf %get3A_559, %select_n3A_560 : vector<16xf32>
          %get3A_562 = arith.index_cast %sub3A_518 : i32 to index
          %get3A_563 = arith.constant 112 : index
          %get3A_564 = tpu.vector_load %arg7[%get3A_562, %get3A_563] {strides = array<i32>} : memref<112x256xf32, #tpu.memory_space<vmem>>, vector<1x16xf32>,
          %get3A_565 = vector.shape_cast %get3A_564 : vector<1x16xf32> to vector<16xf32>
          %select_n3A_566 = arith.select %eq3A_519, %while3A_506, %broadcast_in_dim3A_33 : vector<16xf32>
          %add3A_567 = arith.addf %get3A_565, %select_n3A_566 : vector<16xf32>
          %get3A_568 = arith.index_cast %sub3A_518 : i32 to index
          %get3A_569 = arith.constant 128 : index
          %get3A_570 = tpu.vector_load %arg7[%get3A_568, %get3A_569] {strides = array<i32>} : memref<112x256xf32, #tpu.memory_space<vmem>>, vector<1x16xf32>,
          %get3A_571 = vector.shape_cast %get3A_570 : vector<1x16xf32> to vector<16xf32>
          %select_n3A_572 = arith.select %eq3A_519, %while3A_507, %broadcast_in_dim3A_33 : vector<16xf32>
          %add3A_573 = arith.addf %get3A_571, %select_n3A_572 : vector<16xf32>
          %get3A_574 = arith.index_cast %sub3A_518 : i32 to index
          %get3A_575 = arith.constant 144 : index
          %get3A_576 = tpu.vector_load %arg7[%get3A_574, %get3A_575] {strides = array<i32>} : memref<112x256xf32, #tpu.memory_space<vmem>>, vector<1x16xf32>,
          %get3A_577 = vector.shape_cast %get3A_576 : vector<1x16xf32> to vector<16xf32>
          %select_n3A_578 = arith.select %eq3A_519, %while3A_508, %broadcast_in_dim3A_33 : vector<16xf32>
          %add3A_579 = arith.addf %get3A_577, %select_n3A_578 : vector<16xf32>
          %get3A_580 = arith.index_cast %sub3A_518 : i32 to index
          %get3A_581 = arith.constant 160 : index
          %get3A_582 = tpu.vector_load %arg7[%get3A_580, %get3A_581] {strides = array<i32>} : memref<112x256xf32, #tpu.memory_space<vmem>>, vector<1x16xf32>,
          %get3A_583 = vector.shape_cast %get3A_582 : vector<1x16xf32> to vector<16xf32>
          %select_n3A_584 = arith.select %eq3A_519, %while3A_509, %broadcast_in_dim3A_33 : vector<16xf32>
          %add3A_585 = arith.addf %get3A_583, %select_n3A_584 : vector<16xf32>
          %get3A_586 = arith.index_cast %sub3A_518 : i32 to index
          %get3A_587 = arith.constant 176 : index
          %get3A_588 = tpu.vector_load %arg7[%get3A_586, %get3A_587] {strides = array<i32>} : memref<112x256xf32, #tpu.memory_space<vmem>>, vector<1x16xf32>,
          %get3A_589 = vector.shape_cast %get3A_588 : vector<1x16xf32> to vector<16xf32>
          %select_n3A_590 = arith.select %eq3A_519, %while3A_510, %broadcast_in_dim3A_33 : vector<16xf32>
          %add3A_591 = arith.addf %get3A_589, %select_n3A_590 : vector<16xf32>
          %get3A_592 = arith.index_cast %sub3A_518 : i32 to index
          %get3A_593 = arith.constant 192 : index
          %get3A_594 = tpu.vector_load %arg7[%get3A_592, %get3A_593] {strides = array<i32>} : memref<112x256xf32, #tpu.memory_space<vmem>>, vector<1x16xf32>,
          %get3A_595 = vector.shape_cast %get3A_594 : vector<1x16xf32> to vector<16xf32>
          %select_n3A_596 = arith.select %eq3A_519, %while3A_511, %broadcast_in_dim3A_33 : vector<16xf32>
          %add3A_597 = arith.addf %get3A_595, %select_n3A_596 : vector<16xf32>
          %get3A_598 = arith.index_cast %sub3A_518 : i32 to index
          %get3A_599 = arith.constant 208 : index
          %get3A_600 = tpu.vector_load %arg7[%get3A_598, %get3A_599] {strides = array<i32>} : memref<112x256xf32, #tpu.memory_space<vmem>>, vector<1x16xf32>,
          %get3A_601 = vector.shape_cast %get3A_600 : vector<1x16xf32> to vector<16xf32>
          %select_n3A_602 = arith.select %eq3A_519, %while3A_512, %broadcast_in_dim3A_33 : vector<16xf32>
          %add3A_603 = arith.addf %get3A_601, %select_n3A_602 : vector<16xf32>
          %get3A_604 = arith.index_cast %sub3A_518 : i32 to index
          %get3A_605 = arith.constant 224 : index
          %get3A_606 = tpu.vector_load %arg7[%get3A_604, %get3A_605] {strides = array<i32>} : memref<112x256xf32, #tpu.memory_space<vmem>>, vector<1x16xf32>,
          %get3A_607 = vector.shape_cast %get3A_606 : vector<1x16xf32> to vector<16xf32>
          %select_n3A_608 = arith.select %eq3A_519, %while3A_513, %broadcast_in_dim3A_33 : vector<16xf32>
          %add3A_609 = arith.addf %get3A_607, %select_n3A_608 : vector<16xf32>
          %get3A_610 = arith.index_cast %sub3A_518 : i32 to index
          %get3A_611 = arith.constant 240 : index
          %get3A_612 = tpu.vector_load %arg7[%get3A_610, %get3A_611] {strides = array<i32>} : memref<112x256xf32, #tpu.memory_space<vmem>>, vector<1x16xf32>,
          %get3A_613 = vector.shape_cast %get3A_612 : vector<1x16xf32> to vector<16xf32>
          %select_n3A_614 = arith.select %eq3A_519, %while3A_514, %broadcast_in_dim3A_33 : vector<16xf32>
          %add3A_615 = arith.addf %get3A_613, %select_n3A_614 : vector<16xf32>
          %sub3A_616 = arith.subi %squeeze3A, %add3A_264 : i32
          %swap3A_617 = arith.index_cast %sub3A_616 : i32 to index
          %swap3A_618 = arith.constant 0 : index
          %swap3A_619 = tpu.vector_load %arg9[%swap3A_617, %swap3A_618] {strides = array<i32>} : memref<128x256xf32, #tpu.memory_space<vmem>>, vector<1x16xf32>,
          %swap3A_620 = vector.shape_cast %swap3A_619 : vector<1x16xf32> to vector<16xf32>
          %swap3A_621 = vector.shape_cast %add3A_525 : vector<16xf32> to vector<1x16xf32>
          tpu.vector_store %arg9[%swap3A_617, %swap3A_618], %swap3A_621 {strides = array<i32>} : memref<128x256xf32, #tpu.memory_space<vmem>>, vector<1x16xf32>,
          %swap3A_622 = arith.index_cast %sub3A_616 : i32 to index
          %swap3A_623 = arith.constant 16 : index
          %swap3A_624 = tpu.vector_load %arg9[%swap3A_622, %swap3A_623] {strides = array<i32>} : memref<128x256xf32, #tpu.memory_space<vmem>>, vector<1x16xf32>,
          %swap3A_625 = vector.shape_cast %swap3A_624 : vector<1x16xf32> to vector<16xf32>
          %swap3A_626 = vector.shape_cast %add3A_531 : vector<16xf32> to vector<1x16xf32>
          tpu.vector_store %arg9[%swap3A_622, %swap3A_623], %swap3A_626 {strides = array<i32>} : memref<128x256xf32, #tpu.memory_space<vmem>>, vector<1x16xf32>,
          %swap3A_627 = arith.index_cast %sub3A_616 : i32 to index
          %swap3A_628 = arith.constant 32 : index
          %swap3A_629 = tpu.vector_load %arg9[%swap3A_627, %swap3A_628] {strides = array<i32>} : memref<128x256xf32, #tpu.memory_space<vmem>>, vector<1x16xf32>,
          %swap3A_630 = vector.shape_cast %swap3A_629 : vector<1x16xf32> to vector<16xf32>
          %swap3A_631 = vector.shape_cast %add3A_537 : vector<16xf32> to vector<1x16xf32>
          tpu.vector_store %arg9[%swap3A_627, %swap3A_628], %swap3A_631 {strides = array<i32>} : memref<128x256xf32, #tpu.memory_space<vmem>>, vector<1x16xf32>,
          %swap3A_632 = arith.index_cast %sub3A_616 : i32 to index
          %swap3A_633 = arith.constant 48 : index
          %swap3A_634 = tpu.vector_load %arg9[%swap3A_632, %swap3A_633] {strides = array<i32>} : memref<128x256xf32, #tpu.memory_space<vmem>>, vector<1x16xf32>,
          %swap3A_635 = vector.shape_cast %swap3A_634 : vector<1x16xf32> to vector<16xf32>
          %swap3A_636 = vector.shape_cast %add3A_543 : vector<16xf32> to vector<1x16xf32>
          tpu.vector_store %arg9[%swap3A_632, %swap3A_633], %swap3A_636 {strides = array<i32>} : memref<128x256xf32, #tpu.memory_space<vmem>>, vector<1x16xf32>,
          %swap3A_637 = arith.index_cast %sub3A_616 : i32 to index
          %swap3A_638 = arith.constant 64 : index
          %swap3A_639 = tpu.vector_load %arg9[%swap3A_637, %swap3A_638] {strides = array<i32>} : memref<128x256xf32, #tpu.memory_space<vmem>>, vector<1x16xf32>,
          %swap3A_640 = vector.shape_cast %swap3A_639 : vector<1x16xf32> to vector<16xf32>
          %swap3A_641 = vector.shape_cast %add3A_549 : vector<16xf32> to vector<1x16xf32>
          tpu.vector_store %arg9[%swap3A_637, %swap3A_638], %swap3A_641 {strides = array<i32>} : memref<128x256xf32, #tpu.memory_space<vmem>>, vector<1x16xf32>,
          %swap3A_642 = arith.index_cast %sub3A_616 : i32 to index
          %swap3A_643 = arith.constant 80 : index
          %swap3A_644 = tpu.vector_load %arg9[%swap3A_642, %swap3A_643] {strides = array<i32>} : memref<128x256xf32, #tpu.memory_space<vmem>>, vector<1x16xf32>,
          %swap3A_645 = vector.shape_cast %swap3A_644 : vector<1x16xf32> to vector<16xf32>
          %swap3A_646 = vector.shape_cast %add3A_555 : vector<16xf32> to vector<1x16xf32>
          tpu.vector_store %arg9[%swap3A_642, %swap3A_643], %swap3A_646 {strides = array<i32>} : memref<128x256xf32, #tpu.memory_space<vmem>>, vector<1x16xf32>,
          %swap3A_647 = arith.index_cast %sub3A_616 : i32 to index
          %swap3A_648 = arith.constant 96 : index
          %swap3A_649 = tpu.vector_load %arg9[%swap3A_647, %swap3A_648] {strides = array<i32>} : memref<128x256xf32, #tpu.memory_space<vmem>>, vector<1x16xf32>,
          %swap3A_650 = vector.shape_cast %swap3A_649 : vector<1x16xf32> to vector<16xf32>
          %swap3A_651 = vector.shape_cast %add3A_561 : vector<16xf32> to vector<1x16xf32>
          tpu.vector_store %arg9[%swap3A_647, %swap3A_648], %swap3A_651 {strides = array<i32>} : memref<128x256xf32, #tpu.memory_space<vmem>>, vector<1x16xf32>,
          %swap3A_652 = arith.index_cast %sub3A_616 : i32 to index
          %swap3A_653 = arith.constant 112 : index
          %swap3A_654 = tpu.vector_load %arg9[%swap3A_652, %swap3A_653] {strides = array<i32>} : memref<128x256xf32, #tpu.memory_space<vmem>>, vector<1x16xf32>,
          %swap3A_655 = vector.shape_cast %swap3A_654 : vector<1x16xf32> to vector<16xf32>
          %swap3A_656 = vector.shape_cast %add3A_567 : vector<16xf32> to vector<1x16xf32>
          tpu.vector_store %arg9[%swap3A_652, %swap3A_653], %swap3A_656 {strides = array<i32>} : memref<128x256xf32, #tpu.memory_space<vmem>>, vector<1x16xf32>,
          %swap3A_657 = arith.index_cast %sub3A_616 : i32 to index
          %swap3A_658 = arith.constant 128 : index
          %swap3A_659 = tpu.vector_load %arg9[%swap3A_657, %swap3A_658] {strides = array<i32>} : memref<128x256xf32, #tpu.memory_space<vmem>>, vector<1x16xf32>,
          %swap3A_660 = vector.shape_cast %swap3A_659 : vector<1x16xf32> to vector<16xf32>
          %swap3A_661 = vector.shape_cast %add3A_573 : vector<16xf32> to vector<1x16xf32>
          tpu.vector_store %arg9[%swap3A_657, %swap3A_658], %swap3A_661 {strides = array<i32>} : memref<128x256xf32, #tpu.memory_space<vmem>>, vector<1x16xf32>,
          %swap3A_662 = arith.index_cast %sub3A_616 : i32 to index
          %swap3A_663 = arith.constant 144 : index
          %swap3A_664 = tpu.vector_load %arg9[%swap3A_662, %swap3A_663] {strides = array<i32>} : memref<128x256xf32, #tpu.memory_space<vmem>>, vector<1x16xf32>,
          %swap3A_665 = vector.shape_cast %swap3A_664 : vector<1x16xf32> to vector<16xf32>
          %swap3A_666 = vector.shape_cast %add3A_579 : vector<16xf32> to vector<1x16xf32>
          tpu.vector_store %arg9[%swap3A_662, %swap3A_663], %swap3A_666 {strides = array<i32>} : memref<128x256xf32, #tpu.memory_space<vmem>>, vector<1x16xf32>,
          %swap3A_667 = arith.index_cast %sub3A_616 : i32 to index
          %swap3A_668 = arith.constant 160 : index
          %swap3A_669 = tpu.vector_load %arg9[%swap3A_667, %swap3A_668] {strides = array<i32>} : memref<128x256xf32, #tpu.memory_space<vmem>>, vector<1x16xf32>,
          %swap3A_670 = vector.shape_cast %swap3A_669 : vector<1x16xf32> to vector<16xf32>
          %swap3A_671 = vector.shape_cast %add3A_585 : vector<16xf32> to vector<1x16xf32>
          tpu.vector_store %arg9[%swap3A_667, %swap3A_668], %swap3A_671 {strides = array<i32>} : memref<128x256xf32, #tpu.memory_space<vmem>>, vector<1x16xf32>,
          %swap3A_672 = arith.index_cast %sub3A_616 : i32 to index
          %swap3A_673 = arith.constant 176 : index
          %swap3A_674 = tpu.vector_load %arg9[%swap3A_672, %swap3A_673] {strides = array<i32>} : memref<128x256xf32, #tpu.memory_space<vmem>>, vector<1x16xf32>,
          %swap3A_675 = vector.shape_cast %swap3A_674 : vector<1x16xf32> to vector<16xf32>
          %swap3A_676 = vector.shape_cast %add3A_591 : vector<16xf32> to vector<1x16xf32>
          tpu.vector_store %arg9[%swap3A_672, %swap3A_673], %swap3A_676 {strides = array<i32>} : memref<128x256xf32, #tpu.memory_space<vmem>>, vector<1x16xf32>,
          %swap3A_677 = arith.index_cast %sub3A_616 : i32 to index
          %swap3A_678 = arith.constant 192 : index
          %swap3A_679 = tpu.vector_load %arg9[%swap3A_677, %swap3A_678] {strides = array<i32>} : memref<128x256xf32, #tpu.memory_space<vmem>>, vector<1x16xf32>,
          %swap3A_680 = vector.shape_cast %swap3A_679 : vector<1x16xf32> to vector<16xf32>
          %swap3A_681 = vector.shape_cast %add3A_597 : vector<16xf32> to vector<1x16xf32>
          tpu.vector_store %arg9[%swap3A_677, %swap3A_678], %swap3A_681 {strides = array<i32>} : memref<128x256xf32, #tpu.memory_space<vmem>>, vector<1x16xf32>,
          %swap3A_682 = arith.index_cast %sub3A_616 : i32 to index
          %swap3A_683 = arith.constant 208 : index
          %swap3A_684 = tpu.vector_load %arg9[%swap3A_682, %swap3A_683] {strides = array<i32>} : memref<128x256xf32, #tpu.memory_space<vmem>>, vector<1x16xf32>,
          %swap3A_685 = vector.shape_cast %swap3A_684 : vector<1x16xf32> to vector<16xf32>
          %swap3A_686 = vector.shape_cast %add3A_603 : vector<16xf32> to vector<1x16xf32>
          tpu.vector_store %arg9[%swap3A_682, %swap3A_683], %swap3A_686 {strides = array<i32>} : memref<128x256xf32, #tpu.memory_space<vmem>>, vector<1x16xf32>,
          %swap3A_687 = arith.index_cast %sub3A_616 : i32 to index
          %swap3A_688 = arith.constant 224 : index
          %swap3A_689 = tpu.vector_load %arg9[%swap3A_687, %swap3A_688] {strides = array<i32>} : memref<128x256xf32, #tpu.memory_space<vmem>>, vector<1x16xf32>,
          %swap3A_690 = vector.shape_cast %swap3A_689 : vector<1x16xf32> to vector<16xf32>
          %swap3A_691 = vector.shape_cast %add3A_609 : vector<16xf32> to vector<1x16xf32>
          tpu.vector_store %arg9[%swap3A_687, %swap3A_688], %swap3A_691 {strides = array<i32>} : memref<128x256xf32, #tpu.memory_space<vmem>>, vector<1x16xf32>,
          %swap3A_692 = arith.index_cast %sub3A_616 : i32 to index
          %swap3A_693 = arith.constant 240 : index
          %swap3A_694 = tpu.vector_load %arg9[%swap3A_692, %swap3A_693] {strides = array<i32>} : memref<128x256xf32, #tpu.memory_space<vmem>>, vector<1x16xf32>,
          %swap3A_695 = vector.shape_cast %swap3A_694 : vector<1x16xf32> to vector<16xf32>
          %swap3A_696 = vector.shape_cast %add3A_615 : vector<16xf32> to vector<1x16xf32>
          tpu.vector_store %arg9[%swap3A_692, %swap3A_693], %swap3A_696 {strides = array<i32>} : memref<128x256xf32, #tpu.memory_space<vmem>>, vector<1x16xf32>,
          scf.yield %squeeze3A, %add3A_525, %add3A_531, %add3A_537, %add3A_543, %add3A_549, %add3A_555, %add3A_561, %add3A_567, %add3A_573, %add3A_579, %add3A_585, %add3A_591, %add3A_597, %add3A_603, %add3A_609, %add3A_615 : i32, vector<16xf32>, vector<16xf32>, vector<16xf32>, vector<16xf32>, vector<16xf32>, vector<16xf32>, vector<16xf32>, vector<16xf32>, vector<16xf32>, vector<16xf32>, vector<16xf32>, vector<16xf32>, vector<16xf32>, vector<16xf32>, vector<16xf32>, vector<16xf32>
        }
        %while3A_495 = arith.constant 1 : i32
        %while3A_496:17 = scf.for %while3A_497 = %while3A_492 to %while3A_488 step %while3A_495 iter_args(%while3A_498 = %while3A_494#0, %while3A_499 = %while3A_494#1, %while3A_500 = %while3A_494#2, %while3A_501 = %while3A_494#3, %while3A_502 = %while3A_494#4, %while3A_503 = %while3A_494#5, %while3A_504 = %while3A_494#6, %while3A_505 = %while3A_494#7, %while3A_506 = %while3A_494#8, %while3A_507 = %while3A_494#9, %while3A_508 = %while3A_494#10, %while3A_509 = %while3A_494#11, %while3A_510 = %while3A_494#12, %while3A_511 = %while3A_494#13, %while3A_512 = %while3A_494#14, %while3A_513 = %while3A_494#15, %while3A_514 = %while3A_494#16) -> (i32, vector<16xf32>, vector<16xf32>, vector<16xf32>, vector<16xf32>, vector<16xf32>, vector<16xf32>, vector<16xf32>, vector<16xf32>, vector<16xf32>, vector<16xf32>, vector<16xf32>, vector<16xf32>, vector<16xf32>, vector<16xf32>, vector<16xf32>, vector<16xf32>)  : i32 {
          %add3A_515 = arith.addi %max3A_469, %while3A_497 : i32
          %get3A = arith.index_cast %add3A_515 : i32 to index
          %get3A_516 = tpu.vector_load %arg5[%get3A] {strides = array<i32>} : memref<4112xi32, #tpu.memory_space<vmem>>, vector<16xi32>,
          %get3A_517 = vector.shape_cast %get3A_516 : vector<16xi32> to vector<16xi32>
          %slice3A = vector.extract_strided_slice %get3A_517 {offsets = [0], sizes = [1], strides = [1]} : vector<16xi32> to vector<1xi32>
          %squeeze3A = vector.extract %slice3A[0] : i32 from vector<1xi32>
          %sub3A_518 = arith.subi %add3A_515, %min3A_468 : i32
          %eq3A_519 = arith.cmpi eq, %squeeze3A, %while3A_498 : i32
          %get3A_520 = arith.index_cast %sub3A_518 : i32 to index
          %get3A_521 = arith.constant 0 : index
          %get3A_522 = tpu.vector_load %arg7[%get3A_520, %get3A_521] {strides = array<i32>} : memref<112x256xf32, #tpu.memory_space<vmem>>, vector<1x16xf32>,
          %get3A_523 = vector.shape_cast %get3A_522 : vector<1x16xf32> to vector<16xf32>
          %select_n3A_524 = arith.select %eq3A_519, %while3A_499, %broadcast_in_dim3A_33 : vector<16xf32>
          %add3A_525 = arith.addf %get3A_523, %select_n3A_524 : vector<16xf32>
          %get3A_526 = arith.index_cast %sub3A_518 : i32 to index
          %get3A_527 = arith.constant 16 : index
          %get3A_528 = tpu.vector_load %arg7[%get3A_526, %get3A_527] {strides = array<i32>} : memref<112x256xf32, #tpu.memory_space<vmem>>, vector<1x16xf32>,
          %get3A_529 = vector.shape_cast %get3A_528 : vector<1x16xf32> to vector<16xf32>
          %select_n3A_530 = arith.select %eq3A_519, %while3A_500, %broadcast_in_dim3A_33 : vector<16xf32>
          %add3A_531 = arith.addf %get3A_529, %select_n3A_530 : vector<16xf32>
          %get3A_532 = arith.index_cast %sub3A_518 : i32 to index
          %get3A_533 = arith.constant 32 : index
          %get3A_534 = tpu.vector_load %arg7[%get3A_532, %get3A_533] {strides = array<i32>} : memref<112x256xf32, #tpu.memory_space<vmem>>, vector<1x16xf32>,
          %get3A_535 = vector.shape_cast %get3A_534 : vector<1x16xf32> to vector<16xf32>
          %select_n3A_536 = arith.select %eq3A_519, %while3A_501, %broadcast_in_dim3A_33 : vector<16xf32>
          %add3A_537 = arith.addf %get3A_535, %select_n3A_536 : vector<16xf32>
          %get3A_538 = arith.index_cast %sub3A_518 : i32 to index
          %get3A_539 = arith.constant 48 : index
          %get3A_540 = tpu.vector_load %arg7[%get3A_538, %get3A_539] {strides = array<i32>} : memref<112x256xf32, #tpu.memory_space<vmem>>, vector<1x16xf32>,
          %get3A_541 = vector.shape_cast %get3A_540 : vector<1x16xf32> to vector<16xf32>
          %select_n3A_542 = arith.select %eq3A_519, %while3A_502, %broadcast_in_dim3A_33 : vector<16xf32>
          %add3A_543 = arith.addf %get3A_541, %select_n3A_542 : vector<16xf32>
          %get3A_544 = arith.index_cast %sub3A_518 : i32 to index
          %get3A_545 = arith.constant 64 : index
          %get3A_546 = tpu.vector_load %arg7[%get3A_544, %get3A_545] {strides = array<i32>} : memref<112x256xf32, #tpu.memory_space<vmem>>, vector<1x16xf32>,
          %get3A_547 = vector.shape_cast %get3A_546 : vector<1x16xf32> to vector<16xf32>
          %select_n3A_548 = arith.select %eq3A_519, %while3A_503, %broadcast_in_dim3A_33 : vector<16xf32>
          %add3A_549 = arith.addf %get3A_547, %select_n3A_548 : vector<16xf32>
          %get3A_550 = arith.index_cast %sub3A_518 : i32 to index
          %get3A_551 = arith.constant 80 : index
          %get3A_552 = tpu.vector_load %arg7[%get3A_550, %get3A_551] {strides = array<i32>} : memref<112x256xf32, #tpu.memory_space<vmem>>, vector<1x16xf32>,
          %get3A_553 = vector.shape_cast %get3A_552 : vector<1x16xf32> to vector<16xf32>
          %select_n3A_554 = arith.select %eq3A_519, %while3A_504, %broadcast_in_dim3A_33 : vector<16xf32>
          %add3A_555 = arith.addf %get3A_553, %select_n3A_554 : vector<16xf32>
          %get3A_556 = arith.index_cast %sub3A_518 : i32 to index
          %get3A_557 = arith.constant 96 : index
          %get3A_558 = tpu.vector_load %arg7[%get3A_556, %get3A_557] {strides = array<i32>} : memref<112x256xf32, #tpu.memory_space<vmem>>, vector<1x16xf32>,
          %get3A_559 = vector.shape_cast %get3A_558 : vector<1x16xf32> to vector<16xf32>
          %select_n3A_560 = arith.select %eq3A_519, %while3A_505, %broadcast_in_dim3A_33 : vector<16xf32>
          %add3A_561 = arith.addf %get3A_559, %select_n3A_560 : vector<16xf32>
          %get3A_562 = arith.index_cast %sub3A_518 : i32 to index
          %get3A_563 = arith.constant 112 : index
          %get3A_564 = tpu.vector_load %arg7[%get3A_562, %get3A_563] {strides = array<i32>} : memref<112x256xf32, #tpu.memory_space<vmem>>, vector<1x16xf32>,
          %get3A_565 = vector.shape_cast %get3A_564 : vector<1x16xf32> to vector<16xf32>
          %select_n3A_566 = arith.select %eq3A_519, %while3A_506, %broadcast_in_dim3A_33 : vector<16xf32>
          %add3A_567 = arith.addf %get3A_565, %select_n3A_566 : vector<16xf32>
          %get3A_568 = arith.index_cast %sub3A_518 : i32 to index
          %get3A_569 = arith.constant 128 : index
          %get3A_570 = tpu.vector_load %arg7[%get3A_568, %get3A_569] {strides = array<i32>} : memref<112x256xf32, #tpu.memory_space<vmem>>, vector<1x16xf32>,
          %get3A_571 = vector.shape_cast %get3A_570 : vector<1x16xf32> to vector<16xf32>
          %select_n3A_572 = arith.select %eq3A_519, %while3A_507, %broadcast_in_dim3A_33 : vector<16xf32>
          %add3A_573 = arith.addf %get3A_571, %select_n3A_572 : vector<16xf32>
          %get3A_574 = arith.index_cast %sub3A_518 : i32 to index
          %get3A_575 = arith.constant 144 : index
          %get3A_576 = tpu.vector_load %arg7[%get3A_574, %get3A_575] {strides = array<i32>} : memref<112x256xf32, #tpu.memory_space<vmem>>, vector<1x16xf32>,
          %get3A_577 = vector.shape_cast %get3A_576 : vector<1x16xf32> to vector<16xf32>
          %select_n3A_578 = arith.select %eq3A_519, %while3A_508, %broadcast_in_dim3A_33 : vector<16xf32>
          %add3A_579 = arith.addf %get3A_577, %select_n3A_578 : vector<16xf32>
          %get3A_580 = arith.index_cast %sub3A_518 : i32 to index
          %get3A_581 = arith.constant 160 : index
          %get3A_582 = tpu.vector_load %arg7[%get3A_580, %get3A_581] {strides = array<i32>} : memref<112x256xf32, #tpu.memory_space<vmem>>, vector<1x16xf32>,
          %get3A_583 = vector.shape_cast %get3A_582 : vector<1x16xf32> to vector<16xf32>
          %select_n3A_584 = arith.select %eq3A_519, %while3A_509, %broadcast_in_dim3A_33 : vector<16xf32>
          %add3A_585 = arith.addf %get3A_583, %select_n3A_584 : vector<16xf32>
          %get3A_586 = arith.index_cast %sub3A_518 : i32 to index
          %get3A_587 = arith.constant 176 : index
          %get3A_588 = tpu.vector_load %arg7[%get3A_586, %get3A_587] {strides = array<i32>} : memref<112x256xf32, #tpu.memory_space<vmem>>, vector<1x16xf32>,
          %get3A_589 = vector.shape_cast %get3A_588 : vector<1x16xf32> to vector<16xf32>
          %select_n3A_590 = arith.select %eq3A_519, %while3A_510, %broadcast_in_dim3A_33 : vector<16xf32>
          %add3A_591 = arith.addf %get3A_589, %select_n3A_590 : vector<16xf32>
          %get3A_592 = arith.index_cast %sub3A_518 : i32 to index
          %get3A_593 = arith.constant 192 : index
          %get3A_594 = tpu.vector_load %arg7[%get3A_592, %get3A_593] {strides = array<i32>} : memref<112x256xf32, #tpu.memory_space<vmem>>, vector<1x16xf32>,
          %get3A_595 = vector.shape_cast %get3A_594 : vector<1x16xf32> to vector<16xf32>
          %select_n3A_596 = arith.select %eq3A_519, %while3A_511, %broadcast_in_dim3A_33 : vector<16xf32>
          %add3A_597 = arith.addf %get3A_595, %select_n3A_596 : vector<16xf32>
          %get3A_598 = arith.index_cast %sub3A_518 : i32 to index
          %get3A_599 = arith.constant 208 : index
          %get3A_600 = tpu.vector_load %arg7[%get3A_598, %get3A_599] {strides = array<i32>} : memref<112x256xf32, #tpu.memory_space<vmem>>, vector<1x16xf32>,
          %get3A_601 = vector.shape_cast %get3A_600 : vector<1x16xf32> to vector<16xf32>
          %select_n3A_602 = arith.select %eq3A_519, %while3A_512, %broadcast_in_dim3A_33 : vector<16xf32>
          %add3A_603 = arith.addf %get3A_601, %select_n3A_602 : vector<16xf32>
          %get3A_604 = arith.index_cast %sub3A_518 : i32 to index
          %get3A_605 = arith.constant 224 : index
          %get3A_606 = tpu.vector_load %arg7[%get3A_604, %get3A_605] {strides = array<i32>} : memref<112x256xf32, #tpu.memory_space<vmem>>, vector<1x16xf32>,
          %get3A_607 = vector.shape_cast %get3A_606 : vector<1x16xf32> to vector<16xf32>
          %select_n3A_608 = arith.select %eq3A_519, %while3A_513, %broadcast_in_dim3A_33 : vector<16xf32>
          %add3A_609 = arith.addf %get3A_607, %select_n3A_608 : vector<16xf32>
          %get3A_610 = arith.index_cast %sub3A_518 : i32 to index
          %get3A_611 = arith.constant 240 : index
          %get3A_612 = tpu.vector_load %arg7[%get3A_610, %get3A_611] {strides = array<i32>} : memref<112x256xf32, #tpu.memory_space<vmem>>, vector<1x16xf32>,
          %get3A_613 = vector.shape_cast %get3A_612 : vector<1x16xf32> to vector<16xf32>
          %select_n3A_614 = arith.select %eq3A_519, %while3A_514, %broadcast_in_dim3A_33 : vector<16xf32>
          %add3A_615 = arith.addf %get3A_613, %select_n3A_614 : vector<16xf32>
          %sub3A_616 = arith.subi %squeeze3A, %add3A_264 : i32
          %swap3A_617 = arith.index_cast %sub3A_616 : i32 to index
          %swap3A_618 = arith.constant 0 : index
          %swap3A_619 = tpu.vector_load %arg9[%swap3A_617, %swap3A_618] {strides = array<i32>} : memref<128x256xf32, #tpu.memory_space<vmem>>, vector<1x16xf32>,
          %swap3A_620 = vector.shape_cast %swap3A_619 : vector<1x16xf32> to vector<16xf32>
          %swap3A_621 = vector.shape_cast %add3A_525 : vector<16xf32> to vector<1x16xf32>
          tpu.vector_store %arg9[%swap3A_617, %swap3A_618], %swap3A_621 {strides = array<i32>} : memref<128x256xf32, #tpu.memory_space<vmem>>, vector<1x16xf32>,
          %swap3A_622 = arith.index_cast %sub3A_616 : i32 to index
          %swap3A_623 = arith.constant 16 : index
          %swap3A_624 = tpu.vector_load %arg9[%swap3A_622, %swap3A_623] {strides = array<i32>} : memref<128x256xf32, #tpu.memory_space<vmem>>, vector<1x16xf32>,
          %swap3A_625 = vector.shape_cast %swap3A_624 : vector<1x16xf32> to vector<16xf32>
          %swap3A_626 = vector.shape_cast %add3A_531 : vector<16xf32> to vector<1x16xf32>
          tpu.vector_store %arg9[%swap3A_622, %swap3A_623], %swap3A_626 {strides = array<i32>} : memref<128x256xf32, #tpu.memory_space<vmem>>, vector<1x16xf32>,
          %swap3A_627 = arith.index_cast %sub3A_616 : i32 to index
          %swap3A_628 = arith.constant 32 : index
          %swap3A_629 = tpu.vector_load %arg9[%swap3A_627, %swap3A_628] {strides = array<i32>} : memref<128x256xf32, #tpu.memory_space<vmem>>, vector<1x16xf32>,
          %swap3A_630 = vector.shape_cast %swap3A_629 : vector<1x16xf32> to vector<16xf32>
          %swap3A_631 = vector.shape_cast %add3A_537 : vector<16xf32> to vector<1x16xf32>
          tpu.vector_store %arg9[%swap3A_627, %swap3A_628], %swap3A_631 {strides = array<i32>} : memref<128x256xf32, #tpu.memory_space<vmem>>, vector<1x16xf32>,
          %swap3A_632 = arith.index_cast %sub3A_616 : i32 to index
          %swap3A_633 = arith.constant 48 : index
          %swap3A_634 = tpu.vector_load %arg9[%swap3A_632, %swap3A_633] {strides = array<i32>} : memref<128x256xf32, #tpu.memory_space<vmem>>, vector<1x16xf32>,
          %swap3A_635 = vector.shape_cast %swap3A_634 : vector<1x16xf32> to vector<16xf32>
          %swap3A_636 = vector.shape_cast %add3A_543 : vector<16xf32> to vector<1x16xf32>
          tpu.vector_store %arg9[%swap3A_632, %swap3A_633], %swap3A_636 {strides = array<i32>} : memref<128x256xf32, #tpu.memory_space<vmem>>, vector<1x16xf32>,
          %swap3A_637 = arith.index_cast %sub3A_616 : i32 to index
          %swap3A_638 = arith.constant 64 : index
          %swap3A_639 = tpu.vector_load %arg9[%swap3A_637, %swap3A_638] {strides = array<i32>} : memref<128x256xf32, #tpu.memory_space<vmem>>, vector<1x16xf32>,
          %swap3A_640 = vector.shape_cast %swap3A_639 : vector<1x16xf32> to vector<16xf32>
          %swap3A_641 = vector.shape_cast %add3A_549 : vector<16xf32> to vector<1x16xf32>
          tpu.vector_store %arg9[%swap3A_637, %swap3A_638], %swap3A_641 {strides = array<i32>} : memref<128x256xf32, #tpu.memory_space<vmem>>, vector<1x16xf32>,
          %swap3A_642 = arith.index_cast %sub3A_616 : i32 to index
          %swap3A_643 = arith.constant 80 : index
          %swap3A_644 = tpu.vector_load %arg9[%swap3A_642, %swap3A_643] {strides = array<i32>} : memref<128x256xf32, #tpu.memory_space<vmem>>, vector<1x16xf32>,
          %swap3A_645 = vector.shape_cast %swap3A_644 : vector<1x16xf32> to vector<16xf32>
          %swap3A_646 = vector.shape_cast %add3A_555 : vector<16xf32> to vector<1x16xf32>
          tpu.vector_store %arg9[%swap3A_642, %swap3A_643], %swap3A_646 {strides = array<i32>} : memref<128x256xf32, #tpu.memory_space<vmem>>, vector<1x16xf32>,
          %swap3A_647 = arith.index_cast %sub3A_616 : i32 to index
          %swap3A_648 = arith.constant 96 : index
          %swap3A_649 = tpu.vector_load %arg9[%swap3A_647, %swap3A_648] {strides = array<i32>} : memref<128x256xf32, #tpu.memory_space<vmem>>, vector<1x16xf32>,
          %swap3A_650 = vector.shape_cast %swap3A_649 : vector<1x16xf32> to vector<16xf32>
          %swap3A_651 = vector.shape_cast %add3A_561 : vector<16xf32> to vector<1x16xf32>
          tpu.vector_store %arg9[%swap3A_647, %swap3A_648], %swap3A_651 {strides = array<i32>} : memref<128x256xf32, #tpu.memory_space<vmem>>, vector<1x16xf32>,
          %swap3A_652 = arith.index_cast %sub3A_616 : i32 to index
          %swap3A_653 = arith.constant 112 : index
          %swap3A_654 = tpu.vector_load %arg9[%swap3A_652, %swap3A_653] {strides = array<i32>} : memref<128x256xf32, #tpu.memory_space<vmem>>, vector<1x16xf32>,
          %swap3A_655 = vector.shape_cast %swap3A_654 : vector<1x16xf32> to vector<16xf32>
          %swap3A_656 = vector.shape_cast %add3A_567 : vector<16xf32> to vector<1x16xf32>
          tpu.vector_store %arg9[%swap3A_652, %swap3A_653], %swap3A_656 {strides = array<i32>} : memref<128x256xf32, #tpu.memory_space<vmem>>, vector<1x16xf32>,
          %swap3A_657 = arith.index_cast %sub3A_616 : i32 to index
          %swap3A_658 = arith.constant 128 : index
          %swap3A_659 = tpu.vector_load %arg9[%swap3A_657, %swap3A_658] {strides = array<i32>} : memref<128x256xf32, #tpu.memory_space<vmem>>, vector<1x16xf32>,
          %swap3A_660 = vector.shape_cast %swap3A_659 : vector<1x16xf32> to vector<16xf32>
          %swap3A_661 = vector.shape_cast %add3A_573 : vector<16xf32> to vector<1x16xf32>
          tpu.vector_store %arg9[%swap3A_657, %swap3A_658], %swap3A_661 {strides = array<i32>} : memref<128x256xf32, #tpu.memory_space<vmem>>, vector<1x16xf32>,
          %swap3A_662 = arith.index_cast %sub3A_616 : i32 to index
          %swap3A_663 = arith.constant 144 : index
          %swap3A_664 = tpu.vector_load %arg9[%swap3A_662, %swap3A_663] {strides = array<i32>} : memref<128x256xf32, #tpu.memory_space<vmem>>, vector<1x16xf32>,
          %swap3A_665 = vector.shape_cast %swap3A_664 : vector<1x16xf32> to vector<16xf32>
          %swap3A_666 = vector.shape_cast %add3A_579 : vector<16xf32> to vector<1x16xf32>
          tpu.vector_store %arg9[%swap3A_662, %swap3A_663], %swap3A_666 {strides = array<i32>} : memref<128x256xf32, #tpu.memory_space<vmem>>, vector<1x16xf32>,
          %swap3A_667 = arith.index_cast %sub3A_616 : i32 to index
          %swap3A_668 = arith.constant 160 : index
          %swap3A_669 = tpu.vector_load %arg9[%swap3A_667, %swap3A_668] {strides = array<i32>} : memref<128x256xf32, #tpu.memory_space<vmem>>, vector<1x16xf32>,
          %swap3A_670 = vector.shape_cast %swap3A_669 : vector<1x16xf32> to vector<16xf32>
          %swap3A_671 = vector.shape_cast %add3A_585 : vector<16xf32> to vector<1x16xf32>
          tpu.vector_store %arg9[%swap3A_667, %swap3A_668], %swap3A_671 {strides = array<i32>} : memref<128x256xf32, #tpu.memory_space<vmem>>, vector<1x16xf32>,
          %swap3A_672 = arith.index_cast %sub3A_616 : i32 to index
          %swap3A_673 = arith.constant 176 : index
          %swap3A_674 = tpu.vector_load %arg9[%swap3A_672, %swap3A_673] {strides = array<i32>} : memref<128x256xf32, #tpu.memory_space<vmem>>, vector<1x16xf32>,
          %swap3A_675 = vector.shape_cast %swap3A_674 : vector<1x16xf32> to vector<16xf32>
          %swap3A_676 = vector.shape_cast %add3A_591 : vector<16xf32> to vector<1x16xf32>
          tpu.vector_store %arg9[%swap3A_672, %swap3A_673], %swap3A_676 {strides = array<i32>} : memref<128x256xf32, #tpu.memory_space<vmem>>, vector<1x16xf32>,
          %swap3A_677 = arith.index_cast %sub3A_616 : i32 to index
          %swap3A_678 = arith.constant 192 : index
          %swap3A_679 = tpu.vector_load %arg9[%swap3A_677, %swap3A_678] {strides = array<i32>} : memref<128x256xf32, #tpu.memory_space<vmem>>, vector<1x16xf32>,
          %swap3A_680 = vector.shape_cast %swap3A_679 : vector<1x16xf32> to vector<16xf32>
          %swap3A_681 = vector.shape_cast %add3A_597 : vector<16xf32> to vector<1x16xf32>
          tpu.vector_store %arg9[%swap3A_677, %swap3A_678], %swap3A_681 {strides = array<i32>} : memref<128x256xf32, #tpu.memory_space<vmem>>, vector<1x16xf32>,
          %swap3A_682 = arith.index_cast %sub3A_616 : i32 to index
          %swap3A_683 = arith.constant 208 : index
          %swap3A_684 = tpu.vector_load %arg9[%swap3A_682, %swap3A_683] {strides = array<i32>} : memref<128x256xf32, #tpu.memory_space<vmem>>, vector<1x16xf32>,
          %swap3A_685 = vector.shape_cast %swap3A_684 : vector<1x16xf32> to vector<16xf32>
          %swap3A_686 = vector.shape_cast %add3A_603 : vector<16xf32> to vector<1x16xf32>
          tpu.vector_store %arg9[%swap3A_682, %swap3A_683], %swap3A_686 {strides = array<i32>} : memref<128x256xf32, #tpu.memory_space<vmem>>, vector<1x16xf32>,
          %swap3A_687 = arith.index_cast %sub3A_616 : i32 to index
          %swap3A_688 = arith.constant 224 : index
          %swap3A_689 = tpu.vector_load %arg9[%swap3A_687, %swap3A_688] {strides = array<i32>} : memref<128x256xf32, #tpu.memory_space<vmem>>, vector<1x16xf32>,
          %swap3A_690 = vector.shape_cast %swap3A_689 : vector<1x16xf32> to vector<16xf32>
          %swap3A_691 = vector.shape_cast %add3A_609 : vector<16xf32> to vector<1x16xf32>
          tpu.vector_store %arg9[%swap3A_687, %swap3A_688], %swap3A_691 {strides = array<i32>} : memref<128x256xf32, #tpu.memory_space<vmem>>, vector<1x16xf32>,
          %swap3A_692 = arith.index_cast %sub3A_616 : i32 to index
          %swap3A_693 = arith.constant 240 : index
          %swap3A_694 = tpu.vector_load %arg9[%swap3A_692, %swap3A_693] {strides = array<i32>} : memref<128x256xf32, #tpu.memory_space<vmem>>, vector<1x16xf32>,
          %swap3A_695 = vector.shape_cast %swap3A_694 : vector<1x16xf32> to vector<16xf32>
          %swap3A_696 = vector.shape_cast %add3A_615 : vector<16xf32> to vector<1x16xf32>
          tpu.vector_store %arg9[%swap3A_692, %swap3A_693], %swap3A_696 {strides = array<i32>} : memref<128x256xf32, #tpu.memory_space<vmem>>, vector<1x16xf32>,
          scf.yield %squeeze3A, %add3A_525, %add3A_531, %add3A_537, %add3A_543, %add3A_549, %add3A_555, %add3A_561, %add3A_567, %add3A_573, %add3A_579, %add3A_585, %add3A_591, %add3A_597, %add3A_603, %add3A_609, %add3A_615 : i32, vector<16xf32>, vector<16xf32>, vector<16xf32>, vector<16xf32>, vector<16xf32>, vector<16xf32>, vector<16xf32>, vector<16xf32>, vector<16xf32>, vector<16xf32>, vector<16xf32>, vector<16xf32>, vector<16xf32>, vector<16xf32>, vector<16xf32>, vector<16xf32>
        }
        scf.yield %select_n3A_485, %while3A_496#0, %while3A_496#1, %while3A_496#2, %while3A_496#3, %while3A_496#4, %while3A_496#5, %while3A_496#6, %while3A_496#7, %while3A_496#8, %while3A_496#9, %while3A_496#10, %while3A_496#11, %while3A_496#12, %while3A_496#13, %while3A_496#14, %while3A_496#15, %while3A_496#16 : i32, i32, vector<16xf32>, vector<16xf32>, vector<16xf32>, vector<16xf32>, vector<16xf32>, vector<16xf32>, vector<16xf32>, vector<16xf32>, vector<16xf32>, vector<16xf32>, vector<16xf32>, vector<16xf32>, vector<16xf32>, vector<16xf32>, vector<16xf32>, vector<16xf32>
      }
      %while3A_389 = arith.constant 1 : i32
      %while3A_390:18 = scf.for %while3A_406 = %while3A_386 to %while3A_382 step %while3A_389 iter_args(%while3A_407 = %while3A_388#0, %while3A_408 = %while3A_388#1, %while3A_409 = %while3A_388#2, %while3A_410 = %while3A_388#3, %while3A_411 = %while3A_388#4, %while3A_412 = %while3A_388#5, %while3A_413 = %while3A_388#6, %while3A_414 = %while3A_388#7, %while3A_415 = %while3A_388#8, %while3A_416 = %while3A_388#9, %while3A_417 = %while3A_388#10, %while3A_418 = %while3A_388#11, %while3A_419 = %while3A_388#12, %while3A_420 = %while3A_388#13, %while3A_421 = %while3A_388#14, %while3A_422 = %while3A_388#15, %while3A_423 = %while3A_388#16, %while3A_424 = %while3A_388#17) -> (i32, i32, vector<16xf32>, vector<16xf32>, vector<16xf32>, vector<16xf32>, vector<16xf32>, vector<16xf32>, vector<16xf32>, vector<16xf32>, vector<16xf32>, vector<16xf32>, vector<16xf32>, vector<16xf32>, vector<16xf32>, vector<16xf32>, vector<16xf32>, vector<16xf32>)  : i32 {
        %mul3A_425 = arith.constant 2 : i32
        %mul3A_426 = arith.muli %mul3A_425, %while3A_406 : i32
        %add3A_427 = arith.constant 0 : i32
        %add3A_428 = arith.addi %mul3A_426, %add3A_427 : i32
        %mul3A_429 = arith.constant 112 : i32
        %mul3A_430 = arith.muli %add3A_428, %mul3A_429 : i32
        %add3A_431 = arith.addi %and3A_62, %mul3A_430 : i32
        %min3A = arith.constant 3984 : i32
        %min3A_432 = arith.minsi %add3A_431, %min3A : i32
        %max3A = arith.maxsi %scan3A_128#0, %add3A_431 : i32
        %add3A_433 = arith.constant 112 : i32
        %add3A_434 = arith.addi %add3A_431, %add3A_433 : i32
        %min3A_435 = arith.minsi %scan3A_273#0, %add3A_434 : i32
        %sub3A_436 = arith.subi %min3A_435, %max3A : i32
        %jit3A_437 = arith.constant 0 : i32
        %jit3A_438 = arith.constant 112 : i32
        %max3A_439 = arith.maxsi %jit3A_437, %sub3A_436 : i32
        %min3A_440 = arith.minsi %jit3A_438, %max3A_439 : i32
        %gt3A_441 = arith.cmpi sgt, %add3A_428, %while3A_407 : i32
        %gt3A_442 = arith.constant 0 : i32
        %gt3A_443 = arith.cmpi sgt, %min3A_440, %gt3A_442 : i32
        %and3A_444 = arith.andi %gt3A_441, %gt3A_443 : i1
        %convert_element_type3A_445 = arith.extui %and3A_444 : i1 to i32
        %cond3A_446 = arith.constant 0 : i32
        %cond3A_447 = arith.cmpi ne, %convert_element_type3A_445, %cond3A_446 : i32
        scf.if %cond3A_447 {
          %mul3A_497 = arith.constant 112 : i32
          %mul3A_498 = arith.muli %add3A_428, %mul3A_497 : i32
          %add3A_499 = arith.addi %and3A_62, %mul3A_498 : i32
          %min3A_500 = arith.constant 3984 : i32
          %min3A_501 = arith.minsi %add3A_499, %min3A_500 : i32
          %multiple_of3A_502 = tpu.assume_multiple %min3A_501, 8 : i32
          %dma_wait3A_503 = arith.constant 0 : i32
          %dma_wait3A_504 = tpu.memref_slice %arg2[%select_n3A, %multiple_of3A_502, %dma_wait3A_503] : memref<16x4096x256xf32, #tpu.memory_space<hbm>> -> memref<1x112x256xf32, #tpu.memory_space<hbm>>
          %dma_wait3A_505 = tpu.memref_squeeze %dma_wait3A_504 : memref<1x112x256xf32, #tpu.memory_space<hbm>> -> memref<112x256xf32, #tpu.memory_space<hbm>>
          %dma_wait3A_506 = arith.constant 0 : i32
          %dma_wait3A_507 = tpu.memref_slice %arg2[%select_n3A, %multiple_of3A_502, %dma_wait3A_506] : memref<16x4096x256xf32, #tpu.memory_space<hbm>> -> memref<1x112x256xf32, #tpu.memory_space<hbm>>
          %dma_wait3A_508 = tpu.memref_squeeze %dma_wait3A_507 : memref<1x112x256xf32, #tpu.memory_space<hbm>> -> memref<112x256xf32, #tpu.memory_space<hbm>>
          tpu.wait_dma2 semaphore(%arg11 : memref<!tpu.dma_semaphore, #tpu.memory_space<semaphore_mem>>) src(%dma_wait3A_508 : memref<112x256xf32, #tpu.memory_space<hbm>>) dst(%arg6 : memref<112x256xf32, #tpu.memory_space<vmem>>)
          %add3A_509 = arith.constant 1 : i32
          %add3A_510 = arith.addi %add3A_428, %add3A_509 : i32
          %lt3A_511 = arith.cmpi slt, %add3A_510, %select_n3A_91 : i32
          %convert_element_type3A_512 = arith.extui %lt3A_511 : i1 to i32
          %cond3A_513 = arith.constant 0 : i32
          %cond3A_514 = arith.cmpi ne, %convert_element_type3A_512, %cond3A_513 : i32
          scf.if %cond3A_514 {
            %add3A_515 = arith.constant 1 : i32
            %add3A_516 = arith.addi %add3A_428, %add3A_515 : i32
            %mul3A_517 = arith.constant 112 : i32
            %mul3A_518 = arith.muli %add3A_516, %mul3A_517 : i32
            %add3A_519 = arith.addi %and3A_62, %mul3A_518 : i32
            %min3A_520 = arith.constant 3984 : i32
            %min3A_521 = arith.minsi %add3A_519, %min3A_520 : i32
            %multiple_of3A_522 = tpu.assume_multiple %min3A_521, 8 : i32
            %dma_start3A_523 = arith.constant 0 : i32
            %dma_start3A_524 = tpu.memref_slice %arg2[%select_n3A, %multiple_of3A_522, %dma_start3A_523] : memref<16x4096x256xf32, #tpu.memory_space<hbm>> -> memref<1x112x256xf32, #tpu.memory_space<hbm>>
            %dma_start3A_525 = tpu.memref_squeeze %dma_start3A_524 : memref<1x112x256xf32, #tpu.memory_space<hbm>> -> memref<112x256xf32, #tpu.memory_space<hbm>>
            %dma_start3A_526 = arith.constant 0 : i32
            %dma_start3A_527 = tpu.memref_slice %arg2[%select_n3A, %multiple_of3A_522, %dma_start3A_526] : memref<16x4096x256xf32, #tpu.memory_space<hbm>> -> memref<1x112x256xf32, #tpu.memory_space<hbm>>
            %dma_start3A_528 = tpu.memref_squeeze %dma_start3A_527 : memref<1x112x256xf32, #tpu.memory_space<hbm>> -> memref<112x256xf32, #tpu.memory_space<hbm>>
            tpu.enqueue_dma source(%dma_start3A_528 : memref<112x256xf32, #tpu.memory_space<hbm>>) target(%arg7 : memref<112x256xf32, #tpu.memory_space<vmem>>) target_semaphore(%arg12 : memref<!tpu.dma_semaphore, #tpu.memory_space<semaphore_mem>>)
          } else {
          }
        } else {
        }
        %select_n3A_448 = arith.select %and3A_444, %add3A_428, %while3A_407 : i32
        %while3A_449 = arith.constant 0 : i32
        %while3A_450 = arith.subi %min3A_440, %while3A_449 : i32
        %while3A_451 = arith.addi %while3A_449, %while3A_450 : i32
        %while3A_452 = arith.constant 1 : i32
        %while3A_453 = arith.divsi %while3A_450, %while3A_452 : i32
        %while3A_454 = arith.muli %while3A_453, %while3A_452 : i32
        %while3A_455 = arith.addi %while3A_449, %while3A_454 : i32
        %while3A_456 = arith.constant 1 : i32
        %while3A_457:17 = scf.for %while3A_497 = %while3A_449 to %while3A_455 step %while3A_456 iter_args(%while3A_498 = %while3A_408, %while3A_499 = %while3A_409, %while3A_500 = %while3A_410, %while3A_501 = %while3A_411, %while3A_502 = %while3A_412, %while3A_503 = %while3A_413, %while3A_504 = %while3A_414, %while3A_505 = %while3A_415, %while3A_506 = %while3A_416, %while3A_507 = %while3A_417, %while3A_508 = %while3A_418, %while3A_509 = %while3A_419, %while3A_510 = %while3A_420, %while3A_511 = %while3A_421, %while3A_512 = %while3A_422, %while3A_513 = %while3A_423, %while3A_514 = %while3A_424) -> (i32, vector<16xf32>, vector<16xf32>, vector<16xf32>, vector<16xf32>, vector<16xf32>, vector<16xf32>, vector<16xf32>, vector<16xf32>, vector<16xf32>, vector<16xf32>, vector<16xf32>, vector<16xf32>, vector<16xf32>, vector<16xf32>, vector<16xf32>, vector<16xf32>)  : i32 {
          %add3A_515 = arith.addi %max3A, %while3A_497 : i32
          %get3A = arith.index_cast %add3A_515 : i32 to index
          %get3A_516 = tpu.vector_load %arg5[%get3A] {strides = array<i32>} : memref<4112xi32, #tpu.memory_space<vmem>>, vector<16xi32>,
          %get3A_517 = vector.shape_cast %get3A_516 : vector<16xi32> to vector<16xi32>
          %slice3A = vector.extract_strided_slice %get3A_517 {offsets = [0], sizes = [1], strides = [1]} : vector<16xi32> to vector<1xi32>
          %squeeze3A = vector.extract %slice3A[0] : i32 from vector<1xi32>
          %sub3A_518 = arith.subi %add3A_515, %min3A_432 : i32
          %eq3A_519 = arith.cmpi eq, %squeeze3A, %while3A_498 : i32
          %get3A_520 = arith.index_cast %sub3A_518 : i32 to index
          %get3A_521 = arith.constant 0 : index
          %get3A_522 = tpu.vector_load %arg6[%get3A_520, %get3A_521] {strides = array<i32>} : memref<112x256xf32, #tpu.memory_space<vmem>>, vector<1x16xf32>,
          %get3A_523 = vector.shape_cast %get3A_522 : vector<1x16xf32> to vector<16xf32>
          %select_n3A_524 = arith.select %eq3A_519, %while3A_499, %broadcast_in_dim3A_33 : vector<16xf32>
          %add3A_525 = arith.addf %get3A_523, %select_n3A_524 : vector<16xf32>
          %get3A_526 = arith.index_cast %sub3A_518 : i32 to index
          %get3A_527 = arith.constant 16 : index
          %get3A_528 = tpu.vector_load %arg6[%get3A_526, %get3A_527] {strides = array<i32>} : memref<112x256xf32, #tpu.memory_space<vmem>>, vector<1x16xf32>,
          %get3A_529 = vector.shape_cast %get3A_528 : vector<1x16xf32> to vector<16xf32>
          %select_n3A_530 = arith.select %eq3A_519, %while3A_500, %broadcast_in_dim3A_33 : vector<16xf32>
          %add3A_531 = arith.addf %get3A_529, %select_n3A_530 : vector<16xf32>
          %get3A_532 = arith.index_cast %sub3A_518 : i32 to index
          %get3A_533 = arith.constant 32 : index
          %get3A_534 = tpu.vector_load %arg6[%get3A_532, %get3A_533] {strides = array<i32>} : memref<112x256xf32, #tpu.memory_space<vmem>>, vector<1x16xf32>,
          %get3A_535 = vector.shape_cast %get3A_534 : vector<1x16xf32> to vector<16xf32>
          %select_n3A_536 = arith.select %eq3A_519, %while3A_501, %broadcast_in_dim3A_33 : vector<16xf32>
          %add3A_537 = arith.addf %get3A_535, %select_n3A_536 : vector<16xf32>
          %get3A_538 = arith.index_cast %sub3A_518 : i32 to index
          %get3A_539 = arith.constant 48 : index
          %get3A_540 = tpu.vector_load %arg6[%get3A_538, %get3A_539] {strides = array<i32>} : memref<112x256xf32, #tpu.memory_space<vmem>>, vector<1x16xf32>,
          %get3A_541 = vector.shape_cast %get3A_540 : vector<1x16xf32> to vector<16xf32>
          %select_n3A_542 = arith.select %eq3A_519, %while3A_502, %broadcast_in_dim3A_33 : vector<16xf32>
          %add3A_543 = arith.addf %get3A_541, %select_n3A_542 : vector<16xf32>
          %get3A_544 = arith.index_cast %sub3A_518 : i32 to index
          %get3A_545 = arith.constant 64 : index
          %get3A_546 = tpu.vector_load %arg6[%get3A_544, %get3A_545] {strides = array<i32>} : memref<112x256xf32, #tpu.memory_space<vmem>>, vector<1x16xf32>,
          %get3A_547 = vector.shape_cast %get3A_546 : vector<1x16xf32> to vector<16xf32>
          %select_n3A_548 = arith.select %eq3A_519, %while3A_503, %broadcast_in_dim3A_33 : vector<16xf32>
          %add3A_549 = arith.addf %get3A_547, %select_n3A_548 : vector<16xf32>
          %get3A_550 = arith.index_cast %sub3A_518 : i32 to index
          %get3A_551 = arith.constant 80 : index
          %get3A_552 = tpu.vector_load %arg6[%get3A_550, %get3A_551] {strides = array<i32>} : memref<112x256xf32, #tpu.memory_space<vmem>>, vector<1x16xf32>,
          %get3A_553 = vector.shape_cast %get3A_552 : vector<1x16xf32> to vector<16xf32>
          %select_n3A_554 = arith.select %eq3A_519, %while3A_504, %broadcast_in_dim3A_33 : vector<16xf32>
          %add3A_555 = arith.addf %get3A_553, %select_n3A_554 : vector<16xf32>
          %get3A_556 = arith.index_cast %sub3A_518 : i32 to index
          %get3A_557 = arith.constant 96 : index
          %get3A_558 = tpu.vector_load %arg6[%get3A_556, %get3A_557] {strides = array<i32>} : memref<112x256xf32, #tpu.memory_space<vmem>>, vector<1x16xf32>,
          %get3A_559 = vector.shape_cast %get3A_558 : vector<1x16xf32> to vector<16xf32>
          %select_n3A_560 = arith.select %eq3A_519, %while3A_505, %broadcast_in_dim3A_33 : vector<16xf32>
          %add3A_561 = arith.addf %get3A_559, %select_n3A_560 : vector<16xf32>
          %get3A_562 = arith.index_cast %sub3A_518 : i32 to index
          %get3A_563 = arith.constant 112 : index
          %get3A_564 = tpu.vector_load %arg6[%get3A_562, %get3A_563] {strides = array<i32>} : memref<112x256xf32, #tpu.memory_space<vmem>>, vector<1x16xf32>,
          %get3A_565 = vector.shape_cast %get3A_564 : vector<1x16xf32> to vector<16xf32>
          %select_n3A_566 = arith.select %eq3A_519, %while3A_506, %broadcast_in_dim3A_33 : vector<16xf32>
          %add3A_567 = arith.addf %get3A_565, %select_n3A_566 : vector<16xf32>
          %get3A_568 = arith.index_cast %sub3A_518 : i32 to index
          %get3A_569 = arith.constant 128 : index
          %get3A_570 = tpu.vector_load %arg6[%get3A_568, %get3A_569] {strides = array<i32>} : memref<112x256xf32, #tpu.memory_space<vmem>>, vector<1x16xf32>,
          %get3A_571 = vector.shape_cast %get3A_570 : vector<1x16xf32> to vector<16xf32>
          %select_n3A_572 = arith.select %eq3A_519, %while3A_507, %broadcast_in_dim3A_33 : vector<16xf32>
          %add3A_573 = arith.addf %get3A_571, %select_n3A_572 : vector<16xf32>
          %get3A_574 = arith.index_cast %sub3A_518 : i32 to index
          %get3A_575 = arith.constant 144 : index
          %get3A_576 = tpu.vector_load %arg6[%get3A_574, %get3A_575] {strides = array<i32>} : memref<112x256xf32, #tpu.memory_space<vmem>>, vector<1x16xf32>,
          %get3A_577 = vector.shape_cast %get3A_576 : vector<1x16xf32> to vector<16xf32>
          %select_n3A_578 = arith.select %eq3A_519, %while3A_508, %broadcast_in_dim3A_33 : vector<16xf32>
          %add3A_579 = arith.addf %get3A_577, %select_n3A_578 : vector<16xf32>
          %get3A_580 = arith.index_cast %sub3A_518 : i32 to index
          %get3A_581 = arith.constant 160 : index
          %get3A_582 = tpu.vector_load %arg6[%get3A_580, %get3A_581] {strides = array<i32>} : memref<112x256xf32, #tpu.memory_space<vmem>>, vector<1x16xf32>,
          %get3A_583 = vector.shape_cast %get3A_582 : vector<1x16xf32> to vector<16xf32>
          %select_n3A_584 = arith.select %eq3A_519, %while3A_509, %broadcast_in_dim3A_33 : vector<16xf32>
          %add3A_585 = arith.addf %get3A_583, %select_n3A_584 : vector<16xf32>
          %get3A_586 = arith.index_cast %sub3A_518 : i32 to index
          %get3A_587 = arith.constant 176 : index
          %get3A_588 = tpu.vector_load %arg6[%get3A_586, %get3A_587] {strides = array<i32>} : memref<112x256xf32, #tpu.memory_space<vmem>>, vector<1x16xf32>,
          %get3A_589 = vector.shape_cast %get3A_588 : vector<1x16xf32> to vector<16xf32>
          %select_n3A_590 = arith.select %eq3A_519, %while3A_510, %broadcast_in_dim3A_33 : vector<16xf32>
          %add3A_591 = arith.addf %get3A_589, %select_n3A_590 : vector<16xf32>
          %get3A_592 = arith.index_cast %sub3A_518 : i32 to index
          %get3A_593 = arith.constant 192 : index
          %get3A_594 = tpu.vector_load %arg6[%get3A_592, %get3A_593] {strides = array<i32>} : memref<112x256xf32, #tpu.memory_space<vmem>>, vector<1x16xf32>,
          %get3A_595 = vector.shape_cast %get3A_594 : vector<1x16xf32> to vector<16xf32>
          %select_n3A_596 = arith.select %eq3A_519, %while3A_511, %broadcast_in_dim3A_33 : vector<16xf32>
          %add3A_597 = arith.addf %get3A_595, %select_n3A_596 : vector<16xf32>
          %get3A_598 = arith.index_cast %sub3A_518 : i32 to index
          %get3A_599 = arith.constant 208 : index
          %get3A_600 = tpu.vector_load %arg6[%get3A_598, %get3A_599] {strides = array<i32>} : memref<112x256xf32, #tpu.memory_space<vmem>>, vector<1x16xf32>,
          %get3A_601 = vector.shape_cast %get3A_600 : vector<1x16xf32> to vector<16xf32>
          %select_n3A_602 = arith.select %eq3A_519, %while3A_512, %broadcast_in_dim3A_33 : vector<16xf32>
          %add3A_603 = arith.addf %get3A_601, %select_n3A_602 : vector<16xf32>
          %get3A_604 = arith.index_cast %sub3A_518 : i32 to index
          %get3A_605 = arith.constant 224 : index
          %get3A_606 = tpu.vector_load %arg6[%get3A_604, %get3A_605] {strides = array<i32>} : memref<112x256xf32, #tpu.memory_space<vmem>>, vector<1x16xf32>,
          %get3A_607 = vector.shape_cast %get3A_606 : vector<1x16xf32> to vector<16xf32>
          %select_n3A_608 = arith.select %eq3A_519, %while3A_513, %broadcast_in_dim3A_33 : vector<16xf32>
          %add3A_609 = arith.addf %get3A_607, %select_n3A_608 : vector<16xf32>
          %get3A_610 = arith.index_cast %sub3A_518 : i32 to index
          %get3A_611 = arith.constant 240 : index
          %get3A_612 = tpu.vector_load %arg6[%get3A_610, %get3A_611] {strides = array<i32>} : memref<112x256xf32, #tpu.memory_space<vmem>>, vector<1x16xf32>,
          %get3A_613 = vector.shape_cast %get3A_612 : vector<1x16xf32> to vector<16xf32>
          %select_n3A_614 = arith.select %eq3A_519, %while3A_514, %broadcast_in_dim3A_33 : vector<16xf32>
          %add3A_615 = arith.addf %get3A_613, %select_n3A_614 : vector<16xf32>
          %sub3A_616 = arith.subi %squeeze3A, %add3A_264 : i32
          %swap3A_617 = arith.index_cast %sub3A_616 : i32 to index
          %swap3A_618 = arith.constant 0 : index
          %swap3A_619 = tpu.vector_load %arg9[%swap3A_617, %swap3A_618] {strides = array<i32>} : memref<128x256xf32, #tpu.memory_space<vmem>>, vector<1x16xf32>,
          %swap3A_620 = vector.shape_cast %swap3A_619 : vector<1x16xf32> to vector<16xf32>
          %swap3A_621 = vector.shape_cast %add3A_525 : vector<16xf32> to vector<1x16xf32>
          tpu.vector_store %arg9[%swap3A_617, %swap3A_618], %swap3A_621 {strides = array<i32>} : memref<128x256xf32, #tpu.memory_space<vmem>>, vector<1x16xf32>,
          %swap3A_622 = arith.index_cast %sub3A_616 : i32 to index
          %swap3A_623 = arith.constant 16 : index
          %swap3A_624 = tpu.vector_load %arg9[%swap3A_622, %swap3A_623] {strides = array<i32>} : memref<128x256xf32, #tpu.memory_space<vmem>>, vector<1x16xf32>,
          %swap3A_625 = vector.shape_cast %swap3A_624 : vector<1x16xf32> to vector<16xf32>
          %swap3A_626 = vector.shape_cast %add3A_531 : vector<16xf32> to vector<1x16xf32>
          tpu.vector_store %arg9[%swap3A_622, %swap3A_623], %swap3A_626 {strides = array<i32>} : memref<128x256xf32, #tpu.memory_space<vmem>>, vector<1x16xf32>,
          %swap3A_627 = arith.index_cast %sub3A_616 : i32 to index
          %swap3A_628 = arith.constant 32 : index
          %swap3A_629 = tpu.vector_load %arg9[%swap3A_627, %swap3A_628] {strides = array<i32>} : memref<128x256xf32, #tpu.memory_space<vmem>>, vector<1x16xf32>,
          %swap3A_630 = vector.shape_cast %swap3A_629 : vector<1x16xf32> to vector<16xf32>
          %swap3A_631 = vector.shape_cast %add3A_537 : vector<16xf32> to vector<1x16xf32>
          tpu.vector_store %arg9[%swap3A_627, %swap3A_628], %swap3A_631 {strides = array<i32>} : memref<128x256xf32, #tpu.memory_space<vmem>>, vector<1x16xf32>,
          %swap3A_632 = arith.index_cast %sub3A_616 : i32 to index
          %swap3A_633 = arith.constant 48 : index
          %swap3A_634 = tpu.vector_load %arg9[%swap3A_632, %swap3A_633] {strides = array<i32>} : memref<128x256xf32, #tpu.memory_space<vmem>>, vector<1x16xf32>,
          %swap3A_635 = vector.shape_cast %swap3A_634 : vector<1x16xf32> to vector<16xf32>
          %swap3A_636 = vector.shape_cast %add3A_543 : vector<16xf32> to vector<1x16xf32>
          tpu.vector_store %arg9[%swap3A_632, %swap3A_633], %swap3A_636 {strides = array<i32>} : memref<128x256xf32, #tpu.memory_space<vmem>>, vector<1x16xf32>,
          %swap3A_637 = arith.index_cast %sub3A_616 : i32 to index
          %swap3A_638 = arith.constant 64 : index
          %swap3A_639 = tpu.vector_load %arg9[%swap3A_637, %swap3A_638] {strides = array<i32>} : memref<128x256xf32, #tpu.memory_space<vmem>>, vector<1x16xf32>,
          %swap3A_640 = vector.shape_cast %swap3A_639 : vector<1x16xf32> to vector<16xf32>
          %swap3A_641 = vector.shape_cast %add3A_549 : vector<16xf32> to vector<1x16xf32>
          tpu.vector_store %arg9[%swap3A_637, %swap3A_638], %swap3A_641 {strides = array<i32>} : memref<128x256xf32, #tpu.memory_space<vmem>>, vector<1x16xf32>,
          %swap3A_642 = arith.index_cast %sub3A_616 : i32 to index
          %swap3A_643 = arith.constant 80 : index
          %swap3A_644 = tpu.vector_load %arg9[%swap3A_642, %swap3A_643] {strides = array<i32>} : memref<128x256xf32, #tpu.memory_space<vmem>>, vector<1x16xf32>,
          %swap3A_645 = vector.shape_cast %swap3A_644 : vector<1x16xf32> to vector<16xf32>
          %swap3A_646 = vector.shape_cast %add3A_555 : vector<16xf32> to vector<1x16xf32>
          tpu.vector_store %arg9[%swap3A_642, %swap3A_643], %swap3A_646 {strides = array<i32>} : memref<128x256xf32, #tpu.memory_space<vmem>>, vector<1x16xf32>,
          %swap3A_647 = arith.index_cast %sub3A_616 : i32 to index
          %swap3A_648 = arith.constant 96 : index
          %swap3A_649 = tpu.vector_load %arg9[%swap3A_647, %swap3A_648] {strides = array<i32>} : memref<128x256xf32, #tpu.memory_space<vmem>>, vector<1x16xf32>,
          %swap3A_650 = vector.shape_cast %swap3A_649 : vector<1x16xf32> to vector<16xf32>
          %swap3A_651 = vector.shape_cast %add3A_561 : vector<16xf32> to vector<1x16xf32>
          tpu.vector_store %arg9[%swap3A_647, %swap3A_648], %swap3A_651 {strides = array<i32>} : memref<128x256xf32, #tpu.memory_space<vmem>>, vector<1x16xf32>,
          %swap3A_652 = arith.index_cast %sub3A_616 : i32 to index
          %swap3A_653 = arith.constant 112 : index
          %swap3A_654 = tpu.vector_load %arg9[%swap3A_652, %swap3A_653] {strides = array<i32>} : memref<128x256xf32, #tpu.memory_space<vmem>>, vector<1x16xf32>,
          %swap3A_655 = vector.shape_cast %swap3A_654 : vector<1x16xf32> to vector<16xf32>
          %swap3A_656 = vector.shape_cast %add3A_567 : vector<16xf32> to vector<1x16xf32>
          tpu.vector_store %arg9[%swap3A_652, %swap3A_653], %swap3A_656 {strides = array<i32>} : memref<128x256xf32, #tpu.memory_space<vmem>>, vector<1x16xf32>,
          %swap3A_657 = arith.index_cast %sub3A_616 : i32 to index
          %swap3A_658 = arith.constant 128 : index
          %swap3A_659 = tpu.vector_load %arg9[%swap3A_657, %swap3A_658] {strides = array<i32>} : memref<128x256xf32, #tpu.memory_space<vmem>>, vector<1x16xf32>,
          %swap3A_660 = vector.shape_cast %swap3A_659 : vector<1x16xf32> to vector<16xf32>
          %swap3A_661 = vector.shape_cast %add3A_573 : vector<16xf32> to vector<1x16xf32>
          tpu.vector_store %arg9[%swap3A_657, %swap3A_658], %swap3A_661 {strides = array<i32>} : memref<128x256xf32, #tpu.memory_space<vmem>>, vector<1x16xf32>,
          %swap3A_662 = arith.index_cast %sub3A_616 : i32 to index
          %swap3A_663 = arith.constant 144 : index
          %swap3A_664 = tpu.vector_load %arg9[%swap3A_662, %swap3A_663] {strides = array<i32>} : memref<128x256xf32, #tpu.memory_space<vmem>>, vector<1x16xf32>,
          %swap3A_665 = vector.shape_cast %swap3A_664 : vector<1x16xf32> to vector<16xf32>
          %swap3A_666 = vector.shape_cast %add3A_579 : vector<16xf32> to vector<1x16xf32>
          tpu.vector_store %arg9[%swap3A_662, %swap3A_663], %swap3A_666 {strides = array<i32>} : memref<128x256xf32, #tpu.memory_space<vmem>>, vector<1x16xf32>,
          %swap3A_667 = arith.index_cast %sub3A_616 : i32 to index
          %swap3A_668 = arith.constant 160 : index
          %swap3A_669 = tpu.vector_load %arg9[%swap3A_667, %swap3A_668] {strides = array<i32>} : memref<128x256xf32, #tpu.memory_space<vmem>>, vector<1x16xf32>,
          %swap3A_670 = vector.shape_cast %swap3A_669 : vector<1x16xf32> to vector<16xf32>
          %swap3A_671 = vector.shape_cast %add3A_585 : vector<16xf32> to vector<1x16xf32>
          tpu.vector_store %arg9[%swap3A_667, %swap3A_668], %swap3A_671 {strides = array<i32>} : memref<128x256xf32, #tpu.memory_space<vmem>>, vector<1x16xf32>,
          %swap3A_672 = arith.index_cast %sub3A_616 : i32 to index
          %swap3A_673 = arith.constant 176 : index
          %swap3A_674 = tpu.vector_load %arg9[%swap3A_672, %swap3A_673] {strides = array<i32>} : memref<128x256xf32, #tpu.memory_space<vmem>>, vector<1x16xf32>,
          %swap3A_675 = vector.shape_cast %swap3A_674 : vector<1x16xf32> to vector<16xf32>
          %swap3A_676 = vector.shape_cast %add3A_591 : vector<16xf32> to vector<1x16xf32>
          tpu.vector_store %arg9[%swap3A_672, %swap3A_673], %swap3A_676 {strides = array<i32>} : memref<128x256xf32, #tpu.memory_space<vmem>>, vector<1x16xf32>,
          %swap3A_677 = arith.index_cast %sub3A_616 : i32 to index
          %swap3A_678 = arith.constant 192 : index
          %swap3A_679 = tpu.vector_load %arg9[%swap3A_677, %swap3A_678] {strides = array<i32>} : memref<128x256xf32, #tpu.memory_space<vmem>>, vector<1x16xf32>,
          %swap3A_680 = vector.shape_cast %swap3A_679 : vector<1x16xf32> to vector<16xf32>
          %swap3A_681 = vector.shape_cast %add3A_597 : vector<16xf32> to vector<1x16xf32>
          tpu.vector_store %arg9[%swap3A_677, %swap3A_678], %swap3A_681 {strides = array<i32>} : memref<128x256xf32, #tpu.memory_space<vmem>>, vector<1x16xf32>,
          %swap3A_682 = arith.index_cast %sub3A_616 : i32 to index
          %swap3A_683 = arith.constant 208 : index
          %swap3A_684 = tpu.vector_load %arg9[%swap3A_682, %swap3A_683] {strides = array<i32>} : memref<128x256xf32, #tpu.memory_space<vmem>>, vector<1x16xf32>,
          %swap3A_685 = vector.shape_cast %swap3A_684 : vector<1x16xf32> to vector<16xf32>
          %swap3A_686 = vector.shape_cast %add3A_603 : vector<16xf32> to vector<1x16xf32>
          tpu.vector_store %arg9[%swap3A_682, %swap3A_683], %swap3A_686 {strides = array<i32>} : memref<128x256xf32, #tpu.memory_space<vmem>>, vector<1x16xf32>,
          %swap3A_687 = arith.index_cast %sub3A_616 : i32 to index
          %swap3A_688 = arith.constant 224 : index
          %swap3A_689 = tpu.vector_load %arg9[%swap3A_687, %swap3A_688] {strides = array<i32>} : memref<128x256xf32, #tpu.memory_space<vmem>>, vector<1x16xf32>,
          %swap3A_690 = vector.shape_cast %swap3A_689 : vector<1x16xf32> to vector<16xf32>
          %swap3A_691 = vector.shape_cast %add3A_609 : vector<16xf32> to vector<1x16xf32>
          tpu.vector_store %arg9[%swap3A_687, %swap3A_688], %swap3A_691 {strides = array<i32>} : memref<128x256xf32, #tpu.memory_space<vmem>>, vector<1x16xf32>,
          %swap3A_692 = arith.index_cast %sub3A_616 : i32 to index
          %swap3A_693 = arith.constant 240 : index
          %swap3A_694 = tpu.vector_load %arg9[%swap3A_692, %swap3A_693] {strides = array<i32>} : memref<128x256xf32, #tpu.memory_space<vmem>>, vector<1x16xf32>,
          %swap3A_695 = vector.shape_cast %swap3A_694 : vector<1x16xf32> to vector<16xf32>
          %swap3A_696 = vector.shape_cast %add3A_615 : vector<16xf32> to vector<1x16xf32>
          tpu.vector_store %arg9[%swap3A_692, %swap3A_693], %swap3A_696 {strides = array<i32>} : memref<128x256xf32, #tpu.memory_space<vmem>>, vector<1x16xf32>,
          scf.yield %squeeze3A, %add3A_525, %add3A_531, %add3A_537, %add3A_543, %add3A_549, %add3A_555, %add3A_561, %add3A_567, %add3A_573, %add3A_579, %add3A_585, %add3A_591, %add3A_597, %add3A_603, %add3A_609, %add3A_615 : i32, vector<16xf32>, vector<16xf32>, vector<16xf32>, vector<16xf32>, vector<16xf32>, vector<16xf32>, vector<16xf32>, vector<16xf32>, vector<16xf32>, vector<16xf32>, vector<16xf32>, vector<16xf32>, vector<16xf32>, vector<16xf32>, vector<16xf32>, vector<16xf32>
        }
        %while3A_458 = arith.constant 1 : i32
        %while3A_459:17 = scf.for %while3A_497 = %while3A_455 to %while3A_451 step %while3A_458 iter_args(%while3A_498 = %while3A_457#0, %while3A_499 = %while3A_457#1, %while3A_500 = %while3A_457#2, %while3A_501 = %while3A_457#3, %while3A_502 = %while3A_457#4, %while3A_503 = %while3A_457#5, %while3A_504 = %while3A_457#6, %while3A_505 = %while3A_457#7, %while3A_506 = %while3A_457#8, %while3A_507 = %while3A_457#9, %while3A_508 = %while3A_457#10, %while3A_509 = %while3A_457#11, %while3A_510 = %while3A_457#12, %while3A_511 = %while3A_457#13, %while3A_512 = %while3A_457#14, %while3A_513 = %while3A_457#15, %while3A_514 = %while3A_457#16) -> (i32, vector<16xf32>, vector<16xf32>, vector<16xf32>, vector<16xf32>, vector<16xf32>, vector<16xf32>, vector<16xf32>, vector<16xf32>, vector<16xf32>, vector<16xf32>, vector<16xf32>, vector<16xf32>, vector<16xf32>, vector<16xf32>, vector<16xf32>, vector<16xf32>)  : i32 {
          %add3A_515 = arith.addi %max3A, %while3A_497 : i32
          %get3A = arith.index_cast %add3A_515 : i32 to index
          %get3A_516 = tpu.vector_load %arg5[%get3A] {strides = array<i32>} : memref<4112xi32, #tpu.memory_space<vmem>>, vector<16xi32>,
          %get3A_517 = vector.shape_cast %get3A_516 : vector<16xi32> to vector<16xi32>
          %slice3A = vector.extract_strided_slice %get3A_517 {offsets = [0], sizes = [1], strides = [1]} : vector<16xi32> to vector<1xi32>
          %squeeze3A = vector.extract %slice3A[0] : i32 from vector<1xi32>
          %sub3A_518 = arith.subi %add3A_515, %min3A_432 : i32
          %eq3A_519 = arith.cmpi eq, %squeeze3A, %while3A_498 : i32
          %get3A_520 = arith.index_cast %sub3A_518 : i32 to index
          %get3A_521 = arith.constant 0 : index
          %get3A_522 = tpu.vector_load %arg6[%get3A_520, %get3A_521] {strides = array<i32>} : memref<112x256xf32, #tpu.memory_space<vmem>>, vector<1x16xf32>,
          %get3A_523 = vector.shape_cast %get3A_522 : vector<1x16xf32> to vector<16xf32>
          %select_n3A_524 = arith.select %eq3A_519, %while3A_499, %broadcast_in_dim3A_33 : vector<16xf32>
          %add3A_525 = arith.addf %get3A_523, %select_n3A_524 : vector<16xf32>
          %get3A_526 = arith.index_cast %sub3A_518 : i32 to index
          %get3A_527 = arith.constant 16 : index
          %get3A_528 = tpu.vector_load %arg6[%get3A_526, %get3A_527] {strides = array<i32>} : memref<112x256xf32, #tpu.memory_space<vmem>>, vector<1x16xf32>,
          %get3A_529 = vector.shape_cast %get3A_528 : vector<1x16xf32> to vector<16xf32>
          %select_n3A_530 = arith.select %eq3A_519, %while3A_500, %broadcast_in_dim3A_33 : vector<16xf32>
          %add3A_531 = arith.addf %get3A_529, %select_n3A_530 : vector<16xf32>
          %get3A_532 = arith.index_cast %sub3A_518 : i32 to index
          %get3A_533 = arith.constant 32 : index
          %get3A_534 = tpu.vector_load %arg6[%get3A_532, %get3A_533] {strides = array<i32>} : memref<112x256xf32, #tpu.memory_space<vmem>>, vector<1x16xf32>,
          %get3A_535 = vector.shape_cast %get3A_534 : vector<1x16xf32> to vector<16xf32>
          %select_n3A_536 = arith.select %eq3A_519, %while3A_501, %broadcast_in_dim3A_33 : vector<16xf32>
          %add3A_537 = arith.addf %get3A_535, %select_n3A_536 : vector<16xf32>
          %get3A_538 = arith.index_cast %sub3A_518 : i32 to index
          %get3A_539 = arith.constant 48 : index
          %get3A_540 = tpu.vector_load %arg6[%get3A_538, %get3A_539] {strides = array<i32>} : memref<112x256xf32, #tpu.memory_space<vmem>>, vector<1x16xf32>,
          %get3A_541 = vector.shape_cast %get3A_540 : vector<1x16xf32> to vector<16xf32>
          %select_n3A_542 = arith.select %eq3A_519, %while3A_502, %broadcast_in_dim3A_33 : vector<16xf32>
          %add3A_543 = arith.addf %get3A_541, %select_n3A_542 : vector<16xf32>
          %get3A_544 = arith.index_cast %sub3A_518 : i32 to index
          %get3A_545 = arith.constant 64 : index
          %get3A_546 = tpu.vector_load %arg6[%get3A_544, %get3A_545] {strides = array<i32>} : memref<112x256xf32, #tpu.memory_space<vmem>>, vector<1x16xf32>,
          %get3A_547 = vector.shape_cast %get3A_546 : vector<1x16xf32> to vector<16xf32>
          %select_n3A_548 = arith.select %eq3A_519, %while3A_503, %broadcast_in_dim3A_33 : vector<16xf32>
          %add3A_549 = arith.addf %get3A_547, %select_n3A_548 : vector<16xf32>
          %get3A_550 = arith.index_cast %sub3A_518 : i32 to index
          %get3A_551 = arith.constant 80 : index
          %get3A_552 = tpu.vector_load %arg6[%get3A_550, %get3A_551] {strides = array<i32>} : memref<112x256xf32, #tpu.memory_space<vmem>>, vector<1x16xf32>,
          %get3A_553 = vector.shape_cast %get3A_552 : vector<1x16xf32> to vector<16xf32>
          %select_n3A_554 = arith.select %eq3A_519, %while3A_504, %broadcast_in_dim3A_33 : vector<16xf32>
          %add3A_555 = arith.addf %get3A_553, %select_n3A_554 : vector<16xf32>
          %get3A_556 = arith.index_cast %sub3A_518 : i32 to index
          %get3A_557 = arith.constant 96 : index
          %get3A_558 = tpu.vector_load %arg6[%get3A_556, %get3A_557] {strides = array<i32>} : memref<112x256xf32, #tpu.memory_space<vmem>>, vector<1x16xf32>,
          %get3A_559 = vector.shape_cast %get3A_558 : vector<1x16xf32> to vector<16xf32>
          %select_n3A_560 = arith.select %eq3A_519, %while3A_505, %broadcast_in_dim3A_33 : vector<16xf32>
          %add3A_561 = arith.addf %get3A_559, %select_n3A_560 : vector<16xf32>
          %get3A_562 = arith.index_cast %sub3A_518 : i32 to index
          %get3A_563 = arith.constant 112 : index
          %get3A_564 = tpu.vector_load %arg6[%get3A_562, %get3A_563] {strides = array<i32>} : memref<112x256xf32, #tpu.memory_space<vmem>>, vector<1x16xf32>,
          %get3A_565 = vector.shape_cast %get3A_564 : vector<1x16xf32> to vector<16xf32>
          %select_n3A_566 = arith.select %eq3A_519, %while3A_506, %broadcast_in_dim3A_33 : vector<16xf32>
          %add3A_567 = arith.addf %get3A_565, %select_n3A_566 : vector<16xf32>
          %get3A_568 = arith.index_cast %sub3A_518 : i32 to index
          %get3A_569 = arith.constant 128 : index
          %get3A_570 = tpu.vector_load %arg6[%get3A_568, %get3A_569] {strides = array<i32>} : memref<112x256xf32, #tpu.memory_space<vmem>>, vector<1x16xf32>,
          %get3A_571 = vector.shape_cast %get3A_570 : vector<1x16xf32> to vector<16xf32>
          %select_n3A_572 = arith.select %eq3A_519, %while3A_507, %broadcast_in_dim3A_33 : vector<16xf32>
          %add3A_573 = arith.addf %get3A_571, %select_n3A_572 : vector<16xf32>
          %get3A_574 = arith.index_cast %sub3A_518 : i32 to index
          %get3A_575 = arith.constant 144 : index
          %get3A_576 = tpu.vector_load %arg6[%get3A_574, %get3A_575] {strides = array<i32>} : memref<112x256xf32, #tpu.memory_space<vmem>>, vector<1x16xf32>,
          %get3A_577 = vector.shape_cast %get3A_576 : vector<1x16xf32> to vector<16xf32>
          %select_n3A_578 = arith.select %eq3A_519, %while3A_508, %broadcast_in_dim3A_33 : vector<16xf32>
          %add3A_579 = arith.addf %get3A_577, %select_n3A_578 : vector<16xf32>
          %get3A_580 = arith.index_cast %sub3A_518 : i32 to index
          %get3A_581 = arith.constant 160 : index
          %get3A_582 = tpu.vector_load %arg6[%get3A_580, %get3A_581] {strides = array<i32>} : memref<112x256xf32, #tpu.memory_space<vmem>>, vector<1x16xf32>,
          %get3A_583 = vector.shape_cast %get3A_582 : vector<1x16xf32> to vector<16xf32>
          %select_n3A_584 = arith.select %eq3A_519, %while3A_509, %broadcast_in_dim3A_33 : vector<16xf32>
          %add3A_585 = arith.addf %get3A_583, %select_n3A_584 : vector<16xf32>
          %get3A_586 = arith.index_cast %sub3A_518 : i32 to index
          %get3A_587 = arith.constant 176 : index
          %get3A_588 = tpu.vector_load %arg6[%get3A_586, %get3A_587] {strides = array<i32>} : memref<112x256xf32, #tpu.memory_space<vmem>>, vector<1x16xf32>,
          %get3A_589 = vector.shape_cast %get3A_588 : vector<1x16xf32> to vector<16xf32>
          %select_n3A_590 = arith.select %eq3A_519, %while3A_510, %broadcast_in_dim3A_33 : vector<16xf32>
          %add3A_591 = arith.addf %get3A_589, %select_n3A_590 : vector<16xf32>
          %get3A_592 = arith.index_cast %sub3A_518 : i32 to index
          %get3A_593 = arith.constant 192 : index
          %get3A_594 = tpu.vector_load %arg6[%get3A_592, %get3A_593] {strides = array<i32>} : memref<112x256xf32, #tpu.memory_space<vmem>>, vector<1x16xf32>,
          %get3A_595 = vector.shape_cast %get3A_594 : vector<1x16xf32> to vector<16xf32>
          %select_n3A_596 = arith.select %eq3A_519, %while3A_511, %broadcast_in_dim3A_33 : vector<16xf32>
          %add3A_597 = arith.addf %get3A_595, %select_n3A_596 : vector<16xf32>
          %get3A_598 = arith.index_cast %sub3A_518 : i32 to index
          %get3A_599 = arith.constant 208 : index
          %get3A_600 = tpu.vector_load %arg6[%get3A_598, %get3A_599] {strides = array<i32>} : memref<112x256xf32, #tpu.memory_space<vmem>>, vector<1x16xf32>,
          %get3A_601 = vector.shape_cast %get3A_600 : vector<1x16xf32> to vector<16xf32>
          %select_n3A_602 = arith.select %eq3A_519, %while3A_512, %broadcast_in_dim3A_33 : vector<16xf32>
          %add3A_603 = arith.addf %get3A_601, %select_n3A_602 : vector<16xf32>
          %get3A_604 = arith.index_cast %sub3A_518 : i32 to index
          %get3A_605 = arith.constant 224 : index
          %get3A_606 = tpu.vector_load %arg6[%get3A_604, %get3A_605] {strides = array<i32>} : memref<112x256xf32, #tpu.memory_space<vmem>>, vector<1x16xf32>,
          %get3A_607 = vector.shape_cast %get3A_606 : vector<1x16xf32> to vector<16xf32>
          %select_n3A_608 = arith.select %eq3A_519, %while3A_513, %broadcast_in_dim3A_33 : vector<16xf32>
          %add3A_609 = arith.addf %get3A_607, %select_n3A_608 : vector<16xf32>
          %get3A_610 = arith.index_cast %sub3A_518 : i32 to index
          %get3A_611 = arith.constant 240 : index
          %get3A_612 = tpu.vector_load %arg6[%get3A_610, %get3A_611] {strides = array<i32>} : memref<112x256xf32, #tpu.memory_space<vmem>>, vector<1x16xf32>,
          %get3A_613 = vector.shape_cast %get3A_612 : vector<1x16xf32> to vector<16xf32>
          %select_n3A_614 = arith.select %eq3A_519, %while3A_514, %broadcast_in_dim3A_33 : vector<16xf32>
          %add3A_615 = arith.addf %get3A_613, %select_n3A_614 : vector<16xf32>
          %sub3A_616 = arith.subi %squeeze3A, %add3A_264 : i32
          %swap3A_617 = arith.index_cast %sub3A_616 : i32 to index
          %swap3A_618 = arith.constant 0 : index
          %swap3A_619 = tpu.vector_load %arg9[%swap3A_617, %swap3A_618] {strides = array<i32>} : memref<128x256xf32, #tpu.memory_space<vmem>>, vector<1x16xf32>,
          %swap3A_620 = vector.shape_cast %swap3A_619 : vector<1x16xf32> to vector<16xf32>
          %swap3A_621 = vector.shape_cast %add3A_525 : vector<16xf32> to vector<1x16xf32>
          tpu.vector_store %arg9[%swap3A_617, %swap3A_618], %swap3A_621 {strides = array<i32>} : memref<128x256xf32, #tpu.memory_space<vmem>>, vector<1x16xf32>,
          %swap3A_622 = arith.index_cast %sub3A_616 : i32 to index
          %swap3A_623 = arith.constant 16 : index
          %swap3A_624 = tpu.vector_load %arg9[%swap3A_622, %swap3A_623] {strides = array<i32>} : memref<128x256xf32, #tpu.memory_space<vmem>>, vector<1x16xf32>,
          %swap3A_625 = vector.shape_cast %swap3A_624 : vector<1x16xf32> to vector<16xf32>
          %swap3A_626 = vector.shape_cast %add3A_531 : vector<16xf32> to vector<1x16xf32>
          tpu.vector_store %arg9[%swap3A_622, %swap3A_623], %swap3A_626 {strides = array<i32>} : memref<128x256xf32, #tpu.memory_space<vmem>>, vector<1x16xf32>,
          %swap3A_627 = arith.index_cast %sub3A_616 : i32 to index
          %swap3A_628 = arith.constant 32 : index
          %swap3A_629 = tpu.vector_load %arg9[%swap3A_627, %swap3A_628] {strides = array<i32>} : memref<128x256xf32, #tpu.memory_space<vmem>>, vector<1x16xf32>,
          %swap3A_630 = vector.shape_cast %swap3A_629 : vector<1x16xf32> to vector<16xf32>
          %swap3A_631 = vector.shape_cast %add3A_537 : vector<16xf32> to vector<1x16xf32>
          tpu.vector_store %arg9[%swap3A_627, %swap3A_628], %swap3A_631 {strides = array<i32>} : memref<128x256xf32, #tpu.memory_space<vmem>>, vector<1x16xf32>,
          %swap3A_632 = arith.index_cast %sub3A_616 : i32 to index
          %swap3A_633 = arith.constant 48 : index
          %swap3A_634 = tpu.vector_load %arg9[%swap3A_632, %swap3A_633] {strides = array<i32>} : memref<128x256xf32, #tpu.memory_space<vmem>>, vector<1x16xf32>,
          %swap3A_635 = vector.shape_cast %swap3A_634 : vector<1x16xf32> to vector<16xf32>
          %swap3A_636 = vector.shape_cast %add3A_543 : vector<16xf32> to vector<1x16xf32>
          tpu.vector_store %arg9[%swap3A_632, %swap3A_633], %swap3A_636 {strides = array<i32>} : memref<128x256xf32, #tpu.memory_space<vmem>>, vector<1x16xf32>,
          %swap3A_637 = arith.index_cast %sub3A_616 : i32 to index
          %swap3A_638 = arith.constant 64 : index
          %swap3A_639 = tpu.vector_load %arg9[%swap3A_637, %swap3A_638] {strides = array<i32>} : memref<128x256xf32, #tpu.memory_space<vmem>>, vector<1x16xf32>,
          %swap3A_640 = vector.shape_cast %swap3A_639 : vector<1x16xf32> to vector<16xf32>
          %swap3A_641 = vector.shape_cast %add3A_549 : vector<16xf32> to vector<1x16xf32>
          tpu.vector_store %arg9[%swap3A_637, %swap3A_638], %swap3A_641 {strides = array<i32>} : memref<128x256xf32, #tpu.memory_space<vmem>>, vector<1x16xf32>,
          %swap3A_642 = arith.index_cast %sub3A_616 : i32 to index
          %swap3A_643 = arith.constant 80 : index
          %swap3A_644 = tpu.vector_load %arg9[%swap3A_642, %swap3A_643] {strides = array<i32>} : memref<128x256xf32, #tpu.memory_space<vmem>>, vector<1x16xf32>,
          %swap3A_645 = vector.shape_cast %swap3A_644 : vector<1x16xf32> to vector<16xf32>
          %swap3A_646 = vector.shape_cast %add3A_555 : vector<16xf32> to vector<1x16xf32>
          tpu.vector_store %arg9[%swap3A_642, %swap3A_643], %swap3A_646 {strides = array<i32>} : memref<128x256xf32, #tpu.memory_space<vmem>>, vector<1x16xf32>,
          %swap3A_647 = arith.index_cast %sub3A_616 : i32 to index
          %swap3A_648 = arith.constant 96 : index
          %swap3A_649 = tpu.vector_load %arg9[%swap3A_647, %swap3A_648] {strides = array<i32>} : memref<128x256xf32, #tpu.memory_space<vmem>>, vector<1x16xf32>,
          %swap3A_650 = vector.shape_cast %swap3A_649 : vector<1x16xf32> to vector<16xf32>
          %swap3A_651 = vector.shape_cast %add3A_561 : vector<16xf32> to vector<1x16xf32>
          tpu.vector_store %arg9[%swap3A_647, %swap3A_648], %swap3A_651 {strides = array<i32>} : memref<128x256xf32, #tpu.memory_space<vmem>>, vector<1x16xf32>,
          %swap3A_652 = arith.index_cast %sub3A_616 : i32 to index
          %swap3A_653 = arith.constant 112 : index
          %swap3A_654 = tpu.vector_load %arg9[%swap3A_652, %swap3A_653] {strides = array<i32>} : memref<128x256xf32, #tpu.memory_space<vmem>>, vector<1x16xf32>,
          %swap3A_655 = vector.shape_cast %swap3A_654 : vector<1x16xf32> to vector<16xf32>
          %swap3A_656 = vector.shape_cast %add3A_567 : vector<16xf32> to vector<1x16xf32>
          tpu.vector_store %arg9[%swap3A_652, %swap3A_653], %swap3A_656 {strides = array<i32>} : memref<128x256xf32, #tpu.memory_space<vmem>>, vector<1x16xf32>,
          %swap3A_657 = arith.index_cast %sub3A_616 : i32 to index
          %swap3A_658 = arith.constant 128 : index
          %swap3A_659 = tpu.vector_load %arg9[%swap3A_657, %swap3A_658] {strides = array<i32>} : memref<128x256xf32, #tpu.memory_space<vmem>>, vector<1x16xf32>,
          %swap3A_660 = vector.shape_cast %swap3A_659 : vector<1x16xf32> to vector<16xf32>
          %swap3A_661 = vector.shape_cast %add3A_573 : vector<16xf32> to vector<1x16xf32>
          tpu.vector_store %arg9[%swap3A_657, %swap3A_658], %swap3A_661 {strides = array<i32>} : memref<128x256xf32, #tpu.memory_space<vmem>>, vector<1x16xf32>,
          %swap3A_662 = arith.index_cast %sub3A_616 : i32 to index
          %swap3A_663 = arith.constant 144 : index
          %swap3A_664 = tpu.vector_load %arg9[%swap3A_662, %swap3A_663] {strides = array<i32>} : memref<128x256xf32, #tpu.memory_space<vmem>>, vector<1x16xf32>,
          %swap3A_665 = vector.shape_cast %swap3A_664 : vector<1x16xf32> to vector<16xf32>
          %swap3A_666 = vector.shape_cast %add3A_579 : vector<16xf32> to vector<1x16xf32>
          tpu.vector_store %arg9[%swap3A_662, %swap3A_663], %swap3A_666 {strides = array<i32>} : memref<128x256xf32, #tpu.memory_space<vmem>>, vector<1x16xf32>,
          %swap3A_667 = arith.index_cast %sub3A_616 : i32 to index
          %swap3A_668 = arith.constant 160 : index
          %swap3A_669 = tpu.vector_load %arg9[%swap3A_667, %swap3A_668] {strides = array<i32>} : memref<128x256xf32, #tpu.memory_space<vmem>>, vector<1x16xf32>,
          %swap3A_670 = vector.shape_cast %swap3A_669 : vector<1x16xf32> to vector<16xf32>
          %swap3A_671 = vector.shape_cast %add3A_585 : vector<16xf32> to vector<1x16xf32>
          tpu.vector_store %arg9[%swap3A_667, %swap3A_668], %swap3A_671 {strides = array<i32>} : memref<128x256xf32, #tpu.memory_space<vmem>>, vector<1x16xf32>,
          %swap3A_672 = arith.index_cast %sub3A_616 : i32 to index
          %swap3A_673 = arith.constant 176 : index
          %swap3A_674 = tpu.vector_load %arg9[%swap3A_672, %swap3A_673] {strides = array<i32>} : memref<128x256xf32, #tpu.memory_space<vmem>>, vector<1x16xf32>,
          %swap3A_675 = vector.shape_cast %swap3A_674 : vector<1x16xf32> to vector<16xf32>
          %swap3A_676 = vector.shape_cast %add3A_591 : vector<16xf32> to vector<1x16xf32>
          tpu.vector_store %arg9[%swap3A_672, %swap3A_673], %swap3A_676 {strides = array<i32>} : memref<128x256xf32, #tpu.memory_space<vmem>>, vector<1x16xf32>,
          %swap3A_677 = arith.index_cast %sub3A_616 : i32 to index
          %swap3A_678 = arith.constant 192 : index
          %swap3A_679 = tpu.vector_load %arg9[%swap3A_677, %swap3A_678] {strides = array<i32>} : memref<128x256xf32, #tpu.memory_space<vmem>>, vector<1x16xf32>,
          %swap3A_680 = vector.shape_cast %swap3A_679 : vector<1x16xf32> to vector<16xf32>
          %swap3A_681 = vector.shape_cast %add3A_597 : vector<16xf32> to vector<1x16xf32>
          tpu.vector_store %arg9[%swap3A_677, %swap3A_678], %swap3A_681 {strides = array<i32>} : memref<128x256xf32, #tpu.memory_space<vmem>>, vector<1x16xf32>,
          %swap3A_682 = arith.index_cast %sub3A_616 : i32 to index
          %swap3A_683 = arith.constant 208 : index
          %swap3A_684 = tpu.vector_load %arg9[%swap3A_682, %swap3A_683] {strides = array<i32>} : memref<128x256xf32, #tpu.memory_space<vmem>>, vector<1x16xf32>,
          %swap3A_685 = vector.shape_cast %swap3A_684 : vector<1x16xf32> to vector<16xf32>
          %swap3A_686 = vector.shape_cast %add3A_603 : vector<16xf32> to vector<1x16xf32>
          tpu.vector_store %arg9[%swap3A_682, %swap3A_683], %swap3A_686 {strides = array<i32>} : memref<128x256xf32, #tpu.memory_space<vmem>>, vector<1x16xf32>,
          %swap3A_687 = arith.index_cast %sub3A_616 : i32 to index
          %swap3A_688 = arith.constant 224 : index
          %swap3A_689 = tpu.vector_load %arg9[%swap3A_687, %swap3A_688] {strides = array<i32>} : memref<128x256xf32, #tpu.memory_space<vmem>>, vector<1x16xf32>,
          %swap3A_690 = vector.shape_cast %swap3A_689 : vector<1x16xf32> to vector<16xf32>
          %swap3A_691 = vector.shape_cast %add3A_609 : vector<16xf32> to vector<1x16xf32>
          tpu.vector_store %arg9[%swap3A_687, %swap3A_688], %swap3A_691 {strides = array<i32>} : memref<128x256xf32, #tpu.memory_space<vmem>>, vector<1x16xf32>,
          %swap3A_692 = arith.index_cast %sub3A_616 : i32 to index
          %swap3A_693 = arith.constant 240 : index
          %swap3A_694 = tpu.vector_load %arg9[%swap3A_692, %swap3A_693] {strides = array<i32>} : memref<128x256xf32, #tpu.memory_space<vmem>>, vector<1x16xf32>,
          %swap3A_695 = vector.shape_cast %swap3A_694 : vector<1x16xf32> to vector<16xf32>
          %swap3A_696 = vector.shape_cast %add3A_615 : vector<16xf32> to vector<1x16xf32>
          tpu.vector_store %arg9[%swap3A_692, %swap3A_693], %swap3A_696 {strides = array<i32>} : memref<128x256xf32, #tpu.memory_space<vmem>>, vector<1x16xf32>,
          scf.yield %squeeze3A, %add3A_525, %add3A_531, %add3A_537, %add3A_543, %add3A_549, %add3A_555, %add3A_561, %add3A_567, %add3A_573, %add3A_579, %add3A_585, %add3A_591, %add3A_597, %add3A_603, %add3A_609, %add3A_615 : i32, vector<16xf32>, vector<16xf32>, vector<16xf32>, vector<16xf32>, vector<16xf32>, vector<16xf32>, vector<16xf32>, vector<16xf32>, vector<16xf32>, vector<16xf32>, vector<16xf32>, vector<16xf32>, vector<16xf32>, vector<16xf32>, vector<16xf32>, vector<16xf32>
        }
        %mul3A_460 = arith.constant 2 : i32
        %mul3A_461 = arith.muli %mul3A_460, %while3A_406 : i32
        %add3A_462 = arith.constant 1 : i32
        %add3A_463 = arith.addi %mul3A_461, %add3A_462 : i32
        %mul3A_464 = arith.constant 112 : i32
        %mul3A_465 = arith.muli %add3A_463, %mul3A_464 : i32
        %add3A_466 = arith.addi %and3A_62, %mul3A_465 : i32
        %min3A_467 = arith.constant 3984 : i32
        %min3A_468 = arith.minsi %add3A_466, %min3A_467 : i32
        %max3A_469 = arith.maxsi %scan3A_128#0, %add3A_466 : i32
        %add3A_470 = arith.constant 112 : i32
        %add3A_471 = arith.addi %add3A_466, %add3A_470 : i32
        %min3A_472 = arith.minsi %scan3A_273#0, %add3A_471 : i32
        %sub3A_473 = arith.subi %min3A_472, %max3A_469 : i32
        %jit3A_474 = arith.constant 0 : i32
        %jit3A_475 = arith.constant 112 : i32
        %max3A_476 = arith.maxsi %jit3A_474, %sub3A_473 : i32
        %min3A_477 = arith.minsi %jit3A_475, %max3A_476 : i32
        %gt3A_478 = arith.cmpi sgt, %add3A_463, %select_n3A_448 : i32
        %gt3A_479 = arith.constant 0 : i32
        %gt3A_480 = arith.cmpi sgt, %min3A_477, %gt3A_479 : i32
        %and3A_481 = arith.andi %gt3A_478, %gt3A_480 : i1
        %convert_element_type3A_482 = arith.extui %and3A_481 : i1 to i32
        %cond3A_483 = arith.constant 0 : i32
        %cond3A_484 = arith.cmpi ne, %convert_element_type3A_482, %cond3A_483 : i32
        scf.if %cond3A_484 {
          %mul3A_497 = arith.constant 112 : i32
          %mul3A_498 = arith.muli %add3A_463, %mul3A_497 : i32
          %add3A_499 = arith.addi %and3A_62, %mul3A_498 : i32
          %min3A_500 = arith.constant 3984 : i32
          %min3A_501 = arith.minsi %add3A_499, %min3A_500 : i32
          %multiple_of3A_502 = tpu.assume_multiple %min3A_501, 8 : i32
          %dma_wait3A_503 = arith.constant 0 : i32
          %dma_wait3A_504 = tpu.memref_slice %arg2[%select_n3A, %multiple_of3A_502, %dma_wait3A_503] : memref<16x4096x256xf32, #tpu.memory_space<hbm>> -> memref<1x112x256xf32, #tpu.memory_space<hbm>>
          %dma_wait3A_505 = tpu.memref_squeeze %dma_wait3A_504 : memref<1x112x256xf32, #tpu.memory_space<hbm>> -> memref<112x256xf32, #tpu.memory_space<hbm>>
          %dma_wait3A_506 = arith.constant 0 : i32
          %dma_wait3A_507 = tpu.memref_slice %arg2[%select_n3A, %multiple_of3A_502, %dma_wait3A_506] : memref<16x4096x256xf32, #tpu.memory_space<hbm>> -> memref<1x112x256xf32, #tpu.memory_space<hbm>>
          %dma_wait3A_508 = tpu.memref_squeeze %dma_wait3A_507 : memref<1x112x256xf32, #tpu.memory_space<hbm>> -> memref<112x256xf32, #tpu.memory_space<hbm>>
          tpu.wait_dma2 semaphore(%arg12 : memref<!tpu.dma_semaphore, #tpu.memory_space<semaphore_mem>>) src(%dma_wait3A_508 : memref<112x256xf32, #tpu.memory_space<hbm>>) dst(%arg7 : memref<112x256xf32, #tpu.memory_space<vmem>>)
          %add3A_509 = arith.constant 1 : i32
          %add3A_510 = arith.addi %add3A_463, %add3A_509 : i32
          %lt3A_511 = arith.cmpi slt, %add3A_510, %select_n3A_91 : i32
          %convert_element_type3A_512 = arith.extui %lt3A_511 : i1 to i32
          %cond3A_513 = arith.constant 0 : i32
          %cond3A_514 = arith.cmpi ne, %convert_element_type3A_512, %cond3A_513 : i32
          scf.if %cond3A_514 {
            %add3A_515 = arith.constant 1 : i32
            %add3A_516 = arith.addi %add3A_463, %add3A_515 : i32
            %mul3A_517 = arith.constant 112 : i32
            %mul3A_518 = arith.muli %add3A_516, %mul3A_517 : i32
            %add3A_519 = arith.addi %and3A_62, %mul3A_518 : i32
            %min3A_520 = arith.constant 3984 : i32
            %min3A_521 = arith.minsi %add3A_519, %min3A_520 : i32
            %multiple_of3A_522 = tpu.assume_multiple %min3A_521, 8 : i32
            %dma_start3A_523 = arith.constant 0 : i32
            %dma_start3A_524 = tpu.memref_slice %arg2[%select_n3A, %multiple_of3A_522, %dma_start3A_523] : memref<16x4096x256xf32, #tpu.memory_space<hbm>> -> memref<1x112x256xf32, #tpu.memory_space<hbm>>
            %dma_start3A_525 = tpu.memref_squeeze %dma_start3A_524 : memref<1x112x256xf32, #tpu.memory_space<hbm>> -> memref<112x256xf32, #tpu.memory_space<hbm>>
            %dma_start3A_526 = arith.constant 0 : i32
            %dma_start3A_527 = tpu.memref_slice %arg2[%select_n3A, %multiple_of3A_522, %dma_start3A_526] : memref<16x4096x256xf32, #tpu.memory_space<hbm>> -> memref<1x112x256xf32, #tpu.memory_space<hbm>>
            %dma_start3A_528 = tpu.memref_squeeze %dma_start3A_527 : memref<1x112x256xf32, #tpu.memory_space<hbm>> -> memref<112x256xf32, #tpu.memory_space<hbm>>
            tpu.enqueue_dma source(%dma_start3A_528 : memref<112x256xf32, #tpu.memory_space<hbm>>) target(%arg6 : memref<112x256xf32, #tpu.memory_space<vmem>>) target_semaphore(%arg11 : memref<!tpu.dma_semaphore, #tpu.memory_space<semaphore_mem>>)
          } else {
          }
        } else {
        }
        %select_n3A_485 = arith.select %and3A_481, %add3A_463, %select_n3A_448 : i32
        %while3A_486 = arith.constant 0 : i32
        %while3A_487 = arith.subi %min3A_477, %while3A_486 : i32
        %while3A_488 = arith.addi %while3A_486, %while3A_487 : i32
        %while3A_489 = arith.constant 1 : i32
        %while3A_490 = arith.divsi %while3A_487, %while3A_489 : i32
        %while3A_491 = arith.muli %while3A_490, %while3A_489 : i32
        %while3A_492 = arith.addi %while3A_486, %while3A_491 : i32
        %while3A_493 = arith.constant 1 : i32
        %while3A_494:17 = scf.for %while3A_497 = %while3A_486 to %while3A_492 step %while3A_493 iter_args(%while3A_498 = %while3A_459#0, %while3A_499 = %while3A_459#1, %while3A_500 = %while3A_459#2, %while3A_501 = %while3A_459#3, %while3A_502 = %while3A_459#4, %while3A_503 = %while3A_459#5, %while3A_504 = %while3A_459#6, %while3A_505 = %while3A_459#7, %while3A_506 = %while3A_459#8, %while3A_507 = %while3A_459#9, %while3A_508 = %while3A_459#10, %while3A_509 = %while3A_459#11, %while3A_510 = %while3A_459#12, %while3A_511 = %while3A_459#13, %while3A_512 = %while3A_459#14, %while3A_513 = %while3A_459#15, %while3A_514 = %while3A_459#16) -> (i32, vector<16xf32>, vector<16xf32>, vector<16xf32>, vector<16xf32>, vector<16xf32>, vector<16xf32>, vector<16xf32>, vector<16xf32>, vector<16xf32>, vector<16xf32>, vector<16xf32>, vector<16xf32>, vector<16xf32>, vector<16xf32>, vector<16xf32>, vector<16xf32>)  : i32 {
          %add3A_515 = arith.addi %max3A_469, %while3A_497 : i32
          %get3A = arith.index_cast %add3A_515 : i32 to index
          %get3A_516 = tpu.vector_load %arg5[%get3A] {strides = array<i32>} : memref<4112xi32, #tpu.memory_space<vmem>>, vector<16xi32>,
          %get3A_517 = vector.shape_cast %get3A_516 : vector<16xi32> to vector<16xi32>
          %slice3A = vector.extract_strided_slice %get3A_517 {offsets = [0], sizes = [1], strides = [1]} : vector<16xi32> to vector<1xi32>
          %squeeze3A = vector.extract %slice3A[0] : i32 from vector<1xi32>
          %sub3A_518 = arith.subi %add3A_515, %min3A_468 : i32
          %eq3A_519 = arith.cmpi eq, %squeeze3A, %while3A_498 : i32
          %get3A_520 = arith.index_cast %sub3A_518 : i32 to index
          %get3A_521 = arith.constant 0 : index
          %get3A_522 = tpu.vector_load %arg7[%get3A_520, %get3A_521] {strides = array<i32>} : memref<112x256xf32, #tpu.memory_space<vmem>>, vector<1x16xf32>,
          %get3A_523 = vector.shape_cast %get3A_522 : vector<1x16xf32> to vector<16xf32>
          %select_n3A_524 = arith.select %eq3A_519, %while3A_499, %broadcast_in_dim3A_33 : vector<16xf32>
          %add3A_525 = arith.addf %get3A_523, %select_n3A_524 : vector<16xf32>
          %get3A_526 = arith.index_cast %sub3A_518 : i32 to index
          %get3A_527 = arith.constant 16 : index
          %get3A_528 = tpu.vector_load %arg7[%get3A_526, %get3A_527] {strides = array<i32>} : memref<112x256xf32, #tpu.memory_space<vmem>>, vector<1x16xf32>,
          %get3A_529 = vector.shape_cast %get3A_528 : vector<1x16xf32> to vector<16xf32>
          %select_n3A_530 = arith.select %eq3A_519, %while3A_500, %broadcast_in_dim3A_33 : vector<16xf32>
          %add3A_531 = arith.addf %get3A_529, %select_n3A_530 : vector<16xf32>
          %get3A_532 = arith.index_cast %sub3A_518 : i32 to index
          %get3A_533 = arith.constant 32 : index
          %get3A_534 = tpu.vector_load %arg7[%get3A_532, %get3A_533] {strides = array<i32>} : memref<112x256xf32, #tpu.memory_space<vmem>>, vector<1x16xf32>,
          %get3A_535 = vector.shape_cast %get3A_534 : vector<1x16xf32> to vector<16xf32>
          %select_n3A_536 = arith.select %eq3A_519, %while3A_501, %broadcast_in_dim3A_33 : vector<16xf32>
          %add3A_537 = arith.addf %get3A_535, %select_n3A_536 : vector<16xf32>
          %get3A_538 = arith.index_cast %sub3A_518 : i32 to index
          %get3A_539 = arith.constant 48 : index
          %get3A_540 = tpu.vector_load %arg7[%get3A_538, %get3A_539] {strides = array<i32>} : memref<112x256xf32, #tpu.memory_space<vmem>>, vector<1x16xf32>,
          %get3A_541 = vector.shape_cast %get3A_540 : vector<1x16xf32> to vector<16xf32>
          %select_n3A_542 = arith.select %eq3A_519, %while3A_502, %broadcast_in_dim3A_33 : vector<16xf32>
          %add3A_543 = arith.addf %get3A_541, %select_n3A_542 : vector<16xf32>
          %get3A_544 = arith.index_cast %sub3A_518 : i32 to index
          %get3A_545 = arith.constant 64 : index
          %get3A_546 = tpu.vector_load %arg7[%get3A_544, %get3A_545] {strides = array<i32>} : memref<112x256xf32, #tpu.memory_space<vmem>>, vector<1x16xf32>,
          %get3A_547 = vector.shape_cast %get3A_546 : vector<1x16xf32> to vector<16xf32>
          %select_n3A_548 = arith.select %eq3A_519, %while3A_503, %broadcast_in_dim3A_33 : vector<16xf32>
          %add3A_549 = arith.addf %get3A_547, %select_n3A_548 : vector<16xf32>
          %get3A_550 = arith.index_cast %sub3A_518 : i32 to index
          %get3A_551 = arith.constant 80 : index
          %get3A_552 = tpu.vector_load %arg7[%get3A_550, %get3A_551] {strides = array<i32>} : memref<112x256xf32, #tpu.memory_space<vmem>>, vector<1x16xf32>,
          %get3A_553 = vector.shape_cast %get3A_552 : vector<1x16xf32> to vector<16xf32>
          %select_n3A_554 = arith.select %eq3A_519, %while3A_504, %broadcast_in_dim3A_33 : vector<16xf32>
          %add3A_555 = arith.addf %get3A_553, %select_n3A_554 : vector<16xf32>
          %get3A_556 = arith.index_cast %sub3A_518 : i32 to index
          %get3A_557 = arith.constant 96 : index
          %get3A_558 = tpu.vector_load %arg7[%get3A_556, %get3A_557] {strides = array<i32>} : memref<112x256xf32, #tpu.memory_space<vmem>>, vector<1x16xf32>,
          %get3A_559 = vector.shape_cast %get3A_558 : vector<1x16xf32> to vector<16xf32>
          %select_n3A_560 = arith.select %eq3A_519, %while3A_505, %broadcast_in_dim3A_33 : vector<16xf32>
          %add3A_561 = arith.addf %get3A_559, %select_n3A_560 : vector<16xf32>
          %get3A_562 = arith.index_cast %sub3A_518 : i32 to index
          %get3A_563 = arith.constant 112 : index
          %get3A_564 = tpu.vector_load %arg7[%get3A_562, %get3A_563] {strides = array<i32>} : memref<112x256xf32, #tpu.memory_space<vmem>>, vector<1x16xf32>,
          %get3A_565 = vector.shape_cast %get3A_564 : vector<1x16xf32> to vector<16xf32>
          %select_n3A_566 = arith.select %eq3A_519, %while3A_506, %broadcast_in_dim3A_33 : vector<16xf32>
          %add3A_567 = arith.addf %get3A_565, %select_n3A_566 : vector<16xf32>
          %get3A_568 = arith.index_cast %sub3A_518 : i32 to index
          %get3A_569 = arith.constant 128 : index
          %get3A_570 = tpu.vector_load %arg7[%get3A_568, %get3A_569] {strides = array<i32>} : memref<112x256xf32, #tpu.memory_space<vmem>>, vector<1x16xf32>,
          %get3A_571 = vector.shape_cast %get3A_570 : vector<1x16xf32> to vector<16xf32>
          %select_n3A_572 = arith.select %eq3A_519, %while3A_507, %broadcast_in_dim3A_33 : vector<16xf32>
          %add3A_573 = arith.addf %get3A_571, %select_n3A_572 : vector<16xf32>
          %get3A_574 = arith.index_cast %sub3A_518 : i32 to index
          %get3A_575 = arith.constant 144 : index
          %get3A_576 = tpu.vector_load %arg7[%get3A_574, %get3A_575] {strides = array<i32>} : memref<112x256xf32, #tpu.memory_space<vmem>>, vector<1x16xf32>,
          %get3A_577 = vector.shape_cast %get3A_576 : vector<1x16xf32> to vector<16xf32>
          %select_n3A_578 = arith.select %eq3A_519, %while3A_508, %broadcast_in_dim3A_33 : vector<16xf32>
          %add3A_579 = arith.addf %get3A_577, %select_n3A_578 : vector<16xf32>
          %get3A_580 = arith.index_cast %sub3A_518 : i32 to index
          %get3A_581 = arith.constant 160 : index
          %get3A_582 = tpu.vector_load %arg7[%get3A_580, %get3A_581] {strides = array<i32>} : memref<112x256xf32, #tpu.memory_space<vmem>>, vector<1x16xf32>,
          %get3A_583 = vector.shape_cast %get3A_582 : vector<1x16xf32> to vector<16xf32>
          %select_n3A_584 = arith.select %eq3A_519, %while3A_509, %broadcast_in_dim3A_33 : vector<16xf32>
          %add3A_585 = arith.addf %get3A_583, %select_n3A_584 : vector<16xf32>
          %get3A_586 = arith.index_cast %sub3A_518 : i32 to index
          %get3A_587 = arith.constant 176 : index
          %get3A_588 = tpu.vector_load %arg7[%get3A_586, %get3A_587] {strides = array<i32>} : memref<112x256xf32, #tpu.memory_space<vmem>>, vector<1x16xf32>,
          %get3A_589 = vector.shape_cast %get3A_588 : vector<1x16xf32> to vector<16xf32>
          %select_n3A_590 = arith.select %eq3A_519, %while3A_510, %broadcast_in_dim3A_33 : vector<16xf32>
          %add3A_591 = arith.addf %get3A_589, %select_n3A_590 : vector<16xf32>
          %get3A_592 = arith.index_cast %sub3A_518 : i32 to index
          %get3A_593 = arith.constant 192 : index
          %get3A_594 = tpu.vector_load %arg7[%get3A_592, %get3A_593] {strides = array<i32>} : memref<112x256xf32, #tpu.memory_space<vmem>>, vector<1x16xf32>,
          %get3A_595 = vector.shape_cast %get3A_594 : vector<1x16xf32> to vector<16xf32>
          %select_n3A_596 = arith.select %eq3A_519, %while3A_511, %broadcast_in_dim3A_33 : vector<16xf32>
          %add3A_597 = arith.addf %get3A_595, %select_n3A_596 : vector<16xf32>
          %get3A_598 = arith.index_cast %sub3A_518 : i32 to index
          %get3A_599 = arith.constant 208 : index
          %get3A_600 = tpu.vector_load %arg7[%get3A_598, %get3A_599] {strides = array<i32>} : memref<112x256xf32, #tpu.memory_space<vmem>>, vector<1x16xf32>,
          %get3A_601 = vector.shape_cast %get3A_600 : vector<1x16xf32> to vector<16xf32>
          %select_n3A_602 = arith.select %eq3A_519, %while3A_512, %broadcast_in_dim3A_33 : vector<16xf32>
          %add3A_603 = arith.addf %get3A_601, %select_n3A_602 : vector<16xf32>
          %get3A_604 = arith.index_cast %sub3A_518 : i32 to index
          %get3A_605 = arith.constant 224 : index
          %get3A_606 = tpu.vector_load %arg7[%get3A_604, %get3A_605] {strides = array<i32>} : memref<112x256xf32, #tpu.memory_space<vmem>>, vector<1x16xf32>,
          %get3A_607 = vector.shape_cast %get3A_606 : vector<1x16xf32> to vector<16xf32>
          %select_n3A_608 = arith.select %eq3A_519, %while3A_513, %broadcast_in_dim3A_33 : vector<16xf32>
          %add3A_609 = arith.addf %get3A_607, %select_n3A_608 : vector<16xf32>
          %get3A_610 = arith.index_cast %sub3A_518 : i32 to index
          %get3A_611 = arith.constant 240 : index
          %get3A_612 = tpu.vector_load %arg7[%get3A_610, %get3A_611] {strides = array<i32>} : memref<112x256xf32, #tpu.memory_space<vmem>>, vector<1x16xf32>,
          %get3A_613 = vector.shape_cast %get3A_612 : vector<1x16xf32> to vector<16xf32>
          %select_n3A_614 = arith.select %eq3A_519, %while3A_514, %broadcast_in_dim3A_33 : vector<16xf32>
          %add3A_615 = arith.addf %get3A_613, %select_n3A_614 : vector<16xf32>
          %sub3A_616 = arith.subi %squeeze3A, %add3A_264 : i32
          %swap3A_617 = arith.index_cast %sub3A_616 : i32 to index
          %swap3A_618 = arith.constant 0 : index
          %swap3A_619 = tpu.vector_load %arg9[%swap3A_617, %swap3A_618] {strides = array<i32>} : memref<128x256xf32, #tpu.memory_space<vmem>>, vector<1x16xf32>,
          %swap3A_620 = vector.shape_cast %swap3A_619 : vector<1x16xf32> to vector<16xf32>
          %swap3A_621 = vector.shape_cast %add3A_525 : vector<16xf32> to vector<1x16xf32>
          tpu.vector_store %arg9[%swap3A_617, %swap3A_618], %swap3A_621 {strides = array<i32>} : memref<128x256xf32, #tpu.memory_space<vmem>>, vector<1x16xf32>,
          %swap3A_622 = arith.index_cast %sub3A_616 : i32 to index
          %swap3A_623 = arith.constant 16 : index
          %swap3A_624 = tpu.vector_load %arg9[%swap3A_622, %swap3A_623] {strides = array<i32>} : memref<128x256xf32, #tpu.memory_space<vmem>>, vector<1x16xf32>,
          %swap3A_625 = vector.shape_cast %swap3A_624 : vector<1x16xf32> to vector<16xf32>
          %swap3A_626 = vector.shape_cast %add3A_531 : vector<16xf32> to vector<1x16xf32>
          tpu.vector_store %arg9[%swap3A_622, %swap3A_623], %swap3A_626 {strides = array<i32>} : memref<128x256xf32, #tpu.memory_space<vmem>>, vector<1x16xf32>,
          %swap3A_627 = arith.index_cast %sub3A_616 : i32 to index
          %swap3A_628 = arith.constant 32 : index
          %swap3A_629 = tpu.vector_load %arg9[%swap3A_627, %swap3A_628] {strides = array<i32>} : memref<128x256xf32, #tpu.memory_space<vmem>>, vector<1x16xf32>,
          %swap3A_630 = vector.shape_cast %swap3A_629 : vector<1x16xf32> to vector<16xf32>
          %swap3A_631 = vector.shape_cast %add3A_537 : vector<16xf32> to vector<1x16xf32>
          tpu.vector_store %arg9[%swap3A_627, %swap3A_628], %swap3A_631 {strides = array<i32>} : memref<128x256xf32, #tpu.memory_space<vmem>>, vector<1x16xf32>,
          %swap3A_632 = arith.index_cast %sub3A_616 : i32 to index
          %swap3A_633 = arith.constant 48 : index
          %swap3A_634 = tpu.vector_load %arg9[%swap3A_632, %swap3A_633] {strides = array<i32>} : memref<128x256xf32, #tpu.memory_space<vmem>>, vector<1x16xf32>,
          %swap3A_635 = vector.shape_cast %swap3A_634 : vector<1x16xf32> to vector<16xf32>
          %swap3A_636 = vector.shape_cast %add3A_543 : vector<16xf32> to vector<1x16xf32>
          tpu.vector_store %arg9[%swap3A_632, %swap3A_633], %swap3A_636 {strides = array<i32>} : memref<128x256xf32, #tpu.memory_space<vmem>>, vector<1x16xf32>,
          %swap3A_637 = arith.index_cast %sub3A_616 : i32 to index
          %swap3A_638 = arith.constant 64 : index
          %swap3A_639 = tpu.vector_load %arg9[%swap3A_637, %swap3A_638] {strides = array<i32>} : memref<128x256xf32, #tpu.memory_space<vmem>>, vector<1x16xf32>,
          %swap3A_640 = vector.shape_cast %swap3A_639 : vector<1x16xf32> to vector<16xf32>
          %swap3A_641 = vector.shape_cast %add3A_549 : vector<16xf32> to vector<1x16xf32>
          tpu.vector_store %arg9[%swap3A_637, %swap3A_638], %swap3A_641 {strides = array<i32>} : memref<128x256xf32, #tpu.memory_space<vmem>>, vector<1x16xf32>,
          %swap3A_642 = arith.index_cast %sub3A_616 : i32 to index
          %swap3A_643 = arith.constant 80 : index
          %swap3A_644 = tpu.vector_load %arg9[%swap3A_642, %swap3A_643] {strides = array<i32>} : memref<128x256xf32, #tpu.memory_space<vmem>>, vector<1x16xf32>,
          %swap3A_645 = vector.shape_cast %swap3A_644 : vector<1x16xf32> to vector<16xf32>
          %swap3A_646 = vector.shape_cast %add3A_555 : vector<16xf32> to vector<1x16xf32>
          tpu.vector_store %arg9[%swap3A_642, %swap3A_643], %swap3A_646 {strides = array<i32>} : memref<128x256xf32, #tpu.memory_space<vmem>>, vector<1x16xf32>,
          %swap3A_647 = arith.index_cast %sub3A_616 : i32 to index
          %swap3A_648 = arith.constant 96 : index
          %swap3A_649 = tpu.vector_load %arg9[%swap3A_647, %swap3A_648] {strides = array<i32>} : memref<128x256xf32, #tpu.memory_space<vmem>>, vector<1x16xf32>,
          %swap3A_650 = vector.shape_cast %swap3A_649 : vector<1x16xf32> to vector<16xf32>
          %swap3A_651 = vector.shape_cast %add3A_561 : vector<16xf32> to vector<1x16xf32>
          tpu.vector_store %arg9[%swap3A_647, %swap3A_648], %swap3A_651 {strides = array<i32>} : memref<128x256xf32, #tpu.memory_space<vmem>>, vector<1x16xf32>,
          %swap3A_652 = arith.index_cast %sub3A_616 : i32 to index
          %swap3A_653 = arith.constant 112 : index
          %swap3A_654 = tpu.vector_load %arg9[%swap3A_652, %swap3A_653] {strides = array<i32>} : memref<128x256xf32, #tpu.memory_space<vmem>>, vector<1x16xf32>,
          %swap3A_655 = vector.shape_cast %swap3A_654 : vector<1x16xf32> to vector<16xf32>
          %swap3A_656 = vector.shape_cast %add3A_567 : vector<16xf32> to vector<1x16xf32>
          tpu.vector_store %arg9[%swap3A_652, %swap3A_653], %swap3A_656 {strides = array<i32>} : memref<128x256xf32, #tpu.memory_space<vmem>>, vector<1x16xf32>,
          %swap3A_657 = arith.index_cast %sub3A_616 : i32 to index
          %swap3A_658 = arith.constant 128 : index
          %swap3A_659 = tpu.vector_load %arg9[%swap3A_657, %swap3A_658] {strides = array<i32>} : memref<128x256xf32, #tpu.memory_space<vmem>>, vector<1x16xf32>,
          %swap3A_660 = vector.shape_cast %swap3A_659 : vector<1x16xf32> to vector<16xf32>
          %swap3A_661 = vector.shape_cast %add3A_573 : vector<16xf32> to vector<1x16xf32>
          tpu.vector_store %arg9[%swap3A_657, %swap3A_658], %swap3A_661 {strides = array<i32>} : memref<128x256xf32, #tpu.memory_space<vmem>>, vector<1x16xf32>,
          %swap3A_662 = arith.index_cast %sub3A_616 : i32 to index
          %swap3A_663 = arith.constant 144 : index
          %swap3A_664 = tpu.vector_load %arg9[%swap3A_662, %swap3A_663] {strides = array<i32>} : memref<128x256xf32, #tpu.memory_space<vmem>>, vector<1x16xf32>,
          %swap3A_665 = vector.shape_cast %swap3A_664 : vector<1x16xf32> to vector<16xf32>
          %swap3A_666 = vector.shape_cast %add3A_579 : vector<16xf32> to vector<1x16xf32>
          tpu.vector_store %arg9[%swap3A_662, %swap3A_663], %swap3A_666 {strides = array<i32>} : memref<128x256xf32, #tpu.memory_space<vmem>>, vector<1x16xf32>,
          %swap3A_667 = arith.index_cast %sub3A_616 : i32 to index
          %swap3A_668 = arith.constant 160 : index
          %swap3A_669 = tpu.vector_load %arg9[%swap3A_667, %swap3A_668] {strides = array<i32>} : memref<128x256xf32, #tpu.memory_space<vmem>>, vector<1x16xf32>,
          %swap3A_670 = vector.shape_cast %swap3A_669 : vector<1x16xf32> to vector<16xf32>
          %swap3A_671 = vector.shape_cast %add3A_585 : vector<16xf32> to vector<1x16xf32>
          tpu.vector_store %arg9[%swap3A_667, %swap3A_668], %swap3A_671 {strides = array<i32>} : memref<128x256xf32, #tpu.memory_space<vmem>>, vector<1x16xf32>,
          %swap3A_672 = arith.index_cast %sub3A_616 : i32 to index
          %swap3A_673 = arith.constant 176 : index
          %swap3A_674 = tpu.vector_load %arg9[%swap3A_672, %swap3A_673] {strides = array<i32>} : memref<128x256xf32, #tpu.memory_space<vmem>>, vector<1x16xf32>,
          %swap3A_675 = vector.shape_cast %swap3A_674 : vector<1x16xf32> to vector<16xf32>
          %swap3A_676 = vector.shape_cast %add3A_591 : vector<16xf32> to vector<1x16xf32>
          tpu.vector_store %arg9[%swap3A_672, %swap3A_673], %swap3A_676 {strides = array<i32>} : memref<128x256xf32, #tpu.memory_space<vmem>>, vector<1x16xf32>,
          %swap3A_677 = arith.index_cast %sub3A_616 : i32 to index
          %swap3A_678 = arith.constant 192 : index
          %swap3A_679 = tpu.vector_load %arg9[%swap3A_677, %swap3A_678] {strides = array<i32>} : memref<128x256xf32, #tpu.memory_space<vmem>>, vector<1x16xf32>,
          %swap3A_680 = vector.shape_cast %swap3A_679 : vector<1x16xf32> to vector<16xf32>
          %swap3A_681 = vector.shape_cast %add3A_597 : vector<16xf32> to vector<1x16xf32>
          tpu.vector_store %arg9[%swap3A_677, %swap3A_678], %swap3A_681 {strides = array<i32>} : memref<128x256xf32, #tpu.memory_space<vmem>>, vector<1x16xf32>,
          %swap3A_682 = arith.index_cast %sub3A_616 : i32 to index
          %swap3A_683 = arith.constant 208 : index
          %swap3A_684 = tpu.vector_load %arg9[%swap3A_682, %swap3A_683] {strides = array<i32>} : memref<128x256xf32, #tpu.memory_space<vmem>>, vector<1x16xf32>,
          %swap3A_685 = vector.shape_cast %swap3A_684 : vector<1x16xf32> to vector<16xf32>
          %swap3A_686 = vector.shape_cast %add3A_603 : vector<16xf32> to vector<1x16xf32>
          tpu.vector_store %arg9[%swap3A_682, %swap3A_683], %swap3A_686 {strides = array<i32>} : memref<128x256xf32, #tpu.memory_space<vmem>>, vector<1x16xf32>,
          %swap3A_687 = arith.index_cast %sub3A_616 : i32 to index
          %swap3A_688 = arith.constant 224 : index
          %swap3A_689 = tpu.vector_load %arg9[%swap3A_687, %swap3A_688] {strides = array<i32>} : memref<128x256xf32, #tpu.memory_space<vmem>>, vector<1x16xf32>,
          %swap3A_690 = vector.shape_cast %swap3A_689 : vector<1x16xf32> to vector<16xf32>
          %swap3A_691 = vector.shape_cast %add3A_609 : vector<16xf32> to vector<1x16xf32>
          tpu.vector_store %arg9[%swap3A_687, %swap3A_688], %swap3A_691 {strides = array<i32>} : memref<128x256xf32, #tpu.memory_space<vmem>>, vector<1x16xf32>,
          %swap3A_692 = arith.index_cast %sub3A_616 : i32 to index
          %swap3A_693 = arith.constant 240 : index
          %swap3A_694 = tpu.vector_load %arg9[%swap3A_692, %swap3A_693] {strides = array<i32>} : memref<128x256xf32, #tpu.memory_space<vmem>>, vector<1x16xf32>,
          %swap3A_695 = vector.shape_cast %swap3A_694 : vector<1x16xf32> to vector<16xf32>
          %swap3A_696 = vector.shape_cast %add3A_615 : vector<16xf32> to vector<1x16xf32>
          tpu.vector_store %arg9[%swap3A_692, %swap3A_693], %swap3A_696 {strides = array<i32>} : memref<128x256xf32, #tpu.memory_space<vmem>>, vector<1x16xf32>,
          scf.yield %squeeze3A, %add3A_525, %add3A_531, %add3A_537, %add3A_543, %add3A_549, %add3A_555, %add3A_561, %add3A_567, %add3A_573, %add3A_579, %add3A_585, %add3A_591, %add3A_597, %add3A_603, %add3A_609, %add3A_615 : i32, vector<16xf32>, vector<16xf32>, vector<16xf32>, vector<16xf32>, vector<16xf32>, vector<16xf32>, vector<16xf32>, vector<16xf32>, vector<16xf32>, vector<16xf32>, vector<16xf32>, vector<16xf32>, vector<16xf32>, vector<16xf32>, vector<16xf32>, vector<16xf32>
        }
        %while3A_495 = arith.constant 1 : i32
        %while3A_496:17 = scf.for %while3A_497 = %while3A_492 to %while3A_488 step %while3A_495 iter_args(%while3A_498 = %while3A_494#0, %while3A_499 = %while3A_494#1, %while3A_500 = %while3A_494#2, %while3A_501 = %while3A_494#3, %while3A_502 = %while3A_494#4, %while3A_503 = %while3A_494#5, %while3A_504 = %while3A_494#6, %while3A_505 = %while3A_494#7, %while3A_506 = %while3A_494#8, %while3A_507 = %while3A_494#9, %while3A_508 = %while3A_494#10, %while3A_509 = %while3A_494#11, %while3A_510 = %while3A_494#12, %while3A_511 = %while3A_494#13, %while3A_512 = %while3A_494#14, %while3A_513 = %while3A_494#15, %while3A_514 = %while3A_494#16) -> (i32, vector<16xf32>, vector<16xf32>, vector<16xf32>, vector<16xf32>, vector<16xf32>, vector<16xf32>, vector<16xf32>, vector<16xf32>, vector<16xf32>, vector<16xf32>, vector<16xf32>, vector<16xf32>, vector<16xf32>, vector<16xf32>, vector<16xf32>, vector<16xf32>)  : i32 {
          %add3A_515 = arith.addi %max3A_469, %while3A_497 : i32
          %get3A = arith.index_cast %add3A_515 : i32 to index
          %get3A_516 = tpu.vector_load %arg5[%get3A] {strides = array<i32>} : memref<4112xi32, #tpu.memory_space<vmem>>, vector<16xi32>,
          %get3A_517 = vector.shape_cast %get3A_516 : vector<16xi32> to vector<16xi32>
          %slice3A = vector.extract_strided_slice %get3A_517 {offsets = [0], sizes = [1], strides = [1]} : vector<16xi32> to vector<1xi32>
          %squeeze3A = vector.extract %slice3A[0] : i32 from vector<1xi32>
          %sub3A_518 = arith.subi %add3A_515, %min3A_468 : i32
          %eq3A_519 = arith.cmpi eq, %squeeze3A, %while3A_498 : i32
          %get3A_520 = arith.index_cast %sub3A_518 : i32 to index
          %get3A_521 = arith.constant 0 : index
          %get3A_522 = tpu.vector_load %arg7[%get3A_520, %get3A_521] {strides = array<i32>} : memref<112x256xf32, #tpu.memory_space<vmem>>, vector<1x16xf32>,
          %get3A_523 = vector.shape_cast %get3A_522 : vector<1x16xf32> to vector<16xf32>
          %select_n3A_524 = arith.select %eq3A_519, %while3A_499, %broadcast_in_dim3A_33 : vector<16xf32>
          %add3A_525 = arith.addf %get3A_523, %select_n3A_524 : vector<16xf32>
          %get3A_526 = arith.index_cast %sub3A_518 : i32 to index
          %get3A_527 = arith.constant 16 : index
          %get3A_528 = tpu.vector_load %arg7[%get3A_526, %get3A_527] {strides = array<i32>} : memref<112x256xf32, #tpu.memory_space<vmem>>, vector<1x16xf32>,
          %get3A_529 = vector.shape_cast %get3A_528 : vector<1x16xf32> to vector<16xf32>
          %select_n3A_530 = arith.select %eq3A_519, %while3A_500, %broadcast_in_dim3A_33 : vector<16xf32>
          %add3A_531 = arith.addf %get3A_529, %select_n3A_530 : vector<16xf32>
          %get3A_532 = arith.index_cast %sub3A_518 : i32 to index
          %get3A_533 = arith.constant 32 : index
          %get3A_534 = tpu.vector_load %arg7[%get3A_532, %get3A_533] {strides = array<i32>} : memref<112x256xf32, #tpu.memory_space<vmem>>, vector<1x16xf32>,
          %get3A_535 = vector.shape_cast %get3A_534 : vector<1x16xf32> to vector<16xf32>
          %select_n3A_536 = arith.select %eq3A_519, %while3A_501, %broadcast_in_dim3A_33 : vector<16xf32>
          %add3A_537 = arith.addf %get3A_535, %select_n3A_536 : vector<16xf32>
          %get3A_538 = arith.index_cast %sub3A_518 : i32 to index
          %get3A_539 = arith.constant 48 : index
          %get3A_540 = tpu.vector_load %arg7[%get3A_538, %get3A_539] {strides = array<i32>} : memref<112x256xf32, #tpu.memory_space<vmem>>, vector<1x16xf32>,
          %get3A_541 = vector.shape_cast %get3A_540 : vector<1x16xf32> to vector<16xf32>
          %select_n3A_542 = arith.select %eq3A_519, %while3A_502, %broadcast_in_dim3A_33 : vector<16xf32>
          %add3A_543 = arith.addf %get3A_541, %select_n3A_542 : vector<16xf32>
          %get3A_544 = arith.index_cast %sub3A_518 : i32 to index
          %get3A_545 = arith.constant 64 : index
          %get3A_546 = tpu.vector_load %arg7[%get3A_544, %get3A_545] {strides = array<i32>} : memref<112x256xf32, #tpu.memory_space<vmem>>, vector<1x16xf32>,
          %get3A_547 = vector.shape_cast %get3A_546 : vector<1x16xf32> to vector<16xf32>
          %select_n3A_548 = arith.select %eq3A_519, %while3A_503, %broadcast_in_dim3A_33 : vector<16xf32>
          %add3A_549 = arith.addf %get3A_547, %select_n3A_548 : vector<16xf32>
          %get3A_550 = arith.index_cast %sub3A_518 : i32 to index
          %get3A_551 = arith.constant 80 : index
          %get3A_552 = tpu.vector_load %arg7[%get3A_550, %get3A_551] {strides = array<i32>} : memref<112x256xf32, #tpu.memory_space<vmem>>, vector<1x16xf32>,
          %get3A_553 = vector.shape_cast %get3A_552 : vector<1x16xf32> to vector<16xf32>
          %select_n3A_554 = arith.select %eq3A_519, %while3A_504, %broadcast_in_dim3A_33 : vector<16xf32>
          %add3A_555 = arith.addf %get3A_553, %select_n3A_554 : vector<16xf32>
          %get3A_556 = arith.index_cast %sub3A_518 : i32 to index
          %get3A_557 = arith.constant 96 : index
          %get3A_558 = tpu.vector_load %arg7[%get3A_556, %get3A_557] {strides = array<i32>} : memref<112x256xf32, #tpu.memory_space<vmem>>, vector<1x16xf32>,
          %get3A_559 = vector.shape_cast %get3A_558 : vector<1x16xf32> to vector<16xf32>
          %select_n3A_560 = arith.select %eq3A_519, %while3A_505, %broadcast_in_dim3A_33 : vector<16xf32>
          %add3A_561 = arith.addf %get3A_559, %select_n3A_560 : vector<16xf32>
          %get3A_562 = arith.index_cast %sub3A_518 : i32 to index
          %get3A_563 = arith.constant 112 : index
          %get3A_564 = tpu.vector_load %arg7[%get3A_562, %get3A_563] {strides = array<i32>} : memref<112x256xf32, #tpu.memory_space<vmem>>, vector<1x16xf32>,
          %get3A_565 = vector.shape_cast %get3A_564 : vector<1x16xf32> to vector<16xf32>
          %select_n3A_566 = arith.select %eq3A_519, %while3A_506, %broadcast_in_dim3A_33 : vector<16xf32>
          %add3A_567 = arith.addf %get3A_565, %select_n3A_566 : vector<16xf32>
          %get3A_568 = arith.index_cast %sub3A_518 : i32 to index
          %get3A_569 = arith.constant 128 : index
          %get3A_570 = tpu.vector_load %arg7[%get3A_568, %get3A_569] {strides = array<i32>} : memref<112x256xf32, #tpu.memory_space<vmem>>, vector<1x16xf32>,
          %get3A_571 = vector.shape_cast %get3A_570 : vector<1x16xf32> to vector<16xf32>
          %select_n3A_572 = arith.select %eq3A_519, %while3A_507, %broadcast_in_dim3A_33 : vector<16xf32>
          %add3A_573 = arith.addf %get3A_571, %select_n3A_572 : vector<16xf32>
          %get3A_574 = arith.index_cast %sub3A_518 : i32 to index
          %get3A_575 = arith.constant 144 : index
          %get3A_576 = tpu.vector_load %arg7[%get3A_574, %get3A_575] {strides = array<i32>} : memref<112x256xf32, #tpu.memory_space<vmem>>, vector<1x16xf32>,
          %get3A_577 = vector.shape_cast %get3A_576 : vector<1x16xf32> to vector<16xf32>
          %select_n3A_578 = arith.select %eq3A_519, %while3A_508, %broadcast_in_dim3A_33 : vector<16xf32>
          %add3A_579 = arith.addf %get3A_577, %select_n3A_578 : vector<16xf32>
          %get3A_580 = arith.index_cast %sub3A_518 : i32 to index
          %get3A_581 = arith.constant 160 : index
          %get3A_582 = tpu.vector_load %arg7[%get3A_580, %get3A_581] {strides = array<i32>} : memref<112x256xf32, #tpu.memory_space<vmem>>, vector<1x16xf32>,
          %get3A_583 = vector.shape_cast %get3A_582 : vector<1x16xf32> to vector<16xf32>
          %select_n3A_584 = arith.select %eq3A_519, %while3A_509, %broadcast_in_dim3A_33 : vector<16xf32>
          %add3A_585 = arith.addf %get3A_583, %select_n3A_584 : vector<16xf32>
          %get3A_586 = arith.index_cast %sub3A_518 : i32 to index
          %get3A_587 = arith.constant 176 : index
          %get3A_588 = tpu.vector_load %arg7[%get3A_586, %get3A_587] {strides = array<i32>} : memref<112x256xf32, #tpu.memory_space<vmem>>, vector<1x16xf32>,
          %get3A_589 = vector.shape_cast %get3A_588 : vector<1x16xf32> to vector<16xf32>
          %select_n3A_590 = arith.select %eq3A_519, %while3A_510, %broadcast_in_dim3A_33 : vector<16xf32>
          %add3A_591 = arith.addf %get3A_589, %select_n3A_590 : vector<16xf32>
          %get3A_592 = arith.index_cast %sub3A_518 : i32 to index
          %get3A_593 = arith.constant 192 : index
          %get3A_594 = tpu.vector_load %arg7[%get3A_592, %get3A_593] {strides = array<i32>} : memref<112x256xf32, #tpu.memory_space<vmem>>, vector<1x16xf32>,
          %get3A_595 = vector.shape_cast %get3A_594 : vector<1x16xf32> to vector<16xf32>
          %select_n3A_596 = arith.select %eq3A_519, %while3A_511, %broadcast_in_dim3A_33 : vector<16xf32>
          %add3A_597 = arith.addf %get3A_595, %select_n3A_596 : vector<16xf32>
          %get3A_598 = arith.index_cast %sub3A_518 : i32 to index
          %get3A_599 = arith.constant 208 : index
          %get3A_600 = tpu.vector_load %arg7[%get3A_598, %get3A_599] {strides = array<i32>} : memref<112x256xf32, #tpu.memory_space<vmem>>, vector<1x16xf32>,
          %get3A_601 = vector.shape_cast %get3A_600 : vector<1x16xf32> to vector<16xf32>
          %select_n3A_602 = arith.select %eq3A_519, %while3A_512, %broadcast_in_dim3A_33 : vector<16xf32>
          %add3A_603 = arith.addf %get3A_601, %select_n3A_602 : vector<16xf32>
          %get3A_604 = arith.index_cast %sub3A_518 : i32 to index
          %get3A_605 = arith.constant 224 : index
          %get3A_606 = tpu.vector_load %arg7[%get3A_604, %get3A_605] {strides = array<i32>} : memref<112x256xf32, #tpu.memory_space<vmem>>, vector<1x16xf32>,
          %get3A_607 = vector.shape_cast %get3A_606 : vector<1x16xf32> to vector<16xf32>
          %select_n3A_608 = arith.select %eq3A_519, %while3A_513, %broadcast_in_dim3A_33 : vector<16xf32>
          %add3A_609 = arith.addf %get3A_607, %select_n3A_608 : vector<16xf32>
          %get3A_610 = arith.index_cast %sub3A_518 : i32 to index
          %get3A_611 = arith.constant 240 : index
          %get3A_612 = tpu.vector_load %arg7[%get3A_610, %get3A_611] {strides = array<i32>} : memref<112x256xf32, #tpu.memory_space<vmem>>, vector<1x16xf32>,
          %get3A_613 = vector.shape_cast %get3A_612 : vector<1x16xf32> to vector<16xf32>
          %select_n3A_614 = arith.select %eq3A_519, %while3A_514, %broadcast_in_dim3A_33 : vector<16xf32>
          %add3A_615 = arith.addf %get3A_613, %select_n3A_614 : vector<16xf32>
          %sub3A_616 = arith.subi %squeeze3A, %add3A_264 : i32
          %swap3A_617 = arith.index_cast %sub3A_616 : i32 to index
          %swap3A_618 = arith.constant 0 : index
          %swap3A_619 = tpu.vector_load %arg9[%swap3A_617, %swap3A_618] {strides = array<i32>} : memref<128x256xf32, #tpu.memory_space<vmem>>, vector<1x16xf32>,
          %swap3A_620 = vector.shape_cast %swap3A_619 : vector<1x16xf32> to vector<16xf32>
          %swap3A_621 = vector.shape_cast %add3A_525 : vector<16xf32> to vector<1x16xf32>
          tpu.vector_store %arg9[%swap3A_617, %swap3A_618], %swap3A_621 {strides = array<i32>} : memref<128x256xf32, #tpu.memory_space<vmem>>, vector<1x16xf32>,
          %swap3A_622 = arith.index_cast %sub3A_616 : i32 to index
          %swap3A_623 = arith.constant 16 : index
          %swap3A_624 = tpu.vector_load %arg9[%swap3A_622, %swap3A_623] {strides = array<i32>} : memref<128x256xf32, #tpu.memory_space<vmem>>, vector<1x16xf32>,
          %swap3A_625 = vector.shape_cast %swap3A_624 : vector<1x16xf32> to vector<16xf32>
          %swap3A_626 = vector.shape_cast %add3A_531 : vector<16xf32> to vector<1x16xf32>
          tpu.vector_store %arg9[%swap3A_622, %swap3A_623], %swap3A_626 {strides = array<i32>} : memref<128x256xf32, #tpu.memory_space<vmem>>, vector<1x16xf32>,
          %swap3A_627 = arith.index_cast %sub3A_616 : i32 to index
          %swap3A_628 = arith.constant 32 : index
          %swap3A_629 = tpu.vector_load %arg9[%swap3A_627, %swap3A_628] {strides = array<i32>} : memref<128x256xf32, #tpu.memory_space<vmem>>, vector<1x16xf32>,
          %swap3A_630 = vector.shape_cast %swap3A_629 : vector<1x16xf32> to vector<16xf32>
          %swap3A_631 = vector.shape_cast %add3A_537 : vector<16xf32> to vector<1x16xf32>
          tpu.vector_store %arg9[%swap3A_627, %swap3A_628], %swap3A_631 {strides = array<i32>} : memref<128x256xf32, #tpu.memory_space<vmem>>, vector<1x16xf32>,
          %swap3A_632 = arith.index_cast %sub3A_616 : i32 to index
          %swap3A_633 = arith.constant 48 : index
          %swap3A_634 = tpu.vector_load %arg9[%swap3A_632, %swap3A_633] {strides = array<i32>} : memref<128x256xf32, #tpu.memory_space<vmem>>, vector<1x16xf32>,
          %swap3A_635 = vector.shape_cast %swap3A_634 : vector<1x16xf32> to vector<16xf32>
          %swap3A_636 = vector.shape_cast %add3A_543 : vector<16xf32> to vector<1x16xf32>
          tpu.vector_store %arg9[%swap3A_632, %swap3A_633], %swap3A_636 {strides = array<i32>} : memref<128x256xf32, #tpu.memory_space<vmem>>, vector<1x16xf32>,
          %swap3A_637 = arith.index_cast %sub3A_616 : i32 to index
          %swap3A_638 = arith.constant 64 : index
          %swap3A_639 = tpu.vector_load %arg9[%swap3A_637, %swap3A_638] {strides = array<i32>} : memref<128x256xf32, #tpu.memory_space<vmem>>, vector<1x16xf32>,
          %swap3A_640 = vector.shape_cast %swap3A_639 : vector<1x16xf32> to vector<16xf32>
          %swap3A_641 = vector.shape_cast %add3A_549 : vector<16xf32> to vector<1x16xf32>
          tpu.vector_store %arg9[%swap3A_637, %swap3A_638], %swap3A_641 {strides = array<i32>} : memref<128x256xf32, #tpu.memory_space<vmem>>, vector<1x16xf32>,
          %swap3A_642 = arith.index_cast %sub3A_616 : i32 to index
          %swap3A_643 = arith.constant 80 : index
          %swap3A_644 = tpu.vector_load %arg9[%swap3A_642, %swap3A_643] {strides = array<i32>} : memref<128x256xf32, #tpu.memory_space<vmem>>, vector<1x16xf32>,
          %swap3A_645 = vector.shape_cast %swap3A_644 : vector<1x16xf32> to vector<16xf32>
          %swap3A_646 = vector.shape_cast %add3A_555 : vector<16xf32> to vector<1x16xf32>
          tpu.vector_store %arg9[%swap3A_642, %swap3A_643], %swap3A_646 {strides = array<i32>} : memref<128x256xf32, #tpu.memory_space<vmem>>, vector<1x16xf32>,
          %swap3A_647 = arith.index_cast %sub3A_616 : i32 to index
          %swap3A_648 = arith.constant 96 : index
          %swap3A_649 = tpu.vector_load %arg9[%swap3A_647, %swap3A_648] {strides = array<i32>} : memref<128x256xf32, #tpu.memory_space<vmem>>, vector<1x16xf32>,
          %swap3A_650 = vector.shape_cast %swap3A_649 : vector<1x16xf32> to vector<16xf32>
          %swap3A_651 = vector.shape_cast %add3A_561 : vector<16xf32> to vector<1x16xf32>
          tpu.vector_store %arg9[%swap3A_647, %swap3A_648], %swap3A_651 {strides = array<i32>} : memref<128x256xf32, #tpu.memory_space<vmem>>, vector<1x16xf32>,
          %swap3A_652 = arith.index_cast %sub3A_616 : i32 to index
          %swap3A_653 = arith.constant 112 : index
          %swap3A_654 = tpu.vector_load %arg9[%swap3A_652, %swap3A_653] {strides = array<i32>} : memref<128x256xf32, #tpu.memory_space<vmem>>, vector<1x16xf32>,
          %swap3A_655 = vector.shape_cast %swap3A_654 : vector<1x16xf32> to vector<16xf32>
          %swap3A_656 = vector.shape_cast %add3A_567 : vector<16xf32> to vector<1x16xf32>
          tpu.vector_store %arg9[%swap3A_652, %swap3A_653], %swap3A_656 {strides = array<i32>} : memref<128x256xf32, #tpu.memory_space<vmem>>, vector<1x16xf32>,
          %swap3A_657 = arith.index_cast %sub3A_616 : i32 to index
          %swap3A_658 = arith.constant 128 : index
          %swap3A_659 = tpu.vector_load %arg9[%swap3A_657, %swap3A_658] {strides = array<i32>} : memref<128x256xf32, #tpu.memory_space<vmem>>, vector<1x16xf32>,
          %swap3A_660 = vector.shape_cast %swap3A_659 : vector<1x16xf32> to vector<16xf32>
          %swap3A_661 = vector.shape_cast %add3A_573 : vector<16xf32> to vector<1x16xf32>
          tpu.vector_store %arg9[%swap3A_657, %swap3A_658], %swap3A_661 {strides = array<i32>} : memref<128x256xf32, #tpu.memory_space<vmem>>, vector<1x16xf32>,
          %swap3A_662 = arith.index_cast %sub3A_616 : i32 to index
          %swap3A_663 = arith.constant 144 : index
          %swap3A_664 = tpu.vector_load %arg9[%swap3A_662, %swap3A_663] {strides = array<i32>} : memref<128x256xf32, #tpu.memory_space<vmem>>, vector<1x16xf32>,
          %swap3A_665 = vector.shape_cast %swap3A_664 : vector<1x16xf32> to vector<16xf32>
          %swap3A_666 = vector.shape_cast %add3A_579 : vector<16xf32> to vector<1x16xf32>
          tpu.vector_store %arg9[%swap3A_662, %swap3A_663], %swap3A_666 {strides = array<i32>} : memref<128x256xf32, #tpu.memory_space<vmem>>, vector<1x16xf32>,
          %swap3A_667 = arith.index_cast %sub3A_616 : i32 to index
          %swap3A_668 = arith.constant 160 : index
          %swap3A_669 = tpu.vector_load %arg9[%swap3A_667, %swap3A_668] {strides = array<i32>} : memref<128x256xf32, #tpu.memory_space<vmem>>, vector<1x16xf32>,
          %swap3A_670 = vector.shape_cast %swap3A_669 : vector<1x16xf32> to vector<16xf32>
          %swap3A_671 = vector.shape_cast %add3A_585 : vector<16xf32> to vector<1x16xf32>
          tpu.vector_store %arg9[%swap3A_667, %swap3A_668], %swap3A_671 {strides = array<i32>} : memref<128x256xf32, #tpu.memory_space<vmem>>, vector<1x16xf32>,
          %swap3A_672 = arith.index_cast %sub3A_616 : i32 to index
          %swap3A_673 = arith.constant 176 : index
          %swap3A_674 = tpu.vector_load %arg9[%swap3A_672, %swap3A_673] {strides = array<i32>} : memref<128x256xf32, #tpu.memory_space<vmem>>, vector<1x16xf32>,
          %swap3A_675 = vector.shape_cast %swap3A_674 : vector<1x16xf32> to vector<16xf32>
          %swap3A_676 = vector.shape_cast %add3A_591 : vector<16xf32> to vector<1x16xf32>
          tpu.vector_store %arg9[%swap3A_672, %swap3A_673], %swap3A_676 {strides = array<i32>} : memref<128x256xf32, #tpu.memory_space<vmem>>, vector<1x16xf32>,
          %swap3A_677 = arith.index_cast %sub3A_616 : i32 to index
          %swap3A_678 = arith.constant 192 : index
          %swap3A_679 = tpu.vector_load %arg9[%swap3A_677, %swap3A_678] {strides = array<i32>} : memref<128x256xf32, #tpu.memory_space<vmem>>, vector<1x16xf32>,
          %swap3A_680 = vector.shape_cast %swap3A_679 : vector<1x16xf32> to vector<16xf32>
          %swap3A_681 = vector.shape_cast %add3A_597 : vector<16xf32> to vector<1x16xf32>
          tpu.vector_store %arg9[%swap3A_677, %swap3A_678], %swap3A_681 {strides = array<i32>} : memref<128x256xf32, #tpu.memory_space<vmem>>, vector<1x16xf32>,
          %swap3A_682 = arith.index_cast %sub3A_616 : i32 to index
          %swap3A_683 = arith.constant 208 : index
          %swap3A_684 = tpu.vector_load %arg9[%swap3A_682, %swap3A_683] {strides = array<i32>} : memref<128x256xf32, #tpu.memory_space<vmem>>, vector<1x16xf32>,
          %swap3A_685 = vector.shape_cast %swap3A_684 : vector<1x16xf32> to vector<16xf32>
          %swap3A_686 = vector.shape_cast %add3A_603 : vector<16xf32> to vector<1x16xf32>
          tpu.vector_store %arg9[%swap3A_682, %swap3A_683], %swap3A_686 {strides = array<i32>} : memref<128x256xf32, #tpu.memory_space<vmem>>, vector<1x16xf32>,
          %swap3A_687 = arith.index_cast %sub3A_616 : i32 to index
          %swap3A_688 = arith.constant 224 : index
          %swap3A_689 = tpu.vector_load %arg9[%swap3A_687, %swap3A_688] {strides = array<i32>} : memref<128x256xf32, #tpu.memory_space<vmem>>, vector<1x16xf32>,
          %swap3A_690 = vector.shape_cast %swap3A_689 : vector<1x16xf32> to vector<16xf32>
          %swap3A_691 = vector.shape_cast %add3A_609 : vector<16xf32> to vector<1x16xf32>
          tpu.vector_store %arg9[%swap3A_687, %swap3A_688], %swap3A_691 {strides = array<i32>} : memref<128x256xf32, #tpu.memory_space<vmem>>, vector<1x16xf32>,
          %swap3A_692 = arith.index_cast %sub3A_616 : i32 to index
          %swap3A_693 = arith.constant 240 : index
          %swap3A_694 = tpu.vector_load %arg9[%swap3A_692, %swap3A_693] {strides = array<i32>} : memref<128x256xf32, #tpu.memory_space<vmem>>, vector<1x16xf32>,
          %swap3A_695 = vector.shape_cast %swap3A_694 : vector<1x16xf32> to vector<16xf32>
          %swap3A_696 = vector.shape_cast %add3A_615 : vector<16xf32> to vector<1x16xf32>
          tpu.vector_store %arg9[%swap3A_692, %swap3A_693], %swap3A_696 {strides = array<i32>} : memref<128x256xf32, #tpu.memory_space<vmem>>, vector<1x16xf32>,
          scf.yield %squeeze3A, %add3A_525, %add3A_531, %add3A_537, %add3A_543, %add3A_549, %add3A_555, %add3A_561, %add3A_567, %add3A_573, %add3A_579, %add3A_585, %add3A_591, %add3A_597, %add3A_603, %add3A_609, %add3A_615 : i32, vector<16xf32>, vector<16xf32>, vector<16xf32>, vector<16xf32>, vector<16xf32>, vector<16xf32>, vector<16xf32>, vector<16xf32>, vector<16xf32>, vector<16xf32>, vector<16xf32>, vector<16xf32>, vector<16xf32>, vector<16xf32>, vector<16xf32>, vector<16xf32>
        }
        scf.yield %select_n3A_485, %while3A_496#0, %while3A_496#1, %while3A_496#2, %while3A_496#3, %while3A_496#4, %while3A_496#5, %while3A_496#6, %while3A_496#7, %while3A_496#8, %while3A_496#9, %while3A_496#10, %while3A_496#11, %while3A_496#12, %while3A_496#13, %while3A_496#14, %while3A_496#15, %while3A_496#16 : i32, i32, vector<16xf32>, vector<16xf32>, vector<16xf32>, vector<16xf32>, vector<16xf32>, vector<16xf32>, vector<16xf32>, vector<16xf32>, vector<16xf32>, vector<16xf32>, vector<16xf32>, vector<16xf32>, vector<16xf32>, vector<16xf32>, vector<16xf32>, vector<16xf32>
      }
      %ge3A_391 = arith.constant 1 : i32
      %ge3A_392 = arith.cmpi sge, %add3A_261, %ge3A_391 : i32
      %convert_element_type3A_393 = arith.extui %ge3A_392 : i1 to i32
      %cond3A_394 = arith.constant 0 : i32
      %cond3A_395 = arith.cmpi ne, %convert_element_type3A_393, %cond3A_394 : i32
      scf.if %cond3A_395 {
        %sub3A_406 = arith.constant 1 : i32
        %sub3A_407 = arith.subi %add3A_261, %sub3A_406 : i32
        %mul3A_408 = arith.constant 128 : i32
        %mul3A_409 = arith.muli %sub3A_407, %mul3A_408 : i32
        %add3A_410 = arith.addi %mul3A_32, %mul3A_409 : i32
        %multiple_of3A_411 = tpu.assume_multiple %add3A_410, 128 : i32
        %dma_wait3A_412 = arith.constant 0 : i32
        %dma_wait3A_413 = tpu.memref_slice %arg4[%select_n3A, %multiple_of3A_411, %dma_wait3A_412] : memref<16x4096x256xf32, #tpu.memory_space<hbm>> -> memref<1x128x256xf32, #tpu.memory_space<hbm>>
        %dma_wait3A_414 = tpu.memref_squeeze %dma_wait3A_413 : memref<1x128x256xf32, #tpu.memory_space<hbm>> -> memref<128x256xf32, #tpu.memory_space<hbm>>
        %dma_wait3A_415 = arith.constant 0 : i32
        %dma_wait3A_416 = tpu.memref_slice %arg4[%select_n3A, %multiple_of3A_411, %dma_wait3A_415] : memref<16x4096x256xf32, #tpu.memory_space<hbm>> -> memref<1x128x256xf32, #tpu.memory_space<hbm>>
        %dma_wait3A_417 = tpu.memref_squeeze %dma_wait3A_416 : memref<1x128x256xf32, #tpu.memory_space<hbm>> -> memref<128x256xf32, #tpu.memory_space<hbm>>
        tpu.wait_dma2 semaphore(%arg13 : memref<!tpu.dma_semaphore, #tpu.memory_space<semaphore_mem>>) src(%arg8 : memref<128x256xf32, #tpu.memory_space<vmem>>) dst(%dma_wait3A_417 : memref<128x256xf32, #tpu.memory_space<hbm>>)
      } else {
      }
      tpu.enqueue_dma source(%arg10 : memref<128x256xf32, #tpu.memory_space<vmem_shared>>) target(%arg8 : memref<128x256xf32, #tpu.memory_space<vmem>>) target_semaphore(%arg15 : memref<!tpu.dma_semaphore, #tpu.memory_space<semaphore_mem>>)
      %mul3A_396 = arith.constant 128 : i32
      %mul3A_397 = arith.muli %add3A_261, %mul3A_396 : i32
      %add3A_398 = arith.addi %mul3A_32, %mul3A_397 : i32
      %multiple_of3A_399 = tpu.assume_multiple %add3A_398, 128 : i32
      %dma_start3A_400 = arith.constant 0 : i32
      %dma_start3A_401 = tpu.memref_slice %arg4[%select_n3A, %multiple_of3A_399, %dma_start3A_400] : memref<16x4096x256xf32, #tpu.memory_space<hbm>> -> memref<1x128x256xf32, #tpu.memory_space<hbm>>
      %dma_start3A_402 = tpu.memref_squeeze %dma_start3A_401 : memref<1x128x256xf32, #tpu.memory_space<hbm>> -> memref<128x256xf32, #tpu.memory_space<hbm>>
      %dma_start3A_403 = arith.constant 0 : i32
      %dma_start3A_404 = tpu.memref_slice %arg4[%select_n3A, %multiple_of3A_399, %dma_start3A_403] : memref<16x4096x256xf32, #tpu.memory_space<hbm>> -> memref<1x128x256xf32, #tpu.memory_space<hbm>>
      %dma_start3A_405 = tpu.memref_squeeze %dma_start3A_404 : memref<1x128x256xf32, #tpu.memory_space<hbm>> -> memref<128x256xf32, #tpu.memory_space<hbm>>
      tpu.enqueue_dma source(%arg9 : memref<128x256xf32, #tpu.memory_space<vmem>>) target(%dma_start3A_405 : memref<128x256xf32, #tpu.memory_space<hbm>>) target_semaphore(%arg14 : memref<!tpu.dma_semaphore, #tpu.memory_space<semaphore_mem>>)
      scf.yield %scan3A_273#0, %while3A_390#0 : i32, i32
    }
    %scan3A_102 = arith.constant 8 : i32
    tpu.wait_dma2 semaphore(%arg15 : memref<!tpu.dma_semaphore, #tpu.memory_space<semaphore_mem>>) src(%arg10 : memref<128x256xf32, #tpu.memory_space<vmem_shared>>) dst(%arg8 : memref<128x256xf32, #tpu.memory_space<vmem>>)
    %add3A_103 = arith.constant 1920 : i32
    %add3A_104 = arith.addi %mul3A_32, %add3A_103 : i32
    %multiple_of3A = tpu.assume_multiple %add3A_104, 128 : i32
    %dma_wait3A = arith.constant 0 : i32
    %dma_wait3A_105 = tpu.memref_slice %arg4[%select_n3A, %multiple_of3A, %dma_wait3A] : memref<16x4096x256xf32, #tpu.memory_space<hbm>> -> memref<1x128x256xf32, #tpu.memory_space<hbm>>
    %dma_wait3A_106 = tpu.memref_squeeze %dma_wait3A_105 : memref<1x128x256xf32, #tpu.memory_space<hbm>> -> memref<128x256xf32, #tpu.memory_space<hbm>>
    %dma_wait3A_107 = arith.constant 0 : i32
    %dma_wait3A_108 = tpu.memref_slice %arg4[%select_n3A, %multiple_of3A, %dma_wait3A_107] : memref<16x4096x256xf32, #tpu.memory_space<hbm>> -> memref<1x128x256xf32, #tpu.memory_space<hbm>>
    %dma_wait3A_109 = tpu.memref_squeeze %dma_wait3A_108 : memref<1x128x256xf32, #tpu.memory_space<hbm>> -> memref<128x256xf32, #tpu.memory_space<hbm>>
    tpu.wait_dma2 semaphore(%arg14 : memref<!tpu.dma_semaphore, #tpu.memory_space<semaphore_mem>>) src(%arg9 : memref<128x256xf32, #tpu.memory_space<vmem>>) dst(%dma_wait3A_109 : memref<128x256xf32, #tpu.memory_space<hbm>>)
    return
  }
}

</mosaic_0001>

<sc_bundles>
// kernel: kernel.3.cloned.1.call-start
scs
__scs_entry_jumppad:
0x0: {  	(pc) =	sbr.rel $0x88, $3  }
0x1: {  	(tag) =	ssettag $0x0;
	lr =	simm.s32 $0x1  }
0x2: {  	[smem:$0x3F9F] =	sst lr;
	_ =	strace $0xD0000000  }
0x3: {  	_ = 	snop  }
0x4: {  	_ = 	snop  }
0x5: {  	_ = 	snop  }
0x6: {  	_ = 	snop  }
0x7: {  	_ = 	snop  }
__scs_overlays_trampoline_lowered:
0x8: {  	[smem:$0x3FAE] =	sst s0  }
0x9: {  	[smem:$0x3FAF] =	sst s1  }
0xa: {  	[smem:$0x3FB0] =	sst s2  }
0xb: {  	[smem:$0x3FB1] =	sst s3  }
0xc: {  	[smem:$0x3FB2] =	sst s4  }
0xd: {  	[smem:$0x3FB3] =	sst s5  }
0xe: {  	[smem:$0x3FB4] =	sst s6  }
0xf: {  	[smem:$0x3FB5] =	sst s7  }
0x10: {  	[smem:$0x3FB6] =	sst s8  }
0x11: {  	[smem:$0x3FB7] =	sst s9;
	s0 =	simm.s32 @!p0 $0x0  }
0x12: {  	s1 =	sld [smem:$0x3F9D];
	s0 =	simm.s32 @p0 $0x1  }
0x13: {  	[smem:$0x3FB8] =	sst s0;
	s0 =	simm.s32 @!p1 $0x0  }
0x14: {  	s2 =	sld [smem:$0x3F9C];
	s0 =	simm.s32 @p1 $0x1  }
0x15: {  	[smem:$0x3FB9] =	sst s0;
	s0 =	simm.s32 @!p2 $0x0  }
0x16: {  	s3 =	sld [smem:$0x3FDB];
	s0 =	simm.s32 @p2 $0x1  }
0x17: {  	s4 =	simm.s32 $0x1BF5;
	[smem:$0x3FBB] =	sst s0  }
0x18: {  	s0 =	sld [smem:$0x3F9E];
	_ =	swait.ge [sflag:s4], $0x0  }
0x19: {  	s7 =	sld [smem:$0x3F9F]  }
0x1a: {  	s8 =	sadd.s32 $0xFFFFE003, lr  }
0x1b: {  	s9 =	sadd.s32 $0xFFFFFEF7, lr;
	s5 =	simm.s32 $0xFFFFFFFF;
	p2 =	slt.u32 s8, $0xFFFFF086  }
0x1c: {  	p1 =	slt.u32 s9, $0xF7A;
	s5 =	simm.s32 @!p2 $0x0  }
0x1d: {  	s5 =	simm.s32 @p1 $0x1;
	p0 =	seq.s32 s7, s2  }
0x1e: {  	s7 =	smul.u32 @!p0 $0xF7A, s2;
	p2 =	seq.s32 @!p0 s5, $0x0  }
0x1f: {  	s9 =	smul.u32 $0xF7A, s1;
	s8 =	simm.s32 @!p0 $0x1BF5;
	p2 =	por !p2, p0  }
0x20: {  	[sflag:s8] =	ssyncset.s32 @!p0 $0xFFFFF086;
	s6 =	sadd.s32 @!p0 s3, s7;
	s7 =	simm.s32 @!p0 $0x108  }
0x21: {  	s3 =	sadd.s32 s3, s9;
	s6 =	sadd.s32 @!p0 $0x88, s6;
	s7 =	simm.s32 @p2 $0x1082  }
0x22: {  	[simem:s7], [sflag:s8] =	dma.local @!p0 [hbm:s6], $0xF7A  }
0x23: {  	s9 =	sor.u32 $0xD0000000, s2;
	s6 =	simm.s32 $0x108;
	_ =	swait.ge @!p0 [sflag:s8], $0x0  }
0x24: {  	s3 =	sadd.s32 $0x88, s3;
	s6 =	simm.s32 @!p1 $0x1082;
	[sflag:s4] =	ssyncset.s32 $0xFFFFF086  }
0x25: {  	[simem:s6], [sflag:s4] =	dma.local [hbm:s3], $0xF7A  }
0x26: {  	[smem:$0x3F9F] =	sst s1;
	(tag) =	ssettag s2;
	_ =	strace s9  }
0x27: {  	s1 =	sld [smem:$0x3FAF]  }
0x28: {  	s2 =	sld [smem:$0x3FB0]  }
0x29: {  	s4 =	sld [smem:$0x3FB2]  }
0x2a: {  	p0 =	seq.s32 s5, $0x0;
	s5 =	sld [smem:$0x3FB3]  }
0x2b: {  	s6 =	sld [smem:$0x3FB4]  }
0x2c: {  	s7 =	sld [smem:$0x3FB5]  }
0x2d: {  	s3 =	simm.s32 $0x108;
	s8 =	sld [smem:$0x3FB6]  }
0x2e: {  	s3 =	simm.s32 @!p0 $0x1082;
	s9 =	sld [smem:$0x3FB7]  }
0x2f: {  	lr =	sadd.s32 s0, s3;
	s0 =	sld [smem:$0x3FAE]  }
0x30: {  	s3 =	sld [smem:$0x3FB1]  }
0x31: {  	[smem:$0x3FBA] =	sst s10  }
0x32: {  	s10 =	sld [smem:$0x3FB8];
	_ =	sdelay $0x3  }
0x33: {  	p0 =	seq.s32 s10, $0x1;
	s10 =	sld [smem:$0x3FBA];
	_ =	sdelay $0x3  }
0x34: {  	[smem:$0x3FBA] =	sst s10  }
0x35: {  	s10 =	sld [smem:$0x3FB9];
	_ =	sdelay $0x3  }
0x36: {  	p1 =	seq.s32 s10, $0x1;
	s10 =	sld [smem:$0x3FBA];
	_ =	sdelay $0x3  }
0x37: {  	[smem:$0x3FBA] =	sst s10  }
0x38: {  	s10 =	sld [smem:$0x3FBB]  }
0x39: {  	_ = 	snop;
	(pc) =	sbr.ind lr, $3  }
0x3a: {  	_ = 	snop  }
0x3b: {  	_ = 	snop  }
0x3c: {  	p2 =	seq.s32 s10, $0x1;
	s10 =	sld [smem:$0x3FBA]  }
0x3d: {  	_ =	shalt  }
0x3e: {  	_ =	shalt  }
0x3f: {  	_ =	shalt  }
0x40: {  	_ =	shalt  }
0x41: {  	_ =	shalt  }
0x42: {  	_ =	shalt  }
0x43: {  	_ =	shalt  }
0x44: {  	_ =	shalt  }
0x45: {  	_ =	shalt  }
0x46: {  	_ =	shalt  }
0x47: {  	_ =	shalt  }
0x48: {  	_ =	shalt  }
0x49: {  	_ =	shalt  }
0x4a: {  	_ =	shalt  }
0x4b: {  	_ =	shalt  }
0x4c: {  	_ =	shalt  }
0x4d: {  	_ =	shalt  }
0x4e: {  	_ =	shalt  }
0x4f: {  	_ =	shalt  }
0x50: {  	_ =	shalt  }
0x51: {  	_ =	shalt  }
0x52: {  	_ =	shalt  }
0x53: {  	_ =	shalt  }
0x54: {  	_ =	shalt  }
0x55: {  	_ =	shalt  }
0x56: {  	_ =	shalt  }
0x57: {  	_ =	shalt  }
0x58: {  	_ =	shalt  }
0x59: {  	_ =	shalt  }
0x5a: {  	_ =	shalt  }
0x5b: {  	_ =	shalt  }
0x5c: {  	_ =	shalt  }
0x5d: {  	_ =	shalt  }
0x5e: {  	_ =	shalt  }
0x5f: {  	_ =	shalt  }
0x60: {  	_ =	shalt  }
0x61: {  	_ =	shalt  }
0x62: {  	_ =	shalt  }
0x63: {  	_ =	shalt  }
0x64: {  	_ =	shalt  }
0x65: {  	_ =	shalt  }
0x66: {  	_ =	shalt  }
0x67: {  	_ =	shalt  }
0x68: {  	_ =	shalt  }
0x69: {  	_ =	shalt  }
0x6a: {  	_ =	shalt  }
0x6b: {  	_ =	shalt  }
0x6c: {  	_ =	shalt  }
0x6d: {  	_ =	shalt  }
0x6e: {  	_ =	shalt  }
0x6f: {  	_ =	shalt  }
0x70: {  	_ =	shalt  }
0x71: {  	_ =	shalt  }
0x72: {  	_ =	shalt  }
0x73: {  	_ =	shalt  }
0x74: {  	_ =	shalt  }
0x75: {  	_ =	shalt  }
0x76: {  	_ =	shalt  }
0x77: {  	_ =	shalt  }
0x78: {  	_ =	shalt  }
0x79: {  	_ =	shalt  }
0x7a: {  	_ =	shalt  }
0x7b: {  	_ =	shalt  }
0x7c: {  	_ =	shalt  }
0x7d: {  	_ =	shalt  }
0x7e: {  	_ =	shalt  }
0x7f: {  	_ =	shalt  }
0x80: {  	_ =	shalt  }
0x81: {  	_ =	shalt  }
0x82: {  	_ =	shalt  }
0x83: {  	_ =	shalt  }
0x84: {  	_ =	shalt  }
0x85: {  	_ =	shalt  }
0x86: {  	_ =	shalt  }
0x87: {  	_ =	shalt  }
.Lfunc_end0:
.L_simem_size_0:
called_computation_lowered:
.L_overlay_start_0:
0x88: {  	s2 =	sld [smem:$0x3FD9]  }
0x89: {  	s3 =	sld [smem:$0x3FFE];
	_ =	sdelay $0x1  }
0x8a: {  	s1 =	srdreg.scid  }
0x8b: {  	s0 =	sand.u32 $0x1, s1  }
0x8c: {  	s17 =	sshll.u32 s0, $0xA;
	s2 =	sadd.s32 s3, s2  }
0x8d: {  	s2 =	sadd.s32 s2, s17  }
0x8e: {  	[smem:$0x3FC6] =	sst s2  }
0x8f: {  	_ = 	snop  }
0x90: {  	s2 =	sld [smem:$0x3FC9]  }
0x91: {  	s18 =	sld [smem:$0x3FD0];
	(tm) =	ssettm $0x1  }
0x92: {  	s4 =	sld [smem:$0x3FFB];
	_ =	sdelay $0x3  }
0x93: {  	_ =	strace s4  }
0x94: {  	s4 =	sld [smem:$0x3FFC];
	_ =	sdelay $0x3  }
0x95: {  	_ =	strace s4  }
0x96: {  	s4 =	sld [smem:$0x3FFD];
	_ =	sdelay $0x3  }
0x97: {  	_ =	strace s4  }
0x98: {  	_ =	strace $0x8FFFFFFF  }
0x99: {  	s19 =	sld [smem:$0x3FDB];
	_ =	sdelay $0x1  }
0x9a: {  	s5 =	simm.s32 $_scs_section_size  }
0x9b: {  	s6 =	simm.s32 $_size__tile_overlayer_lowered;
	s7 =	simm.s32 $_tile_overlayer_lowered  }
0x9c: {  	s22 =	simm.s32 $0x1BFF;
	s21 =	sshll.u32 s7, $0x1;
	s4 =	sadd.s32 s5, s19  }
0x9d: {  	s8 =	simm.s32 $0x0;
	s20 =	sshll.u32 s6, $0x1;
	s6 =	sadd.s32 s21, s4  }
0x9e: {  	[timem:s8], [sflag:s22] =	dma.local [hbm:s6], s20  }
0x9f: {  	_ =	swait.ge [sflag:s22], s20  }
0xa0: {  	s5 =	ssub.s32 $0x0, s20;
	[sflag:s22] =	ssyncset.done $0x0  }
0xa1: {  	[sflag:s22] =	ssyncadd.s32 s5;
	_ =	sdelay $0x1  }
0xa2: {  	s23 =	simm.s32 $0x1B8B  }
0xa3: {  	_ =	swait.ge [sflag:s23], $0x1  }
0xa4: {  	[sflag:s23] =	ssyncset.done $0x0  }
0xa5: {  	s25 =	simm.s32 $0x1B8E;
	s24 =	sld [smem:$0x3FFE];
	[sflag:s23] =	ssyncadd.s32 $0xFFFFFFFF  }
0xa6: {  	s26 =	simm.s32 $execute0_lowered;
	[smem:$0x3FD2] =	sst s25  }
0xa7: {  	s6 =	sshll.u32 s26, $0x1;
	_ =	strace $0x80000046;
	[dreg:$0x1] =	wrdreg $0xFFFFFFFF  }
0xa8: {  	s28 =	simm.s32 $_size_execute0_lowered;
	s4 =	sadd.s32 s4, s6;
	[dreg:$0x0] =	wrdreg $0x0  }
0xa9: {  	s6 =	sshll.u32 s28, $0x1;
	[dreg:$0x2] =	wrdreg s4  }
0xaa: {  	[dreg:$0x3] =	wrdreg s6  }
0xab: {  	[dreg:$0x4] =	wrdreg $0xC0  }
0xac: {  	_ =	task [dreg:s8], $0x5FFFF  }
0xad: {  	[dreg:$0x1] =	wrdreg $0xFFFFFFFF  }
0xae: {  	[dreg:$0x0] =	wrdreg $0x60  }
0xaf: {  	[dreg:$0x2] =	wrdreg s2  }
0xb0: {  	[dreg:$0x3] =	wrdreg s24  }
0xb1: {  	[dreg:$0x4] =	wrdreg s18  }
0xb2: {  	[dreg:$0x5] =	wrdreg $0x1F0800  }
0xb3: {  	[dreg:$0x6] =	wrdreg $0x9  }
0xb4: {  	_ =	task.clear_ibuf [dreg:s8], $0x7FFFF;
	_ =	strace $0x90000046  }
0xb5: {  	s29 =	simm.s32 $0x9;
	_ =	strace $0x80000048  }
0xb6: {  	_ =	swait.ge [sflag:s29], $0x1  }
0xb7: {  	[sflag:s29] =	ssyncadd.s32 $0xFFFFFFFF  }
0xb8: {  	_ =	strace $0x90000048  }
0xb9: {  	_ =	sfence  }
0xba: {  	s30 =	sld [smem:$0x0];
	_ =	sdelay $0x2  }
0xbb: {  	s31 =	sshll.u32 s1, $0xD;
	s1 =	sshrl.u32 s1, $0x2  }
0xbc: {  	s3 =	sand.u32 $0x4000, s31;
	s1 =	sadd.s32 s1, s30  }
0xbd: {  	s0 =	sor.u32 s3, s0;
	s1 =	sshll.u32 s1, $0x11  }
0xbe: {  	s0 =	sor.u32 s1, s0  }
0xbf: {  	s0 =	sadd.s32 $0x8F2B, s0  }
0xc0: {  	[sflag:s0] =	ssyncadd.remote.s32 $0x1  }
0xc1: {  	_ =	sfence.sel $0xFFFF  }
0xc2: {  	[dreg:$0x0] =	wrdreg $0xFFFFFFFF;
	(pc) =	sbr.abs _section_cstart, $3  }
0xc3: {  	[dreg:$0x1] =	wrdreg $0xFFFFFFFF  }
0xc4: {  	_ =	task.clear_ibuf [dreg:s8], $0x2FFFF;
	_ =	strace $0x9FFFFFFF  }
0xc5: {  	(tm) =	ssettm $0x7FFFFFFF  }
tec
execute0_lowered:
.L_overlay_start_1:
0x0: {  	(tag) =	ssettag $0x1  }
0x1: {  	s0 =	srdreg.scid  }
0x2: {  	s1 =	stileid.u32;
	s2 =	sand.u32 $0x1, s0  }
0x3: {  	s26 =	rddreg [dreg:$0x1];
	s3 =	sor.u32 s2, s1  }
0x4: {  	s4 =	simm.s32 $0x1;
	p1 =	seq.s32 s2, $0x1;
	p0 =	seq.s32 s3, $0x0  }
0x5: {  	s5 =	simm.s32 $0x0;
	s23 =	simm.s32 $0x5;
	p0 =	por !p0, !p1  }
0x6: {  	s14 =	simm.s32 $0x2;
	s0 =	rddreg [dreg:$0x0];
	p0 =	por !p0, !p0  }
0x7: {  	[smem:$0x7FF] =	sst s5;
	s7 =	ssub.s32 $0x2, s2;
	s4 =	simm.s32 @!p0 $0x0  }
0x8: {  	s5 =	simm.s32 $0x1;
	s29 =	sshrl.u32 s7, $0x1;
	s4 =	ssub.s32 s1, s4  }
.Ltmp0:
0x9: {  	s7 =	ssub.s32 s7, s29;
	s28 =	sshll.u32 s4, $0x9;
	(pc) =	sbr.rel .LBB2_1-.Ltmp0, $4  }
0xa: {  	_ =	strace $0x80000047;
	s31 =	smax.u32 s7, $0x1;
	s6 =	sand.u32 $0x1FFFFE00, s28  }
0xb: {  	[dreg:$0x6] =	wrdreg s31;
	p0 =	sne.s32 s1, $0x0;
	s3 =	sadd.s32 s6, s26  }
0xc: {  	s9 =	sshll.u32 s4, $0x14;
	s6 =	sshll.u32 s2, $0xB;
	s30 =	sadd.s32 $0x400, s3  }
0xd: {  	v0 =	vimm.f32 $0.0e+00;
	v1 =	vimm.s32 $0x1000;
	s8 =	sadd.s32 $0x800, s6;
	s3 =	simm.s32 $0x0;
	[dreg:$0x5] =	wrdreg s30  }
.LBB2_45:
0xe: {  	_ =	swait.ge [sflag:s23], $0x8000  }
0xf: {  	[sflag:s23] =	ssyncset.done $0x0  }
0x10: {  	s2 =	simm.s32 $0x4;
	[sflag:s23] =	ssyncadd.s32 $0xFFFF8000  }
0x11: {  	_ =	swait.ge [sflag:s2], $0x8000  }
0x12: {  	s3 =	rddreg [dreg:$0x7]  }
0x13: {  	s1 =	rddreg [dreg:$0x6];
	s3 =	sadd.s32 $0x1, s3  }
0x14: {  	p1 =	sne.s32 s3, s1  }
.Ltmp1:
0x15: {  	_ = 	snop;
	(pc) =	sbr.rel @!p1 .LBB2_46-.Ltmp1, $3  }
0x16: {  	_ =	sdelay $0x1  }
0x17: {  	[sflag:s2] =	ssyncset.done $0x0  }
0x18: {  	[sflag:s2] =	ssyncadd.s32 $0xFFFF8000  }
.LBB2_1:
.Ltmp2:
0x19: {  	(pc) =	sbr.rel @p0 .LBB2_5-.Ltmp2, $2  }
0x1a: {  	_ =	sdelay $0x2  }
0x1b: {  	[dreg:$0x7] =	wrdreg s3  }
0x1c: {  	s4 =	simm.s32 $0x0  }
0x1d: {  	s1 =	sand.u32 $0x7800, s4;
	s2 =	sand.u32 $0x380, s4  }
0x1e: {  	s1 =	sor.u32 s2, s1  }
0x1f: {  	[tilespmem:s1+$0xF4F0] =	vst v0  }
0x20: {  	[tilespmem:s1+$0xF080] =	vst v0  }
0x21: {  	[tilespmem:s1+$0xF090] =	vst v0  }
0x22: {  	[tilespmem:s1+$0xF0A0] =	vst v0  }
0x23: {  	[tilespmem:s1+$0xF0B0] =	vst v0  }
0x24: {  	[tilespmem:s1+$0xF0C0] =	vst v0  }
0x25: {  	[tilespmem:s1+$0xF0D0] =	vst v0  }
0x26: {  	[tilespmem:s1+$0xF0E0] =	vst v0  }
0x27: {  	[tilespmem:s1+$0xF0F0] =	vst v0  }
0x28: {  	[tilespmem:s1+$0xF480] =	vst v0  }
0x29: {  	[tilespmem:s1+$0xF490] =	vst v0  }
0x2a: {  	[tilespmem:s1+$0xF4A0] =	vst v0  }
0x2b: {  	[tilespmem:s1+$0xF4B0] =	vst v0  }
0x2c: {  	s3 =	sadd.s32 $0x100, s4;
	s2 =	sadd.s32 $0x80, s4;
	[tilespmem:s1+$0xF4C0] =	vst v0  }
0x2d: {  	s4 =	sand.u32 $0x7800, s3;
	s3 =	sadd.s32 $0x100, s3;
	s7 =	sand.u32 $0x380, s2;
	[tilespmem:s1+$0xF4D0] =	vst v0  }
.LBB2_3:
0x2e: {  	p1 =	sne.s32 s3, $0x7F00;
	[tilespmem:s1+$0xF4E0] =	vst v0;
	s1 =	sor.u32 s7, s4  }
0x2f: {  	[tilespmem:s1+$0xF4F0] =	vst v0  }
0x30: {  	[tilespmem:s1+$0xF080] =	vst v0  }
0x31: {  	[tilespmem:s1+$0xF090] =	vst v0  }
0x32: {  	[tilespmem:s1+$0xF0A0] =	vst v0  }
0x33: {  	[tilespmem:s1+$0xF0B0] =	vst v0  }
0x34: {  	[tilespmem:s1+$0xF0C0] =	vst v0  }
0x35: {  	[tilespmem:s1+$0xF0D0] =	vst v0  }
0x36: {  	[tilespmem:s1+$0xF0E0] =	vst v0  }
0x37: {  	[tilespmem:s1+$0xF0F0] =	vst v0  }
0x38: {  	[tilespmem:s1+$0xF480] =	vst v0  }
.Ltmp3:
0x39: {  	[tilespmem:s1+$0xF490] =	vst v0;
	(pc) =	sbr.rel @p1 .LBB2_3-.Ltmp3, $4  }
0x3a: {  	[tilespmem:s1+$0xF4A0] =	vst v0  }
0x3b: {  	[tilespmem:s1+$0xF4B0] =	vst v0  }
0x3c: {  	s2 =	sadd.s32 $0x80, s2;
	[tilespmem:s1+$0xF4C0] =	vst v0  }
0x3d: {  	s4 =	sand.u32 $0x7800, s3;
	s3 =	sadd.s32 $0x100, s3;
	s7 =	sand.u32 $0x380, s2;
	[tilespmem:s1+$0xF4D0] =	vst v0  }
0x3e: {  	s2 =	sor.u32 s7, s4;
	[tilespmem:s1+$0xF4E0] =	vst v0  }
0x3f: {  	[tilespmem:s2+$0xF4F0] =	vst v0  }
0x40: {  	[tilespmem:s2+$0xF080] =	vst v0  }
0x41: {  	[tilespmem:s2+$0xF090] =	vst v0  }
0x42: {  	[tilespmem:s2+$0xF0A0] =	vst v0  }
0x43: {  	[tilespmem:s2+$0xF0B0] =	vst v0  }
0x44: {  	[tilespmem:s2+$0xF0C0] =	vst v0  }
0x45: {  	[tilespmem:s2+$0xF0D0] =	vst v0  }
0x46: {  	[tilespmem:s2+$0xF0E0] =	vst v0  }
0x47: {  	[tilespmem:s2+$0xF0F0] =	vst v0  }
0x48: {  	[tilespmem:s2+$0xF480] =	vst v0  }
0x49: {  	[tilespmem:s2+$0xF490] =	vst v0  }
0x4a: {  	[tilespmem:s2+$0xF4A0] =	vst v0  }
0x4b: {  	[tilespmem:s2+$0xF4B0] =	vst v0  }
0x4c: {  	[tilespmem:s2+$0xF4C0] =	vst v0  }
0x4d: {  	[tilespmem:s2+$0xF4D0] =	vst v0  }
0x4e: {  	s29 =	rddreg [dreg:$0x3];
	s30 =	simm.s32 $0xF080;
	s31 =	simm.s32 $0x6;
	[tilespmem:s2+$0xF4E0] =	vst v0  }
0x4f: {  	[spmem:s29] =	stream.linear.scatter [tilespmem:s30], [sflag:$0x6], $0x8000, $0x38;
	[tilespmem:$0x1F880] =	vst v63  }
0x50: {  	_ =	swait.ge [sflag:s31], $0x8000  }
0x51: {  	[sflag:s31] =	ssyncset.done $0x0  }
0x52: {  	[sflag:s31] =	ssyncadd.s32 $0xFFFF8000  }
.LBB2_5:
0x53: {  	[bflag:$0x0] =	sbarrier.arrive $0xFFFF  }
0x54: {  	s1 =	simm.s32 $0x0;
	s31 =	simm.s32 $0x1000;
	s2 =	rddreg [dreg:$0x5]  }
0x55: {  	[tilespmem:s1], [sflag:$0x6] =	stream.linear.gather [hbm4b:s2+s1], $0x1000, $0x38;
	[tilespmem:$0x1F880] =	vst v63  }
0x56: {  	s2 =	sand.u32 $0x1, s31  }
0x57: {  	p1 =	por $0x0, $0x0;
	s3 =	simm.s32 $0x6;
	p2 =	seq.s32 s2, $0x1  }
0x58: {  	_ =	swait.ge [sflag:s3], $0x1000;
	p1 =	por !p1, !p2  }
0x59: {  	s2 =	simm.s32 $0x1;
	[sflag:s3] =	ssyncset.done $0x0;
	p1 =	por !p1, !p1  }
0x5a: {  	[sflag:s3] =	ssyncadd.s32 $0xFFFFF000;
	s2 =	simm.s32 @!p1 $0x0  }
0x5b: {  	[tilespmem:$0x1000] =	vst v1;
	s3 =	ssub.s32 $0x800, s2  }
0x5c: {  	v2 =	vld [tilespmem:s3+$0x0];
	_ =	sdelay $0x4  }
0x5d: {  	(v2sf) =	vpush v2, $0x0;
	_ =	sdelay $0xc  }
0x5e: {  	s7 =	simm.s32 $0xB  }
0x5f: {  	s11 =	simm.s32 $0x0;
	s12 =	simm.s32 $0x1000;
	s19 =	simm.s32 $0x0  }
0x60: {  	s10 =	simm.s32 $0x1000;
	p2 =	por $0x1, $0x1;
	s4 =	spop (v2sf)  }
0x61: {  	p1 =	slt.s32 s4, s6;
	p3 =	sge.s32 s4, s6;
	s4 =	sadd.s32 $0x1, s3  }
0x62: {  	s2 =	simm.s32 $0x1000;
	s11 =	smov.u32 @p1 s4;
	s12 =	smov.u32 @p3 s3  }
.LBB2_6:
0x63: {  	p1 =	sne.s32 s7, $0x1;
	s19 =	smov.u32 @p2 s11;
	s10 =	smov.u32 @p2 s12  }
0x64: {  	s7 =	sadd.s32 $0xFFFFFFFF, s7;
	s11 =	sadd.s32 s19, s10  }
0x65: {  	s12 =	sshrl.u32 s11, $0x1F;
	s15 =	sand.u32 $0x1, s11  }
0x66: {  	p2 =	slt.s32 s11, $0x1;
	s12 =	sadd.s32 s12, s11;
	p3 =	seq.s32 s15, $0x1  }
0x67: {  	p2 =	por !p2, !p3  }
0x68: {  	s11 =	sshra.s32 s12, $0x1;
	s12 =	simm.s32 $0x1;
	p2 =	por !p2, !p2  }
0x69: {  	s12 =	simm.s32 @!p2 $0x0  }
0x6a: {  	s15 =	ssub.s32 s11, s12  }
0x6b: {  	v2 =	vld [tilespmem:s15+$0x0];
	_ =	sdelay $0x4  }
0x6c: {  	(v2sf) =	vpush v2, $0x0;
	_ =	sdelay $0xd  }
.Ltmp4:
0x6d: {  	(pc) =	sbr.rel @p1 .LBB2_6-.Ltmp4, $4  }
0x6e: {  	s12 =	sadd.s32 $0x1, s15;
	s11 =	spop (v2sf)  }
0x6f: {  	p3 =	slt.s32 s11, s6;
	p4 =	sge.s32 s11, s6;
	s11 =	smov.u32 s19  }
0x70: {  	s11 =	smov.u32 @p3 s12;
	s12 =	smov.u32 s10  }
0x71: {  	p2 =	slt.s32 s19, s10;
	s12 =	smov.u32 @p4 s15  }
0x72: {  	v2 =	vld [tilespmem:s3+$0x0];
	_ =	sdelay $0x4  }
0x73: {  	(v2sf) =	vpush v2, $0x0;
	_ =	sdelay $0xd  }
0x74: {  	s19 =	smov.u32 @p2 s11  }
0x75: {  	s7 =	simm.s32 $0xB;
	s11 =	simm.s32 $0x1000;
	s10 =	spop (v2sf)  }
0x76: {  	p1 =	slt.s32 s10, s8;
	p3 =	sge.s32 s10, s8;
	s10 =	simm.s32 $0x0  }
0x77: {  	p2 =	por $0x1, $0x1;
	s10 =	smov.u32 @p1 s4;
	s11 =	smov.u32 @p3 s3  }
.LBB2_8:
0x78: {  	p1 =	sne.s32 s7, $0x1;
	s1 =	smov.u32 @p2 s10;
	s2 =	smov.u32 @p2 s11  }
0x79: {  	s7 =	sadd.s32 $0xFFFFFFFF, s7;
	s3 =	sadd.s32 s1, s2  }
0x7a: {  	s4 =	sshrl.u32 s3, $0x1F;
	s10 =	sand.u32 $0x1, s3  }
0x7b: {  	p2 =	slt.s32 s3, $0x1;
	s4 =	sadd.s32 s4, s3;
	p3 =	seq.s32 s10, $0x1  }
0x7c: {  	p2 =	por !p2, !p3  }
0x7d: {  	s3 =	sshra.s32 s4, $0x1;
	s4 =	simm.s32 $0x1;
	p2 =	por !p2, !p2  }
0x7e: {  	s4 =	simm.s32 @!p2 $0x0  }
0x7f: {  	s3 =	ssub.s32 s3, s4  }
0x80: {  	v2 =	vld [tilespmem:s3+$0x0];
	_ =	sdelay $0x4  }
0x81: {  	(v2sf) =	vpush v2, $0x0;
	_ =	sdelay $0xc  }
.Ltmp5:
0x82: {  	(pc) =	sbr.rel @p1 .LBB2_8-.Ltmp5, $4  }
0x83: {  	_ = 	snop  }
0x84: {  	s11 =	smov.u32 s2;
	s10 =	smov.u32 s1;
	s4 =	spop (v2sf)  }
0x85: {  	p3 =	slt.s32 s4, s8;
	p4 =	sge.s32 s4, s8;
	s4 =	sadd.s32 $0x1, s3  }
0x86: {  	p2 =	slt.s32 s1, s2;
	s10 =	smov.u32 @p3 s4;
	s11 =	smov.u32 @p4 s3  }
0x87: {  	s1 =	smov.u32 @p2 s10;
	s20 =	sand.u32 $0xFFFFFFF8, s19  }
0x88: {  	s1 =	ssub.s32 s1, s20  }
0x89: {  	s2 =	sadd.s32 $0x6F, s1  }
0x8a: {  	s3 =	smulhi.u32 $0x92492493, s2;
	s4 =	sshra.s32 s2, $0x1F  }
0x8b: {  	s1 =	ssub.s32 $0xFFFFFF91, s1;
	s4 =	smul.u32 $0x92492493, s4  }
0x8c: {  	s3 =	sadd.s32 s1, s3  }
0x8d: {  	s3 =	sadd.s32 s4, s3  }
0x8e: {  	s3 =	sadd.s32 s2, s3  }
0x8f: {  	s26 =	sshrl.u32 s3, $0x1F;
	s3 =	sshra.s32 s3, $0x6  }
0x90: {  	s3 =	sadd.s32 s26, s3  }
0x91: {  	s4 =	smul.u32 $0xFFFFFF90, s3;
	_ =	sdelay $0x1  }
0x92: {  	p1 =	slt.s32 s2, $0x1;
	p6 =	sne.s32 s4, s1  }
0x93: {  	p1 =	por !p1, !p6  }
0x94: {  	s1 =	simm.s32 $0x1;
	p1 =	por !p1, !p1  }
0x95: {  	s1 =	simm.s32 @!p1 $0x0  }
0x96: {  	s21 =	ssub.s32 s3, s1  }
0x97: {  	p1 =	slt.s32 s21, $0x1  }
0x98: {  	p2 =	slt.s32 @!p1 s20, $0xF90  }
0x99: {  	s1 =	smov.u32 s20;
	p2 =	por !p2, p1  }
0x9a: {  	s1 =	simm.s32 @p2 $0xF90  }
0x9b: {  	s28 =	rddreg [dreg:$0x3];
	s29 =	simm.s32 $0xF080;
	s1 =	sshll.u32 @!p1 s1, $0x8  }
0x9c: {  	s30 =	sadd.s32 $0x70, s20;
	s31 =	sadd.s32 $0xE0, s20;
	s1 =	sadd.s32 @!p1 s9, s1  }
.Ltmp6:
0x9d: {  	[dreg:$0x8] =	wrdreg s30;
	s1 =	sshrl.u32 @!p1 s1, $0x3;
	(pc) =	sbr.rel .LBB2_10-.Ltmp6, $4  }
0x9e: {  	s2 =	simm.s32 @!p1 $0x0;
	s3 =	simm.s32 @!p1 $0x1080;
	s1 =	sadd.s32 @!p1 s0, s1  }
0x9f: {  	[tilespmem:s3], [sflag:$0x1] =	stream.linear.gather @!p1 [hbm4b:s1+s2], $0x7000, $0x38;
	[tilespmem:$0x1F880] =	vst v63  }
0xa0: {  	s24 =	simm.s32 $0x0;
	s18 =	simm.s32 $0xFFFFFFFF;
	[dreg:$0x9] =	wrdreg s31  }
0xa1: {  	[tilespmem:s29], [sflag:$0x5] =	stream.linear.gather [spmem:s28], $0x8000, $0x38;
	[tilespmem:$0x1F880] =	vst v63  }
.LBB2_44:
0xa2: {  	s1 =	simm.s32 $0x3  }
0xa3: {  	_ =	swait.ge [sflag:s1], $0x8000  }
0xa4: {  	[sflag:s1] =	ssyncset.done $0x0  }
0xa5: {  	s24 =	sadd.s32 $0x1, s24;
	[sflag:s1] =	ssyncadd.s32 $0xFFFF8000  }
0xa6: {  	s2 =	simm.s32 $0xF080;
	p1 =	sne.s32 s24, $0x8;
	s1 =	rddreg [dreg:$0x3]  }
0xa7: {  	[tilespmem:s2], [sflag:$0x5] =	stream.linear.gather [spmem:s1], $0x8000, $0x38;
	[tilespmem:$0x1F880] =	vst v63  }
.Ltmp7:
0xa8: {  	s29 =	sshll.u32 s25, $0x8;
	(pc) =	sbr.rel @!p1 .LBB2_45-.Ltmp7, $4  }
0xa9: {  	s1 =	sadd.s32 s9, s29  }
0xaa: {  	s30 =	rddreg [dreg:$0x2];
	s1 =	sshrl.u32 s1, $0x3  }
0xab: {  	s31 =	simm.s32 $0x0;
	s3 =	simm.s32 $0x17080;
	s1 =	sadd.s32 s30, s1  }
0xac: {  	[hbm4b:s1+s31] =	stream.linear.scatter [tilespmem:s3], [sflag:$0x4], $0x8000, $0x38;
	[tilespmem:$0x1F880] =	vst v63  }
.LBB2_10:
0xad: {  	s1 =	simm.s32 $0x1000  }
0xae: {  	s1 =	sand.u32 $0x1, s1  }
0xaf: {  	p1 =	por $0x0, $0x0;
	p2 =	seq.s32 s1, $0x1  }
0xb0: {  	p1 =	por !p1, !p2  }
0xb1: {  	s1 =	simm.s32 $0x1;
	p1 =	por !p1, !p1  }
0xb2: {  	s1 =	simm.s32 @!p1 $0x0  }
0xb3: {  	s7 =	ssub.s32 $0x800, s1  }
0xb4: {  	v2 =	vld [tilespmem:s7+$0x0];
	_ =	sdelay $0x4  }
0xb5: {  	(v2sf) =	vpush v2, $0x0;
	_ =	sdelay $0xc  }
0xb6: {  	s31 =	sshll.u32 s24, $0x8  }
0xb7: {  	s3 =	simm.s32 $0x0;
	s29 =	sor.u32 s6, s31  }
0xb8: {  	s26 =	simm.s32 $0x0;
	s25 =	sor.u32 $0x80, s29;
	s2 =	spop (v2sf)  }
0xb9: {  	p2 =	por $0x1, $0x1;
	s4 =	sadd.s32 $0x1, s7;
	p1 =	slt.s32 s2, s25  }
0xba: {  	p3 =	sge.s32 s2, s25;
	s3 =	smov.u32 @p1 s4;
	s4 =	simm.s32 $0x1000  }
0xbb: {  	s1 =	simm.s32 $0x1000;
	s2 =	simm.s32 $0xB;
	s4 =	smov.u32 @p3 s7  }
.LBB2_11:
0xbc: {  	p1 =	sne.s32 s2, $0x1;
	s26 =	smov.u32 @p2 s3;
	s1 =	smov.u32 @p2 s4  }
0xbd: {  	s2 =	sadd.s32 $0xFFFFFFFF, s2;
	s3 =	sadd.s32 s26, s1  }
0xbe: {  	s4 =	sshrl.u32 s3, $0x1F;
	s7 =	sand.u32 $0x1, s3  }
0xbf: {  	p2 =	slt.s32 s3, $0x1;
	s4 =	sadd.s32 s4, s3;
	p3 =	seq.s32 s7, $0x1  }
0xc0: {  	p2 =	por !p2, !p3  }
0xc1: {  	s3 =	sshra.s32 s4, $0x1;
	s4 =	simm.s32 $0x1;
	p2 =	por !p2, !p2  }
0xc2: {  	s4 =	simm.s32 @!p2 $0x0  }
0xc3: {  	s7 =	ssub.s32 s3, s4  }
0xc4: {  	v2 =	vld [tilespmem:s7+$0x0];
	_ =	sdelay $0x4  }
0xc5: {  	(v2sf) =	vpush v2, $0x0;
	_ =	sdelay $0xd  }
.Ltmp8:
0xc6: {  	(pc) =	sbr.rel @p1 .LBB2_11-.Ltmp8, $4  }
0xc7: {  	s4 =	sadd.s32 $0x1, s7;
	s3 =	spop (v2sf)  }
0xc8: {  	p3 =	slt.s32 s3, s25;
	p4 =	sge.s32 s3, s25;
	s3 =	smov.u32 s26  }
0xc9: {  	s3 =	smov.u32 @p3 s4;
	s4 =	smov.u32 s1  }
0xca: {  	p2 =	slt.s32 s26, s1;
	s4 =	smov.u32 @p4 s7  }
0xcb: {  	s26 =	smov.u32 @p2 s3;
	s1 =	ssub.s32 s19, s20  }
0xcc: {  	s2 =	smulhi.u32 $0x92492493, s1;
	s15 =	sshra.s32 s1, $0x1F;
	s30 =	ssub.s32 s26, s20  }
0xcd: {  	s4 =	smul.u32 $0x92492493, s15;
	s7 =	sadd.s32 $0x6F, s30  }
0xce: {  	s2 =	ssub.s32 s2, s1;
	s10 =	smulhi.u32 $0x92492493, s7;
	s11 =	sshra.s32 s7, $0x1F  }
0xcf: {  	s16 =	ssub.s32 $0xFFFFFF91, s30;
	s2 =	sadd.s32 s4, s2;
	s11 =	smul.u32 $0x92492493, s11  }
0xd0: {  	s2 =	sadd.s32 s1, s2;
	s10 =	sadd.s32 s16, s10  }
0xd1: {  	p1 =	sne.s32 s19, s20;
	s12 =	sshrl.u32 s2, $0x1F;
	s10 =	sadd.s32 s11, s10  }
0xd2: {  	s2 =	sshra.s32 s2, $0x6;
	s11 =	simm.s32 $0x1;
	s10 =	sadd.s32 s7, s10  }
0xd3: {  	s2 =	sadd.s32 s12, s2;
	s17 =	sshrl.u32 s10, $0x1F;
	s10 =	sshra.s32 s10, $0x6  }
0xd4: {  	s11 =	simm.s32 @!p1 $0x0;
	s22 =	smul.u32 $0xFFFFFF90, s2;
	s10 =	sadd.s32 s17, s10  }
0xd5: {  	s1 =	ssub.s32 $0x0, s1;
	s3 =	sor.u32 s11, s15;
	s28 =	smul.u32 $0xFFFFFF90, s10  }
0xd6: {  	p5 =	sne.s32 s3, $0x1;
	p4 =	sne.s32 s22, s1  }
0xd7: {  	p6 =	slt.s32 s7, $0x1;
	p1 =	por !p4, !p5;
	p3 =	sne.s32 s28, s16  }
0xd8: {  	s1 =	simm.s32 $0x1;
	p1 =	por !p1, !p1;
	p2 =	por !p6, !p3  }
0xd9: {  	s3 =	simm.s32 $0x1;
	s1 =	simm.s32 @!p1 $0x0;
	p1 =	por !p2, !p2  }
0xda: {  	s4 =	simm.s32 $0x1;
	s1 =	ssub.s32 s2, s1;
	s3 =	simm.s32 @!p1 $0x0  }
0xdb: {  	s15 =	sshrl.u32 s1, $0x1F;
	p2 =	slt.s32 s1, $0x1;
	s13 =	ssub.s32 s10, s3  }
0xdc: {  	s3 =	sadd.s32 s15, s1;
	s1 =	sand.u32 $0x1, s1;
	s16 =	sadd.s32 $0x1, s13  }
0xdd: {  	s2 =	simm.s32 $0x1;
	p3 =	seq.s32 s1, $0x1;
	s17 =	sand.u32 $0x1, s16  }
0xde: {  	p5 =	slt.s32 s13, $0x0;
	s22 =	sshra.s32 s3, $0x1;
	p4 =	seq.s32 s17, $0x1  }
0xdf: {  	p1 =	por !p2, !p3;
	s28 =	sshrl.u32 s16, $0x1F;
	p6 =	por !p5, !p4  }
0xe0: {  	p1 =	por !p1, !p1;
	s3 =	sadd.s32 s28, s16;
	p2 =	por !p6, !p6  }
0xe1: {  	s2 =	simm.s32 @!p1 $0x0;
	s3 =	sshra.s32 s3, $0x1;
	s4 =	simm.s32 @!p2 $0x0  }
0xe2: {  	s31 =	ssub.s32 s22, s2;
	s1 =	ssub.s32 s3, s4  }
0xe3: {  	p1 =	sge.s32 s31, s1  }
.Ltmp9:
0xe4: {  	_ = 	snop;
	(pc) =	sbr.rel @p1 .LBB2_27-.Ltmp9, $4  }
0xe5: {  	_ = 	snop  }
0xe6: {  	_ =	swait.ge [sflag:s23], $0x8000  }
0xe7: {  	[sflag:s23] =	ssyncset.done $0x0  }
0xe8: {  	[sflag:s23] =	ssyncadd.s32 $0xFFFF8000  }
0xe9: {  	v16 =	vimm.f32 $0.0e+00  }
.Ltmp10:
0xea: {  	v15 =	vimm.f32 $0.0e+00;
	v7 =	vimm.f32 $0.0e+00;
	v14 =	vimm.f32 $0.0e+00;
	(pc) =	sbr.rel .LBB2_14-.Ltmp10, $4  }
0xeb: {  	v3 =	vimm.f32 $0.0e+00;
	v4 =	vimm.f32 $0.0e+00;
	v2 =	vimm.f32 $0.0e+00  }
0xec: {  	s2 =	smul.u32 $0xE0, s31;
	v5 =	vimm.f32 $0.0e+00;
	v13 =	vimm.f32 $0.0e+00;
	v6 =	vimm.f32 $0.0e+00;
	s3 =	rddreg [dreg:$0x8]  }
0xed: {  	s11 =	sadd.s32 $0xFFFFFFFF, s29;
	v17 =	vimm.f32 $0.0e+00;
	v9 =	vimm.f32 $0.0e+00;
	v8 =	vimm.f32 $0.0e+00;
	s28 =	rddreg [dreg:$0x9]  }
0xee: {  	v12 =	vimm.f32 $0.0e+00;
	v10 =	vimm.f32 $0.0e+00;
	v11 =	vimm.f32 $0.0e+00;
	s7 =	sadd.s32 s2, s3;
	s10 =	sadd.s32 s2, s20;
	s17 =	sadd.s32 s2, s28  }
.LBB2_25:
0xef: {  	v30 =	vld [tilespmem:s22+$0x84C0];
	[tilespmem:s11+$0xF080] =	vst v11  }
0xf0: {  	[tilespmem:s11+$0xF090] =	vst v10;
	v16 =	vadd.f32 v22, v16  }
0xf1: {  	v9 =	vpsel !p1, $0x0, v9;
	[tilespmem:s11+$0xF0B0] =	vst v8;
	v15 =	vadd.f32 v24, v15  }
0xf2: {  	v7 =	vpsel !p1, $0x0, v7;
	v9 =	vadd.f32 v28, v9;
	[tilespmem:s11+$0xF4F0] =	vst v16  }
0xf3: {  	v6 =	vpsel !p1, $0x0, v6;
	v7 =	vadd.f32 v26, v7;
	[tilespmem:s11+$0xF4E0] =	vst v15  }
0xf4: {  	v2 =	vpsel !p1, $0x0, v2;
	v6 =	vadd.f32 v19, v6;
	[tilespmem:s11+$0xF0C0] =	vst v9  }
0xf5: {  	v3 =	vpsel !p1, $0x0, v3;
	v2 =	vadd.f32 v27, v2;
	[tilespmem:s11+$0xF4D0] =	vst v7  }
0xf6: {  	v12 =	vpsel !p1, $0x0, v12;
	v3 =	vadd.f32 v17, v3;
	[tilespmem:s11+$0xF0E0] =	vst v6  }
0xf7: {  	v4 =	vpsel !p1, $0x0, v4;
	v12 =	vadd.f32 v12, v21;
	[tilespmem:s11+$0xF490] =	vst v2  }
0xf8: {  	v13 =	vpsel !p1, $0x0, v13;
	v4 =	vadd.f32 v25, v4;
	[tilespmem:s11+$0xF4B0] =	vst v3  }
0xf9: {  	v13 =	vadd.f32 v20, v13;
	[tilespmem:s11+$0xF0A0] =	vst v12  }
0xfa: {  	v5 =	vpsel !p1, $0x0, v5;
	v17 =	vadd.f32 v18, v29;
	[tilespmem:s11+$0xF4A0] =	vst v4  }
0xfb: {  	v14 =	vpsel !p1, $0x0, v14;
	v5 =	vadd.f32 v23, v5;
	[tilespmem:s11+$0xF0F0] =	vst v13  }
0xfc: {  	[tilespmem:s11+$0xF0D0] =	vst v17;
	v14 =	vadd.f32 v30, v14  }
0xfd: {  	[tilespmem:s11+$0xF480] =	vst v5  }
0xfe: {  	[tilespmem:s11+$0xF4C0] =	vst v14;
	s11 =	smov.u32 s15  }
.LBB2_26:
0xff: {  	s31 =	sadd.s32 $0x1, s31  }
0x100: {  	p1 =	slt.s32 s31, s1  }
.Ltmp11:
0x101: {  	_ = 	snop;
	(pc) =	sbr.rel @!p1 .LBB2_27-.Ltmp11, $2  }
0x102: {  	_ =	sdelay $0x2  }
0x103: {  	s7 =	sadd.s32 $0xE0, s7;
	s10 =	sadd.s32 $0xE0, s10;
	s17 =	sadd.s32 $0xE0, s17  }
.LBB2_14:
0x104: {  	s2 =	smul.u32 $0xE0, s31;
	_ =	sdelay $0x1  }
0x105: {  	s2 =	sadd.s32 s20, s2  }
0x106: {  	s3 =	sadd.s32 $0x70, s2  }
0x107: {  	p1 =	sgt.s32 s19, s2;
	p2 =	slt.s32 s26, s3  }
0x108: {  	s12 =	sshll.u32 s31, $0x1;
	s2 =	smov.u32 @p1 s19;
	s3 =	smov.u32 @p2 s26  }
0x109: {  	p1 =	sle.s32 s12, s18;
	s2 =	ssub.s32 s3, s2  }
0x10a: {  	p2 =	slt.s32 @!p1 s2, $0x1  }
0x10b: {  	p1 =	por p1, p2  }
.Ltmp12:
0x10c: {  	_ = 	snop;
	(pc) =	sbr.rel @p1 .LBB2_16-.Ltmp12, $2  }
0x10d: {  	_ =	sdelay $0x2  }
0x10e: {  	s28 =	sor.u32 $0x1, s12  }
0x10f: {  	s2 =	sor.u32 $0x1, s12  }
0x110: {  	p1 =	sge.s32 s2, s21  }
0x111: {  	s2 =	smul.u32 @!p1 $0x70, s2;
	_ =	sdelay $0x1  }
0x112: {  	s2 =	sadd.s32 @!p1 s20, s2  }
0x113: {  	p2 =	slt.s32 @!p1 s2, $0xF90  }
0x114: {  	p2 =	por !p2, p1  }
0x115: {  	s2 =	simm.s32 @p2 $0xF90  }
.Ltmp13:
0x116: {  	_ =	swait.ge [sflag:s5], $0x7000;
	s2 =	sshll.u32 @!p1 s2, $0x8;
	(pc) =	sbr.rel .LBB2_17-.Ltmp13, $4  }
0x117: {  	[sflag:s5] =	ssyncset.done $0x0;
	s2 =	sadd.s32 @!p1 s9, s2  }
0x118: {  	s18 =	smov.u32 s12;
	[sflag:s5] =	ssyncadd.s32 $0xFFFF9000;
	s2 =	sshrl.u32 @!p1 s2, $0x3  }
0x119: {  	s3 =	simm.s32 @!p1 $0x0;
	s4 =	simm.s32 @!p1 $0x8080;
	s2 =	sadd.s32 @!p1 s0, s2  }
0x11a: {  	[tilespmem:s4], [sflag:$0x2] =	stream.linear.gather @!p1 [hbm4b:s2+s3], $0x7000, $0x38;
	[tilespmem:$0x1F880] =	vst v63  }
.LBB2_16:
0x11b: {  	p1 =	slt.s32 s2, $0x1  }
.Ltmp14:
0x11c: {  	_ = 	snop;
	(pc) =	sbr.rel @p1 .LBB2_20-.Ltmp14, $1  }
0x11d: {  	_ =	sdelay $0x3  }
.LBB2_17:
0x11e: {  	p1 =	sgt.s32 s19, s10;
	s3 =	smov.u32 s10  }
0x11f: {  	s3 =	smov.u32 @p1 s19  }
0x120: {  	s2 =	sshll.u32 s3, $0x2  }
0x121: {  	s4 =	sshra.s32 s2, $0x2  }
0x122: {  	v18 =	vld [tilespmem:s4+$0x0];
	_ =	sdelay $0x3  }
0x123: {  	p1 =	slt.s32 s10, $0xF90;
	s2 =	smov.u32 s10  }
0x124: {  	s2 =	simm.s32 @!p1 $0xF90;
	(v2sf) =	vpush v18, $0x0  }
0x125: {  	s15 =	sshll.u32 s3, $0x8;
	s16 =	sshll.u32 s2, $0x8  }
0x126: {  	s2 =	sshll.u32 s3, $0x7;
	s15 =	ssub.s32 s15, s16  }
0x127: {  	s22 =	sand.u32 $0x380, s2;
	s16 =	sand.u32 $0xFFFFF800, s15  }
0x128: {  	s23 =	sor.u32 s22, s16  }
0x129: {  	v19 =	vld [tilespmem:s23+$0x10E0]  }
0x12a: {  	v18 =	vld [tilespmem:s23+$0x10D0]  }
0x12b: {  	v22 =	vld [tilespmem:s23+$0x14F0]  }
0x12c: {  	p1 =	slt.s32 s26, s7;
	s16 =	smov.u32 s7;
	v21 =	vld [tilespmem:s23+$0x10A0]  }
0x12d: {  	v24 =	vld [tilespmem:s23+$0x14E0];
	s16 =	smov.u32 @p1 s26  }
0x12e: {  	v29 =	vld [tilespmem:s23+$0x10B0];
	s16 =	ssub.s32 s16, s3  }
0x12f: {  	v25 =	vld [tilespmem:s23+$0x1080];
	p1 =	sgt.s32 s16, $0x1  }
0x130: {  	v30 =	vld [tilespmem:s23+$0x1090];
	s16 =	simm.s32 @!p1 $0x1  }
0x131: {  	v28 =	vld [tilespmem:s23+$0x10C0];
	s16 =	smin.u32 s16, $0x70  }
0x132: {  	v26 =	vld [tilespmem:s23+$0x14D0];
	p2 =	sne.s32 s16, $0x1  }
.Ltmp15:
0x133: {  	v20 =	vld [tilespmem:s23+$0x10F0];
	s3 =	spop (v2sf);
	(pc) =	sbr.rel @!p2 .LBB2_19-.Ltmp15, $4  }
0x134: {  	v23 =	vld [tilespmem:s23+$0x1480];
	p1 =	seq.s32 s3, s11;
	s13 =	ssub.s32 s3, s29  }
0x135: {  	v27 =	vld [tilespmem:s23+$0x1490];
	s22 =	sshll.u32 s3, $0x7;
	v11 =	vpsel !p1, $0x0, v11;
	v10 =	vpsel !p1, $0x0, v10;
	v16 =	vpsel !p1, $0x0, v16;
	s11 =	sshll.u32 s13, $0x8  }
0x136: {  	v8 =	vpsel !p1, $0x0, v8;
	s22 =	sand.u32 $0x380, s22;
	v15 =	vpsel !p1, $0x0, v15;
	v11 =	vadd.f32 v11, v25;
	v25 =	vld [tilespmem:s23+$0x14A0];
	s13 =	sand.u32 $0xFFFFF800, s11  }
0x137: {  	v10 =	vadd.f32 v10, v30;
	s11 =	sadd.s32 $0xFFFFFFFF, s16;
	v8 =	vadd.f32 v29, v8;
	v29 =	vpsel !p1, $0x0, v17;
	v17 =	vld [tilespmem:s23+$0x14B0];
	s22 =	sor.u32 s22, s13  }
.LBB2_18:
0x138: {  	v12 =	vpsel !p1, $0x0, v12;
	v9 =	vpsel !p1, $0x0, v9;
	v30 =	vld [tilespmem:s23+$0x14C0];
	v15 =	vadd.f32 v24, v15;
	s2 =	sadd.s32 $0x80, s2;
	s4 =	sadd.s32 $0x1, s4;
	s15 =	sadd.s32 $0x100, s15  }
0x139: {  	p2 =	sne.s32 s11, $0x1;
	s11 =	sadd.s32 $0xFFFFFFFF, s11;
	v7 =	vpsel !p1, $0x0, v7;
	s16 =	smov.u32 s3;
	v12 =	vadd.f32 v12, v21;
	v9 =	vadd.f32 v28, v9;
	[tilespmem:s22+$0xF080] =	vst v11  }
0x13a: {  	v13 =	vpsel !p1, $0x0, v13;
	v14 =	vpsel !p1, $0x0, v14;
	v16 =	vadd.f32 v22, v16;
	[tilespmem:s22+$0xF090] =	vst v10  }
0x13b: {  	v29 =	vadd.f32 v18, v29;
	v5 =	vpsel !p1, $0x0, v5;
	v7 =	vadd.f32 v26, v7;
	[tilespmem:s22+$0xF0B0] =	vst v8  }
0x13c: {  	v6 =	vpsel !p1, $0x0, v6;
	v5 =	vadd.f32 v23, v5;
	[tilespmem:s22+$0xF0C0] =	vst v9  }
0x13d: {  	v2 =	vpsel !p1, $0x0, v2;
	v6 =	vadd.f32 v19, v6;
	v13 =	vadd.f32 v20, v13;
	[tilespmem:s22+$0xF4D0] =	vst v7  }
0x13e: {  	v4 =	vpsel !p1, $0x0, v4;
	v3 =	vpsel !p1, $0x0, v3;
	v2 =	vadd.f32 v27, v2;
	[tilespmem:s22+$0xF4F0] =	vst v16  }
0x13f: {  	v4 =	vadd.f32 v25, v4;
	v3 =	vadd.f32 v17, v3;
	[tilespmem:s22+$0xF0E0] =	vst v6  }
0x140: {  	v14 =	vadd.f32 v30, v14;
	[tilespmem:s22+$0xF490] =	vst v2  }
0x141: {  	[tilespmem:s22+$0xF4E0] =	vst v15  }
0x142: {  	[tilespmem:s22+$0xF4B0] =	vst v3  }
0x143: {  	[tilespmem:s22+$0xF4C0] =	vst v14  }
0x144: {  	[tilespmem:s22+$0xF0A0] =	vst v12  }
0x145: {  	[tilespmem:s22+$0xF4A0] =	vst v4  }
0x146: {  	[tilespmem:s22+$0xF0F0] =	vst v13  }
0x147: {  	[tilespmem:s22+$0xF0D0] =	vst v29  }
0x148: {  	[tilespmem:s22+$0xF480] =	vst v5  }
0x149: {  	v17 =	vld [tilespmem:s4+$0x0];
	_ =	sdelay $0x4  }
0x14a: {  	(v2sf) =	vpush v17, $0x0;
	_ =	sdelay $0x2  }
0x14b: {  	s3 =	sand.u32 $0xFFFFF800, s15;
	s13 =	sand.u32 $0x380, s2  }
0x14c: {  	s23 =	sor.u32 s13, s3  }
0x14d: {  	v19 =	vld [tilespmem:s23+$0x10E0]  }
0x14e: {  	v18 =	vld [tilespmem:s23+$0x10D0]  }
0x14f: {  	v22 =	vld [tilespmem:s23+$0x14F0]  }
0x150: {  	v21 =	vld [tilespmem:s23+$0x10A0]  }
0x151: {  	v24 =	vld [tilespmem:s23+$0x14E0]  }
0x152: {  	v17 =	vld [tilespmem:s23+$0x10B0]  }
0x153: {  	v25 =	vld [tilespmem:s23+$0x1080]  }
0x154: {  	v30 =	vld [tilespmem:s23+$0x1090]  }
0x155: {  	v28 =	vld [tilespmem:s23+$0x10C0]  }
0x156: {  	v26 =	vld [tilespmem:s23+$0x14D0]  }
.Ltmp16:
0x157: {  	v20 =	vld [tilespmem:s23+$0x10F0];
	s3 =	spop (v2sf);
	(pc) =	sbr.rel @p2 .LBB2_18-.Ltmp16, $4  }
0x158: {  	p1 =	seq.s32 s3, s16;
	v23 =	vld [tilespmem:s23+$0x1480];
	s13 =	ssub.s32 s3, s29;
	s16 =	sshll.u32 s3, $0x7  }
0x159: {  	v11 =	vpsel !p1, $0x0, v11;
	v10 =	vpsel !p1, $0x0, v10;
	v27 =	vld [tilespmem:s23+$0x1490];
	v16 =	vpsel !p1, $0x0, v16;
	s13 =	sshll.u32 s13, $0x8  }
0x15a: {  	v8 =	vpsel !p1, $0x0, v8;
	s16 =	sand.u32 $0x380, s16;
	v11 =	vadd.f32 v11, v25;
	v10 =	vadd.f32 v10, v30;
	v25 =	vld [tilespmem:s23+$0x14A0];
	s13 =	sand.u32 $0xFFFFF800, s13  }
0x15b: {  	v29 =	vpsel !p1, $0x0, v29;
	v15 =	vpsel !p1, $0x0, v15;
	v8 =	vadd.f32 v17, v8;
	v17 =	vld [tilespmem:s23+$0x14B0];
	s22 =	sor.u32 s16, s13  }
.LBB2_19:
0x15c: {  	v30 =	vld [tilespmem:s23+$0x14C0];
	[tilespmem:s22+$0xF080] =	vst v11  }
0x15d: {  	v16 =	vadd.f32 v22, v16;
	[tilespmem:s22+$0xF090] =	vst v10  }
0x15e: {  	v9 =	vpsel !p1, $0x0, v9;
	v15 =	vadd.f32 v24, v15;
	[tilespmem:s22+$0xF0B0] =	vst v8  }
0x15f: {  	v7 =	vpsel !p1, $0x0, v7;
	v9 =	vadd.f32 v28, v9;
	[tilespmem:s22+$0xF4F0] =	vst v16  }
0x160: {  	v6 =	vpsel !p1, $0x0, v6;
	v7 =	vadd.f32 v26, v7;
	[tilespmem:s22+$0xF4E0] =	vst v15  }
0x161: {  	v12 =	vpsel !p1, $0x0, v12;
	v6 =	vadd.f32 v19, v6;
	[tilespmem:s22+$0xF0C0] =	vst v9  }
0x162: {  	v13 =	vpsel !p1, $0x0, v13;
	v12 =	vadd.f32 v12, v21;
	[tilespmem:s22+$0xF4D0] =	vst v7  }
0x163: {  	v5 =	vpsel !p1, $0x0, v5;
	v13 =	vadd.f32 v20, v13;
	[tilespmem:s22+$0xF0E0] =	vst v6  }
0x164: {  	v2 =	vpsel !p1, $0x0, v2;
	v5 =	vadd.f32 v23, v5;
	[tilespmem:s22+$0xF0A0] =	vst v12  }
0x165: {  	v4 =	vpsel !p1, $0x0, v4;
	v2 =	vadd.f32 v27, v2;
	[tilespmem:s22+$0xF0F0] =	vst v13  }
0x166: {  	v3 =	vpsel !p1, $0x0, v3;
	v4 =	vadd.f32 v25, v4;
	[tilespmem:s22+$0xF480] =	vst v5  }
0x167: {  	v3 =	vadd.f32 v17, v3;
	[tilespmem:s22+$0xF490] =	vst v2  }
0x168: {  	v14 =	vpsel !p1, $0x0, v14;
	v17 =	vadd.f32 v18, v29;
	[tilespmem:s22+$0xF4A0] =	vst v4  }
0x169: {  	v14 =	vadd.f32 v30, v14;
	[tilespmem:s22+$0xF4B0] =	vst v3  }
0x16a: {  	[tilespmem:s22+$0xF0D0] =	vst v17  }
0x16b: {  	s11 =	smov.u32 s3;
	[tilespmem:s22+$0xF4C0] =	vst v14  }
.LBB2_20:
0x16c: {  	s2 =	smul.u32 $0x70, s28;
	_ =	sdelay $0x1  }
0x16d: {  	s2 =	sadd.s32 s20, s2  }
0x16e: {  	s3 =	sadd.s32 $0x70, s2  }
0x16f: {  	p1 =	sgt.s32 s19, s2;
	p2 =	slt.s32 s26, s3  }
0x170: {  	s2 =	smov.u32 @p1 s19;
	s3 =	smov.u32 @p2 s26  }
0x171: {  	s2 =	ssub.s32 s3, s2  }
0x172: {  	p1 =	slt.s32 s2, $0x1  }
0x173: {  	p2 =	slt.s32 @!p1 s12, s18  }
0x174: {  	p2 =	por p1, p2  }
.Ltmp17:
0x175: {  	_ = 	snop;
	(pc) =	sbr.rel @p2 .LBB2_22-.Ltmp17, $1  }
0x176: {  	_ =	sdelay $0x3  }
0x177: {  	s2 =	sadd.s32 $0x2, s12  }
0x178: {  	p1 =	sge.s32 s2, s21  }
0x179: {  	s2 =	smul.u32 @!p1 $0x70, s2;
	_ =	sdelay $0x1  }
0x17a: {  	s2 =	sadd.s32 @!p1 s20, s2  }
0x17b: {  	p2 =	slt.s32 @!p1 s2, $0xF90  }
0x17c: {  	p2 =	por !p2, p1  }
0x17d: {  	s2 =	simm.s32 @p2 $0xF90  }
.Ltmp18:
0x17e: {  	_ =	swait.ge [sflag:s14], $0x7000;
	s2 =	sshll.u32 @!p1 s2, $0x8;
	(pc) =	sbr.rel .LBB2_23-.Ltmp18, $4  }
0x17f: {  	[sflag:s14] =	ssyncset.done $0x0;
	s2 =	sadd.s32 @!p1 s9, s2  }
0x180: {  	s18 =	smov.u32 s28;
	[sflag:s14] =	ssyncadd.s32 $0xFFFF9000;
	s2 =	sshrl.u32 @!p1 s2, $0x3  }
0x181: {  	s3 =	simm.s32 @!p1 $0x0;
	s4 =	simm.s32 @!p1 $0x1080;
	s2 =	sadd.s32 @!p1 s0, s2  }
0x182: {  	[tilespmem:s4], [sflag:$0x1] =	stream.linear.gather @!p1 [hbm4b:s2+s3], $0x7000, $0x38;
	[tilespmem:$0x1F880] =	vst v63  }
.LBB2_22:
.Ltmp19:
0x183: {  	(pc) =	sbr.rel @p1 .LBB2_26-.Ltmp19, $1  }
0x184: {  	_ =	sdelay $0x3  }
.LBB2_23:
0x185: {  	p1 =	sgt.s32 s19, s7;
	s3 =	smov.u32 s7  }
0x186: {  	s3 =	smov.u32 @p1 s19  }
0x187: {  	s2 =	sshll.u32 s3, $0x2  }
0x188: {  	s4 =	sshra.s32 s2, $0x2  }
0x189: {  	v18 =	vld [tilespmem:s4+$0x0];
	_ =	sdelay $0x3  }
0x18a: {  	p1 =	slt.s32 s7, $0xF90;
	s2 =	smov.u32 s7  }
0x18b: {  	s2 =	simm.s32 @!p1 $0xF90;
	(v2sf) =	vpush v18, $0x0  }
0x18c: {  	s12 =	sshll.u32 s3, $0x8;
	s13 =	sshll.u32 s2, $0x8  }
0x18d: {  	s2 =	sshll.u32 s3, $0x7;
	s12 =	ssub.s32 s12, s13  }
0x18e: {  	s15 =	sand.u32 $0x380, s2;
	s13 =	sand.u32 $0xFFFFF800, s12  }
0x18f: {  	s22 =	sor.u32 s15, s13  }
0x190: {  	v19 =	vld [tilespmem:s22+$0x80E0]  }
0x191: {  	v18 =	vld [tilespmem:s22+$0x80D0]  }
0x192: {  	v22 =	vld [tilespmem:s22+$0x84F0]  }
0x193: {  	p1 =	slt.s32 s26, s17;
	s13 =	smov.u32 s17;
	v21 =	vld [tilespmem:s22+$0x80A0]  }
0x194: {  	v24 =	vld [tilespmem:s22+$0x84E0];
	s13 =	smov.u32 @p1 s26  }
0x195: {  	v29 =	vld [tilespmem:s22+$0x80B0];
	s3 =	ssub.s32 s13, s3  }
0x196: {  	v25 =	vld [tilespmem:s22+$0x8080];
	p1 =	sgt.s32 s3, $0x1  }
0x197: {  	v30 =	vld [tilespmem:s22+$0x8090];
	s3 =	simm.s32 @!p1 $0x1  }
0x198: {  	v28 =	vld [tilespmem:s22+$0x80C0];
	s3 =	smin.u32 s3, $0x70  }
0x199: {  	v26 =	vld [tilespmem:s22+$0x84D0];
	p2 =	sne.s32 s3, $0x1  }
.Ltmp20:
0x19a: {  	v20 =	vld [tilespmem:s22+$0x80F0];
	s15 =	spop (v2sf);
	(pc) =	sbr.rel @!p2 .LBB2_25-.Ltmp20, $4  }
0x19b: {  	v23 =	vld [tilespmem:s22+$0x8480];
	p1 =	seq.s32 s15, s11;
	s23 =	ssub.s32 s15, s29  }
0x19c: {  	v27 =	vld [tilespmem:s22+$0x8490];
	s28 =	sshll.u32 s15, $0x7;
	v11 =	vpsel !p1, $0x0, v11;
	v10 =	vpsel !p1, $0x0, v10;
	v16 =	vpsel !p1, $0x0, v16;
	s11 =	sshll.u32 s23, $0x8  }
0x19d: {  	v8 =	vpsel !p1, $0x0, v8;
	s13 =	sand.u32 $0x380, s28;
	v15 =	vpsel !p1, $0x0, v15;
	v11 =	vadd.f32 v11, v25;
	v25 =	vld [tilespmem:s22+$0x84A0];
	s11 =	sand.u32 $0xFFFFF800, s11  }
0x19e: {  	s3 =	sadd.s32 $0xFFFFFFFF, s3;
	v10 =	vadd.f32 v10, v30;
	v8 =	vadd.f32 v29, v8;
	v29 =	vpsel !p1, $0x0, v17;
	v17 =	vld [tilespmem:s22+$0x84B0];
	s11 =	sor.u32 s13, s11  }
.LBB2_24:
0x19f: {  	v12 =	vpsel !p1, $0x0, v12;
	v9 =	vpsel !p1, $0x0, v9;
	v30 =	vld [tilespmem:s22+$0x84C0];
	v15 =	vadd.f32 v24, v15;
	s2 =	sadd.s32 $0x80, s2;
	s4 =	sadd.s32 $0x1, s4;
	s12 =	sadd.s32 $0x100, s12  }
0x1a0: {  	p2 =	sne.s32 s3, $0x1;
	s3 =	sadd.s32 $0xFFFFFFFF, s3;
	v7 =	vpsel !p1, $0x0, v7;
	s16 =	smov.u32 s15;
	v12 =	vadd.f32 v12, v21;
	v9 =	vadd.f32 v28, v9;
	[tilespmem:s11+$0xF080] =	vst v11  }
0x1a1: {  	v13 =	vpsel !p1, $0x0, v13;
	v14 =	vpsel !p1, $0x0, v14;
	v16 =	vadd.f32 v22, v16;
	[tilespmem:s11+$0xF090] =	vst v10  }
0x1a2: {  	v29 =	vadd.f32 v18, v29;
	v5 =	vpsel !p1, $0x0, v5;
	v7 =	vadd.f32 v26, v7;
	[tilespmem:s11+$0xF0B0] =	vst v8  }
0x1a3: {  	v6 =	vpsel !p1, $0x0, v6;
	v5 =	vadd.f32 v23, v5;
	[tilespmem:s11+$0xF0C0] =	vst v9  }
0x1a4: {  	v2 =	vpsel !p1, $0x0, v2;
	v6 =	vadd.f32 v19, v6;
	v13 =	vadd.f32 v20, v13;
	[tilespmem:s11+$0xF4D0] =	vst v7  }
0x1a5: {  	v4 =	vpsel !p1, $0x0, v4;
	v3 =	vpsel !p1, $0x0, v3;
	v2 =	vadd.f32 v27, v2;
	[tilespmem:s11+$0xF4F0] =	vst v16  }
0x1a6: {  	v4 =	vadd.f32 v25, v4;
	v3 =	vadd.f32 v17, v3;
	[tilespmem:s11+$0xF0E0] =	vst v6  }
0x1a7: {  	v14 =	vadd.f32 v30, v14;
	[tilespmem:s11+$0xF490] =	vst v2  }
0x1a8: {  	[tilespmem:s11+$0xF4E0] =	vst v15  }
0x1a9: {  	[tilespmem:s11+$0xF4B0] =	vst v3  }
0x1aa: {  	[tilespmem:s11+$0xF4C0] =	vst v14  }
0x1ab: {  	[tilespmem:s11+$0xF0A0] =	vst v12  }
0x1ac: {  	[tilespmem:s11+$0xF4A0] =	vst v4  }
0x1ad: {  	[tilespmem:s11+$0xF0F0] =	vst v13  }
0x1ae: {  	[tilespmem:s11+$0xF0D0] =	vst v29  }
0x1af: {  	[tilespmem:s11+$0xF480] =	vst v5  }
0x1b0: {  	v17 =	vld [tilespmem:s4+$0x0];
	_ =	sdelay $0x4  }
0x1b1: {  	(v2sf) =	vpush v17, $0x0;
	_ =	sdelay $0x2  }
0x1b2: {  	s13 =	sand.u32 $0x380, s2;
	s11 =	sand.u32 $0xFFFFF800, s12  }
0x1b3: {  	s22 =	sor.u32 s13, s11  }
0x1b4: {  	v19 =	vld [tilespmem:s22+$0x80E0]  }
0x1b5: {  	v18 =	vld [tilespmem:s22+$0x80D0]  }
0x1b6: {  	v22 =	vld [tilespmem:s22+$0x84F0]  }
0x1b7: {  	v21 =	vld [tilespmem:s22+$0x80A0]  }
0x1b8: {  	v24 =	vld [tilespmem:s22+$0x84E0]  }
0x1b9: {  	v17 =	vld [tilespmem:s22+$0x80B0]  }
0x1ba: {  	v25 =	vld [tilespmem:s22+$0x8080]  }
0x1bb: {  	v30 =	vld [tilespmem:s22+$0x8090]  }
0x1bc: {  	v28 =	vld [tilespmem:s22+$0x80C0]  }
0x1bd: {  	v26 =	vld [tilespmem:s22+$0x84D0]  }
.Ltmp21:
0x1be: {  	v20 =	vld [tilespmem:s22+$0x80F0];
	s15 =	spop (v2sf);
	(pc) =	sbr.rel @p2 .LBB2_24-.Ltmp21, $4  }
0x1bf: {  	p1 =	seq.s32 s15, s16;
	v23 =	vld [tilespmem:s22+$0x8480];
	s11 =	ssub.s32 s15, s29;
	s13 =	sshll.u32 s15, $0x7  }
0x1c0: {  	v11 =	vpsel !p1, $0x0, v11;
	v10 =	vpsel !p1, $0x0, v10;
	v27 =	vld [tilespmem:s22+$0x8490];
	v16 =	vpsel !p1, $0x0, v16;
	s11 =	sshll.u32 s11, $0x8  }
0x1c1: {  	v8 =	vpsel !p1, $0x0, v8;
	s13 =	sand.u32 $0x380, s13;
	v11 =	vadd.f32 v11, v25;
	v10 =	vadd.f32 v10, v30;
	v25 =	vld [tilespmem:s22+$0x84A0];
	s11 =	sand.u32 $0xFFFFF800, s11  }
0x1c2: {  	v29 =	vpsel !p1, $0x0, v29;
	v15 =	vpsel !p1, $0x0, v15;
	v8 =	vadd.f32 v17, v8;
	v17 =	vld [tilespmem:s22+$0x84B0];
	s11 =	sor.u32 s13, s11  }
.Ltmp22:
0x1c3: {  	_ = 	snop;
	(pc) =	sbr.rel .LBB2_25-.Ltmp22, $1  }
0x1c4: {  	_ =	sdelay $0x3  }
.LBB2_27:
0x1c5: {  	p1 =	seq.s32 s24, $0x0  }
0x1c6: {  	s1 =	simm.s32 @!p1 $0x4  }
0x1c7: {  	_ =	swait.ge @!p1 [sflag:s1], $0x8000  }
0x1c8: {  	[sflag:s1] =	ssyncset.done @!p1 $0x0  }
0x1c9: {  	[sflag:s1] =	ssyncadd.s32 @!p1 $0xFFFF8000  }
0x1ca: {  	s2 =	simm.s32 $0x17080;
	s22 =	sshll.u32 s29, $0x8;
	s1 =	rddreg [dreg:$0x3]  }
0x1cb: {  	[tilespmem:s2], [sflag:$0x5] =	stream.linear.gather [spmem:s1], $0x8000, $0x38;
	[tilespmem:$0x1F880] =	vst v63  }
0x1cc: {  	s1 =	sadd.s32 s9, s22  }
0x1cd: {  	s19 =	simm.s32 $0x0;
	s23 =	rddreg [dreg:$0x2];
	s1 =	sshrl.u32 s1, $0x3  }
0x1ce: {  	s28 =	simm.s32 $0xF080;
	s31 =	simm.s32 $0x1000;
	s1 =	sadd.s32 s23, s1  }
0x1cf: {  	[hbm4b:s1+s19] =	stream.linear.scatter [tilespmem:s28], [sflag:$0x3], $0x8000, $0x38;
	[tilespmem:$0x1F880] =	vst v63  }
0x1d0: {  	s1 =	sand.u32 $0x1, s31  }
0x1d1: {  	p6 =	por $0x0, $0x0;
	p2 =	seq.s32 s1, $0x1  }
0x1d2: {  	p1 =	por !p6, !p2  }
0x1d3: {  	s1 =	simm.s32 $0x1;
	p1 =	por !p1, !p1  }
0x1d4: {  	s1 =	simm.s32 @!p1 $0x0  }
0x1d5: {  	s10 =	ssub.s32 $0x800, s1  }
0x1d6: {  	v2 =	vld [tilespmem:s10+$0x0];
	_ =	sdelay $0x4  }
0x1d7: {  	(v2sf) =	vpush v2, $0x0;
	_ =	sdelay $0xe  }
0x1d8: {  	s4 =	simm.s32 $0x0;
	s1 =	sadd.s32 $0x100, s29;
	s3 =	spop (v2sf)  }
0x1d9: {  	s2 =	simm.s32 $0x1000;
	s7 =	sadd.s32 $0x1, s10;
	p1 =	slt.s32 s3, s1  }
0x1da: {  	p3 =	sge.s32 s3, s1;
	s4 =	smov.u32 @p1 s7;
	s7 =	simm.s32 $0x1000  }
0x1db: {  	p2 =	por $0x1, $0x1;
	s3 =	simm.s32 $0xB;
	s7 =	smov.u32 @p3 s10  }
.LBB2_28:
0x1dc: {  	p1 =	sne.s32 s3, $0x1;
	s19 =	smov.u32 @p2 s4;
	s2 =	smov.u32 @p2 s7  }
0x1dd: {  	s3 =	sadd.s32 $0xFFFFFFFF, s3;
	s4 =	sadd.s32 s19, s2  }
0x1de: {  	s7 =	sshrl.u32 s4, $0x1F;
	s10 =	sand.u32 $0x1, s4  }
0x1df: {  	p2 =	slt.s32 s4, $0x1;
	s7 =	sadd.s32 s7, s4;
	p3 =	seq.s32 s10, $0x1  }
0x1e0: {  	p2 =	por !p2, !p3  }
0x1e1: {  	s4 =	sshra.s32 s7, $0x1;
	s7 =	simm.s32 $0x1;
	p2 =	por !p2, !p2  }
0x1e2: {  	s7 =	simm.s32 @!p2 $0x0  }
0x1e3: {  	s10 =	ssub.s32 s4, s7  }
0x1e4: {  	v2 =	vld [tilespmem:s10+$0x0];
	_ =	sdelay $0x4  }
0x1e5: {  	(v2sf) =	vpush v2, $0x0;
	_ =	sdelay $0xd  }
.Ltmp23:
0x1e6: {  	(pc) =	sbr.rel @p1 .LBB2_28-.Ltmp23, $4  }
0x1e7: {  	s7 =	sadd.s32 $0x1, s10;
	s4 =	spop (v2sf)  }
0x1e8: {  	p3 =	slt.s32 s4, s1;
	p4 =	sge.s32 s4, s1;
	s4 =	smov.u32 s19  }
0x1e9: {  	s4 =	smov.u32 @p3 s7;
	s7 =	smov.u32 s2  }
0x1ea: {  	p2 =	slt.s32 s19, s2;
	s7 =	smov.u32 @p4 s10  }
0x1eb: {  	s19 =	smov.u32 @p2 s4  }
0x1ec: {  	s1 =	smulhi.u32 $0x92492493, s30;
	s2 =	sshra.s32 s30, $0x1F;
	s3 =	ssub.s32 s19, s20  }
0x1ed: {  	s16 =	smul.u32 $0x92492493, s2;
	s7 =	sadd.s32 $0x6F, s3  }
0x1ee: {  	s1 =	ssub.s32 s1, s30;
	s10 =	smulhi.u32 $0x92492493, s7;
	s11 =	sshra.s32 s7, $0x1F  }
0x1ef: {  	s3 =	ssub.s32 $0xFFFFFF91, s3;
	s1 =	sadd.s32 s16, s1;
	s17 =	smul.u32 $0x92492493, s11  }
0x1f0: {  	s1 =	sadd.s32 s30, s1;
	s10 =	sadd.s32 s3, s10  }
0x1f1: {  	s22 =	sshrl.u32 s1, $0x1F;
	s1 =	sshra.s32 s1, $0x6;
	s4 =	sadd.s32 s17, s10  }
0x1f2: {  	p1 =	sne.s32 s26, s20;
	s1 =	sadd.s32 s22, s1;
	s4 =	sadd.s32 s7, s4  }
0x1f3: {  	s10 =	simm.s32 $0x1;
	s23 =	sshrl.u32 s4, $0x1F;
	s4 =	sshra.s32 s4, $0x6  }
0x1f4: {  	s10 =	simm.s32 @!p1 $0x0;
	s28 =	smul.u32 $0xFFFFFF90, s1;
	s4 =	sadd.s32 s23, s4  }
0x1f5: {  	s13 =	ssub.s32 $0x0, s30;
	s2 =	sor.u32 s10, s2;
	s12 =	smul.u32 $0xFFFFFF90, s4  }
0x1f6: {  	p4 =	sne.s32 s28, s13;
	p5 =	sne.s32 s2, $0x1  }
0x1f7: {  	p6 =	slt.s32 s7, $0x1;
	p1 =	por !p4, !p5;
	p3 =	sne.s32 s12, s3  }
0x1f8: {  	s2 =	simm.s32 $0x1;
	p1 =	por !p1, !p1;
	p2 =	por !p6, !p3  }
0x1f9: {  	s2 =	simm.s32 @!p1 $0x0;
	s3 =	simm.s32 $0x1;
	p1 =	por !p2, !p2  }
0x1fa: {  	s1 =	ssub.s32 s1, s2;
	s2 =	simm.s32 $0x1;
	s3 =	simm.s32 @!p1 $0x0  }
0x1fb: {  	s16 =	sshrl.u32 s1, $0x1F;
	p2 =	slt.s32 s1, $0x1;
	s15 =	ssub.s32 s4, s3  }
0x1fc: {  	s3 =	sadd.s32 s16, s1;
	s1 =	sand.u32 $0x1, s1;
	s4 =	sadd.s32 $0x1, s15  }
0x1fd: {  	p3 =	seq.s32 s1, $0x1;
	p5 =	slt.s32 s15, $0x0;
	s17 =	sand.u32 $0x1, s4  }
0x1fe: {  	s22 =	sshra.s32 s3, $0x1;
	p1 =	por !p2, !p3;
	p4 =	seq.s32 s17, $0x1  }
0x1ff: {  	s28 =	sshrl.u32 s4, $0x1F;
	p1 =	por !p1, !p1;
	p6 =	por !p5, !p4  }
0x200: {  	s3 =	sadd.s32 s28, s4;
	s4 =	simm.s32 $0x1;
	p2 =	por !p6, !p6  }
0x201: {  	s2 =	simm.s32 @!p1 $0x0;
	s3 =	sshra.s32 s3, $0x1;
	s4 =	simm.s32 @!p2 $0x0  }
0x202: {  	s30 =	ssub.s32 s22, s2;
	s31 =	ssub.s32 s3, s4  }
0x203: {  	p1 =	sge.s32 s30, s31  }
.Ltmp24:
0x204: {  	_ = 	snop;
	(pc) =	sbr.rel @p1 .LBB2_44-.Ltmp24, $4  }
0x205: {  	s23 =	simm.s32 $0x5  }
0x206: {  	_ =	swait.ge [sflag:s23], $0x8000  }
0x207: {  	[sflag:s23] =	ssyncset.done $0x0  }
0x208: {  	[sflag:s23] =	ssyncadd.s32 $0xFFFF8000  }
0x209: {  	v16 =	vimm.f32 $0.0e+00  }
.Ltmp25:
0x20a: {  	v15 =	vimm.f32 $0.0e+00;
	v7 =	vimm.f32 $0.0e+00;
	v10 =	vimm.f32 $0.0e+00;
	(pc) =	sbr.rel .LBB2_31-.Ltmp25, $4  }
0x20b: {  	v17 =	vimm.f32 $0.0e+00;
	v9 =	vimm.f32 $0.0e+00;
	v12 =	vimm.f32 $0.0e+00  }
0x20c: {  	s2 =	smul.u32 $0xE0, s30;
	v2 =	vimm.f32 $0.0e+00;
	v11 =	vimm.f32 $0.0e+00;
	v3 =	vimm.f32 $0.0e+00;
	s1 =	rddreg [dreg:$0x8]  }
0x20d: {  	s4 =	sor.u32 $0x7F, s29;
	v13 =	vimm.f32 $0.0e+00;
	v5 =	vimm.f32 $0.0e+00;
	v14 =	vimm.f32 $0.0e+00;
	s3 =	rddreg [dreg:$0x9]  }
0x20e: {  	v4 =	vimm.f32 $0.0e+00;
	v6 =	vimm.f32 $0.0e+00;
	v8 =	vimm.f32 $0.0e+00;
	s1 =	sadd.s32 s2, s1;
	s29 =	sadd.s32 s2, s20;
	s7 =	sadd.s32 s2, s3  }
.LBB2_42:
0x20f: {  	s2 =	sand.u32 $0xFFFFF800, s16  }
0x210: {  	v15 =	vadd.f32 v32, v15;
	s2 =	sor.u32 s12, s2  }
0x211: {  	v17 =	vadd.f32 v27, v17;
	s3 =	sadd.s32 $0x17080, s2  }
0x212: {  	v63 =	vld [tilespmem:s15+$0x8490];
	v8 =	vpsel !p1, $0x0, v8;
	v16 =	vadd.f32 v30, v16;
	[tilespmem:s3+$0x460] =	vst v15  }
0x213: {  	v7 =	vpsel !p1, $0x0, v7;
	v8 =	vadd.f32 v8, v28;
	[tilespmem:s3+$0x430] =	vst v17  }
0x214: {  	v10 =	vpsel !p1, $0x0, v10;
	v7 =	vadd.f32 v25, v7;
	[tilespmem:s3+$0x470] =	vst v16  }
0x215: {  	v9 =	vpsel !p1, $0x0, v9;
	v10 =	vadd.f32 v22, v10;
	[tilespmem:s2+$0x17080] =	vst v8  }
0x216: {  	v2 =	vpsel !p1, $0x0, v2;
	v9 =	vadd.f32 v23, v9;
	[tilespmem:s3+$0x450] =	vst v7  }
0x217: {  	v11 =	vpsel !p1, $0x0, v11;
	v2 =	vadd.f32 v31, v2;
	[tilespmem:s3+$0x440] =	vst v10  }
0x218: {  	v3 =	vpsel !p1, $0x0, v3;
	v11 =	vadd.f32 v29, v11;
	[tilespmem:s3+$0x420] =	vst v9  }
0x219: {  	v13 =	vpsel !p1, $0x0, v13;
	v3 =	vadd.f32 v26, v3;
	[tilespmem:s3+$0x400] =	vst v2  }
0x21a: {  	v5 =	vpsel !p1, $0x0, v5;
	v13 =	vadd.f32 v24, v13;
	[tilespmem:s3+$0x70] =	vst v11  }
0x21b: {  	v14 =	vpsel !p1, $0x0, v14;
	v5 =	vadd.f32 v21, v5;
	[tilespmem:s3+$0x60] =	vst v3  }
0x21c: {  	v6 =	vpsel !p1, $0x0, v6;
	v14 =	vadd.f32 v20, v14;
	[tilespmem:s3+$0x50] =	vst v13  }
0x21d: {  	v4 =	vpsel !p1, $0x0, v4;
	v6 =	vadd.f32 v6, v18;
	[tilespmem:s3+$0x40] =	vst v5  }
0x21e: {  	v12 =	vpsel !p1, $0x0, v12;
	v4 =	vadd.f32 v4, v19;
	[tilespmem:s3+$0x30] =	vst v14  }
0x21f: {  	[tilespmem:s3+$0x10] =	vst v6;
	v12 =	vadd.f32 v63, v12  }
0x220: {  	[tilespmem:s3+$0x20] =	vst v4  }
0x221: {  	s4 =	smov.u32 s11;
	[tilespmem:s3+$0x410] =	vst v12  }
.LBB2_43:
0x222: {  	s30 =	sadd.s32 $0x1, s30  }
0x223: {  	p1 =	slt.s32 s30, s31  }
.Ltmp26:
0x224: {  	_ = 	snop;
	(pc) =	sbr.rel @!p1 .LBB2_44-.Ltmp26, $2  }
0x225: {  	_ =	sdelay $0x2  }
0x226: {  	s1 =	sadd.s32 $0xE0, s1;
	s29 =	sadd.s32 $0xE0, s29;
	s7 =	sadd.s32 $0xE0, s7  }
.LBB2_31:
0x227: {  	s2 =	smul.u32 $0xE0, s30;
	_ =	sdelay $0x1  }
0x228: {  	s2 =	sadd.s32 s20, s2  }
0x229: {  	s3 =	sadd.s32 $0x70, s2  }
0x22a: {  	p1 =	sgt.s32 s26, s2;
	p2 =	slt.s32 s19, s3  }
0x22b: {  	s17 =	sshll.u32 s30, $0x1;
	s2 =	smov.u32 @p1 s26;
	s3 =	smov.u32 @p2 s19  }
0x22c: {  	p1 =	sle.s32 s17, s18;
	s2 =	ssub.s32 s3, s2  }
0x22d: {  	p2 =	slt.s32 @!p1 s2, $0x1  }
0x22e: {  	p1 =	por p1, p2  }
.Ltmp27:
0x22f: {  	_ = 	snop;
	(pc) =	sbr.rel @p1 .LBB2_33-.Ltmp27, $2  }
0x230: {  	_ =	sdelay $0x2  }
0x231: {  	s10 =	sor.u32 $0x1, s17  }
0x232: {  	s2 =	sor.u32 $0x1, s17  }
0x233: {  	p1 =	sge.s32 s2, s21  }
0x234: {  	s2 =	smul.u32 @!p1 $0x70, s2;
	_ =	sdelay $0x1  }
0x235: {  	s2 =	sadd.s32 @!p1 s20, s2  }
0x236: {  	p2 =	slt.s32 @!p1 s2, $0xF90  }
0x237: {  	p2 =	por !p2, p1  }
0x238: {  	s2 =	simm.s32 @p2 $0xF90  }
.Ltmp28:
0x239: {  	_ =	swait.ge [sflag:s5], $0x7000;
	s2 =	sshll.u32 @!p1 s2, $0x8;
	(pc) =	sbr.rel .LBB2_34-.Ltmp28, $4  }
0x23a: {  	[sflag:s5] =	ssyncset.done $0x0;
	s2 =	sadd.s32 @!p1 s9, s2  }
0x23b: {  	s18 =	smov.u32 s17;
	[sflag:s5] =	ssyncadd.s32 $0xFFFF9000;
	s2 =	sshrl.u32 @!p1 s2, $0x3  }
0x23c: {  	s3 =	simm.s32 @!p1 $0x0;
	s11 =	simm.s32 @!p1 $0x8080;
	s2 =	sadd.s32 @!p1 s0, s2  }
0x23d: {  	[tilespmem:s11], [sflag:$0x2] =	stream.linear.gather @!p1 [hbm4b:s2+s3], $0x7000, $0x38;
	[tilespmem:$0x1F880] =	vst v63  }
.LBB2_33:
0x23e: {  	p1 =	slt.s32 s2, $0x1  }
.Ltmp29:
0x23f: {  	_ = 	snop;
	(pc) =	sbr.rel @p1 .LBB2_37-.Ltmp29, $1  }
0x240: {  	_ =	sdelay $0x3  }
.LBB2_34:
0x241: {  	p1 =	sgt.s32 s26, s29;
	s3 =	smov.u32 s29  }
0x242: {  	s3 =	smov.u32 @p1 s26  }
0x243: {  	s2 =	sshll.u32 s3, $0x2  }
0x244: {  	s12 =	sshra.s32 s2, $0x2  }
0x245: {  	v18 =	vld [tilespmem:s12+$0x0];
	_ =	sdelay $0x1  }
0x246: {  	p1 =	slt.s32 s29, $0xF90;
	s2 =	smov.u32 s29  }
0x247: {  	s2 =	simm.s32 @!p1 $0xF90  }
0x248: {  	s11 =	sshll.u32 s3, $0x8;
	s13 =	sshll.u32 s2, $0x8  }
0x249: {  	s2 =	sshll.u32 s3, $0x7;
	s13 =	ssub.s32 s11, s13;
	(v2sf) =	vpush v18, $0x0  }
0x24a: {  	s15 =	sand.u32 $0x380, s2;
	s11 =	sand.u32 $0xFFFFF800, s13  }
0x24b: {  	s16 =	sor.u32 s15, s11  }
0x24c: {  	v23 =	vld [tilespmem:s16+$0x14A0]  }
0x24d: {  	v18 =	vld [tilespmem:s16+$0x1090]  }
0x24e: {  	v27 =	vld [tilespmem:s16+$0x14B0]  }
0x24f: {  	p1 =	slt.s32 s19, s1;
	s11 =	smov.u32 s1;
	v22 =	vld [tilespmem:s16+$0x14C0]  }
0x250: {  	v20 =	vld [tilespmem:s16+$0x10B0];
	s11 =	smov.u32 @p1 s19  }
0x251: {  	v25 =	vld [tilespmem:s16+$0x14D0];
	s3 =	ssub.s32 s11, s3  }
0x252: {  	v19 =	vld [tilespmem:s16+$0x10A0];
	p1 =	sgt.s32 s3, $0x1  }
0x253: {  	v28 =	vld [tilespmem:s16+$0x1080];
	s3 =	simm.s32 @!p1 $0x1  }
0x254: {  	v30 =	vld [tilespmem:s16+$0x14F0];
	s3 =	smin.u32 s3, $0x70  }
0x255: {  	v32 =	vld [tilespmem:s16+$0x14E0];
	p2 =	sne.s32 s3, $0x1  }
.Ltmp30:
0x256: {  	v21 =	vld [tilespmem:s16+$0x10C0];
	(pc) =	sbr.rel @!p2 .LBB2_36-.Ltmp30, $4  }
0x257: {  	v24 =	vld [tilespmem:s16+$0x10D0]  }
0x258: {  	v26 =	vld [tilespmem:s16+$0x10E0];
	s3 =	sadd.s32 $0xFFFFFFFF, s3;
	s11 =	spop (v2sf)  }
0x259: {  	v29 =	vld [tilespmem:s16+$0x10F0];
	p1 =	seq.s32 s11, s4;
	s22 =	ssub.s32 s11, s25;
	s28 =	sshll.u32 s11, $0x7  }
0x25a: {  	v31 =	vld [tilespmem:s16+$0x1480];
	s4 =	sadd.s32 $0x100, s13;
	v17 =	vpsel !p1, $0x0, v17;
	v15 =	vpsel !p1, $0x0, v15;
	v16 =	vpsel !p1, $0x0, v16;
	s22 =	sshll.u32 s22, $0x8;
	s15 =	sand.u32 $0x380, s28  }
.LBB2_35:
0x25b: {  	v33 =	vld [tilespmem:s16+$0x1490];
	v12 =	vpsel !p1, $0x0, v12;
	v9 =	vpsel !p1, $0x0, v9;
	v15 =	vadd.f32 v32, v15;
	s13 =	sand.u32 $0xFFFFF800, s22;
	s2 =	sadd.s32 $0x80, s2;
	s12 =	sadd.s32 $0x1, s12  }
0x25c: {  	p2 =	sne.s32 s3, $0x1;
	s3 =	sadd.s32 $0xFFFFFFFF, s3;
	v11 =	vpsel !p1, $0x0, v11;
	v10 =	vpsel !p1, $0x0, v10;
	v7 =	vpsel !p1, $0x0, v7;
	s13 =	sor.u32 s15, s13  }
0x25d: {  	v8 =	vpsel !p1, $0x0, v8;
	v13 =	vpsel !p1, $0x0, v13;
	v17 =	vadd.f32 v27, v17;
	s15 =	smov.u32 s11;
	s16 =	sadd.s32 $0x17080, s13  }
0x25e: {  	v14 =	vpsel !p1, $0x0, v14;
	v16 =	vadd.f32 v30, v16;
	v9 =	vadd.f32 v23, v9;
	[tilespmem:s16+$0x460] =	vst v15  }
0x25f: {  	v2 =	vpsel !p1, $0x0, v2;
	v8 =	vadd.f32 v8, v28;
	v7 =	vadd.f32 v25, v7;
	[tilespmem:s16+$0x430] =	vst v17  }
0x260: {  	v2 =	vadd.f32 v31, v2;
	v12 =	vadd.f32 v33, v12;
	[tilespmem:s16+$0x470] =	vst v16  }
0x261: {  	v3 =	vpsel !p1, $0x0, v3;
	v10 =	vadd.f32 v22, v10;
	v11 =	vadd.f32 v29, v11;
	[tilespmem:s13+$0x17080] =	vst v8  }
0x262: {  	v3 =	vadd.f32 v26, v3;
	[tilespmem:s16+$0x450] =	vst v7  }
0x263: {  	v5 =	vpsel !p1, $0x0, v5;
	v13 =	vadd.f32 v24, v13;
	[tilespmem:s16+$0x440] =	vst v10  }
0x264: {  	v5 =	vadd.f32 v21, v5;
	[tilespmem:s16+$0x410] =	vst v12  }
0x265: {  	v6 =	vpsel !p1, $0x0, v6;
	v14 =	vadd.f32 v20, v14;
	[tilespmem:s16+$0x420] =	vst v9  }
0x266: {  	v6 =	vadd.f32 v6, v18;
	[tilespmem:s16+$0x400] =	vst v2  }
0x267: {  	[tilespmem:s16+$0x70] =	vst v11  }
0x268: {  	[tilespmem:s16+$0x60] =	vst v3  }
0x269: {  	v4 =	vpsel !p1, $0x0, v4;
	[tilespmem:s16+$0x50] =	vst v13  }
0x26a: {  	v4 =	vadd.f32 v4, v19;
	[tilespmem:s16+$0x40] =	vst v5  }
0x26b: {  	[tilespmem:s16+$0x30] =	vst v14  }
0x26c: {  	[tilespmem:s16+$0x10] =	vst v6  }
0x26d: {  	[tilespmem:s16+$0x20] =	vst v4  }
0x26e: {  	v18 =	vld [tilespmem:s12+$0x0];
	_ =	sdelay $0x4  }
0x26f: {  	(v2sf) =	vpush v18, $0x0  }
0x270: {  	s11 =	sand.u32 $0xFFFFF800, s4;
	s13 =	sand.u32 $0x380, s2  }
0x271: {  	s16 =	sor.u32 s13, s11  }
0x272: {  	v23 =	vld [tilespmem:s16+$0x14A0]  }
0x273: {  	v18 =	vld [tilespmem:s16+$0x1090]  }
0x274: {  	v27 =	vld [tilespmem:s16+$0x14B0]  }
0x275: {  	v22 =	vld [tilespmem:s16+$0x14C0]  }
0x276: {  	v20 =	vld [tilespmem:s16+$0x10B0]  }
0x277: {  	v25 =	vld [tilespmem:s16+$0x14D0]  }
0x278: {  	v19 =	vld [tilespmem:s16+$0x10A0]  }
0x279: {  	v28 =	vld [tilespmem:s16+$0x1080]  }
0x27a: {  	v30 =	vld [tilespmem:s16+$0x14F0]  }
0x27b: {  	v32 =	vld [tilespmem:s16+$0x14E0]  }
.Ltmp31:
0x27c: {  	v21 =	vld [tilespmem:s16+$0x10C0];
	(pc) =	sbr.rel @p2 .LBB2_35-.Ltmp31, $4  }
0x27d: {  	v24 =	vld [tilespmem:s16+$0x10D0]  }
0x27e: {  	v26 =	vld [tilespmem:s16+$0x10E0];
	s11 =	spop (v2sf)  }
0x27f: {  	p1 =	seq.s32 s11, s15;
	v29 =	vld [tilespmem:s16+$0x10F0];
	s13 =	ssub.s32 s11, s25;
	s15 =	sshll.u32 s11, $0x7  }
0x280: {  	s4 =	sadd.s32 $0x100, s4;
	v31 =	vld [tilespmem:s16+$0x1480];
	v17 =	vpsel !p1, $0x0, v17;
	v15 =	vpsel !p1, $0x0, v15;
	v16 =	vpsel !p1, $0x0, v16;
	s22 =	sshll.u32 s13, $0x8;
	s15 =	sand.u32 $0x380, s15  }
.LBB2_36:
0x281: {  	s2 =	sand.u32 $0xFFFFF800, s22  }
0x282: {  	v15 =	vadd.f32 v32, v15;
	s2 =	sor.u32 s15, s2  }
0x283: {  	v17 =	vadd.f32 v27, v17;
	s3 =	sadd.s32 $0x17080, s2  }
0x284: {  	v63 =	vld [tilespmem:s16+$0x1490];
	v8 =	vpsel !p1, $0x0, v8;
	v16 =	vadd.f32 v30, v16;
	[tilespmem:s3+$0x460] =	vst v15  }
0x285: {  	v7 =	vpsel !p1, $0x0, v7;
	v8 =	vadd.f32 v8, v28;
	[tilespmem:s3+$0x430] =	vst v17  }
0x286: {  	v10 =	vpsel !p1, $0x0, v10;
	v7 =	vadd.f32 v25, v7;
	[tilespmem:s3+$0x470] =	vst v16  }
0x287: {  	v9 =	vpsel !p1, $0x0, v9;
	v10 =	vadd.f32 v22, v10;
	[tilespmem:s2+$0x17080] =	vst v8  }
0x288: {  	v13 =	vpsel !p1, $0x0, v13;
	v9 =	vadd.f32 v23, v9;
	[tilespmem:s3+$0x450] =	vst v7  }
0x289: {  	v5 =	vpsel !p1, $0x0, v5;
	v13 =	vadd.f32 v24, v13;
	[tilespmem:s3+$0x440] =	vst v10  }
0x28a: {  	v3 =	vpsel !p1, $0x0, v3;
	v5 =	vadd.f32 v21, v5;
	[tilespmem:s3+$0x420] =	vst v9  }
0x28b: {  	v14 =	vpsel !p1, $0x0, v14;
	v3 =	vadd.f32 v26, v3;
	[tilespmem:s3+$0x50] =	vst v13  }
0x28c: {  	v6 =	vpsel !p1, $0x0, v6;
	v14 =	vadd.f32 v20, v14;
	[tilespmem:s3+$0x40] =	vst v5  }
0x28d: {  	v4 =	vpsel !p1, $0x0, v4;
	v6 =	vadd.f32 v6, v18;
	[tilespmem:s3+$0x60] =	vst v3  }
0x28e: {  	v11 =	vpsel !p1, $0x0, v11;
	v4 =	vadd.f32 v4, v19;
	[tilespmem:s3+$0x30] =	vst v14  }
0x28f: {  	v2 =	vpsel !p1, $0x0, v2;
	v11 =	vadd.f32 v29, v11;
	[tilespmem:s3+$0x10] =	vst v6  }
0x290: {  	v12 =	vpsel !p1, $0x0, v12;
	v2 =	vadd.f32 v31, v2;
	[tilespmem:s3+$0x20] =	vst v4  }
0x291: {  	v12 =	vadd.f32 v63, v12;
	[tilespmem:s3+$0x70] =	vst v11  }
0x292: {  	[tilespmem:s3+$0x400] =	vst v2  }
0x293: {  	s4 =	smov.u32 s11;
	[tilespmem:s3+$0x410] =	vst v12  }
.LBB2_37:
0x294: {  	s2 =	smul.u32 $0x70, s10;
	_ =	sdelay $0x1  }
0x295: {  	s2 =	sadd.s32 s20, s2  }
0x296: {  	s3 =	sadd.s32 $0x70, s2  }
0x297: {  	p1 =	sgt.s32 s26, s2;
	p2 =	slt.s32 s19, s3  }
0x298: {  	s2 =	smov.u32 @p1 s26;
	s3 =	smov.u32 @p2 s19  }
0x299: {  	s2 =	ssub.s32 s3, s2  }
0x29a: {  	p1 =	slt.s32 s2, $0x1  }
0x29b: {  	p2 =	slt.s32 @!p1 s17, s18  }
0x29c: {  	p2 =	por p1, p2  }
.Ltmp32:
0x29d: {  	_ = 	snop;
	(pc) =	sbr.rel @p2 .LBB2_39-.Ltmp32, $1  }
0x29e: {  	_ =	sdelay $0x3  }
0x29f: {  	s2 =	sadd.s32 $0x2, s17  }
0x2a0: {  	p1 =	sge.s32 s2, s21  }
0x2a1: {  	s2 =	smul.u32 @!p1 $0x70, s2;
	_ =	sdelay $0x1  }
0x2a2: {  	s2 =	sadd.s32 @!p1 s20, s2  }
0x2a3: {  	p2 =	slt.s32 @!p1 s2, $0xF90  }
0x2a4: {  	p2 =	por !p2, p1  }
0x2a5: {  	s2 =	simm.s32 @p2 $0xF90  }
.Ltmp33:
0x2a6: {  	_ =	swait.ge [sflag:s14], $0x7000;
	s2 =	sshll.u32 @!p1 s2, $0x8;
	(pc) =	sbr.rel .LBB2_40-.Ltmp33, $4  }
0x2a7: {  	[sflag:s14] =	ssyncset.done $0x0;
	s2 =	sadd.s32 @!p1 s9, s2  }
0x2a8: {  	s18 =	smov.u32 s10;
	[sflag:s14] =	ssyncadd.s32 $0xFFFF9000;
	s2 =	sshrl.u32 @!p1 s2, $0x3  }
0x2a9: {  	s3 =	simm.s32 @!p1 $0x0;
	s11 =	simm.s32 @!p1 $0x1080;
	s2 =	sadd.s32 @!p1 s0, s2  }
0x2aa: {  	[tilespmem:s11], [sflag:$0x1] =	stream.linear.gather @!p1 [hbm4b:s2+s3], $0x7000, $0x38;
	[tilespmem:$0x1F880] =	vst v63  }
.LBB2_39:
.Ltmp34:
0x2ab: {  	(pc) =	sbr.rel @p1 .LBB2_43-.Ltmp34, $1  }
0x2ac: {  	_ =	sdelay $0x3  }
.LBB2_40:
0x2ad: {  	p1 =	sgt.s32 s26, s1;
	s3 =	smov.u32 s1  }
0x2ae: {  	s3 =	smov.u32 @p1 s26  }
0x2af: {  	s2 =	sshll.u32 s3, $0x2  }
0x2b0: {  	s10 =	sshra.s32 s2, $0x2  }
0x2b1: {  	v18 =	vld [tilespmem:s10+$0x0];
	_ =	sdelay $0x1  }
0x2b2: {  	p1 =	slt.s32 s1, $0xF90;
	s2 =	smov.u32 s1  }
0x2b3: {  	s2 =	simm.s32 @!p1 $0xF90  }
0x2b4: {  	s11 =	sshll.u32 s3, $0x8;
	s12 =	sshll.u32 s2, $0x8  }
0x2b5: {  	s2 =	sshll.u32 s3, $0x7;
	s13 =	ssub.s32 s11, s12;
	(v2sf) =	vpush v18, $0x0  }
0x2b6: {  	s17 =	sand.u32 $0x380, s2;
	s11 =	sand.u32 $0xFFFFF800, s13  }
0x2b7: {  	s15 =	sor.u32 s17, s11  }
0x2b8: {  	v23 =	vld [tilespmem:s15+$0x84A0]  }
0x2b9: {  	v18 =	vld [tilespmem:s15+$0x8090]  }
0x2ba: {  	v27 =	vld [tilespmem:s15+$0x84B0]  }
0x2bb: {  	p1 =	slt.s32 s19, s7;
	s11 =	smov.u32 s7;
	v22 =	vld [tilespmem:s15+$0x84C0]  }
0x2bc: {  	v20 =	vld [tilespmem:s15+$0x80B0];
	s11 =	smov.u32 @p1 s19  }
0x2bd: {  	v25 =	vld [tilespmem:s15+$0x84D0];
	s3 =	ssub.s32 s11, s3  }
0x2be: {  	v19 =	vld [tilespmem:s15+$0x80A0];
	p1 =	sgt.s32 s3, $0x1  }
0x2bf: {  	v28 =	vld [tilespmem:s15+$0x8080];
	s3 =	simm.s32 @!p1 $0x1  }
0x2c0: {  	v30 =	vld [tilespmem:s15+$0x84F0];
	s3 =	smin.u32 s3, $0x70  }
0x2c1: {  	v32 =	vld [tilespmem:s15+$0x84E0];
	p2 =	sne.s32 s3, $0x1  }
.Ltmp35:
0x2c2: {  	v21 =	vld [tilespmem:s15+$0x80C0];
	(pc) =	sbr.rel @!p2 .LBB2_42-.Ltmp35, $4  }
0x2c3: {  	v24 =	vld [tilespmem:s15+$0x80D0]  }
0x2c4: {  	v26 =	vld [tilespmem:s15+$0x80E0];
	s3 =	sadd.s32 $0xFFFFFFFF, s3;
	s11 =	spop (v2sf)  }
0x2c5: {  	v29 =	vld [tilespmem:s15+$0x80F0];
	p1 =	seq.s32 s11, s4;
	s22 =	ssub.s32 s11, s25;
	s28 =	sshll.u32 s11, $0x7  }
0x2c6: {  	v31 =	vld [tilespmem:s15+$0x8480];
	s4 =	sadd.s32 $0x100, s13;
	v17 =	vpsel !p1, $0x0, v17;
	v15 =	vpsel !p1, $0x0, v15;
	v16 =	vpsel !p1, $0x0, v16;
	s16 =	sshll.u32 s22, $0x8;
	s12 =	sand.u32 $0x380, s28  }
.LBB2_41:
0x2c7: {  	v33 =	vld [tilespmem:s15+$0x8490];
	v12 =	vpsel !p1, $0x0, v12;
	v9 =	vpsel !p1, $0x0, v9;
	v15 =	vadd.f32 v32, v15;
	s13 =	sand.u32 $0xFFFFF800, s16;
	s2 =	sadd.s32 $0x80, s2;
	s10 =	sadd.s32 $0x1, s10  }
0x2c8: {  	p2 =	sne.s32 s3, $0x1;
	s3 =	sadd.s32 $0xFFFFFFFF, s3;
	v11 =	vpsel !p1, $0x0, v11;
	v10 =	vpsel !p1, $0x0, v10;
	v7 =	vpsel !p1, $0x0, v7;
	s13 =	sor.u32 s12, s13  }
0x2c9: {  	v8 =	vpsel !p1, $0x0, v8;
	v13 =	vpsel !p1, $0x0, v13;
	v17 =	vadd.f32 v27, v17;
	s12 =	smov.u32 s11;
	s15 =	sadd.s32 $0x17080, s13  }
0x2ca: {  	v14 =	vpsel !p1, $0x0, v14;
	v16 =	vadd.f32 v30, v16;
	v9 =	vadd.f32 v23, v9;
	[tilespmem:s15+$0x460] =	vst v15  }
0x2cb: {  	v2 =	vpsel !p1, $0x0, v2;
	v8 =	vadd.f32 v8, v28;
	v7 =	vadd.f32 v25, v7;
	[tilespmem:s15+$0x430] =	vst v17  }
0x2cc: {  	v2 =	vadd.f32 v31, v2;
	v12 =	vadd.f32 v33, v12;
	[tilespmem:s15+$0x470] =	vst v16  }
0x2cd: {  	v3 =	vpsel !p1, $0x0, v3;
	v11 =	vadd.f32 v29, v11;
	v10 =	vadd.f32 v22, v10;
	[tilespmem:s13+$0x17080] =	vst v8  }
0x2ce: {  	v3 =	vadd.f32 v26, v3;
	[tilespmem:s15+$0x450] =	vst v7  }
0x2cf: {  	v5 =	vpsel !p1, $0x0, v5;
	v13 =	vadd.f32 v24, v13;
	[tilespmem:s15+$0x440] =	vst v10  }
0x2d0: {  	v5 =	vadd.f32 v21, v5;
	[tilespmem:s15+$0x410] =	vst v12  }
0x2d1: {  	v6 =	vpsel !p1, $0x0, v6;
	v14 =	vadd.f32 v20, v14;
	[tilespmem:s15+$0x420] =	vst v9  }
0x2d2: {  	v6 =	vadd.f32 v6, v18;
	[tilespmem:s15+$0x400] =	vst v2  }
0x2d3: {  	[tilespmem:s15+$0x70] =	vst v11  }
0x2d4: {  	[tilespmem:s15+$0x60] =	vst v3  }
0x2d5: {  	v4 =	vpsel !p1, $0x0, v4;
	[tilespmem:s15+$0x50] =	vst v13  }
0x2d6: {  	v4 =	vadd.f32 v4, v19;
	[tilespmem:s15+$0x40] =	vst v5  }
0x2d7: {  	[tilespmem:s15+$0x30] =	vst v14  }
0x2d8: {  	[tilespmem:s15+$0x10] =	vst v6  }
0x2d9: {  	[tilespmem:s15+$0x20] =	vst v4  }
0x2da: {  	v18 =	vld [tilespmem:s10+$0x0];
	_ =	sdelay $0x4  }
0x2db: {  	(v2sf) =	vpush v18, $0x0  }
0x2dc: {  	s11 =	sand.u32 $0xFFFFF800, s4;
	s13 =	sand.u32 $0x380, s2  }
0x2dd: {  	s15 =	sor.u32 s13, s11  }
0x2de: {  	v23 =	vld [tilespmem:s15+$0x84A0]  }
0x2df: {  	v18 =	vld [tilespmem:s15+$0x8090]  }
0x2e0: {  	v27 =	vld [tilespmem:s15+$0x84B0]  }
0x2e1: {  	v22 =	vld [tilespmem:s15+$0x84C0]  }
0x2e2: {  	v20 =	vld [tilespmem:s15+$0x80B0]  }
0x2e3: {  	v25 =	vld [tilespmem:s15+$0x84D0]  }
0x2e4: {  	v19 =	vld [tilespmem:s15+$0x80A0]  }
0x2e5: {  	v28 =	vld [tilespmem:s15+$0x8080]  }
0x2e6: {  	v30 =	vld [tilespmem:s15+$0x84F0]  }
0x2e7: {  	v32 =	vld [tilespmem:s15+$0x84E0]  }
.Ltmp36:
0x2e8: {  	v21 =	vld [tilespmem:s15+$0x80C0];
	(pc) =	sbr.rel @p2 .LBB2_41-.Ltmp36, $4  }
0x2e9: {  	v24 =	vld [tilespmem:s15+$0x80D0]  }
0x2ea: {  	v26 =	vld [tilespmem:s15+$0x80E0];
	s11 =	spop (v2sf)  }
0x2eb: {  	p1 =	seq.s32 s11, s12;
	v29 =	vld [tilespmem:s15+$0x80F0];
	s12 =	ssub.s32 s11, s25;
	s13 =	sshll.u32 s11, $0x7  }
0x2ec: {  	s4 =	sadd.s32 $0x100, s4;
	v31 =	vld [tilespmem:s15+$0x8480];
	v17 =	vpsel !p1, $0x0, v17;
	v15 =	vpsel !p1, $0x0, v15;
	v16 =	vpsel !p1, $0x0, v16;
	s16 =	sshll.u32 s12, $0x8;
	s12 =	sand.u32 $0x380, s13  }
.Ltmp37:
0x2ed: {  	_ = 	snop;
	(pc) =	sbr.rel .LBB2_42-.Ltmp37, $1  }
0x2ee: {  	_ =	sdelay $0x3  }
.LBB2_46:
0x2ef: {  	_ =	sfence.sel $0x180000  }
0x2f0: {  	[bflag:$0x0] =	sbarrier.arrive $0xFFFF  }
0x2f1: {  	_ =	strace $0x90000047  }
0x2f2: {  	[bflag:$0x2] =	sbarrier.arrive $0xFFFF  }
0x2f3: {  	s0 =	rddreg [dreg:$0x4]  }
0x2f4: {  	s0 =	sadd.s32 @!p0 $0x100000, s0  }
0x2f5: {  	[sflag:s0] =	ssyncadd.tile.s32 @!p0 $0x1;
	_ =	shalt  }
.Lfunc_end2:
_tile_overlayer_lowered:
.L_overlay_start_2:
0x2f6: {  	(tag) =	ssettag $0x2  }
0x2f7: {  	s0 =	rddreg [dreg:$0x0];
	s2 =	stileid.u32  }
0x2f8: {  	s1 =	rddreg [dreg:$0x1];
	p0 =	sne.s32 s2, $0x0  }
0x2f9: {  	s3 =	rddreg [dreg:$0x2];
	[bflag:$0x3] =	sbarrier.arrive $0xFFFF;
	s2 =	simm.s32 @!p0 $0x1C06  }
0x2fa: {  	[timem:s3], [sflag:s2] =	dma.local @!p0 [hbm:s0], s1  }
0x2fb: {  	s0 =	simm.s32 @!p0 $0x6  }
0x2fc: {  	_ =	swait.ge @!p0 [sflag:s0], s1  }
0x2fd: {  	s1 =	ssub.s32 @!p0 $0x0, s1;
	[sflag:s0] =	ssyncset.done @!p0 $0x0  }
0x2fe: {  	[sflag:s0] =	ssyncadd.s32 @!p0 s1  }
0x2ff: {  	[bflag:$0x3] =	sbarrier.arrive $0xFFFF  }
0x300: {  	_ =	shalt  }

</sc_bundles>
